<compile_context>
chip_gen: v7x
topology: tpu7x:2x2x1
jax: 0.10.2.dev20260603
libtpu: 0.0.44.dev20260713+nightly
codegen_flags: <defaults>
</compile_context>

<pallas_src>
import functools

import jax
import jax.numpy as jnp
from jax import lax
from jax.experimental import pallas as pl
from jax.experimental.pallas import tpu as pltpu
from jax.experimental.pallas import tpu_sc as plsc

N_NODES = 10000
N_EDGES = 320000
D = 128

NC = 2
NS = 16
NW = NC * NS
C = 64
KB = 16
K = 160
NBUF = 5
E_PAD = NW * K * C
N_PAD = 10112
ROWS_PER_SUB = N_PAD // NS

_MESH = plsc.VectorSubcoreMesh(core_axis_name="c", subcore_axis_name="s")


def _agg_body(feat, src, dst, zacc, out, src_v, dst_v, rows_bufs,
              acc_sh, gsems, ssems):
    cid = lax.axis_index("c")
    sid = lax.axis_index("s")
    wid = cid * NS + sid
    r0 = sid * ROWS_PER_SUB

    @pl.when(sid == 0)
    def _():
        pltpu.sync_copy(zacc, acc_sh)
    plsc.subcore_barrier()

    bufs = rows_bufs

    @pl.loop(0, K, step=KB)
    def _(jb):
        pltpu.sync_copy(src.at[wid, pl.ds(jb, KB)], src_v)
        pltpu.sync_copy(dst.at[wid, pl.ds(jb, KB)], dst_v)

        g = [None] * NBUF
        s = [None] * NBUF
        for j in range(min(NBUF - 1, KB)):
            g[j] = pltpu.async_copy(feat.at[src_v.at[j]], bufs[j], gsems[j])
        for j in range(KB):
            p = j % NBUF
            g[p].wait()
            jn = j + NBUF - 1
            if jn < KB:
                q = jn % NBUF
                if s[q] is not None:
                    s[q].wait()
                    s[q] = None
                g[q] = pltpu.async_copy(feat.at[src_v.at[jn]], bufs[q],
                                        gsems[q])
            s[p] = pltpu.async_copy(bufs[p], acc_sh.at[dst_v.at[j]],
                                    ssems[p], add=True)
        for p in range(NBUF):
            if s[p] is not None:
                s[p].wait()

    plsc.subcore_barrier()
    pltpu.sync_copy(acc_sh.at[pl.ds(r0, ROWS_PER_SUB)],
                    out.at[cid, pl.ds(r0, ROWS_PER_SUB)])


def _sc_aggregate(feat, src, dst):
    scratch = [
        pltpu.VMEM((KB, C), jnp.int32),
        pltpu.VMEM((KB, C), jnp.int32),
        [pltpu.VMEM((C, D), jnp.float32) for _ in range(NBUF)],
        pltpu.VMEM_SHARED((N_PAD, D), jnp.float32),
        [pltpu.SemaphoreType.DMA for _ in range(NBUF)],
        [pltpu.SemaphoreType.DMA for _ in range(NBUF)],
    ]
    kern = pl.kernel(
        _agg_body,
        out_type=jax.ShapeDtypeStruct((NC, N_PAD, D), jnp.float32),
        mesh=_MESH, scratch_types=scratch)
    zacc = jnp.zeros((N_PAD, D), jnp.float32)
    return kern(feat, src, dst, zacc)


def _cnt_body(dst, zacc, ones, cnt_out, dst_v, ones_v, cnt_sh, sem):
    cid = lax.axis_index("c")
    sid = lax.axis_index("s")
    wid = cid * NS + sid
    r0 = sid * ROWS_PER_SUB

    @pl.when(sid == 0)
    def _():
        pltpu.sync_copy(zacc, cnt_sh)
    pltpu.sync_copy(ones, ones_v)
    plsc.subcore_barrier()

    @pl.loop(0, K, step=KB)
    def _(jb):
        pltpu.sync_copy(dst.at[wid, pl.ds(jb, KB)], dst_v)
        descs = [pltpu.async_copy(ones_v, cnt_sh.at[dst_v.at[j]], sem,
                                  add=True) for j in range(KB)]
        for dsc in descs:
            dsc.wait()

    plsc.subcore_barrier()
    pltpu.sync_copy(cnt_sh.at[pl.ds(r0, ROWS_PER_SUB)],
                    cnt_out.at[cid, pl.ds(r0, ROWS_PER_SUB)])


def _sc_counts(dst):
    scratch = [
        pltpu.VMEM((KB, C), jnp.int32),
        pltpu.VMEM((C, D), jnp.float32),
        pltpu.VMEM_SHARED((N_PAD, D), jnp.float32),
        pltpu.SemaphoreType.DMA,
    ]
    kern = pl.kernel(
        _cnt_body,
        out_type=jax.ShapeDtypeStruct((NC, N_PAD, D), jnp.float32),
        mesh=_MESH, scratch_types=scratch)
    zacc = jnp.zeros((N_PAD, D), jnp.float32)
    ones = jnp.ones((C, D), jnp.float32)
    return kern(dst, zacc, ones)


def _tc_block(relu, p0_ref, p1_ref, c0_ref, c1_ref, x_ref, wl_ref, wr_ref,
              b_ref, o_ref):
    cnt = c0_ref[0, :, 0:1] + c1_ref[0, :, 0:1]
    mean = (p0_ref[0] + p1_ref[0]) / jnp.maximum(cnt, 1.0)
    acc = (jnp.dot(mean, wl_ref[...], preferred_element_type=jnp.float32,
                   precision=lax.Precision.HIGHEST)
           + jnp.dot(x_ref[...], wr_ref[...], preferred_element_type=jnp.float32,
                     precision=lax.Precision.HIGHEST)
           + b_ref[...])
    o_ref[...] = jnp.maximum(acc, 0.0) if relu else acc


def _tc_layer(part, cnt, feat, Wl, Wr, b, relu):
    blk = 1000
    grid = (N_NODES // blk,)
    p0_spec = pl.BlockSpec((1, blk, D), lambda i: (0, i, 0))
    p1_spec = pl.BlockSpec((1, blk, D), lambda i: (1, i, 0))
    row_spec = pl.BlockSpec((blk, D), lambda i: (i, 0))
    full = pl.BlockSpec((D, D), lambda i: (0, 0))
    bspec = pl.BlockSpec((1, D), lambda i: (0, 0))
    return pl.pallas_call(
        functools.partial(_tc_block, relu),
        grid=grid,
        in_specs=[p0_spec, p1_spec, p0_spec, p1_spec, row_spec, full,
                  full, bspec],
        out_specs=row_spec,
        out_shape=jax.ShapeDtypeStruct((N_NODES, D), jnp.float32),
    )(part, part, cnt, cnt, feat, Wl.T, Wr.T, b.reshape(1, D))


def kernel(x, edge_index, Wl1, Wr1, b1, Wl2, Wr2, b2):
    src = edge_index[0].astype(jnp.int32)
    dst = edge_index[1].astype(jnp.int32)
    pad = E_PAD - N_EDGES
    pad_iota = jnp.arange(pad, dtype=jnp.int32)
    src_p = jnp.concatenate([src, pad_iota % N_NODES]).reshape(NW, K, C)
    dst_p = jnp.concatenate(
        [dst, N_NODES + pad_iota % (N_PAD - N_NODES)]).reshape(NW, K, C)

    cnt = _sc_counts(dst_p)
    part1 = _sc_aggregate(x, src_p, dst_p)
    h = _tc_layer(part1, cnt, x, Wl1, Wr1, b1, True)
    part2 = _sc_aggregate(h, src_p, dst_p)
    return _tc_layer(part2, cnt, h, Wl2, Wr2, b2, False)

# --- scband reference (transcript-rebuilt; emitter-appended) ---
"""Pipeline reference for scband-graph-sage-16217796510233 (READ-ONLY COPY).

The authoritative reference and input builder live on the scoring server;
editing this copy changes nothing except your own understanding.
"""

import jax, jax.numpy as jnp
import numpy as np

N_NODES = 10000
N_EDGES = 320000
D_IN = 128
D_HID = 128


def setup_inputs(seed: int = 0) -> dict:
    key = jax.random.key(seed)
    ks = jax.random.split(key, 9)
    x = jax.random.normal(ks[0], (N_NODES, D_IN), dtype=jnp.float32)
    edge_index = jax.random.randint(ks[1], (2, N_EDGES), 0, N_NODES, dtype=jnp.int64)
    s1 = 1.0 / np.sqrt(D_IN)
    s2 = 1.0 / np.sqrt(D_HID)
    Wl1 = jax.random.uniform(ks[2], (D_HID, D_IN), minval=-s1, maxval=s1, dtype=jnp.float32)
    Wr1 = jax.random.uniform(ks[3], (D_HID, D_IN), minval=-s1, maxval=s1, dtype=jnp.float32)
    b1 = jax.random.uniform(ks[4], (D_HID,), minval=-s1, maxval=s1, dtype=jnp.float32)
    Wl2 = jax.random.uniform(ks[5], (D_HID, D_HID), minval=-s2, maxval=s2, dtype=jnp.float32)
    Wr2 = jax.random.uniform(ks[6], (D_HID, D_HID), minval=-s2, maxval=s2, dtype=jnp.float32)
    b2 = jax.random.uniform(ks[7], (D_HID,), minval=-s2, maxval=s2, dtype=jnp.float32)
    return {"x": x, "edge_index": edge_index, "Wl1": Wl1, "Wr1": Wr1, "b1": b1,
            "Wl2": Wl2, "Wr2": Wr2, "b2": b2}


def _sage_conv(x, edge_index, Wl, Wr, b):
    # PyG SAGEConv with mean aggregation:
    # out = lin_l(mean_{j in N(i)} x_j) + lin_r(x_i)
    src = edge_index[0]
    dst = edge_index[1]
    n = x.shape[0]
    msgs = jnp.take(x, src, axis=0)                      # gather: [E, d]
    summed = jax.ops.segment_sum(msgs, dst, num_segments=n)  # scatter-add
    counts = jax.ops.segment_sum(jnp.ones((msgs.shape[0],), dtype=x.dtype), dst, num_segments=n)
    mean = summed / jnp.clip(counts, 1.0, None)[:, None]
    return mean @ Wl.T + b + x @ Wr.T


def reference(x, edge_index, Wl1, Wr1, b1, Wl2, Wr2, b2):
    h = _sage_conv(x, edge_index, Wl1, Wr1, b1)
    h = jax.nn.relu(h)
    out = _sage_conv(h, edge_index, Wl2, Wr2, b2)
    return out

if __name__ == "__main__":
    import jax
    _d = setup_inputs()
    print(jax.jit(kernel)(*tuple(_d.values())))

</pallas_src>

<mosaic_0001>
#map = affine_map<(d0, d1) -> (0, 0, 0)>
#map1 = affine_map<(d0, d1) -> (0, 0)>
module attributes {stable_mosaic.version = 14 : i64} {
  func.func @_cnt_body(%arg0: i32, %arg1: i32, %arg2: memref<32x160x64xi32, #tpu.memory_space<hbm>>, %arg3: memref<10112x128xf32, #tpu.memory_space<hbm>>, %arg4: memref<64x128xf32, #tpu.memory_space<hbm>>, %arg5: memref<2x10112x128xf32, #tpu.memory_space<hbm>>, %arg6: memref<16x64xi32, #tpu.memory_space<vmem>>, %arg7: memref<64x128xf32, #tpu.memory_space<vmem>>, %arg8: memref<10112x128xf32, #tpu.memory_space<vmem_shared>>, %arg9: memref<!tpu.dma_semaphore, #tpu.memory_space<semaphore_mem>>) attributes {dimension_semantics = [#tpu.dimension_semantics<core_parallel>, #tpu.dimension_semantics<subcore_parallel>], iteration_bounds = array<i64: 2, 16>, scalar_prefetch = 0 : i64, scratch_operands = 4 : i64, tpu.core_type = #tpu.core_type<sc_vector_subcore>, window_params = [{transform_indices = #map}, {transform_indices = #map1}, {transform_indices = #map1}, {transform_indices = #map}]} {
    %mul3A = arith.constant 16 : i32
    %mul3A_0 = arith.muli %arg0, %mul3A : i32
    %add3A = arith.addi %mul3A_0, %arg1 : i32
    %mul3A_1 = arith.constant 632 : i32
    %mul3A_2 = arith.muli %arg1, %mul3A_1 : i32
    %eq3A = arith.constant 0 : i32
    %eq3A_3 = arith.cmpi eq, %arg1, %eq3A : i32
    %convert_element_type3A = arith.extui %eq3A_3 : i1 to i32
    %cond3A = arith.constant 0 : i32
    %cond3A_4 = arith.cmpi ne, %convert_element_type3A, %cond3A : i32
    scf.if %cond3A_4 {
      "tpu.region"() ({
        %run_scoped3A = tpu.sem_alloc : memref<!tpu.dma_semaphore, #tpu.memory_space<semaphore_mem>>
        tpu.enqueue_dma source(%arg3 : memref<10112x128xf32, #tpu.memory_space<hbm>>) target(%arg8 : memref<10112x128xf32, #tpu.memory_space<vmem_shared>>) target_semaphore(%run_scoped3A : memref<!tpu.dma_semaphore, #tpu.memory_space<semaphore_mem>>)
        tpu.wait_dma2 semaphore(%run_scoped3A : memref<!tpu.dma_semaphore, #tpu.memory_space<semaphore_mem>>) src(%arg3 : memref<10112x128xf32, #tpu.memory_space<hbm>>) dst(%arg8 : memref<10112x128xf32, #tpu.memory_space<vmem_shared>>)
        tpu.yield
      }) : () -> ()
    } else {
    }
    "tpu.region"() ({
      %run_scoped3A = tpu.sem_alloc : memref<!tpu.dma_semaphore, #tpu.memory_space<semaphore_mem>>
      tpu.enqueue_dma source(%arg4 : memref<64x128xf32, #tpu.memory_space<hbm>>) target(%arg7 : memref<64x128xf32, #tpu.memory_space<vmem>>) target_semaphore(%run_scoped3A : memref<!tpu.dma_semaphore, #tpu.memory_space<semaphore_mem>>)
      tpu.wait_dma2 semaphore(%run_scoped3A : memref<!tpu.dma_semaphore, #tpu.memory_space<semaphore_mem>>) src(%arg4 : memref<64x128xf32, #tpu.memory_space<hbm>>) dst(%arg7 : memref<64x128xf32, #tpu.memory_space<vmem>>)
      tpu.yield
    }) : () -> ()
    %barrier3A = arith.constant 0 : index
    tpu.barrier barrier_id(%barrier3A)
    %scan3A = arith.constant 0 : i32
    %scan3A_5 = arith.constant 10 : i32
    %scan3A_6 = arith.addi %scan3A, %scan3A_5 : i32
    %scan3A_7 = arith.constant 1 : i32
    scf.for %scan3A_10 = %scan3A to %scan3A_6 step %scan3A_7  : i32 {
      %mul3A_11 = arith.constant 16 : i32
      %mul3A_12 = arith.muli %scan3A_10, %mul3A_11 : i32
      %add3A_13 = arith.constant 0 : i32
      %add3A_14 = arith.addi %add3A_13, %mul3A_12 : i32
      "tpu.region"() ({
        %run_scoped3A = tpu.sem_alloc : memref<!tpu.dma_semaphore, #tpu.memory_space<semaphore_mem>>
        %dma_start3A_237 = arith.constant 0 : i32
        %dma_start3A_238 = tpu.memref_slice %arg2[%add3A, %add3A_14, %dma_start3A_237] : memref<32x160x64xi32, #tpu.memory_space<hbm>> -> memref<1x16x64xi32, #tpu.memory_space<hbm>>
        %dma_start3A_239 = tpu.memref_squeeze %dma_start3A_238 : memref<1x16x64xi32, #tpu.memory_space<hbm>> -> memref<16x64xi32, #tpu.memory_space<hbm>>
        %dma_start3A_240 = arith.constant 0 : i32
        %dma_start3A_241 = tpu.memref_slice %arg2[%add3A, %add3A_14, %dma_start3A_240] : memref<32x160x64xi32, #tpu.memory_space<hbm>> -> memref<1x16x64xi32, #tpu.memory_space<hbm>>
        %dma_start3A_242 = tpu.memref_squeeze %dma_start3A_241 : memref<1x16x64xi32, #tpu.memory_space<hbm>> -> memref<16x64xi32, #tpu.memory_space<hbm>>
        tpu.enqueue_dma source(%dma_start3A_242 : memref<16x64xi32, #tpu.memory_space<hbm>>) target(%arg6 : memref<16x64xi32, #tpu.memory_space<vmem>>) target_semaphore(%run_scoped3A : memref<!tpu.dma_semaphore, #tpu.memory_space<semaphore_mem>>)
        %dma_wait3A_243 = arith.constant 0 : i32
        %dma_wait3A_244 = tpu.memref_slice %arg2[%add3A, %add3A_14, %dma_wait3A_243] : memref<32x160x64xi32, #tpu.memory_space<hbm>> -> memref<1x16x64xi32, #tpu.memory_space<hbm>>
        %dma_wait3A_245 = tpu.memref_squeeze %dma_wait3A_244 : memref<1x16x64xi32, #tpu.memory_space<hbm>> -> memref<16x64xi32, #tpu.memory_space<hbm>>
        %dma_wait3A_246 = arith.constant 0 : i32
        %dma_wait3A_247 = tpu.memref_slice %arg2[%add3A, %add3A_14, %dma_wait3A_246] : memref<32x160x64xi32, #tpu.memory_space<hbm>> -> memref<1x16x64xi32, #tpu.memory_space<hbm>>
        %dma_wait3A_248 = tpu.memref_squeeze %dma_wait3A_247 : memref<1x16x64xi32, #tpu.memory_space<hbm>> -> memref<16x64xi32, #tpu.memory_space<hbm>>
        tpu.wait_dma2 semaphore(%run_scoped3A : memref<!tpu.dma_semaphore, #tpu.memory_space<semaphore_mem>>) src(%dma_wait3A_248 : memref<16x64xi32, #tpu.memory_space<hbm>>) dst(%arg6 : memref<16x64xi32, #tpu.memory_space<vmem>>)
        tpu.yield
      }) : () -> ()
      %dma_start3A = arith.constant 0 : i32
      %dma_start3A_15 = arith.constant 0 : i32
      %dma_start3A_16 = tpu.memref_slice %arg6[%dma_start3A, %dma_start3A_15] : memref<16x64xi32, #tpu.memory_space<vmem>> -> memref<1x64xi32, #tpu.memory_space<vmem>>
      %dma_start3A_17 = tpu.memref_squeeze %dma_start3A_16 : memref<1x64xi32, #tpu.memory_space<vmem>> -> memref<64xi32, #tpu.memory_space<vmem>>
      %dma_start3A_18 = arith.constant 0 : i32
      %dma_start3A_19 = arith.constant 0 : i32
      %dma_start3A_20 = tpu.memref_slice %arg8[%dma_start3A_18, %dma_start3A_19] : memref<10112x128xf32, #tpu.memory_space<vmem_shared>> -> memref<10112x128xf32, #tpu.memory_space<vmem_shared>>
      tpu.enqueue_indirect_dma source(%arg7 : memref<64x128xf32, #tpu.memory_space<vmem>>) target(%dma_start3A_20 : memref<10112x128xf32, #tpu.memory_space<vmem_shared>>) offsets(%dma_start3A_17 : memref<64xi32, #tpu.memory_space<vmem>>) semaphore(%arg9 : memref<!tpu.dma_semaphore, #tpu.memory_space<semaphore_mem>>) {add = true}
      %dma_start3A_21 = arith.constant 1 : i32
      %dma_start3A_22 = arith.constant 0 : i32
      %dma_start3A_23 = tpu.memref_slice %arg6[%dma_start3A_21, %dma_start3A_22] : memref<16x64xi32, #tpu.memory_space<vmem>> -> memref<1x64xi32, #tpu.memory_space<vmem>>
      %dma_start3A_24 = tpu.memref_squeeze %dma_start3A_23 : memref<1x64xi32, #tpu.memory_space<vmem>> -> memref<64xi32, #tpu.memory_space<vmem>>
      %dma_start3A_25 = arith.constant 0 : i32
      %dma_start3A_26 = arith.constant 0 : i32
      %dma_start3A_27 = tpu.memref_slice %arg8[%dma_start3A_25, %dma_start3A_26] : memref<10112x128xf32, #tpu.memory_space<vmem_shared>> -> memref<10112x128xf32, #tpu.memory_space<vmem_shared>>
      tpu.enqueue_indirect_dma source(%arg7 : memref<64x128xf32, #tpu.memory_space<vmem>>) target(%dma_start3A_27 : memref<10112x128xf32, #tpu.memory_space<vmem_shared>>) offsets(%dma_start3A_24 : memref<64xi32, #tpu.memory_space<vmem>>) semaphore(%arg9 : memref<!tpu.dma_semaphore, #tpu.memory_space<semaphore_mem>>) {add = true}
      %dma_start3A_28 = arith.constant 2 : i32
      %dma_start3A_29 = arith.constant 0 : i32
      %dma_start3A_30 = tpu.memref_slice %arg6[%dma_start3A_28, %dma_start3A_29] : memref<16x64xi32, #tpu.memory_space<vmem>> -> memref<1x64xi32, #tpu.memory_space<vmem>>
      %dma_start3A_31 = tpu.memref_squeeze %dma_start3A_30 : memref<1x64xi32, #tpu.memory_space<vmem>> -> memref<64xi32, #tpu.memory_space<vmem>>
      %dma_start3A_32 = arith.constant 0 : i32
      %dma_start3A_33 = arith.constant 0 : i32
      %dma_start3A_34 = tpu.memref_slice %arg8[%dma_start3A_32, %dma_start3A_33] : memref<10112x128xf32, #tpu.memory_space<vmem_shared>> -> memref<10112x128xf32, #tpu.memory_space<vmem_shared>>
      tpu.enqueue_indirect_dma source(%arg7 : memref<64x128xf32, #tpu.memory_space<vmem>>) target(%dma_start3A_34 : memref<10112x128xf32, #tpu.memory_space<vmem_shared>>) offsets(%dma_start3A_31 : memref<64xi32, #tpu.memory_space<vmem>>) semaphore(%arg9 : memref<!tpu.dma_semaphore, #tpu.memory_space<semaphore_mem>>) {add = true}
      %dma_start3A_35 = arith.constant 3 : i32
      %dma_start3A_36 = arith.constant 0 : i32
      %dma_start3A_37 = tpu.memref_slice %arg6[%dma_start3A_35, %dma_start3A_36] : memref<16x64xi32, #tpu.memory_space<vmem>> -> memref<1x64xi32, #tpu.memory_space<vmem>>
      %dma_start3A_38 = tpu.memref_squeeze %dma_start3A_37 : memref<1x64xi32, #tpu.memory_space<vmem>> -> memref<64xi32, #tpu.memory_space<vmem>>
      %dma_start3A_39 = arith.constant 0 : i32
      %dma_start3A_40 = arith.constant 0 : i32
      %dma_start3A_41 = tpu.memref_slice %arg8[%dma_start3A_39, %dma_start3A_40] : memref<10112x128xf32, #tpu.memory_space<vmem_shared>> -> memref<10112x128xf32, #tpu.memory_space<vmem_shared>>
      tpu.enqueue_indirect_dma source(%arg7 : memref<64x128xf32, #tpu.memory_space<vmem>>) target(%dma_start3A_41 : memref<10112x128xf32, #tpu.memory_space<vmem_shared>>) offsets(%dma_start3A_38 : memref<64xi32, #tpu.memory_space<vmem>>) semaphore(%arg9 : memref<!tpu.dma_semaphore, #tpu.memory_space<semaphore_mem>>) {add = true}
      %dma_start3A_42 = arith.constant 4 : i32
      %dma_start3A_43 = arith.constant 0 : i32
      %dma_start3A_44 = tpu.memref_slice %arg6[%dma_start3A_42, %dma_start3A_43] : memref<16x64xi32, #tpu.memory_space<vmem>> -> memref<1x64xi32, #tpu.memory_space<vmem>>
      %dma_start3A_45 = tpu.memref_squeeze %dma_start3A_44 : memref<1x64xi32, #tpu.memory_space<vmem>> -> memref<64xi32, #tpu.memory_space<vmem>>
      %dma_start3A_46 = arith.constant 0 : i32
      %dma_start3A_47 = arith.constant 0 : i32
      %dma_start3A_48 = tpu.memref_slice %arg8[%dma_start3A_46, %dma_start3A_47] : memref<10112x128xf32, #tpu.memory_space<vmem_shared>> -> memref<10112x128xf32, #tpu.memory_space<vmem_shared>>
      tpu.enqueue_indirect_dma source(%arg7 : memref<64x128xf32, #tpu.memory_space<vmem>>) target(%dma_start3A_48 : memref<10112x128xf32, #tpu.memory_space<vmem_shared>>) offsets(%dma_start3A_45 : memref<64xi32, #tpu.memory_space<vmem>>) semaphore(%arg9 : memref<!tpu.dma_semaphore, #tpu.memory_space<semaphore_mem>>) {add = true}
      %dma_start3A_49 = arith.constant 5 : i32
      %dma_start3A_50 = arith.constant 0 : i32
      %dma_start3A_51 = tpu.memref_slice %arg6[%dma_start3A_49, %dma_start3A_50] : memref<16x64xi32, #tpu.memory_space<vmem>> -> memref<1x64xi32, #tpu.memory_space<vmem>>
      %dma_start3A_52 = tpu.memref_squeeze %dma_start3A_51 : memref<1x64xi32, #tpu.memory_space<vmem>> -> memref<64xi32, #tpu.memory_space<vmem>>
      %dma_start3A_53 = arith.constant 0 : i32
      %dma_start3A_54 = arith.constant 0 : i32
      %dma_start3A_55 = tpu.memref_slice %arg8[%dma_start3A_53, %dma_start3A_54] : memref<10112x128xf32, #tpu.memory_space<vmem_shared>> -> memref<10112x128xf32, #tpu.memory_space<vmem_shared>>
      tpu.enqueue_indirect_dma source(%arg7 : memref<64x128xf32, #tpu.memory_space<vmem>>) target(%dma_start3A_55 : memref<10112x128xf32, #tpu.memory_space<vmem_shared>>) offsets(%dma_start3A_52 : memref<64xi32, #tpu.memory_space<vmem>>) semaphore(%arg9 : memref<!tpu.dma_semaphore, #tpu.memory_space<semaphore_mem>>) {add = true}
      %dma_start3A_56 = arith.constant 6 : i32
      %dma_start3A_57 = arith.constant 0 : i32
      %dma_start3A_58 = tpu.memref_slice %arg6[%dma_start3A_56, %dma_start3A_57] : memref<16x64xi32, #tpu.memory_space<vmem>> -> memref<1x64xi32, #tpu.memory_space<vmem>>
      %dma_start3A_59 = tpu.memref_squeeze %dma_start3A_58 : memref<1x64xi32, #tpu.memory_space<vmem>> -> memref<64xi32, #tpu.memory_space<vmem>>
      %dma_start3A_60 = arith.constant 0 : i32
      %dma_start3A_61 = arith.constant 0 : i32
      %dma_start3A_62 = tpu.memref_slice %arg8[%dma_start3A_60, %dma_start3A_61] : memref<10112x128xf32, #tpu.memory_space<vmem_shared>> -> memref<10112x128xf32, #tpu.memory_space<vmem_shared>>
      tpu.enqueue_indirect_dma source(%arg7 : memref<64x128xf32, #tpu.memory_space<vmem>>) target(%dma_start3A_62 : memref<10112x128xf32, #tpu.memory_space<vmem_shared>>) offsets(%dma_start3A_59 : memref<64xi32, #tpu.memory_space<vmem>>) semaphore(%arg9 : memref<!tpu.dma_semaphore, #tpu.memory_space<semaphore_mem>>) {add = true}
      %dma_start3A_63 = arith.constant 7 : i32
      %dma_start3A_64 = arith.constant 0 : i32
      %dma_start3A_65 = tpu.memref_slice %arg6[%dma_start3A_63, %dma_start3A_64] : memref<16x64xi32, #tpu.memory_space<vmem>> -> memref<1x64xi32, #tpu.memory_space<vmem>>
      %dma_start3A_66 = tpu.memref_squeeze %dma_start3A_65 : memref<1x64xi32, #tpu.memory_space<vmem>> -> memref<64xi32, #tpu.memory_space<vmem>>
      %dma_start3A_67 = arith.constant 0 : i32
      %dma_start3A_68 = arith.constant 0 : i32
      %dma_start3A_69 = tpu.memref_slice %arg8[%dma_start3A_67, %dma_start3A_68] : memref<10112x128xf32, #tpu.memory_space<vmem_shared>> -> memref<10112x128xf32, #tpu.memory_space<vmem_shared>>
      tpu.enqueue_indirect_dma source(%arg7 : memref<64x128xf32, #tpu.memory_space<vmem>>) target(%dma_start3A_69 : memref<10112x128xf32, #tpu.memory_space<vmem_shared>>) offsets(%dma_start3A_66 : memref<64xi32, #tpu.memory_space<vmem>>) semaphore(%arg9 : memref<!tpu.dma_semaphore, #tpu.memory_space<semaphore_mem>>) {add = true}
      %dma_start3A_70 = arith.constant 8 : i32
      %dma_start3A_71 = arith.constant 0 : i32
      %dma_start3A_72 = tpu.memref_slice %arg6[%dma_start3A_70, %dma_start3A_71] : memref<16x64xi32, #tpu.memory_space<vmem>> -> memref<1x64xi32, #tpu.memory_space<vmem>>
      %dma_start3A_73 = tpu.memref_squeeze %dma_start3A_72 : memref<1x64xi32, #tpu.memory_space<vmem>> -> memref<64xi32, #tpu.memory_space<vmem>>
      %dma_start3A_74 = arith.constant 0 : i32
      %dma_start3A_75 = arith.constant 0 : i32
      %dma_start3A_76 = tpu.memref_slice %arg8[%dma_start3A_74, %dma_start3A_75] : memref<10112x128xf32, #tpu.memory_space<vmem_shared>> -> memref<10112x128xf32, #tpu.memory_space<vmem_shared>>
      tpu.enqueue_indirect_dma source(%arg7 : memref<64x128xf32, #tpu.memory_space<vmem>>) target(%dma_start3A_76 : memref<10112x128xf32, #tpu.memory_space<vmem_shared>>) offsets(%dma_start3A_73 : memref<64xi32, #tpu.memory_space<vmem>>) semaphore(%arg9 : memref<!tpu.dma_semaphore, #tpu.memory_space<semaphore_mem>>) {add = true}
      %dma_start3A_77 = arith.constant 9 : i32
      %dma_start3A_78 = arith.constant 0 : i32
      %dma_start3A_79 = tpu.memref_slice %arg6[%dma_start3A_77, %dma_start3A_78] : memref<16x64xi32, #tpu.memory_space<vmem>> -> memref<1x64xi32, #tpu.memory_space<vmem>>
      %dma_start3A_80 = tpu.memref_squeeze %dma_start3A_79 : memref<1x64xi32, #tpu.memory_space<vmem>> -> memref<64xi32, #tpu.memory_space<vmem>>
      %dma_start3A_81 = arith.constant 0 : i32
      %dma_start3A_82 = arith.constant 0 : i32
      %dma_start3A_83 = tpu.memref_slice %arg8[%dma_start3A_81, %dma_start3A_82] : memref<10112x128xf32, #tpu.memory_space<vmem_shared>> -> memref<10112x128xf32, #tpu.memory_space<vmem_shared>>
      tpu.enqueue_indirect_dma source(%arg7 : memref<64x128xf32, #tpu.memory_space<vmem>>) target(%dma_start3A_83 : memref<10112x128xf32, #tpu.memory_space<vmem_shared>>) offsets(%dma_start3A_80 : memref<64xi32, #tpu.memory_space<vmem>>) semaphore(%arg9 : memref<!tpu.dma_semaphore, #tpu.memory_space<semaphore_mem>>) {add = true}
      %dma_start3A_84 = arith.constant 10 : i32
      %dma_start3A_85 = arith.constant 0 : i32
      %dma_start3A_86 = tpu.memref_slice %arg6[%dma_start3A_84, %dma_start3A_85] : memref<16x64xi32, #tpu.memory_space<vmem>> -> memref<1x64xi32, #tpu.memory_space<vmem>>
      %dma_start3A_87 = tpu.memref_squeeze %dma_start3A_86 : memref<1x64xi32, #tpu.memory_space<vmem>> -> memref<64xi32, #tpu.memory_space<vmem>>
      %dma_start3A_88 = arith.constant 0 : i32
      %dma_start3A_89 = arith.constant 0 : i32
      %dma_start3A_90 = tpu.memref_slice %arg8[%dma_start3A_88, %dma_start3A_89] : memref<10112x128xf32, #tpu.memory_space<vmem_shared>> -> memref<10112x128xf32, #tpu.memory_space<vmem_shared>>
      tpu.enqueue_indirect_dma source(%arg7 : memref<64x128xf32, #tpu.memory_space<vmem>>) target(%dma_start3A_90 : memref<10112x128xf32, #tpu.memory_space<vmem_shared>>) offsets(%dma_start3A_87 : memref<64xi32, #tpu.memory_space<vmem>>) semaphore(%arg9 : memref<!tpu.dma_semaphore, #tpu.memory_space<semaphore_mem>>) {add = true}
      %dma_start3A_91 = arith.constant 11 : i32
      %dma_start3A_92 = arith.constant 0 : i32
      %dma_start3A_93 = tpu.memref_slice %arg6[%dma_start3A_91, %dma_start3A_92] : memref<16x64xi32, #tpu.memory_space<vmem>> -> memref<1x64xi32, #tpu.memory_space<vmem>>
      %dma_start3A_94 = tpu.memref_squeeze %dma_start3A_93 : memref<1x64xi32, #tpu.memory_space<vmem>> -> memref<64xi32, #tpu.memory_space<vmem>>
      %dma_start3A_95 = arith.constant 0 : i32
      %dma_start3A_96 = arith.constant 0 : i32
      %dma_start3A_97 = tpu.memref_slice %arg8[%dma_start3A_95, %dma_start3A_96] : memref<10112x128xf32, #tpu.memory_space<vmem_shared>> -> memref<10112x128xf32, #tpu.memory_space<vmem_shared>>
      tpu.enqueue_indirect_dma source(%arg7 : memref<64x128xf32, #tpu.memory_space<vmem>>) target(%dma_start3A_97 : memref<10112x128xf32, #tpu.memory_space<vmem_shared>>) offsets(%dma_start3A_94 : memref<64xi32, #tpu.memory_space<vmem>>) semaphore(%arg9 : memref<!tpu.dma_semaphore, #tpu.memory_space<semaphore_mem>>) {add = true}
      %dma_start3A_98 = arith.constant 12 : i32
      %dma_start3A_99 = arith.constant 0 : i32
      %dma_start3A_100 = tpu.memref_slice %arg6[%dma_start3A_98, %dma_start3A_99] : memref<16x64xi32, #tpu.memory_space<vmem>> -> memref<1x64xi32, #tpu.memory_space<vmem>>
      %dma_start3A_101 = tpu.memref_squeeze %dma_start3A_100 : memref<1x64xi32, #tpu.memory_space<vmem>> -> memref<64xi32, #tpu.memory_space<vmem>>
      %dma_start3A_102 = arith.constant 0 : i32
      %dma_start3A_103 = arith.constant 0 : i32
      %dma_start3A_104 = tpu.memref_slice %arg8[%dma_start3A_102, %dma_start3A_103] : memref<10112x128xf32, #tpu.memory_space<vmem_shared>> -> memref<10112x128xf32, #tpu.memory_space<vmem_shared>>
      tpu.enqueue_indirect_dma source(%arg7 : memref<64x128xf32, #tpu.memory_space<vmem>>) target(%dma_start3A_104 : memref<10112x128xf32, #tpu.memory_space<vmem_shared>>) offsets(%dma_start3A_101 : memref<64xi32, #tpu.memory_space<vmem>>) semaphore(%arg9 : memref<!tpu.dma_semaphore, #tpu.memory_space<semaphore_mem>>) {add = true}
      %dma_start3A_105 = arith.constant 13 : i32
      %dma_start3A_106 = arith.constant 0 : i32
      %dma_start3A_107 = tpu.memref_slice %arg6[%dma_start3A_105, %dma_start3A_106] : memref<16x64xi32, #tpu.memory_space<vmem>> -> memref<1x64xi32, #tpu.memory_space<vmem>>
      %dma_start3A_108 = tpu.memref_squeeze %dma_start3A_107 : memref<1x64xi32, #tpu.memory_space<vmem>> -> memref<64xi32, #tpu.memory_space<vmem>>
      %dma_start3A_109 = arith.constant 0 : i32
      %dma_start3A_110 = arith.constant 0 : i32
      %dma_start3A_111 = tpu.memref_slice %arg8[%dma_start3A_109, %dma_start3A_110] : memref<10112x128xf32, #tpu.memory_space<vmem_shared>> -> memref<10112x128xf32, #tpu.memory_space<vmem_shared>>
      tpu.enqueue_indirect_dma source(%arg7 : memref<64x128xf32, #tpu.memory_space<vmem>>) target(%dma_start3A_111 : memref<10112x128xf32, #tpu.memory_space<vmem_shared>>) offsets(%dma_start3A_108 : memref<64xi32, #tpu.memory_space<vmem>>) semaphore(%arg9 : memref<!tpu.dma_semaphore, #tpu.memory_space<semaphore_mem>>) {add = true}
      %dma_start3A_112 = arith.constant 14 : i32
      %dma_start3A_113 = arith.constant 0 : i32
      %dma_start3A_114 = tpu.memref_slice %arg6[%dma_start3A_112, %dma_start3A_113] : memref<16x64xi32, #tpu.memory_space<vmem>> -> memref<1x64xi32, #tpu.memory_space<vmem>>
      %dma_start3A_115 = tpu.memref_squeeze %dma_start3A_114 : memref<1x64xi32, #tpu.memory_space<vmem>> -> memref<64xi32, #tpu.memory_space<vmem>>
      %dma_start3A_116 = arith.constant 0 : i32
      %dma_start3A_117 = arith.constant 0 : i32
      %dma_start3A_118 = tpu.memref_slice %arg8[%dma_start3A_116, %dma_start3A_117] : memref<10112x128xf32, #tpu.memory_space<vmem_shared>> -> memref<10112x128xf32, #tpu.memory_space<vmem_shared>>
      tpu.enqueue_indirect_dma source(%arg7 : memref<64x128xf32, #tpu.memory_space<vmem>>) target(%dma_start3A_118 : memref<10112x128xf32, #tpu.memory_space<vmem_shared>>) offsets(%dma_start3A_115 : memref<64xi32, #tpu.memory_space<vmem>>) semaphore(%arg9 : memref<!tpu.dma_semaphore, #tpu.memory_space<semaphore_mem>>) {add = true}
      %dma_start3A_119 = arith.constant 15 : i32
      %dma_start3A_120 = arith.constant 0 : i32
      %dma_start3A_121 = tpu.memref_slice %arg6[%dma_start3A_119, %dma_start3A_120] : memref<16x64xi32, #tpu.memory_space<vmem>> -> memref<1x64xi32, #tpu.memory_space<vmem>>
      %dma_start3A_122 = tpu.memref_squeeze %dma_start3A_121 : memref<1x64xi32, #tpu.memory_space<vmem>> -> memref<64xi32, #tpu.memory_space<vmem>>
      %dma_start3A_123 = arith.constant 0 : i32
      %dma_start3A_124 = arith.constant 0 : i32
      %dma_start3A_125 = tpu.memref_slice %arg8[%dma_start3A_123, %dma_start3A_124] : memref<10112x128xf32, #tpu.memory_space<vmem_shared>> -> memref<10112x128xf32, #tpu.memory_space<vmem_shared>>
      tpu.enqueue_indirect_dma source(%arg7 : memref<64x128xf32, #tpu.memory_space<vmem>>) target(%dma_start3A_125 : memref<10112x128xf32, #tpu.memory_space<vmem_shared>>) offsets(%dma_start3A_122 : memref<64xi32, #tpu.memory_space<vmem>>) semaphore(%arg9 : memref<!tpu.dma_semaphore, #tpu.memory_space<semaphore_mem>>) {add = true}
      %dma_wait3A = arith.constant 0 : i32
      %dma_wait3A_126 = arith.constant 0 : i32
      %dma_wait3A_127 = tpu.memref_slice %arg6[%dma_wait3A, %dma_wait3A_126] : memref<16x64xi32, #tpu.memory_space<vmem>> -> memref<1x64xi32, #tpu.memory_space<vmem>>
      %dma_wait3A_128 = tpu.memref_squeeze %dma_wait3A_127 : memref<1x64xi32, #tpu.memory_space<vmem>> -> memref<64xi32, #tpu.memory_space<vmem>>
      %dma_wait3A_129 = arith.constant 0 : i32
      %dma_wait3A_130 = arith.constant 0 : i32
      %dma_wait3A_131 = tpu.memref_slice %arg8[%dma_wait3A_129, %dma_wait3A_130] : memref<10112x128xf32, #tpu.memory_space<vmem_shared>> -> memref<10112x128xf32, #tpu.memory_space<vmem_shared>>
      tpu.wait_indirect_dma semaphore(%arg9 : memref<!tpu.dma_semaphore, #tpu.memory_space<semaphore_mem>>) src(%arg7 : memref<64x128xf32, #tpu.memory_space<vmem>>) dst(%dma_wait3A_131 : memref<10112x128xf32, #tpu.memory_space<vmem_shared>>)
      %dma_wait3A_132 = arith.constant 1 : i32
      %dma_wait3A_133 = arith.constant 0 : i32
      %dma_wait3A_134 = tpu.memref_slice %arg6[%dma_wait3A_132, %dma_wait3A_133] : memref<16x64xi32, #tpu.memory_space<vmem>> -> memref<1x64xi32, #tpu.memory_space<vmem>>
      %dma_wait3A_135 = tpu.memref_squeeze %dma_wait3A_134 : memref<1x64xi32, #tpu.memory_space<vmem>> -> memref<64xi32, #tpu.memory_space<vmem>>
      %dma_wait3A_136 = arith.constant 0 : i32
      %dma_wait3A_137 = arith.constant 0 : i32
      %dma_wait3A_138 = tpu.memref_slice %arg8[%dma_wait3A_136, %dma_wait3A_137] : memref<10112x128xf32, #tpu.memory_space<vmem_shared>> -> memref<10112x128xf32, #tpu.memory_space<vmem_shared>>
      tpu.wait_indirect_dma semaphore(%arg9 : memref<!tpu.dma_semaphore, #tpu.memory_space<semaphore_mem>>) src(%arg7 : memref<64x128xf32, #tpu.memory_space<vmem>>) dst(%dma_wait3A_138 : memref<10112x128xf32, #tpu.memory_space<vmem_shared>>)
      %dma_wait3A_139 = arith.constant 2 : i32
      %dma_wait3A_140 = arith.constant 0 : i32
      %dma_wait3A_141 = tpu.memref_slice %arg6[%dma_wait3A_139, %dma_wait3A_140] : memref<16x64xi32, #tpu.memory_space<vmem>> -> memref<1x64xi32, #tpu.memory_space<vmem>>
      %dma_wait3A_142 = tpu.memref_squeeze %dma_wait3A_141 : memref<1x64xi32, #tpu.memory_space<vmem>> -> memref<64xi32, #tpu.memory_space<vmem>>
      %dma_wait3A_143 = arith.constant 0 : i32
      %dma_wait3A_144 = arith.constant 0 : i32
      %dma_wait3A_145 = tpu.memref_slice %arg8[%dma_wait3A_143, %dma_wait3A_144] : memref<10112x128xf32, #tpu.memory_space<vmem_shared>> -> memref<10112x128xf32, #tpu.memory_space<vmem_shared>>
      tpu.wait_indirect_dma semaphore(%arg9 : memref<!tpu.dma_semaphore, #tpu.memory_space<semaphore_mem>>) src(%arg7 : memref<64x128xf32, #tpu.memory_space<vmem>>) dst(%dma_wait3A_145 : memref<10112x128xf32, #tpu.memory_space<vmem_shared>>)
      %dma_wait3A_146 = arith.constant 3 : i32
      %dma_wait3A_147 = arith.constant 0 : i32
      %dma_wait3A_148 = tpu.memref_slice %arg6[%dma_wait3A_146, %dma_wait3A_147] : memref<16x64xi32, #tpu.memory_space<vmem>> -> memref<1x64xi32, #tpu.memory_space<vmem>>
      %dma_wait3A_149 = tpu.memref_squeeze %dma_wait3A_148 : memref<1x64xi32, #tpu.memory_space<vmem>> -> memref<64xi32, #tpu.memory_space<vmem>>
      %dma_wait3A_150 = arith.constant 0 : i32
      %dma_wait3A_151 = arith.constant 0 : i32
      %dma_wait3A_152 = tpu.memref_slice %arg8[%dma_wait3A_150, %dma_wait3A_151] : memref<10112x128xf32, #tpu.memory_space<vmem_shared>> -> memref<10112x128xf32, #tpu.memory_space<vmem_shared>>
      tpu.wait_indirect_dma semaphore(%arg9 : memref<!tpu.dma_semaphore, #tpu.memory_space<semaphore_mem>>) src(%arg7 : memref<64x128xf32, #tpu.memory_space<vmem>>) dst(%dma_wait3A_152 : memref<10112x128xf32, #tpu.memory_space<vmem_shared>>)
      %dma_wait3A_153 = arith.constant 4 : i32
      %dma_wait3A_154 = arith.constant 0 : i32
      %dma_wait3A_155 = tpu.memref_slice %arg6[%dma_wait3A_153, %dma_wait3A_154] : memref<16x64xi32, #tpu.memory_space<vmem>> -> memref<1x64xi32, #tpu.memory_space<vmem>>
      %dma_wait3A_156 = tpu.memref_squeeze %dma_wait3A_155 : memref<1x64xi32, #tpu.memory_space<vmem>> -> memref<64xi32, #tpu.memory_space<vmem>>
      %dma_wait3A_157 = arith.constant 0 : i32
      %dma_wait3A_158 = arith.constant 0 : i32
      %dma_wait3A_159 = tpu.memref_slice %arg8[%dma_wait3A_157, %dma_wait3A_158] : memref<10112x128xf32, #tpu.memory_space<vmem_shared>> -> memref<10112x128xf32, #tpu.memory_space<vmem_shared>>
      tpu.wait_indirect_dma semaphore(%arg9 : memref<!tpu.dma_semaphore, #tpu.memory_space<semaphore_mem>>) src(%arg7 : memref<64x128xf32, #tpu.memory_space<vmem>>) dst(%dma_wait3A_159 : memref<10112x128xf32, #tpu.memory_space<vmem_shared>>)
      %dma_wait3A_160 = arith.constant 5 : i32
      %dma_wait3A_161 = arith.constant 0 : i32
      %dma_wait3A_162 = tpu.memref_slice %arg6[%dma_wait3A_160, %dma_wait3A_161] : memref<16x64xi32, #tpu.memory_space<vmem>> -> memref<1x64xi32, #tpu.memory_space<vmem>>
      %dma_wait3A_163 = tpu.memref_squeeze %dma_wait3A_162 : memref<1x64xi32, #tpu.memory_space<vmem>> -> memref<64xi32, #tpu.memory_space<vmem>>
      %dma_wait3A_164 = arith.constant 0 : i32
      %dma_wait3A_165 = arith.constant 0 : i32
      %dma_wait3A_166 = tpu.memref_slice %arg8[%dma_wait3A_164, %dma_wait3A_165] : memref<10112x128xf32, #tpu.memory_space<vmem_shared>> -> memref<10112x128xf32, #tpu.memory_space<vmem_shared>>
      tpu.wait_indirect_dma semaphore(%arg9 : memref<!tpu.dma_semaphore, #tpu.memory_space<semaphore_mem>>) src(%arg7 : memref<64x128xf32, #tpu.memory_space<vmem>>) dst(%dma_wait3A_166 : memref<10112x128xf32, #tpu.memory_space<vmem_shared>>)
      %dma_wait3A_167 = arith.constant 6 : i32
      %dma_wait3A_168 = arith.constant 0 : i32
      %dma_wait3A_169 = tpu.memref_slice %arg6[%dma_wait3A_167, %dma_wait3A_168] : memref<16x64xi32, #tpu.memory_space<vmem>> -> memref<1x64xi32, #tpu.memory_space<vmem>>
      %dma_wait3A_170 = tpu.memref_squeeze %dma_wait3A_169 : memref<1x64xi32, #tpu.memory_space<vmem>> -> memref<64xi32, #tpu.memory_space<vmem>>
      %dma_wait3A_171 = arith.constant 0 : i32
      %dma_wait3A_172 = arith.constant 0 : i32
      %dma_wait3A_173 = tpu.memref_slice %arg8[%dma_wait3A_171, %dma_wait3A_172] : memref<10112x128xf32, #tpu.memory_space<vmem_shared>> -> memref<10112x128xf32, #tpu.memory_space<vmem_shared>>
      tpu.wait_indirect_dma semaphore(%arg9 : memref<!tpu.dma_semaphore, #tpu.memory_space<semaphore_mem>>) src(%arg7 : memref<64x128xf32, #tpu.memory_space<vmem>>) dst(%dma_wait3A_173 : memref<10112x128xf32, #tpu.memory_space<vmem_shared>>)
      %dma_wait3A_174 = arith.constant 7 : i32
      %dma_wait3A_175 = arith.constant 0 : i32
      %dma_wait3A_176 = tpu.memref_slice %arg6[%dma_wait3A_174, %dma_wait3A_175] : memref<16x64xi32, #tpu.memory_space<vmem>> -> memref<1x64xi32, #tpu.memory_space<vmem>>
      %dma_wait3A_177 = tpu.memref_squeeze %dma_wait3A_176 : memref<1x64xi32, #tpu.memory_space<vmem>> -> memref<64xi32, #tpu.memory_space<vmem>>
      %dma_wait3A_178 = arith.constant 0 : i32
      %dma_wait3A_179 = arith.constant 0 : i32
      %dma_wait3A_180 = tpu.memref_slice %arg8[%dma_wait3A_178, %dma_wait3A_179] : memref<10112x128xf32, #tpu.memory_space<vmem_shared>> -> memref<10112x128xf32, #tpu.memory_space<vmem_shared>>
      tpu.wait_indirect_dma semaphore(%arg9 : memref<!tpu.dma_semaphore, #tpu.memory_space<semaphore_mem>>) src(%arg7 : memref<64x128xf32, #tpu.memory_space<vmem>>) dst(%dma_wait3A_180 : memref<10112x128xf32, #tpu.memory_space<vmem_shared>>)
      %dma_wait3A_181 = arith.constant 8 : i32
      %dma_wait3A_182 = arith.constant 0 : i32
      %dma_wait3A_183 = tpu.memref_slice %arg6[%dma_wait3A_181, %dma_wait3A_182] : memref<16x64xi32, #tpu.memory_space<vmem>> -> memref<1x64xi32, #tpu.memory_space<vmem>>
      %dma_wait3A_184 = tpu.memref_squeeze %dma_wait3A_183 : memref<1x64xi32, #tpu.memory_space<vmem>> -> memref<64xi32, #tpu.memory_space<vmem>>
      %dma_wait3A_185 = arith.constant 0 : i32
      %dma_wait3A_186 = arith.constant 0 : i32
      %dma_wait3A_187 = tpu.memref_slice %arg8[%dma_wait3A_185, %dma_wait3A_186] : memref<10112x128xf32, #tpu.memory_space<vmem_shared>> -> memref<10112x128xf32, #tpu.memory_space<vmem_shared>>
      tpu.wait_indirect_dma semaphore(%arg9 : memref<!tpu.dma_semaphore, #tpu.memory_space<semaphore_mem>>) src(%arg7 : memref<64x128xf32, #tpu.memory_space<vmem>>) dst(%dma_wait3A_187 : memref<10112x128xf32, #tpu.memory_space<vmem_shared>>)
      %dma_wait3A_188 = arith.constant 9 : i32
      %dma_wait3A_189 = arith.constant 0 : i32
      %dma_wait3A_190 = tpu.memref_slice %arg6[%dma_wait3A_188, %dma_wait3A_189] : memref<16x64xi32, #tpu.memory_space<vmem>> -> memref<1x64xi32, #tpu.memory_space<vmem>>
      %dma_wait3A_191 = tpu.memref_squeeze %dma_wait3A_190 : memref<1x64xi32, #tpu.memory_space<vmem>> -> memref<64xi32, #tpu.memory_space<vmem>>
      %dma_wait3A_192 = arith.constant 0 : i32
      %dma_wait3A_193 = arith.constant 0 : i32
      %dma_wait3A_194 = tpu.memref_slice %arg8[%dma_wait3A_192, %dma_wait3A_193] : memref<10112x128xf32, #tpu.memory_space<vmem_shared>> -> memref<10112x128xf32, #tpu.memory_space<vmem_shared>>
      tpu.wait_indirect_dma semaphore(%arg9 : memref<!tpu.dma_semaphore, #tpu.memory_space<semaphore_mem>>) src(%arg7 : memref<64x128xf32, #tpu.memory_space<vmem>>) dst(%dma_wait3A_194 : memref<10112x128xf32, #tpu.memory_space<vmem_shared>>)
      %dma_wait3A_195 = arith.constant 10 : i32
      %dma_wait3A_196 = arith.constant 0 : i32
      %dma_wait3A_197 = tpu.memref_slice %arg6[%dma_wait3A_195, %dma_wait3A_196] : memref<16x64xi32, #tpu.memory_space<vmem>> -> memref<1x64xi32, #tpu.memory_space<vmem>>
      %dma_wait3A_198 = tpu.memref_squeeze %dma_wait3A_197 : memref<1x64xi32, #tpu.memory_space<vmem>> -> memref<64xi32, #tpu.memory_space<vmem>>
      %dma_wait3A_199 = arith.constant 0 : i32
      %dma_wait3A_200 = arith.constant 0 : i32
      %dma_wait3A_201 = tpu.memref_slice %arg8[%dma_wait3A_199, %dma_wait3A_200] : memref<10112x128xf32, #tpu.memory_space<vmem_shared>> -> memref<10112x128xf32, #tpu.memory_space<vmem_shared>>
      tpu.wait_indirect_dma semaphore(%arg9 : memref<!tpu.dma_semaphore, #tpu.memory_space<semaphore_mem>>) src(%arg7 : memref<64x128xf32, #tpu.memory_space<vmem>>) dst(%dma_wait3A_201 : memref<10112x128xf32, #tpu.memory_space<vmem_shared>>)
      %dma_wait3A_202 = arith.constant 11 : i32
      %dma_wait3A_203 = arith.constant 0 : i32
      %dma_wait3A_204 = tpu.memref_slice %arg6[%dma_wait3A_202, %dma_wait3A_203] : memref<16x64xi32, #tpu.memory_space<vmem>> -> memref<1x64xi32, #tpu.memory_space<vmem>>
      %dma_wait3A_205 = tpu.memref_squeeze %dma_wait3A_204 : memref<1x64xi32, #tpu.memory_space<vmem>> -> memref<64xi32, #tpu.memory_space<vmem>>
      %dma_wait3A_206 = arith.constant 0 : i32
      %dma_wait3A_207 = arith.constant 0 : i32
      %dma_wait3A_208 = tpu.memref_slice %arg8[%dma_wait3A_206, %dma_wait3A_207] : memref<10112x128xf32, #tpu.memory_space<vmem_shared>> -> memref<10112x128xf32, #tpu.memory_space<vmem_shared>>
      tpu.wait_indirect_dma semaphore(%arg9 : memref<!tpu.dma_semaphore, #tpu.memory_space<semaphore_mem>>) src(%arg7 : memref<64x128xf32, #tpu.memory_space<vmem>>) dst(%dma_wait3A_208 : memref<10112x128xf32, #tpu.memory_space<vmem_shared>>)
      %dma_wait3A_209 = arith.constant 12 : i32
      %dma_wait3A_210 = arith.constant 0 : i32
      %dma_wait3A_211 = tpu.memref_slice %arg6[%dma_wait3A_209, %dma_wait3A_210] : memref<16x64xi32, #tpu.memory_space<vmem>> -> memref<1x64xi32, #tpu.memory_space<vmem>>
      %dma_wait3A_212 = tpu.memref_squeeze %dma_wait3A_211 : memref<1x64xi32, #tpu.memory_space<vmem>> -> memref<64xi32, #tpu.memory_space<vmem>>
      %dma_wait3A_213 = arith.constant 0 : i32
      %dma_wait3A_214 = arith.constant 0 : i32
      %dma_wait3A_215 = tpu.memref_slice %arg8[%dma_wait3A_213, %dma_wait3A_214] : memref<10112x128xf32, #tpu.memory_space<vmem_shared>> -> memref<10112x128xf32, #tpu.memory_space<vmem_shared>>
      tpu.wait_indirect_dma semaphore(%arg9 : memref<!tpu.dma_semaphore, #tpu.memory_space<semaphore_mem>>) src(%arg7 : memref<64x128xf32, #tpu.memory_space<vmem>>) dst(%dma_wait3A_215 : memref<10112x128xf32, #tpu.memory_space<vmem_shared>>)
      %dma_wait3A_216 = arith.constant 13 : i32
      %dma_wait3A_217 = arith.constant 0 : i32
      %dma_wait3A_218 = tpu.memref_slice %arg6[%dma_wait3A_216, %dma_wait3A_217] : memref<16x64xi32, #tpu.memory_space<vmem>> -> memref<1x64xi32, #tpu.memory_space<vmem>>
      %dma_wait3A_219 = tpu.memref_squeeze %dma_wait3A_218 : memref<1x64xi32, #tpu.memory_space<vmem>> -> memref<64xi32, #tpu.memory_space<vmem>>
      %dma_wait3A_220 = arith.constant 0 : i32
      %dma_wait3A_221 = arith.constant 0 : i32
      %dma_wait3A_222 = tpu.memref_slice %arg8[%dma_wait3A_220, %dma_wait3A_221] : memref<10112x128xf32, #tpu.memory_space<vmem_shared>> -> memref<10112x128xf32, #tpu.memory_space<vmem_shared>>
      tpu.wait_indirect_dma semaphore(%arg9 : memref<!tpu.dma_semaphore, #tpu.memory_space<semaphore_mem>>) src(%arg7 : memref<64x128xf32, #tpu.memory_space<vmem>>) dst(%dma_wait3A_222 : memref<10112x128xf32, #tpu.memory_space<vmem_shared>>)
      %dma_wait3A_223 = arith.constant 14 : i32
      %dma_wait3A_224 = arith.constant 0 : i32
      %dma_wait3A_225 = tpu.memref_slice %arg6[%dma_wait3A_223, %dma_wait3A_224] : memref<16x64xi32, #tpu.memory_space<vmem>> -> memref<1x64xi32, #tpu.memory_space<vmem>>
      %dma_wait3A_226 = tpu.memref_squeeze %dma_wait3A_225 : memref<1x64xi32, #tpu.memory_space<vmem>> -> memref<64xi32, #tpu.memory_space<vmem>>
      %dma_wait3A_227 = arith.constant 0 : i32
      %dma_wait3A_228 = arith.constant 0 : i32
      %dma_wait3A_229 = tpu.memref_slice %arg8[%dma_wait3A_227, %dma_wait3A_228] : memref<10112x128xf32, #tpu.memory_space<vmem_shared>> -> memref<10112x128xf32, #tpu.memory_space<vmem_shared>>
      tpu.wait_indirect_dma semaphore(%arg9 : memref<!tpu.dma_semaphore, #tpu.memory_space<semaphore_mem>>) src(%arg7 : memref<64x128xf32, #tpu.memory_space<vmem>>) dst(%dma_wait3A_229 : memref<10112x128xf32, #tpu.memory_space<vmem_shared>>)
      %dma_wait3A_230 = arith.constant 15 : i32
      %dma_wait3A_231 = arith.constant 0 : i32
      %dma_wait3A_232 = tpu.memref_slice %arg6[%dma_wait3A_230, %dma_wait3A_231] : memref<16x64xi32, #tpu.memory_space<vmem>> -> memref<1x64xi32, #tpu.memory_space<vmem>>
      %dma_wait3A_233 = tpu.memref_squeeze %dma_wait3A_232 : memref<1x64xi32, #tpu.memory_space<vmem>> -> memref<64xi32, #tpu.memory_space<vmem>>
      %dma_wait3A_234 = arith.constant 0 : i32
      %dma_wait3A_235 = arith.constant 0 : i32
      %dma_wait3A_236 = tpu.memref_slice %arg8[%dma_wait3A_234, %dma_wait3A_235] : memref<10112x128xf32, #tpu.memory_space<vmem_shared>> -> memref<10112x128xf32, #tpu.memory_space<vmem_shared>>
      tpu.wait_indirect_dma semaphore(%arg9 : memref<!tpu.dma_semaphore, #tpu.memory_space<semaphore_mem>>) src(%arg7 : memref<64x128xf32, #tpu.memory_space<vmem>>) dst(%dma_wait3A_236 : memref<10112x128xf32, #tpu.memory_space<vmem_shared>>)
    }
    %scan3A_8 = arith.constant 10 : i32
    %barrier3A_9 = arith.constant 0 : index
    tpu.barrier barrier_id(%barrier3A_9)
    "tpu.region"() ({
      %run_scoped3A = tpu.sem_alloc : memref<!tpu.dma_semaphore, #tpu.memory_space<semaphore_mem>>
      %dma_start3A = arith.constant 0 : i32
      %dma_start3A_10 = tpu.memref_slice %arg5[%arg0, %mul3A_2, %dma_start3A] : memref<2x10112x128xf32, #tpu.memory_space<hbm>> -> memref<1x632x128xf32, #tpu.memory_space<hbm>>
      %dma_start3A_11 = tpu.memref_squeeze %dma_start3A_10 : memref<1x632x128xf32, #tpu.memory_space<hbm>> -> memref<632x128xf32, #tpu.memory_space<hbm>>
      %dma_start3A_12 = arith.constant 0 : i32
      %dma_start3A_13 = tpu.memref_slice %arg8[%mul3A_2, %dma_start3A_12] : memref<10112x128xf32, #tpu.memory_space<vmem_shared>> -> memref<632x128xf32, #tpu.memory_space<vmem_shared>>
      tpu.enqueue_dma source(%dma_start3A_13 : memref<632x128xf32, #tpu.memory_space<vmem_shared>>) target(%dma_start3A_11 : memref<632x128xf32, #tpu.memory_space<hbm>>) target_semaphore(%run_scoped3A : memref<!tpu.dma_semaphore, #tpu.memory_space<semaphore_mem>>)
      %dma_wait3A = arith.constant 0 : i32
      %dma_wait3A_14 = tpu.memref_slice %arg5[%arg0, %mul3A_2, %dma_wait3A] : memref<2x10112x128xf32, #tpu.memory_space<hbm>> -> memref<1x632x128xf32, #tpu.memory_space<hbm>>
      %dma_wait3A_15 = tpu.memref_squeeze %dma_wait3A_14 : memref<1x632x128xf32, #tpu.memory_space<hbm>> -> memref<632x128xf32, #tpu.memory_space<hbm>>
      %dma_wait3A_16 = arith.constant 0 : i32
      %dma_wait3A_17 = tpu.memref_slice %arg8[%mul3A_2, %dma_wait3A_16] : memref<10112x128xf32, #tpu.memory_space<vmem_shared>> -> memref<632x128xf32, #tpu.memory_space<vmem_shared>>
      tpu.wait_dma2 semaphore(%run_scoped3A : memref<!tpu.dma_semaphore, #tpu.memory_space<semaphore_mem>>) src(%dma_wait3A_17 : memref<632x128xf32, #tpu.memory_space<vmem_shared>>) dst(%dma_wait3A_15 : memref<632x128xf32, #tpu.memory_space<hbm>>)
      tpu.yield
    }) : () -> ()
    return
  }
}

#map = affine_map<(d0, d1) -> (0, 0)>
#map1 = affine_map<(d0, d1) -> (0, 0, 0)>
module attributes {stable_mosaic.version = 14 : i64} {
  func.func @_agg_body(%arg0: i32, %arg1: i32, %arg2: memref<10000x128xf32, #tpu.memory_space<hbm>>, %arg3: memref<32x160x64xi32, #tpu.memory_space<hbm>>, %arg4: memref<32x160x64xi32, #tpu.memory_space<hbm>>, %arg5: memref<10112x128xf32, #tpu.memory_space<hbm>>, %arg6: memref<2x10112x128xf32, #tpu.memory_space<hbm>>, %arg7: memref<16x64xi32, #tpu.memory_space<vmem>>, %arg8: memref<16x64xi32, #tpu.memory_space<vmem>>, %arg9: memref<64x128xf32, #tpu.memory_space<vmem>>, %arg10: memref<64x128xf32, #tpu.memory_space<vmem>>, %arg11: memref<64x128xf32, #tpu.memory_space<vmem>>, %arg12: memref<64x128xf32, #tpu.memory_space<vmem>>, %arg13: memref<64x128xf32, #tpu.memory_space<vmem>>, %arg14: memref<10112x128xf32, #tpu.memory_space<vmem_shared>>, %arg15: memref<!tpu.dma_semaphore, #tpu.memory_space<semaphore_mem>>, %arg16: memref<!tpu.dma_semaphore, #tpu.memory_space<semaphore_mem>>, %arg17: memref<!tpu.dma_semaphore, #tpu.memory_space<semaphore_mem>>, %arg18: memref<!tpu.dma_semaphore, #tpu.memory_space<semaphore_mem>>, %arg19: memref<!tpu.dma_semaphore, #tpu.memory_space<semaphore_mem>>, %arg20: memref<!tpu.dma_semaphore, #tpu.memory_space<semaphore_mem>>, %arg21: memref<!tpu.dma_semaphore, #tpu.memory_space<semaphore_mem>>, %arg22: memref<!tpu.dma_semaphore, #tpu.memory_space<semaphore_mem>>, %arg23: memref<!tpu.dma_semaphore, #tpu.memory_space<semaphore_mem>>, %arg24: memref<!tpu.dma_semaphore, #tpu.memory_space<semaphore_mem>>) attributes {dimension_semantics = [#tpu.dimension_semantics<core_parallel>, #tpu.dimension_semantics<subcore_parallel>], iteration_bounds = array<i64: 2, 16>, scalar_prefetch = 0 : i64, scratch_operands = 18 : i64, tpu.core_type = #tpu.core_type<sc_vector_subcore>, window_params = [{transform_indices = #map}, {transform_indices = #map1}, {transform_indices = #map1}, {transform_indices = #map}, {transform_indices = #map1}]} {
    %mul3A = arith.constant 16 : i32
    %mul3A_0 = arith.muli %arg0, %mul3A : i32
    %add3A = arith.addi %mul3A_0, %arg1 : i32
    %mul3A_1 = arith.constant 632 : i32
    %mul3A_2 = arith.muli %arg1, %mul3A_1 : i32
    %eq3A = arith.constant 0 : i32
    %eq3A_3 = arith.cmpi eq, %arg1, %eq3A : i32
    %convert_element_type3A = arith.extui %eq3A_3 : i1 to i32
    %cond3A = arith.constant 0 : i32
    %cond3A_4 = arith.cmpi ne, %convert_element_type3A, %cond3A : i32
    scf.if %cond3A_4 {
      "tpu.region"() ({
        %run_scoped3A = tpu.sem_alloc : memref<!tpu.dma_semaphore, #tpu.memory_space<semaphore_mem>>
        tpu.enqueue_dma source(%arg5 : memref<10112x128xf32, #tpu.memory_space<hbm>>) target(%arg14 : memref<10112x128xf32, #tpu.memory_space<vmem_shared>>) target_semaphore(%run_scoped3A : memref<!tpu.dma_semaphore, #tpu.memory_space<semaphore_mem>>)
        tpu.wait_dma2 semaphore(%run_scoped3A : memref<!tpu.dma_semaphore, #tpu.memory_space<semaphore_mem>>) src(%arg5 : memref<10112x128xf32, #tpu.memory_space<hbm>>) dst(%arg14 : memref<10112x128xf32, #tpu.memory_space<vmem_shared>>)
        tpu.yield
      }) : () -> ()
    } else {
    }
    %barrier3A = arith.constant 0 : index
    tpu.barrier barrier_id(%barrier3A)
    %scan3A = arith.constant 0 : i32
    %scan3A_5 = arith.constant 10 : i32
    %scan3A_6 = arith.addi %scan3A, %scan3A_5 : i32
    %scan3A_7 = arith.constant 1 : i32
    scf.for %scan3A_10 = %scan3A to %scan3A_6 step %scan3A_7  : i32 {
      %mul3A_11 = arith.constant 16 : i32
      %mul3A_12 = arith.muli %scan3A_10, %mul3A_11 : i32
      %add3A_13 = arith.constant 0 : i32
      %add3A_14 = arith.addi %add3A_13, %mul3A_12 : i32
      "tpu.region"() ({
        %run_scoped3A = tpu.sem_alloc : memref<!tpu.dma_semaphore, #tpu.memory_space<semaphore_mem>>
        %dma_start3A_461 = arith.constant 0 : i32
        %dma_start3A_462 = tpu.memref_slice %arg3[%add3A, %add3A_14, %dma_start3A_461] : memref<32x160x64xi32, #tpu.memory_space<hbm>> -> memref<1x16x64xi32, #tpu.memory_space<hbm>>
        %dma_start3A_463 = tpu.memref_squeeze %dma_start3A_462 : memref<1x16x64xi32, #tpu.memory_space<hbm>> -> memref<16x64xi32, #tpu.memory_space<hbm>>
        %dma_start3A_464 = arith.constant 0 : i32
        %dma_start3A_465 = tpu.memref_slice %arg3[%add3A, %add3A_14, %dma_start3A_464] : memref<32x160x64xi32, #tpu.memory_space<hbm>> -> memref<1x16x64xi32, #tpu.memory_space<hbm>>
        %dma_start3A_466 = tpu.memref_squeeze %dma_start3A_465 : memref<1x16x64xi32, #tpu.memory_space<hbm>> -> memref<16x64xi32, #tpu.memory_space<hbm>>
        tpu.enqueue_dma source(%dma_start3A_466 : memref<16x64xi32, #tpu.memory_space<hbm>>) target(%arg7 : memref<16x64xi32, #tpu.memory_space<vmem>>) target_semaphore(%run_scoped3A : memref<!tpu.dma_semaphore, #tpu.memory_space<semaphore_mem>>)
        %dma_wait3A_467 = arith.constant 0 : i32
        %dma_wait3A_468 = tpu.memref_slice %arg3[%add3A, %add3A_14, %dma_wait3A_467] : memref<32x160x64xi32, #tpu.memory_space<hbm>> -> memref<1x16x64xi32, #tpu.memory_space<hbm>>
        %dma_wait3A_469 = tpu.memref_squeeze %dma_wait3A_468 : memref<1x16x64xi32, #tpu.memory_space<hbm>> -> memref<16x64xi32, #tpu.memory_space<hbm>>
        %dma_wait3A_470 = arith.constant 0 : i32
        %dma_wait3A_471 = tpu.memref_slice %arg3[%add3A, %add3A_14, %dma_wait3A_470] : memref<32x160x64xi32, #tpu.memory_space<hbm>> -> memref<1x16x64xi32, #tpu.memory_space<hbm>>
        %dma_wait3A_472 = tpu.memref_squeeze %dma_wait3A_471 : memref<1x16x64xi32, #tpu.memory_space<hbm>> -> memref<16x64xi32, #tpu.memory_space<hbm>>
        tpu.wait_dma2 semaphore(%run_scoped3A : memref<!tpu.dma_semaphore, #tpu.memory_space<semaphore_mem>>) src(%dma_wait3A_472 : memref<16x64xi32, #tpu.memory_space<hbm>>) dst(%arg7 : memref<16x64xi32, #tpu.memory_space<vmem>>)
        tpu.yield
      }) : () -> ()
      "tpu.region"() ({
        %run_scoped3A = tpu.sem_alloc : memref<!tpu.dma_semaphore, #tpu.memory_space<semaphore_mem>>
        %dma_start3A_461 = arith.constant 0 : i32
        %dma_start3A_462 = tpu.memref_slice %arg4[%add3A, %add3A_14, %dma_start3A_461] : memref<32x160x64xi32, #tpu.memory_space<hbm>> -> memref<1x16x64xi32, #tpu.memory_space<hbm>>
        %dma_start3A_463 = tpu.memref_squeeze %dma_start3A_462 : memref<1x16x64xi32, #tpu.memory_space<hbm>> -> memref<16x64xi32, #tpu.memory_space<hbm>>
        %dma_start3A_464 = arith.constant 0 : i32
        %dma_start3A_465 = tpu.memref_slice %arg4[%add3A, %add3A_14, %dma_start3A_464] : memref<32x160x64xi32, #tpu.memory_space<hbm>> -> memref<1x16x64xi32, #tpu.memory_space<hbm>>
        %dma_start3A_466 = tpu.memref_squeeze %dma_start3A_465 : memref<1x16x64xi32, #tpu.memory_space<hbm>> -> memref<16x64xi32, #tpu.memory_space<hbm>>
        tpu.enqueue_dma source(%dma_start3A_466 : memref<16x64xi32, #tpu.memory_space<hbm>>) target(%arg8 : memref<16x64xi32, #tpu.memory_space<vmem>>) target_semaphore(%run_scoped3A : memref<!tpu.dma_semaphore, #tpu.memory_space<semaphore_mem>>)
        %dma_wait3A_467 = arith.constant 0 : i32
        %dma_wait3A_468 = tpu.memref_slice %arg4[%add3A, %add3A_14, %dma_wait3A_467] : memref<32x160x64xi32, #tpu.memory_space<hbm>> -> memref<1x16x64xi32, #tpu.memory_space<hbm>>
        %dma_wait3A_469 = tpu.memref_squeeze %dma_wait3A_468 : memref<1x16x64xi32, #tpu.memory_space<hbm>> -> memref<16x64xi32, #tpu.memory_space<hbm>>
        %dma_wait3A_470 = arith.constant 0 : i32
        %dma_wait3A_471 = tpu.memref_slice %arg4[%add3A, %add3A_14, %dma_wait3A_470] : memref<32x160x64xi32, #tpu.memory_space<hbm>> -> memref<1x16x64xi32, #tpu.memory_space<hbm>>
        %dma_wait3A_472 = tpu.memref_squeeze %dma_wait3A_471 : memref<1x16x64xi32, #tpu.memory_space<hbm>> -> memref<16x64xi32, #tpu.memory_space<hbm>>
        tpu.wait_dma2 semaphore(%run_scoped3A : memref<!tpu.dma_semaphore, #tpu.memory_space<semaphore_mem>>) src(%dma_wait3A_472 : memref<16x64xi32, #tpu.memory_space<hbm>>) dst(%arg8 : memref<16x64xi32, #tpu.memory_space<vmem>>)
        tpu.yield
      }) : () -> ()
      %dma_start3A = arith.constant 0 : i32
      %dma_start3A_15 = arith.constant 0 : i32
      %dma_start3A_16 = tpu.memref_slice %arg7[%dma_start3A, %dma_start3A_15] : memref<16x64xi32, #tpu.memory_space<vmem>> -> memref<1x64xi32, #tpu.memory_space<vmem>>
      %dma_start3A_17 = tpu.memref_squeeze %dma_start3A_16 : memref<1x64xi32, #tpu.memory_space<vmem>> -> memref<64xi32, #tpu.memory_space<vmem>>
      %dma_start3A_18 = arith.constant 0 : i32
      %dma_start3A_19 = arith.constant 0 : i32
      %dma_start3A_20 = tpu.memref_slice %arg2[%dma_start3A_18, %dma_start3A_19] : memref<10000x128xf32, #tpu.memory_space<hbm>> -> memref<10000x128xf32, #tpu.memory_space<hbm>>
      tpu.enqueue_indirect_dma source(%dma_start3A_20 : memref<10000x128xf32, #tpu.memory_space<hbm>>) target(%arg9 : memref<64x128xf32, #tpu.memory_space<vmem>>) offsets(%dma_start3A_17 : memref<64xi32, #tpu.memory_space<vmem>>) semaphore(%arg15 : memref<!tpu.dma_semaphore, #tpu.memory_space<semaphore_mem>>)
      %dma_start3A_21 = arith.constant 1 : i32
      %dma_start3A_22 = arith.constant 0 : i32
      %dma_start3A_23 = tpu.memref_slice %arg7[%dma_start3A_21, %dma_start3A_22] : memref<16x64xi32, #tpu.memory_space<vmem>> -> memref<1x64xi32, #tpu.memory_space<vmem>>
      %dma_start3A_24 = tpu.memref_squeeze %dma_start3A_23 : memref<1x64xi32, #tpu.memory_space<vmem>> -> memref<64xi32, #tpu.memory_space<vmem>>
      %dma_start3A_25 = arith.constant 0 : i32
      %dma_start3A_26 = arith.constant 0 : i32
      %dma_start3A_27 = tpu.memref_slice %arg2[%dma_start3A_25, %dma_start3A_26] : memref<10000x128xf32, #tpu.memory_space<hbm>> -> memref<10000x128xf32, #tpu.memory_space<hbm>>
      tpu.enqueue_indirect_dma source(%dma_start3A_27 : memref<10000x128xf32, #tpu.memory_space<hbm>>) target(%arg10 : memref<64x128xf32, #tpu.memory_space<vmem>>) offsets(%dma_start3A_24 : memref<64xi32, #tpu.memory_space<vmem>>) semaphore(%arg16 : memref<!tpu.dma_semaphore, #tpu.memory_space<semaphore_mem>>)
      %dma_start3A_28 = arith.constant 2 : i32
      %dma_start3A_29 = arith.constant 0 : i32
      %dma_start3A_30 = tpu.memref_slice %arg7[%dma_start3A_28, %dma_start3A_29] : memref<16x64xi32, #tpu.memory_space<vmem>> -> memref<1x64xi32, #tpu.memory_space<vmem>>
      %dma_start3A_31 = tpu.memref_squeeze %dma_start3A_30 : memref<1x64xi32, #tpu.memory_space<vmem>> -> memref<64xi32, #tpu.memory_space<vmem>>
      %dma_start3A_32 = arith.constant 0 : i32
      %dma_start3A_33 = arith.constant 0 : i32
      %dma_start3A_34 = tpu.memref_slice %arg2[%dma_start3A_32, %dma_start3A_33] : memref<10000x128xf32, #tpu.memory_space<hbm>> -> memref<10000x128xf32, #tpu.memory_space<hbm>>
      tpu.enqueue_indirect_dma source(%dma_start3A_34 : memref<10000x128xf32, #tpu.memory_space<hbm>>) target(%arg11 : memref<64x128xf32, #tpu.memory_space<vmem>>) offsets(%dma_start3A_31 : memref<64xi32, #tpu.memory_space<vmem>>) semaphore(%arg17 : memref<!tpu.dma_semaphore, #tpu.memory_space<semaphore_mem>>)
      %dma_start3A_35 = arith.constant 3 : i32
      %dma_start3A_36 = arith.constant 0 : i32
      %dma_start3A_37 = tpu.memref_slice %arg7[%dma_start3A_35, %dma_start3A_36] : memref<16x64xi32, #tpu.memory_space<vmem>> -> memref<1x64xi32, #tpu.memory_space<vmem>>
      %dma_start3A_38 = tpu.memref_squeeze %dma_start3A_37 : memref<1x64xi32, #tpu.memory_space<vmem>> -> memref<64xi32, #tpu.memory_space<vmem>>
      %dma_start3A_39 = arith.constant 0 : i32
      %dma_start3A_40 = arith.constant 0 : i32
      %dma_start3A_41 = tpu.memref_slice %arg2[%dma_start3A_39, %dma_start3A_40] : memref<10000x128xf32, #tpu.memory_space<hbm>> -> memref<10000x128xf32, #tpu.memory_space<hbm>>
      tpu.enqueue_indirect_dma source(%dma_start3A_41 : memref<10000x128xf32, #tpu.memory_space<hbm>>) target(%arg12 : memref<64x128xf32, #tpu.memory_space<vmem>>) offsets(%dma_start3A_38 : memref<64xi32, #tpu.memory_space<vmem>>) semaphore(%arg18 : memref<!tpu.dma_semaphore, #tpu.memory_space<semaphore_mem>>)
      %dma_wait3A = arith.constant 0 : i32
      %dma_wait3A_42 = arith.constant 0 : i32
      %dma_wait3A_43 = tpu.memref_slice %arg7[%dma_wait3A, %dma_wait3A_42] : memref<16x64xi32, #tpu.memory_space<vmem>> -> memref<1x64xi32, #tpu.memory_space<vmem>>
      %dma_wait3A_44 = tpu.memref_squeeze %dma_wait3A_43 : memref<1x64xi32, #tpu.memory_space<vmem>> -> memref<64xi32, #tpu.memory_space<vmem>>
      %dma_wait3A_45 = arith.constant 0 : i32
      %dma_wait3A_46 = arith.constant 0 : i32
      %dma_wait3A_47 = tpu.memref_slice %arg2[%dma_wait3A_45, %dma_wait3A_46] : memref<10000x128xf32, #tpu.memory_space<hbm>> -> memref<10000x128xf32, #tpu.memory_space<hbm>>
      tpu.wait_indirect_dma semaphore(%arg15 : memref<!tpu.dma_semaphore, #tpu.memory_space<semaphore_mem>>) src(%dma_wait3A_47 : memref<10000x128xf32, #tpu.memory_space<hbm>>) dst(%arg9 : memref<64x128xf32, #tpu.memory_space<vmem>>)
      %dma_start3A_48 = arith.constant 4 : i32
      %dma_start3A_49 = arith.constant 0 : i32
      %dma_start3A_50 = tpu.memref_slice %arg7[%dma_start3A_48, %dma_start3A_49] : memref<16x64xi32, #tpu.memory_space<vmem>> -> memref<1x64xi32, #tpu.memory_space<vmem>>
      %dma_start3A_51 = tpu.memref_squeeze %dma_start3A_50 : memref<1x64xi32, #tpu.memory_space<vmem>> -> memref<64xi32, #tpu.memory_space<vmem>>
      %dma_start3A_52 = arith.constant 0 : i32
      %dma_start3A_53 = arith.constant 0 : i32
      %dma_start3A_54 = tpu.memref_slice %arg2[%dma_start3A_52, %dma_start3A_53] : memref<10000x128xf32, #tpu.memory_space<hbm>> -> memref<10000x128xf32, #tpu.memory_space<hbm>>
      tpu.enqueue_indirect_dma source(%dma_start3A_54 : memref<10000x128xf32, #tpu.memory_space<hbm>>) target(%arg13 : memref<64x128xf32, #tpu.memory_space<vmem>>) offsets(%dma_start3A_51 : memref<64xi32, #tpu.memory_space<vmem>>) semaphore(%arg19 : memref<!tpu.dma_semaphore, #tpu.memory_space<semaphore_mem>>)
      %dma_start3A_55 = arith.constant 0 : i32
      %dma_start3A_56 = arith.constant 0 : i32
      %dma_start3A_57 = tpu.memref_slice %arg8[%dma_start3A_55, %dma_start3A_56] : memref<16x64xi32, #tpu.memory_space<vmem>> -> memref<1x64xi32, #tpu.memory_space<vmem>>
      %dma_start3A_58 = tpu.memref_squeeze %dma_start3A_57 : memref<1x64xi32, #tpu.memory_space<vmem>> -> memref<64xi32, #tpu.memory_space<vmem>>
      %dma_start3A_59 = arith.constant 0 : i32
      %dma_start3A_60 = arith.constant 0 : i32
      %dma_start3A_61 = tpu.memref_slice %arg14[%dma_start3A_59, %dma_start3A_60] : memref<10112x128xf32, #tpu.memory_space<vmem_shared>> -> memref<10112x128xf32, #tpu.memory_space<vmem_shared>>
      tpu.enqueue_indirect_dma source(%arg9 : memref<64x128xf32, #tpu.memory_space<vmem>>) target(%dma_start3A_61 : memref<10112x128xf32, #tpu.memory_space<vmem_shared>>) offsets(%dma_start3A_58 : memref<64xi32, #tpu.memory_space<vmem>>) semaphore(%arg20 : memref<!tpu.dma_semaphore, #tpu.memory_space<semaphore_mem>>) {add = true}
      %dma_wait3A_62 = arith.constant 1 : i32
      %dma_wait3A_63 = arith.constant 0 : i32
      %dma_wait3A_64 = tpu.memref_slice %arg7[%dma_wait3A_62, %dma_wait3A_63] : memref<16x64xi32, #tpu.memory_space<vmem>> -> memref<1x64xi32, #tpu.memory_space<vmem>>
      %dma_wait3A_65 = tpu.memref_squeeze %dma_wait3A_64 : memref<1x64xi32, #tpu.memory_space<vmem>> -> memref<64xi32, #tpu.memory_space<vmem>>
      %dma_wait3A_66 = arith.constant 0 : i32
      %dma_wait3A_67 = arith.constant 0 : i32
      %dma_wait3A_68 = tpu.memref_slice %arg2[%dma_wait3A_66, %dma_wait3A_67] : memref<10000x128xf32, #tpu.memory_space<hbm>> -> memref<10000x128xf32, #tpu.memory_space<hbm>>
      tpu.wait_indirect_dma semaphore(%arg16 : memref<!tpu.dma_semaphore, #tpu.memory_space<semaphore_mem>>) src(%dma_wait3A_68 : memref<10000x128xf32, #tpu.memory_space<hbm>>) dst(%arg10 : memref<64x128xf32, #tpu.memory_space<vmem>>)
      %dma_wait3A_69 = arith.constant 0 : i32
      %dma_wait3A_70 = arith.constant 0 : i32
      %dma_wait3A_71 = tpu.memref_slice %arg8[%dma_wait3A_69, %dma_wait3A_70] : memref<16x64xi32, #tpu.memory_space<vmem>> -> memref<1x64xi32, #tpu.memory_space<vmem>>
      %dma_wait3A_72 = tpu.memref_squeeze %dma_wait3A_71 : memref<1x64xi32, #tpu.memory_space<vmem>> -> memref<64xi32, #tpu.memory_space<vmem>>
      %dma_wait3A_73 = arith.constant 0 : i32
      %dma_wait3A_74 = arith.constant 0 : i32
      %dma_wait3A_75 = tpu.memref_slice %arg14[%dma_wait3A_73, %dma_wait3A_74] : memref<10112x128xf32, #tpu.memory_space<vmem_shared>> -> memref<10112x128xf32, #tpu.memory_space<vmem_shared>>
      tpu.wait_indirect_dma semaphore(%arg20 : memref<!tpu.dma_semaphore, #tpu.memory_space<semaphore_mem>>) src(%arg9 : memref<64x128xf32, #tpu.memory_space<vmem>>) dst(%dma_wait3A_75 : memref<10112x128xf32, #tpu.memory_space<vmem_shared>>)
      %dma_start3A_76 = arith.constant 5 : i32
      %dma_start3A_77 = arith.constant 0 : i32
      %dma_start3A_78 = tpu.memref_slice %arg7[%dma_start3A_76, %dma_start3A_77] : memref<16x64xi32, #tpu.memory_space<vmem>> -> memref<1x64xi32, #tpu.memory_space<vmem>>
      %dma_start3A_79 = tpu.memref_squeeze %dma_start3A_78 : memref<1x64xi32, #tpu.memory_space<vmem>> -> memref<64xi32, #tpu.memory_space<vmem>>
      %dma_start3A_80 = arith.constant 0 : i32
      %dma_start3A_81 = arith.constant 0 : i32
      %dma_start3A_82 = tpu.memref_slice %arg2[%dma_start3A_80, %dma_start3A_81] : memref<10000x128xf32, #tpu.memory_space<hbm>> -> memref<10000x128xf32, #tpu.memory_space<hbm>>
      tpu.enqueue_indirect_dma source(%dma_start3A_82 : memref<10000x128xf32, #tpu.memory_space<hbm>>) target(%arg9 : memref<64x128xf32, #tpu.memory_space<vmem>>) offsets(%dma_start3A_79 : memref<64xi32, #tpu.memory_space<vmem>>) semaphore(%arg15 : memref<!tpu.dma_semaphore, #tpu.memory_space<semaphore_mem>>)
      %dma_start3A_83 = arith.constant 1 : i32
      %dma_start3A_84 = arith.constant 0 : i32
      %dma_start3A_85 = tpu.memref_slice %arg8[%dma_start3A_83, %dma_start3A_84] : memref<16x64xi32, #tpu.memory_space<vmem>> -> memref<1x64xi32, #tpu.memory_space<vmem>>
      %dma_start3A_86 = tpu.memref_squeeze %dma_start3A_85 : memref<1x64xi32, #tpu.memory_space<vmem>> -> memref<64xi32, #tpu.memory_space<vmem>>
      %dma_start3A_87 = arith.constant 0 : i32
      %dma_start3A_88 = arith.constant 0 : i32
      %dma_start3A_89 = tpu.memref_slice %arg14[%dma_start3A_87, %dma_start3A_88] : memref<10112x128xf32, #tpu.memory_space<vmem_shared>> -> memref<10112x128xf32, #tpu.memory_space<vmem_shared>>
      tpu.enqueue_indirect_dma source(%arg10 : memref<64x128xf32, #tpu.memory_space<vmem>>) target(%dma_start3A_89 : memref<10112x128xf32, #tpu.memory_space<vmem_shared>>) offsets(%dma_start3A_86 : memref<64xi32, #tpu.memory_space<vmem>>) semaphore(%arg21 : memref<!tpu.dma_semaphore, #tpu.memory_space<semaphore_mem>>) {add = true}
      %dma_wait3A_90 = arith.constant 2 : i32
      %dma_wait3A_91 = arith.constant 0 : i32
      %dma_wait3A_92 = tpu.memref_slice %arg7[%dma_wait3A_90, %dma_wait3A_91] : memref<16x64xi32, #tpu.memory_space<vmem>> -> memref<1x64xi32, #tpu.memory_space<vmem>>
      %dma_wait3A_93 = tpu.memref_squeeze %dma_wait3A_92 : memref<1x64xi32, #tpu.memory_space<vmem>> -> memref<64xi32, #tpu.memory_space<vmem>>
      %dma_wait3A_94 = arith.constant 0 : i32
      %dma_wait3A_95 = arith.constant 0 : i32
      %dma_wait3A_96 = tpu.memref_slice %arg2[%dma_wait3A_94, %dma_wait3A_95] : memref<10000x128xf32, #tpu.memory_space<hbm>> -> memref<10000x128xf32, #tpu.memory_space<hbm>>
      tpu.wait_indirect_dma semaphore(%arg17 : memref<!tpu.dma_semaphore, #tpu.memory_space<semaphore_mem>>) src(%dma_wait3A_96 : memref<10000x128xf32, #tpu.memory_space<hbm>>) dst(%arg11 : memref<64x128xf32, #tpu.memory_space<vmem>>)
      %dma_wait3A_97 = arith.constant 1 : i32
      %dma_wait3A_98 = arith.constant 0 : i32
      %dma_wait3A_99 = tpu.memref_slice %arg8[%dma_wait3A_97, %dma_wait3A_98] : memref<16x64xi32, #tpu.memory_space<vmem>> -> memref<1x64xi32, #tpu.memory_space<vmem>>
      %dma_wait3A_100 = tpu.memref_squeeze %dma_wait3A_99 : memref<1x64xi32, #tpu.memory_space<vmem>> -> memref<64xi32, #tpu.memory_space<vmem>>
      %dma_wait3A_101 = arith.constant 0 : i32
      %dma_wait3A_102 = arith.constant 0 : i32
      %dma_wait3A_103 = tpu.memref_slice %arg14[%dma_wait3A_101, %dma_wait3A_102] : memref<10112x128xf32, #tpu.memory_space<vmem_shared>> -> memref<10112x128xf32, #tpu.memory_space<vmem_shared>>
      tpu.wait_indirect_dma semaphore(%arg21 : memref<!tpu.dma_semaphore, #tpu.memory_space<semaphore_mem>>) src(%arg10 : memref<64x128xf32, #tpu.memory_space<vmem>>) dst(%dma_wait3A_103 : memref<10112x128xf32, #tpu.memory_space<vmem_shared>>)
      %dma_start3A_104 = arith.constant 6 : i32
      %dma_start3A_105 = arith.constant 0 : i32
      %dma_start3A_106 = tpu.memref_slice %arg7[%dma_start3A_104, %dma_start3A_105] : memref<16x64xi32, #tpu.memory_space<vmem>> -> memref<1x64xi32, #tpu.memory_space<vmem>>
      %dma_start3A_107 = tpu.memref_squeeze %dma_start3A_106 : memref<1x64xi32, #tpu.memory_space<vmem>> -> memref<64xi32, #tpu.memory_space<vmem>>
      %dma_start3A_108 = arith.constant 0 : i32
      %dma_start3A_109 = arith.constant 0 : i32
      %dma_start3A_110 = tpu.memref_slice %arg2[%dma_start3A_108, %dma_start3A_109] : memref<10000x128xf32, #tpu.memory_space<hbm>> -> memref<10000x128xf32, #tpu.memory_space<hbm>>
      tpu.enqueue_indirect_dma source(%dma_start3A_110 : memref<10000x128xf32, #tpu.memory_space<hbm>>) target(%arg10 : memref<64x128xf32, #tpu.memory_space<vmem>>) offsets(%dma_start3A_107 : memref<64xi32, #tpu.memory_space<vmem>>) semaphore(%arg16 : memref<!tpu.dma_semaphore, #tpu.memory_space<semaphore_mem>>)
      %dma_start3A_111 = arith.constant 2 : i32
      %dma_start3A_112 = arith.constant 0 : i32
      %dma_start3A_113 = tpu.memref_slice %arg8[%dma_start3A_111, %dma_start3A_112] : memref<16x64xi32, #tpu.memory_space<vmem>> -> memref<1x64xi32, #tpu.memory_space<vmem>>
      %dma_start3A_114 = tpu.memref_squeeze %dma_start3A_113 : memref<1x64xi32, #tpu.memory_space<vmem>> -> memref<64xi32, #tpu.memory_space<vmem>>
      %dma_start3A_115 = arith.constant 0 : i32
      %dma_start3A_116 = arith.constant 0 : i32
      %dma_start3A_117 = tpu.memref_slice %arg14[%dma_start3A_115, %dma_start3A_116] : memref<10112x128xf32, #tpu.memory_space<vmem_shared>> -> memref<10112x128xf32, #tpu.memory_space<vmem_shared>>
      tpu.enqueue_indirect_dma source(%arg11 : memref<64x128xf32, #tpu.memory_space<vmem>>) target(%dma_start3A_117 : memref<10112x128xf32, #tpu.memory_space<vmem_shared>>) offsets(%dma_start3A_114 : memref<64xi32, #tpu.memory_space<vmem>>) semaphore(%arg22 : memref<!tpu.dma_semaphore, #tpu.memory_space<semaphore_mem>>) {add = true}
      %dma_wait3A_118 = arith.constant 3 : i32
      %dma_wait3A_119 = arith.constant 0 : i32
      %dma_wait3A_120 = tpu.memref_slice %arg7[%dma_wait3A_118, %dma_wait3A_119] : memref<16x64xi32, #tpu.memory_space<vmem>> -> memref<1x64xi32, #tpu.memory_space<vmem>>
      %dma_wait3A_121 = tpu.memref_squeeze %dma_wait3A_120 : memref<1x64xi32, #tpu.memory_space<vmem>> -> memref<64xi32, #tpu.memory_space<vmem>>
      %dma_wait3A_122 = arith.constant 0 : i32
      %dma_wait3A_123 = arith.constant 0 : i32
      %dma_wait3A_124 = tpu.memref_slice %arg2[%dma_wait3A_122, %dma_wait3A_123] : memref<10000x128xf32, #tpu.memory_space<hbm>> -> memref<10000x128xf32, #tpu.memory_space<hbm>>
      tpu.wait_indirect_dma semaphore(%arg18 : memref<!tpu.dma_semaphore, #tpu.memory_space<semaphore_mem>>) src(%dma_wait3A_124 : memref<10000x128xf32, #tpu.memory_space<hbm>>) dst(%arg12 : memref<64x128xf32, #tpu.memory_space<vmem>>)
      %dma_wait3A_125 = arith.constant 2 : i32
      %dma_wait3A_126 = arith.constant 0 : i32
      %dma_wait3A_127 = tpu.memref_slice %arg8[%dma_wait3A_125, %dma_wait3A_126] : memref<16x64xi32, #tpu.memory_space<vmem>> -> memref<1x64xi32, #tpu.memory_space<vmem>>
      %dma_wait3A_128 = tpu.memref_squeeze %dma_wait3A_127 : memref<1x64xi32, #tpu.memory_space<vmem>> -> memref<64xi32, #tpu.memory_space<vmem>>
      %dma_wait3A_129 = arith.constant 0 : i32
      %dma_wait3A_130 = arith.constant 0 : i32
      %dma_wait3A_131 = tpu.memref_slice %arg14[%dma_wait3A_129, %dma_wait3A_130] : memref<10112x128xf32, #tpu.memory_space<vmem_shared>> -> memref<10112x128xf32, #tpu.memory_space<vmem_shared>>
      tpu.wait_indirect_dma semaphore(%arg22 : memref<!tpu.dma_semaphore, #tpu.memory_space<semaphore_mem>>) src(%arg11 : memref<64x128xf32, #tpu.memory_space<vmem>>) dst(%dma_wait3A_131 : memref<10112x128xf32, #tpu.memory_space<vmem_shared>>)
      %dma_start3A_132 = arith.constant 7 : i32
      %dma_start3A_133 = arith.constant 0 : i32
      %dma_start3A_134 = tpu.memref_slice %arg7[%dma_start3A_132, %dma_start3A_133] : memref<16x64xi32, #tpu.memory_space<vmem>> -> memref<1x64xi32, #tpu.memory_space<vmem>>
      %dma_start3A_135 = tpu.memref_squeeze %dma_start3A_134 : memref<1x64xi32, #tpu.memory_space<vmem>> -> memref<64xi32, #tpu.memory_space<vmem>>
      %dma_start3A_136 = arith.constant 0 : i32
      %dma_start3A_137 = arith.constant 0 : i32
      %dma_start3A_138 = tpu.memref_slice %arg2[%dma_start3A_136, %dma_start3A_137] : memref<10000x128xf32, #tpu.memory_space<hbm>> -> memref<10000x128xf32, #tpu.memory_space<hbm>>
      tpu.enqueue_indirect_dma source(%dma_start3A_138 : memref<10000x128xf32, #tpu.memory_space<hbm>>) target(%arg11 : memref<64x128xf32, #tpu.memory_space<vmem>>) offsets(%dma_start3A_135 : memref<64xi32, #tpu.memory_space<vmem>>) semaphore(%arg17 : memref<!tpu.dma_semaphore, #tpu.memory_space<semaphore_mem>>)
      %dma_start3A_139 = arith.constant 3 : i32
      %dma_start3A_140 = arith.constant 0 : i32
      %dma_start3A_141 = tpu.memref_slice %arg8[%dma_start3A_139, %dma_start3A_140] : memref<16x64xi32, #tpu.memory_space<vmem>> -> memref<1x64xi32, #tpu.memory_space<vmem>>
      %dma_start3A_142 = tpu.memref_squeeze %dma_start3A_141 : memref<1x64xi32, #tpu.memory_space<vmem>> -> memref<64xi32, #tpu.memory_space<vmem>>
      %dma_start3A_143 = arith.constant 0 : i32
      %dma_start3A_144 = arith.constant 0 : i32
      %dma_start3A_145 = tpu.memref_slice %arg14[%dma_start3A_143, %dma_start3A_144] : memref<10112x128xf32, #tpu.memory_space<vmem_shared>> -> memref<10112x128xf32, #tpu.memory_space<vmem_shared>>
      tpu.enqueue_indirect_dma source(%arg12 : memref<64x128xf32, #tpu.memory_space<vmem>>) target(%dma_start3A_145 : memref<10112x128xf32, #tpu.memory_space<vmem_shared>>) offsets(%dma_start3A_142 : memref<64xi32, #tpu.memory_space<vmem>>) semaphore(%arg23 : memref<!tpu.dma_semaphore, #tpu.memory_space<semaphore_mem>>) {add = true}
      %dma_wait3A_146 = arith.constant 4 : i32
      %dma_wait3A_147 = arith.constant 0 : i32
      %dma_wait3A_148 = tpu.memref_slice %arg7[%dma_wait3A_146, %dma_wait3A_147] : memref<16x64xi32, #tpu.memory_space<vmem>> -> memref<1x64xi32, #tpu.memory_space<vmem>>
      %dma_wait3A_149 = tpu.memref_squeeze %dma_wait3A_148 : memref<1x64xi32, #tpu.memory_space<vmem>> -> memref<64xi32, #tpu.memory_space<vmem>>
      %dma_wait3A_150 = arith.constant 0 : i32
      %dma_wait3A_151 = arith.constant 0 : i32
      %dma_wait3A_152 = tpu.memref_slice %arg2[%dma_wait3A_150, %dma_wait3A_151] : memref<10000x128xf32, #tpu.memory_space<hbm>> -> memref<10000x128xf32, #tpu.memory_space<hbm>>
      tpu.wait_indirect_dma semaphore(%arg19 : memref<!tpu.dma_semaphore, #tpu.memory_space<semaphore_mem>>) src(%dma_wait3A_152 : memref<10000x128xf32, #tpu.memory_space<hbm>>) dst(%arg13 : memref<64x128xf32, #tpu.memory_space<vmem>>)
      %dma_wait3A_153 = arith.constant 3 : i32
      %dma_wait3A_154 = arith.constant 0 : i32
      %dma_wait3A_155 = tpu.memref_slice %arg8[%dma_wait3A_153, %dma_wait3A_154] : memref<16x64xi32, #tpu.memory_space<vmem>> -> memref<1x64xi32, #tpu.memory_space<vmem>>
      %dma_wait3A_156 = tpu.memref_squeeze %dma_wait3A_155 : memref<1x64xi32, #tpu.memory_space<vmem>> -> memref<64xi32, #tpu.memory_space<vmem>>
      %dma_wait3A_157 = arith.constant 0 : i32
      %dma_wait3A_158 = arith.constant 0 : i32
      %dma_wait3A_159 = tpu.memref_slice %arg14[%dma_wait3A_157, %dma_wait3A_158] : memref<10112x128xf32, #tpu.memory_space<vmem_shared>> -> memref<10112x128xf32, #tpu.memory_space<vmem_shared>>
      tpu.wait_indirect_dma semaphore(%arg23 : memref<!tpu.dma_semaphore, #tpu.memory_space<semaphore_mem>>) src(%arg12 : memref<64x128xf32, #tpu.memory_space<vmem>>) dst(%dma_wait3A_159 : memref<10112x128xf32, #tpu.memory_space<vmem_shared>>)
      %dma_start3A_160 = arith.constant 8 : i32
      %dma_start3A_161 = arith.constant 0 : i32
      %dma_start3A_162 = tpu.memref_slice %arg7[%dma_start3A_160, %dma_start3A_161] : memref<16x64xi32, #tpu.memory_space<vmem>> -> memref<1x64xi32, #tpu.memory_space<vmem>>
      %dma_start3A_163 = tpu.memref_squeeze %dma_start3A_162 : memref<1x64xi32, #tpu.memory_space<vmem>> -> memref<64xi32, #tpu.memory_space<vmem>>
      %dma_start3A_164 = arith.constant 0 : i32
      %dma_start3A_165 = arith.constant 0 : i32
      %dma_start3A_166 = tpu.memref_slice %arg2[%dma_start3A_164, %dma_start3A_165] : memref<10000x128xf32, #tpu.memory_space<hbm>> -> memref<10000x128xf32, #tpu.memory_space<hbm>>
      tpu.enqueue_indirect_dma source(%dma_start3A_166 : memref<10000x128xf32, #tpu.memory_space<hbm>>) target(%arg12 : memref<64x128xf32, #tpu.memory_space<vmem>>) offsets(%dma_start3A_163 : memref<64xi32, #tpu.memory_space<vmem>>) semaphore(%arg18 : memref<!tpu.dma_semaphore, #tpu.memory_space<semaphore_mem>>)
      %dma_start3A_167 = arith.constant 4 : i32
      %dma_start3A_168 = arith.constant 0 : i32
      %dma_start3A_169 = tpu.memref_slice %arg8[%dma_start3A_167, %dma_start3A_168] : memref<16x64xi32, #tpu.memory_space<vmem>> -> memref<1x64xi32, #tpu.memory_space<vmem>>
      %dma_start3A_170 = tpu.memref_squeeze %dma_start3A_169 : memref<1x64xi32, #tpu.memory_space<vmem>> -> memref<64xi32, #tpu.memory_space<vmem>>
      %dma_start3A_171 = arith.constant 0 : i32
      %dma_start3A_172 = arith.constant 0 : i32
      %dma_start3A_173 = tpu.memref_slice %arg14[%dma_start3A_171, %dma_start3A_172] : memref<10112x128xf32, #tpu.memory_space<vmem_shared>> -> memref<10112x128xf32, #tpu.memory_space<vmem_shared>>
      tpu.enqueue_indirect_dma source(%arg13 : memref<64x128xf32, #tpu.memory_space<vmem>>) target(%dma_start3A_173 : memref<10112x128xf32, #tpu.memory_space<vmem_shared>>) offsets(%dma_start3A_170 : memref<64xi32, #tpu.memory_space<vmem>>) semaphore(%arg24 : memref<!tpu.dma_semaphore, #tpu.memory_space<semaphore_mem>>) {add = true}
      %dma_wait3A_174 = arith.constant 5 : i32
      %dma_wait3A_175 = arith.constant 0 : i32
      %dma_wait3A_176 = tpu.memref_slice %arg7[%dma_wait3A_174, %dma_wait3A_175] : memref<16x64xi32, #tpu.memory_space<vmem>> -> memref<1x64xi32, #tpu.memory_space<vmem>>
      %dma_wait3A_177 = tpu.memref_squeeze %dma_wait3A_176 : memref<1x64xi32, #tpu.memory_space<vmem>> -> memref<64xi32, #tpu.memory_space<vmem>>
      %dma_wait3A_178 = arith.constant 0 : i32
      %dma_wait3A_179 = arith.constant 0 : i32
      %dma_wait3A_180 = tpu.memref_slice %arg2[%dma_wait3A_178, %dma_wait3A_179] : memref<10000x128xf32, #tpu.memory_space<hbm>> -> memref<10000x128xf32, #tpu.memory_space<hbm>>
      tpu.wait_indirect_dma semaphore(%arg15 : memref<!tpu.dma_semaphore, #tpu.memory_space<semaphore_mem>>) src(%dma_wait3A_180 : memref<10000x128xf32, #tpu.memory_space<hbm>>) dst(%arg9 : memref<64x128xf32, #tpu.memory_space<vmem>>)
      %dma_wait3A_181 = arith.constant 4 : i32
      %dma_wait3A_182 = arith.constant 0 : i32
      %dma_wait3A_183 = tpu.memref_slice %arg8[%dma_wait3A_181, %dma_wait3A_182] : memref<16x64xi32, #tpu.memory_space<vmem>> -> memref<1x64xi32, #tpu.memory_space<vmem>>
      %dma_wait3A_184 = tpu.memref_squeeze %dma_wait3A_183 : memref<1x64xi32, #tpu.memory_space<vmem>> -> memref<64xi32, #tpu.memory_space<vmem>>
      %dma_wait3A_185 = arith.constant 0 : i32
      %dma_wait3A_186 = arith.constant 0 : i32
      %dma_wait3A_187 = tpu.memref_slice %arg14[%dma_wait3A_185, %dma_wait3A_186] : memref<10112x128xf32, #tpu.memory_space<vmem_shared>> -> memref<10112x128xf32, #tpu.memory_space<vmem_shared>>
      tpu.wait_indirect_dma semaphore(%arg24 : memref<!tpu.dma_semaphore, #tpu.memory_space<semaphore_mem>>) src(%arg13 : memref<64x128xf32, #tpu.memory_space<vmem>>) dst(%dma_wait3A_187 : memref<10112x128xf32, #tpu.memory_space<vmem_shared>>)
      %dma_start3A_188 = arith.constant 9 : i32
      %dma_start3A_189 = arith.constant 0 : i32
      %dma_start3A_190 = tpu.memref_slice %arg7[%dma_start3A_188, %dma_start3A_189] : memref<16x64xi32, #tpu.memory_space<vmem>> -> memref<1x64xi32, #tpu.memory_space<vmem>>
      %dma_start3A_191 = tpu.memref_squeeze %dma_start3A_190 : memref<1x64xi32, #tpu.memory_space<vmem>> -> memref<64xi32, #tpu.memory_space<vmem>>
      %dma_start3A_192 = arith.constant 0 : i32
      %dma_start3A_193 = arith.constant 0 : i32
      %dma_start3A_194 = tpu.memref_slice %arg2[%dma_start3A_192, %dma_start3A_193] : memref<10000x128xf32, #tpu.memory_space<hbm>> -> memref<10000x128xf32, #tpu.memory_space<hbm>>
      tpu.enqueue_indirect_dma source(%dma_start3A_194 : memref<10000x128xf32, #tpu.memory_space<hbm>>) target(%arg13 : memref<64x128xf32, #tpu.memory_space<vmem>>) offsets(%dma_start3A_191 : memref<64xi32, #tpu.memory_space<vmem>>) semaphore(%arg19 : memref<!tpu.dma_semaphore, #tpu.memory_space<semaphore_mem>>)
      %dma_start3A_195 = arith.constant 5 : i32
      %dma_start3A_196 = arith.constant 0 : i32
      %dma_start3A_197 = tpu.memref_slice %arg8[%dma_start3A_195, %dma_start3A_196] : memref<16x64xi32, #tpu.memory_space<vmem>> -> memref<1x64xi32, #tpu.memory_space<vmem>>
      %dma_start3A_198 = tpu.memref_squeeze %dma_start3A_197 : memref<1x64xi32, #tpu.memory_space<vmem>> -> memref<64xi32, #tpu.memory_space<vmem>>
      %dma_start3A_199 = arith.constant 0 : i32
      %dma_start3A_200 = arith.constant 0 : i32
      %dma_start3A_201 = tpu.memref_slice %arg14[%dma_start3A_199, %dma_start3A_200] : memref<10112x128xf32, #tpu.memory_space<vmem_shared>> -> memref<10112x128xf32, #tpu.memory_space<vmem_shared>>
      tpu.enqueue_indirect_dma source(%arg9 : memref<64x128xf32, #tpu.memory_space<vmem>>) target(%dma_start3A_201 : memref<10112x128xf32, #tpu.memory_space<vmem_shared>>) offsets(%dma_start3A_198 : memref<64xi32, #tpu.memory_space<vmem>>) semaphore(%arg20 : memref<!tpu.dma_semaphore, #tpu.memory_space<semaphore_mem>>) {add = true}
      %dma_wait3A_202 = arith.constant 6 : i32
      %dma_wait3A_203 = arith.constant 0 : i32
      %dma_wait3A_204 = tpu.memref_slice %arg7[%dma_wait3A_202, %dma_wait3A_203] : memref<16x64xi32, #tpu.memory_space<vmem>> -> memref<1x64xi32, #tpu.memory_space<vmem>>
      %dma_wait3A_205 = tpu.memref_squeeze %dma_wait3A_204 : memref<1x64xi32, #tpu.memory_space<vmem>> -> memref<64xi32, #tpu.memory_space<vmem>>
      %dma_wait3A_206 = arith.constant 0 : i32
      %dma_wait3A_207 = arith.constant 0 : i32
      %dma_wait3A_208 = tpu.memref_slice %arg2[%dma_wait3A_206, %dma_wait3A_207] : memref<10000x128xf32, #tpu.memory_space<hbm>> -> memref<10000x128xf32, #tpu.memory_space<hbm>>
      tpu.wait_indirect_dma semaphore(%arg16 : memref<!tpu.dma_semaphore, #tpu.memory_space<semaphore_mem>>) src(%dma_wait3A_208 : memref<10000x128xf32, #tpu.memory_space<hbm>>) dst(%arg10 : memref<64x128xf32, #tpu.memory_space<vmem>>)
      %dma_wait3A_209 = arith.constant 5 : i32
      %dma_wait3A_210 = arith.constant 0 : i32
      %dma_wait3A_211 = tpu.memref_slice %arg8[%dma_wait3A_209, %dma_wait3A_210] : memref<16x64xi32, #tpu.memory_space<vmem>> -> memref<1x64xi32, #tpu.memory_space<vmem>>
      %dma_wait3A_212 = tpu.memref_squeeze %dma_wait3A_211 : memref<1x64xi32, #tpu.memory_space<vmem>> -> memref<64xi32, #tpu.memory_space<vmem>>
      %dma_wait3A_213 = arith.constant 0 : i32
      %dma_wait3A_214 = arith.constant 0 : i32
      %dma_wait3A_215 = tpu.memref_slice %arg14[%dma_wait3A_213, %dma_wait3A_214] : memref<10112x128xf32, #tpu.memory_space<vmem_shared>> -> memref<10112x128xf32, #tpu.memory_space<vmem_shared>>
      tpu.wait_indirect_dma semaphore(%arg20 : memref<!tpu.dma_semaphore, #tpu.memory_space<semaphore_mem>>) src(%arg9 : memref<64x128xf32, #tpu.memory_space<vmem>>) dst(%dma_wait3A_215 : memref<10112x128xf32, #tpu.memory_space<vmem_shared>>)
      %dma_start3A_216 = arith.constant 10 : i32
      %dma_start3A_217 = arith.constant 0 : i32
      %dma_start3A_218 = tpu.memref_slice %arg7[%dma_start3A_216, %dma_start3A_217] : memref<16x64xi32, #tpu.memory_space<vmem>> -> memref<1x64xi32, #tpu.memory_space<vmem>>
      %dma_start3A_219 = tpu.memref_squeeze %dma_start3A_218 : memref<1x64xi32, #tpu.memory_space<vmem>> -> memref<64xi32, #tpu.memory_space<vmem>>
      %dma_start3A_220 = arith.constant 0 : i32
      %dma_start3A_221 = arith.constant 0 : i32
      %dma_start3A_222 = tpu.memref_slice %arg2[%dma_start3A_220, %dma_start3A_221] : memref<10000x128xf32, #tpu.memory_space<hbm>> -> memref<10000x128xf32, #tpu.memory_space<hbm>>
      tpu.enqueue_indirect_dma source(%dma_start3A_222 : memref<10000x128xf32, #tpu.memory_space<hbm>>) target(%arg9 : memref<64x128xf32, #tpu.memory_space<vmem>>) offsets(%dma_start3A_219 : memref<64xi32, #tpu.memory_space<vmem>>) semaphore(%arg15 : memref<!tpu.dma_semaphore, #tpu.memory_space<semaphore_mem>>)
      %dma_start3A_223 = arith.constant 6 : i32
      %dma_start3A_224 = arith.constant 0 : i32
      %dma_start3A_225 = tpu.memref_slice %arg8[%dma_start3A_223, %dma_start3A_224] : memref<16x64xi32, #tpu.memory_space<vmem>> -> memref<1x64xi32, #tpu.memory_space<vmem>>
      %dma_start3A_226 = tpu.memref_squeeze %dma_start3A_225 : memref<1x64xi32, #tpu.memory_space<vmem>> -> memref<64xi32, #tpu.memory_space<vmem>>
      %dma_start3A_227 = arith.constant 0 : i32
      %dma_start3A_228 = arith.constant 0 : i32
      %dma_start3A_229 = tpu.memref_slice %arg14[%dma_start3A_227, %dma_start3A_228] : memref<10112x128xf32, #tpu.memory_space<vmem_shared>> -> memref<10112x128xf32, #tpu.memory_space<vmem_shared>>
      tpu.enqueue_indirect_dma source(%arg10 : memref<64x128xf32, #tpu.memory_space<vmem>>) target(%dma_start3A_229 : memref<10112x128xf32, #tpu.memory_space<vmem_shared>>) offsets(%dma_start3A_226 : memref<64xi32, #tpu.memory_space<vmem>>) semaphore(%arg21 : memref<!tpu.dma_semaphore, #tpu.memory_space<semaphore_mem>>) {add = true}
      %dma_wait3A_230 = arith.constant 7 : i32
      %dma_wait3A_231 = arith.constant 0 : i32
      %dma_wait3A_232 = tpu.memref_slice %arg7[%dma_wait3A_230, %dma_wait3A_231] : memref<16x64xi32, #tpu.memory_space<vmem>> -> memref<1x64xi32, #tpu.memory_space<vmem>>
      %dma_wait3A_233 = tpu.memref_squeeze %dma_wait3A_232 : memref<1x64xi32, #tpu.memory_space<vmem>> -> memref<64xi32, #tpu.memory_space<vmem>>
      %dma_wait3A_234 = arith.constant 0 : i32
      %dma_wait3A_235 = arith.constant 0 : i32
      %dma_wait3A_236 = tpu.memref_slice %arg2[%dma_wait3A_234, %dma_wait3A_235] : memref<10000x128xf32, #tpu.memory_space<hbm>> -> memref<10000x128xf32, #tpu.memory_space<hbm>>
      tpu.wait_indirect_dma semaphore(%arg17 : memref<!tpu.dma_semaphore, #tpu.memory_space<semaphore_mem>>) src(%dma_wait3A_236 : memref<10000x128xf32, #tpu.memory_space<hbm>>) dst(%arg11 : memref<64x128xf32, #tpu.memory_space<vmem>>)
      %dma_wait3A_237 = arith.constant 6 : i32
      %dma_wait3A_238 = arith.constant 0 : i32
      %dma_wait3A_239 = tpu.memref_slice %arg8[%dma_wait3A_237, %dma_wait3A_238] : memref<16x64xi32, #tpu.memory_space<vmem>> -> memref<1x64xi32, #tpu.memory_space<vmem>>
      %dma_wait3A_240 = tpu.memref_squeeze %dma_wait3A_239 : memref<1x64xi32, #tpu.memory_space<vmem>> -> memref<64xi32, #tpu.memory_space<vmem>>
      %dma_wait3A_241 = arith.constant 0 : i32
      %dma_wait3A_242 = arith.constant 0 : i32
      %dma_wait3A_243 = tpu.memref_slice %arg14[%dma_wait3A_241, %dma_wait3A_242] : memref<10112x128xf32, #tpu.memory_space<vmem_shared>> -> memref<10112x128xf32, #tpu.memory_space<vmem_shared>>
      tpu.wait_indirect_dma semaphore(%arg21 : memref<!tpu.dma_semaphore, #tpu.memory_space<semaphore_mem>>) src(%arg10 : memref<64x128xf32, #tpu.memory_space<vmem>>) dst(%dma_wait3A_243 : memref<10112x128xf32, #tpu.memory_space<vmem_shared>>)
      %dma_start3A_244 = arith.constant 11 : i32
      %dma_start3A_245 = arith.constant 0 : i32
      %dma_start3A_246 = tpu.memref_slice %arg7[%dma_start3A_244, %dma_start3A_245] : memref<16x64xi32, #tpu.memory_space<vmem>> -> memref<1x64xi32, #tpu.memory_space<vmem>>
      %dma_start3A_247 = tpu.memref_squeeze %dma_start3A_246 : memref<1x64xi32, #tpu.memory_space<vmem>> -> memref<64xi32, #tpu.memory_space<vmem>>
      %dma_start3A_248 = arith.constant 0 : i32
      %dma_start3A_249 = arith.constant 0 : i32
      %dma_start3A_250 = tpu.memref_slice %arg2[%dma_start3A_248, %dma_start3A_249] : memref<10000x128xf32, #tpu.memory_space<hbm>> -> memref<10000x128xf32, #tpu.memory_space<hbm>>
      tpu.enqueue_indirect_dma source(%dma_start3A_250 : memref<10000x128xf32, #tpu.memory_space<hbm>>) target(%arg10 : memref<64x128xf32, #tpu.memory_space<vmem>>) offsets(%dma_start3A_247 : memref<64xi32, #tpu.memory_space<vmem>>) semaphore(%arg16 : memref<!tpu.dma_semaphore, #tpu.memory_space<semaphore_mem>>)
      %dma_start3A_251 = arith.constant 7 : i32
      %dma_start3A_252 = arith.constant 0 : i32
      %dma_start3A_253 = tpu.memref_slice %arg8[%dma_start3A_251, %dma_start3A_252] : memref<16x64xi32, #tpu.memory_space<vmem>> -> memref<1x64xi32, #tpu.memory_space<vmem>>
      %dma_start3A_254 = tpu.memref_squeeze %dma_start3A_253 : memref<1x64xi32, #tpu.memory_space<vmem>> -> memref<64xi32, #tpu.memory_space<vmem>>
      %dma_start3A_255 = arith.constant 0 : i32
      %dma_start3A_256 = arith.constant 0 : i32
      %dma_start3A_257 = tpu.memref_slice %arg14[%dma_start3A_255, %dma_start3A_256] : memref<10112x128xf32, #tpu.memory_space<vmem_shared>> -> memref<10112x128xf32, #tpu.memory_space<vmem_shared>>
      tpu.enqueue_indirect_dma source(%arg11 : memref<64x128xf32, #tpu.memory_space<vmem>>) target(%dma_start3A_257 : memref<10112x128xf32, #tpu.memory_space<vmem_shared>>) offsets(%dma_start3A_254 : memref<64xi32, #tpu.memory_space<vmem>>) semaphore(%arg22 : memref<!tpu.dma_semaphore, #tpu.memory_space<semaphore_mem>>) {add = true}
      %dma_wait3A_258 = arith.constant 8 : i32
      %dma_wait3A_259 = arith.constant 0 : i32
      %dma_wait3A_260 = tpu.memref_slice %arg7[%dma_wait3A_258, %dma_wait3A_259] : memref<16x64xi32, #tpu.memory_space<vmem>> -> memref<1x64xi32, #tpu.memory_space<vmem>>
      %dma_wait3A_261 = tpu.memref_squeeze %dma_wait3A_260 : memref<1x64xi32, #tpu.memory_space<vmem>> -> memref<64xi32, #tpu.memory_space<vmem>>
      %dma_wait3A_262 = arith.constant 0 : i32
      %dma_wait3A_263 = arith.constant 0 : i32
      %dma_wait3A_264 = tpu.memref_slice %arg2[%dma_wait3A_262, %dma_wait3A_263] : memref<10000x128xf32, #tpu.memory_space<hbm>> -> memref<10000x128xf32, #tpu.memory_space<hbm>>
      tpu.wait_indirect_dma semaphore(%arg18 : memref<!tpu.dma_semaphore, #tpu.memory_space<semaphore_mem>>) src(%dma_wait3A_264 : memref<10000x128xf32, #tpu.memory_space<hbm>>) dst(%arg12 : memref<64x128xf32, #tpu.memory_space<vmem>>)
      %dma_wait3A_265 = arith.constant 7 : i32
      %dma_wait3A_266 = arith.constant 0 : i32
      %dma_wait3A_267 = tpu.memref_slice %arg8[%dma_wait3A_265, %dma_wait3A_266] : memref<16x64xi32, #tpu.memory_space<vmem>> -> memref<1x64xi32, #tpu.memory_space<vmem>>
      %dma_wait3A_268 = tpu.memref_squeeze %dma_wait3A_267 : memref<1x64xi32, #tpu.memory_space<vmem>> -> memref<64xi32, #tpu.memory_space<vmem>>
      %dma_wait3A_269 = arith.constant 0 : i32
      %dma_wait3A_270 = arith.constant 0 : i32
      %dma_wait3A_271 = tpu.memref_slice %arg14[%dma_wait3A_269, %dma_wait3A_270] : memref<10112x128xf32, #tpu.memory_space<vmem_shared>> -> memref<10112x128xf32, #tpu.memory_space<vmem_shared>>
      tpu.wait_indirect_dma semaphore(%arg22 : memref<!tpu.dma_semaphore, #tpu.memory_space<semaphore_mem>>) src(%arg11 : memref<64x128xf32, #tpu.memory_space<vmem>>) dst(%dma_wait3A_271 : memref<10112x128xf32, #tpu.memory_space<vmem_shared>>)
      %dma_start3A_272 = arith.constant 12 : i32
      %dma_start3A_273 = arith.constant 0 : i32
      %dma_start3A_274 = tpu.memref_slice %arg7[%dma_start3A_272, %dma_start3A_273] : memref<16x64xi32, #tpu.memory_space<vmem>> -> memref<1x64xi32, #tpu.memory_space<vmem>>
      %dma_start3A_275 = tpu.memref_squeeze %dma_start3A_274 : memref<1x64xi32, #tpu.memory_space<vmem>> -> memref<64xi32, #tpu.memory_space<vmem>>
      %dma_start3A_276 = arith.constant 0 : i32
      %dma_start3A_277 = arith.constant 0 : i32
      %dma_start3A_278 = tpu.memref_slice %arg2[%dma_start3A_276, %dma_start3A_277] : memref<10000x128xf32, #tpu.memory_space<hbm>> -> memref<10000x128xf32, #tpu.memory_space<hbm>>
      tpu.enqueue_indirect_dma source(%dma_start3A_278 : memref<10000x128xf32, #tpu.memory_space<hbm>>) target(%arg11 : memref<64x128xf32, #tpu.memory_space<vmem>>) offsets(%dma_start3A_275 : memref<64xi32, #tpu.memory_space<vmem>>) semaphore(%arg17 : memref<!tpu.dma_semaphore, #tpu.memory_space<semaphore_mem>>)
      %dma_start3A_279 = arith.constant 8 : i32
      %dma_start3A_280 = arith.constant 0 : i32
      %dma_start3A_281 = tpu.memref_slice %arg8[%dma_start3A_279, %dma_start3A_280] : memref<16x64xi32, #tpu.memory_space<vmem>> -> memref<1x64xi32, #tpu.memory_space<vmem>>
      %dma_start3A_282 = tpu.memref_squeeze %dma_start3A_281 : memref<1x64xi32, #tpu.memory_space<vmem>> -> memref<64xi32, #tpu.memory_space<vmem>>
      %dma_start3A_283 = arith.constant 0 : i32
      %dma_start3A_284 = arith.constant 0 : i32
      %dma_start3A_285 = tpu.memref_slice %arg14[%dma_start3A_283, %dma_start3A_284] : memref<10112x128xf32, #tpu.memory_space<vmem_shared>> -> memref<10112x128xf32, #tpu.memory_space<vmem_shared>>
      tpu.enqueue_indirect_dma source(%arg12 : memref<64x128xf32, #tpu.memory_space<vmem>>) target(%dma_start3A_285 : memref<10112x128xf32, #tpu.memory_space<vmem_shared>>) offsets(%dma_start3A_282 : memref<64xi32, #tpu.memory_space<vmem>>) semaphore(%arg23 : memref<!tpu.dma_semaphore, #tpu.memory_space<semaphore_mem>>) {add = true}
      %dma_wait3A_286 = arith.constant 9 : i32
      %dma_wait3A_287 = arith.constant 0 : i32
      %dma_wait3A_288 = tpu.memref_slice %arg7[%dma_wait3A_286, %dma_wait3A_287] : memref<16x64xi32, #tpu.memory_space<vmem>> -> memref<1x64xi32, #tpu.memory_space<vmem>>
      %dma_wait3A_289 = tpu.memref_squeeze %dma_wait3A_288 : memref<1x64xi32, #tpu.memory_space<vmem>> -> memref<64xi32, #tpu.memory_space<vmem>>
      %dma_wait3A_290 = arith.constant 0 : i32
      %dma_wait3A_291 = arith.constant 0 : i32
      %dma_wait3A_292 = tpu.memref_slice %arg2[%dma_wait3A_290, %dma_wait3A_291] : memref<10000x128xf32, #tpu.memory_space<hbm>> -> memref<10000x128xf32, #tpu.memory_space<hbm>>
      tpu.wait_indirect_dma semaphore(%arg19 : memref<!tpu.dma_semaphore, #tpu.memory_space<semaphore_mem>>) src(%dma_wait3A_292 : memref<10000x128xf32, #tpu.memory_space<hbm>>) dst(%arg13 : memref<64x128xf32, #tpu.memory_space<vmem>>)
      %dma_wait3A_293 = arith.constant 8 : i32
      %dma_wait3A_294 = arith.constant 0 : i32
      %dma_wait3A_295 = tpu.memref_slice %arg8[%dma_wait3A_293, %dma_wait3A_294] : memref<16x64xi32, #tpu.memory_space<vmem>> -> memref<1x64xi32, #tpu.memory_space<vmem>>
      %dma_wait3A_296 = tpu.memref_squeeze %dma_wait3A_295 : memref<1x64xi32, #tpu.memory_space<vmem>> -> memref<64xi32, #tpu.memory_space<vmem>>
      %dma_wait3A_297 = arith.constant 0 : i32
      %dma_wait3A_298 = arith.constant 0 : i32
      %dma_wait3A_299 = tpu.memref_slice %arg14[%dma_wait3A_297, %dma_wait3A_298] : memref<10112x128xf32, #tpu.memory_space<vmem_shared>> -> memref<10112x128xf32, #tpu.memory_space<vmem_shared>>
      tpu.wait_indirect_dma semaphore(%arg23 : memref<!tpu.dma_semaphore, #tpu.memory_space<semaphore_mem>>) src(%arg12 : memref<64x128xf32, #tpu.memory_space<vmem>>) dst(%dma_wait3A_299 : memref<10112x128xf32, #tpu.memory_space<vmem_shared>>)
      %dma_start3A_300 = arith.constant 13 : i32
      %dma_start3A_301 = arith.constant 0 : i32
      %dma_start3A_302 = tpu.memref_slice %arg7[%dma_start3A_300, %dma_start3A_301] : memref<16x64xi32, #tpu.memory_space<vmem>> -> memref<1x64xi32, #tpu.memory_space<vmem>>
      %dma_start3A_303 = tpu.memref_squeeze %dma_start3A_302 : memref<1x64xi32, #tpu.memory_space<vmem>> -> memref<64xi32, #tpu.memory_space<vmem>>
      %dma_start3A_304 = arith.constant 0 : i32
      %dma_start3A_305 = arith.constant 0 : i32
      %dma_start3A_306 = tpu.memref_slice %arg2[%dma_start3A_304, %dma_start3A_305] : memref<10000x128xf32, #tpu.memory_space<hbm>> -> memref<10000x128xf32, #tpu.memory_space<hbm>>
      tpu.enqueue_indirect_dma source(%dma_start3A_306 : memref<10000x128xf32, #tpu.memory_space<hbm>>) target(%arg12 : memref<64x128xf32, #tpu.memory_space<vmem>>) offsets(%dma_start3A_303 : memref<64xi32, #tpu.memory_space<vmem>>) semaphore(%arg18 : memref<!tpu.dma_semaphore, #tpu.memory_space<semaphore_mem>>)
      %dma_start3A_307 = arith.constant 9 : i32
      %dma_start3A_308 = arith.constant 0 : i32
      %dma_start3A_309 = tpu.memref_slice %arg8[%dma_start3A_307, %dma_start3A_308] : memref<16x64xi32, #tpu.memory_space<vmem>> -> memref<1x64xi32, #tpu.memory_space<vmem>>
      %dma_start3A_310 = tpu.memref_squeeze %dma_start3A_309 : memref<1x64xi32, #tpu.memory_space<vmem>> -> memref<64xi32, #tpu.memory_space<vmem>>
      %dma_start3A_311 = arith.constant 0 : i32
      %dma_start3A_312 = arith.constant 0 : i32
      %dma_start3A_313 = tpu.memref_slice %arg14[%dma_start3A_311, %dma_start3A_312] : memref<10112x128xf32, #tpu.memory_space<vmem_shared>> -> memref<10112x128xf32, #tpu.memory_space<vmem_shared>>
      tpu.enqueue_indirect_dma source(%arg13 : memref<64x128xf32, #tpu.memory_space<vmem>>) target(%dma_start3A_313 : memref<10112x128xf32, #tpu.memory_space<vmem_shared>>) offsets(%dma_start3A_310 : memref<64xi32, #tpu.memory_space<vmem>>) semaphore(%arg24 : memref<!tpu.dma_semaphore, #tpu.memory_space<semaphore_mem>>) {add = true}
      %dma_wait3A_314 = arith.constant 10 : i32
      %dma_wait3A_315 = arith.constant 0 : i32
      %dma_wait3A_316 = tpu.memref_slice %arg7[%dma_wait3A_314, %dma_wait3A_315] : memref<16x64xi32, #tpu.memory_space<vmem>> -> memref<1x64xi32, #tpu.memory_space<vmem>>
      %dma_wait3A_317 = tpu.memref_squeeze %dma_wait3A_316 : memref<1x64xi32, #tpu.memory_space<vmem>> -> memref<64xi32, #tpu.memory_space<vmem>>
      %dma_wait3A_318 = arith.constant 0 : i32
      %dma_wait3A_319 = arith.constant 0 : i32
      %dma_wait3A_320 = tpu.memref_slice %arg2[%dma_wait3A_318, %dma_wait3A_319] : memref<10000x128xf32, #tpu.memory_space<hbm>> -> memref<10000x128xf32, #tpu.memory_space<hbm>>
      tpu.wait_indirect_dma semaphore(%arg15 : memref<!tpu.dma_semaphore, #tpu.memory_space<semaphore_mem>>) src(%dma_wait3A_320 : memref<10000x128xf32, #tpu.memory_space<hbm>>) dst(%arg9 : memref<64x128xf32, #tpu.memory_space<vmem>>)
      %dma_wait3A_321 = arith.constant 9 : i32
      %dma_wait3A_322 = arith.constant 0 : i32
      %dma_wait3A_323 = tpu.memref_slice %arg8[%dma_wait3A_321, %dma_wait3A_322] : memref<16x64xi32, #tpu.memory_space<vmem>> -> memref<1x64xi32, #tpu.memory_space<vmem>>
      %dma_wait3A_324 = tpu.memref_squeeze %dma_wait3A_323 : memref<1x64xi32, #tpu.memory_space<vmem>> -> memref<64xi32, #tpu.memory_space<vmem>>
      %dma_wait3A_325 = arith.constant 0 : i32
      %dma_wait3A_326 = arith.constant 0 : i32
      %dma_wait3A_327 = tpu.memref_slice %arg14[%dma_wait3A_325, %dma_wait3A_326] : memref<10112x128xf32, #tpu.memory_space<vmem_shared>> -> memref<10112x128xf32, #tpu.memory_space<vmem_shared>>
      tpu.wait_indirect_dma semaphore(%arg24 : memref<!tpu.dma_semaphore, #tpu.memory_space<semaphore_mem>>) src(%arg13 : memref<64x128xf32, #tpu.memory_space<vmem>>) dst(%dma_wait3A_327 : memref<10112x128xf32, #tpu.memory_space<vmem_shared>>)
      %dma_start3A_328 = arith.constant 14 : i32
      %dma_start3A_329 = arith.constant 0 : i32
      %dma_start3A_330 = tpu.memref_slice %arg7[%dma_start3A_328, %dma_start3A_329] : memref<16x64xi32, #tpu.memory_space<vmem>> -> memref<1x64xi32, #tpu.memory_space<vmem>>
      %dma_start3A_331 = tpu.memref_squeeze %dma_start3A_330 : memref<1x64xi32, #tpu.memory_space<vmem>> -> memref<64xi32, #tpu.memory_space<vmem>>
      %dma_start3A_332 = arith.constant 0 : i32
      %dma_start3A_333 = arith.constant 0 : i32
      %dma_start3A_334 = tpu.memref_slice %arg2[%dma_start3A_332, %dma_start3A_333] : memref<10000x128xf32, #tpu.memory_space<hbm>> -> memref<10000x128xf32, #tpu.memory_space<hbm>>
      tpu.enqueue_indirect_dma source(%dma_start3A_334 : memref<10000x128xf32, #tpu.memory_space<hbm>>) target(%arg13 : memref<64x128xf32, #tpu.memory_space<vmem>>) offsets(%dma_start3A_331 : memref<64xi32, #tpu.memory_space<vmem>>) semaphore(%arg19 : memref<!tpu.dma_semaphore, #tpu.memory_space<semaphore_mem>>)
      %dma_start3A_335 = arith.constant 10 : i32
      %dma_start3A_336 = arith.constant 0 : i32
      %dma_start3A_337 = tpu.memref_slice %arg8[%dma_start3A_335, %dma_start3A_336] : memref<16x64xi32, #tpu.memory_space<vmem>> -> memref<1x64xi32, #tpu.memory_space<vmem>>
      %dma_start3A_338 = tpu.memref_squeeze %dma_start3A_337 : memref<1x64xi32, #tpu.memory_space<vmem>> -> memref<64xi32, #tpu.memory_space<vmem>>
      %dma_start3A_339 = arith.constant 0 : i32
      %dma_start3A_340 = arith.constant 0 : i32
      %dma_start3A_341 = tpu.memref_slice %arg14[%dma_start3A_339, %dma_start3A_340] : memref<10112x128xf32, #tpu.memory_space<vmem_shared>> -> memref<10112x128xf32, #tpu.memory_space<vmem_shared>>
      tpu.enqueue_indirect_dma source(%arg9 : memref<64x128xf32, #tpu.memory_space<vmem>>) target(%dma_start3A_341 : memref<10112x128xf32, #tpu.memory_space<vmem_shared>>) offsets(%dma_start3A_338 : memref<64xi32, #tpu.memory_space<vmem>>) semaphore(%arg20 : memref<!tpu.dma_semaphore, #tpu.memory_space<semaphore_mem>>) {add = true}
      %dma_wait3A_342 = arith.constant 11 : i32
      %dma_wait3A_343 = arith.constant 0 : i32
      %dma_wait3A_344 = tpu.memref_slice %arg7[%dma_wait3A_342, %dma_wait3A_343] : memref<16x64xi32, #tpu.memory_space<vmem>> -> memref<1x64xi32, #tpu.memory_space<vmem>>
      %dma_wait3A_345 = tpu.memref_squeeze %dma_wait3A_344 : memref<1x64xi32, #tpu.memory_space<vmem>> -> memref<64xi32, #tpu.memory_space<vmem>>
      %dma_wait3A_346 = arith.constant 0 : i32
      %dma_wait3A_347 = arith.constant 0 : i32
      %dma_wait3A_348 = tpu.memref_slice %arg2[%dma_wait3A_346, %dma_wait3A_347] : memref<10000x128xf32, #tpu.memory_space<hbm>> -> memref<10000x128xf32, #tpu.memory_space<hbm>>
      tpu.wait_indirect_dma semaphore(%arg16 : memref<!tpu.dma_semaphore, #tpu.memory_space<semaphore_mem>>) src(%dma_wait3A_348 : memref<10000x128xf32, #tpu.memory_space<hbm>>) dst(%arg10 : memref<64x128xf32, #tpu.memory_space<vmem>>)
      %dma_wait3A_349 = arith.constant 10 : i32
      %dma_wait3A_350 = arith.constant 0 : i32
      %dma_wait3A_351 = tpu.memref_slice %arg8[%dma_wait3A_349, %dma_wait3A_350] : memref<16x64xi32, #tpu.memory_space<vmem>> -> memref<1x64xi32, #tpu.memory_space<vmem>>
      %dma_wait3A_352 = tpu.memref_squeeze %dma_wait3A_351 : memref<1x64xi32, #tpu.memory_space<vmem>> -> memref<64xi32, #tpu.memory_space<vmem>>
      %dma_wait3A_353 = arith.constant 0 : i32
      %dma_wait3A_354 = arith.constant 0 : i32
      %dma_wait3A_355 = tpu.memref_slice %arg14[%dma_wait3A_353, %dma_wait3A_354] : memref<10112x128xf32, #tpu.memory_space<vmem_shared>> -> memref<10112x128xf32, #tpu.memory_space<vmem_shared>>
      tpu.wait_indirect_dma semaphore(%arg20 : memref<!tpu.dma_semaphore, #tpu.memory_space<semaphore_mem>>) src(%arg9 : memref<64x128xf32, #tpu.memory_space<vmem>>) dst(%dma_wait3A_355 : memref<10112x128xf32, #tpu.memory_space<vmem_shared>>)
      %dma_start3A_356 = arith.constant 15 : i32
      %dma_start3A_357 = arith.constant 0 : i32
      %dma_start3A_358 = tpu.memref_slice %arg7[%dma_start3A_356, %dma_start3A_357] : memref<16x64xi32, #tpu.memory_space<vmem>> -> memref<1x64xi32, #tpu.memory_space<vmem>>
      %dma_start3A_359 = tpu.memref_squeeze %dma_start3A_358 : memref<1x64xi32, #tpu.memory_space<vmem>> -> memref<64xi32, #tpu.memory_space<vmem>>
      %dma_start3A_360 = arith.constant 0 : i32
      %dma_start3A_361 = arith.constant 0 : i32
      %dma_start3A_362 = tpu.memref_slice %arg2[%dma_start3A_360, %dma_start3A_361] : memref<10000x128xf32, #tpu.memory_space<hbm>> -> memref<10000x128xf32, #tpu.memory_space<hbm>>
      tpu.enqueue_indirect_dma source(%dma_start3A_362 : memref<10000x128xf32, #tpu.memory_space<hbm>>) target(%arg9 : memref<64x128xf32, #tpu.memory_space<vmem>>) offsets(%dma_start3A_359 : memref<64xi32, #tpu.memory_space<vmem>>) semaphore(%arg15 : memref<!tpu.dma_semaphore, #tpu.memory_space<semaphore_mem>>)
      %dma_start3A_363 = arith.constant 11 : i32
      %dma_start3A_364 = arith.constant 0 : i32
      %dma_start3A_365 = tpu.memref_slice %arg8[%dma_start3A_363, %dma_start3A_364] : memref<16x64xi32, #tpu.memory_space<vmem>> -> memref<1x64xi32, #tpu.memory_space<vmem>>
      %dma_start3A_366 = tpu.memref_squeeze %dma_start3A_365 : memref<1x64xi32, #tpu.memory_space<vmem>> -> memref<64xi32, #tpu.memory_space<vmem>>
      %dma_start3A_367 = arith.constant 0 : i32
      %dma_start3A_368 = arith.constant 0 : i32
      %dma_start3A_369 = tpu.memref_slice %arg14[%dma_start3A_367, %dma_start3A_368] : memref<10112x128xf32, #tpu.memory_space<vmem_shared>> -> memref<10112x128xf32, #tpu.memory_space<vmem_shared>>
      tpu.enqueue_indirect_dma source(%arg10 : memref<64x128xf32, #tpu.memory_space<vmem>>) target(%dma_start3A_369 : memref<10112x128xf32, #tpu.memory_space<vmem_shared>>) offsets(%dma_start3A_366 : memref<64xi32, #tpu.memory_space<vmem>>) semaphore(%arg21 : memref<!tpu.dma_semaphore, #tpu.memory_space<semaphore_mem>>) {add = true}
      %dma_wait3A_370 = arith.constant 12 : i32
      %dma_wait3A_371 = arith.constant 0 : i32
      %dma_wait3A_372 = tpu.memref_slice %arg7[%dma_wait3A_370, %dma_wait3A_371] : memref<16x64xi32, #tpu.memory_space<vmem>> -> memref<1x64xi32, #tpu.memory_space<vmem>>
      %dma_wait3A_373 = tpu.memref_squeeze %dma_wait3A_372 : memref<1x64xi32, #tpu.memory_space<vmem>> -> memref<64xi32, #tpu.memory_space<vmem>>
      %dma_wait3A_374 = arith.constant 0 : i32
      %dma_wait3A_375 = arith.constant 0 : i32
      %dma_wait3A_376 = tpu.memref_slice %arg2[%dma_wait3A_374, %dma_wait3A_375] : memref<10000x128xf32, #tpu.memory_space<hbm>> -> memref<10000x128xf32, #tpu.memory_space<hbm>>
      tpu.wait_indirect_dma semaphore(%arg17 : memref<!tpu.dma_semaphore, #tpu.memory_space<semaphore_mem>>) src(%dma_wait3A_376 : memref<10000x128xf32, #tpu.memory_space<hbm>>) dst(%arg11 : memref<64x128xf32, #tpu.memory_space<vmem>>)
      %dma_start3A_377 = arith.constant 12 : i32
      %dma_start3A_378 = arith.constant 0 : i32
      %dma_start3A_379 = tpu.memref_slice %arg8[%dma_start3A_377, %dma_start3A_378] : memref<16x64xi32, #tpu.memory_space<vmem>> -> memref<1x64xi32, #tpu.memory_space<vmem>>
      %dma_start3A_380 = tpu.memref_squeeze %dma_start3A_379 : memref<1x64xi32, #tpu.memory_space<vmem>> -> memref<64xi32, #tpu.memory_space<vmem>>
      %dma_start3A_381 = arith.constant 0 : i32
      %dma_start3A_382 = arith.constant 0 : i32
      %dma_start3A_383 = tpu.memref_slice %arg14[%dma_start3A_381, %dma_start3A_382] : memref<10112x128xf32, #tpu.memory_space<vmem_shared>> -> memref<10112x128xf32, #tpu.memory_space<vmem_shared>>
      tpu.enqueue_indirect_dma source(%arg11 : memref<64x128xf32, #tpu.memory_space<vmem>>) target(%dma_start3A_383 : memref<10112x128xf32, #tpu.memory_space<vmem_shared>>) offsets(%dma_start3A_380 : memref<64xi32, #tpu.memory_space<vmem>>) semaphore(%arg22 : memref<!tpu.dma_semaphore, #tpu.memory_space<semaphore_mem>>) {add = true}
      %dma_wait3A_384 = arith.constant 13 : i32
      %dma_wait3A_385 = arith.constant 0 : i32
      %dma_wait3A_386 = tpu.memref_slice %arg7[%dma_wait3A_384, %dma_wait3A_385] : memref<16x64xi32, #tpu.memory_space<vmem>> -> memref<1x64xi32, #tpu.memory_space<vmem>>
      %dma_wait3A_387 = tpu.memref_squeeze %dma_wait3A_386 : memref<1x64xi32, #tpu.memory_space<vmem>> -> memref<64xi32, #tpu.memory_space<vmem>>
      %dma_wait3A_388 = arith.constant 0 : i32
      %dma_wait3A_389 = arith.constant 0 : i32
      %dma_wait3A_390 = tpu.memref_slice %arg2[%dma_wait3A_388, %dma_wait3A_389] : memref<10000x128xf32, #tpu.memory_space<hbm>> -> memref<10000x128xf32, #tpu.memory_space<hbm>>
      tpu.wait_indirect_dma semaphore(%arg18 : memref<!tpu.dma_semaphore, #tpu.memory_space<semaphore_mem>>) src(%dma_wait3A_390 : memref<10000x128xf32, #tpu.memory_space<hbm>>) dst(%arg12 : memref<64x128xf32, #tpu.memory_space<vmem>>)
      %dma_start3A_391 = arith.constant 13 : i32
      %dma_start3A_392 = arith.constant 0 : i32
      %dma_start3A_393 = tpu.memref_slice %arg8[%dma_start3A_391, %dma_start3A_392] : memref<16x64xi32, #tpu.memory_space<vmem>> -> memref<1x64xi32, #tpu.memory_space<vmem>>
      %dma_start3A_394 = tpu.memref_squeeze %dma_start3A_393 : memref<1x64xi32, #tpu.memory_space<vmem>> -> memref<64xi32, #tpu.memory_space<vmem>>
      %dma_start3A_395 = arith.constant 0 : i32
      %dma_start3A_396 = arith.constant 0 : i32
      %dma_start3A_397 = tpu.memref_slice %arg14[%dma_start3A_395, %dma_start3A_396] : memref<10112x128xf32, #tpu.memory_space<vmem_shared>> -> memref<10112x128xf32, #tpu.memory_space<vmem_shared>>
      tpu.enqueue_indirect_dma source(%arg12 : memref<64x128xf32, #tpu.memory_space<vmem>>) target(%dma_start3A_397 : memref<10112x128xf32, #tpu.memory_space<vmem_shared>>) offsets(%dma_start3A_394 : memref<64xi32, #tpu.memory_space<vmem>>) semaphore(%arg23 : memref<!tpu.dma_semaphore, #tpu.memory_space<semaphore_mem>>) {add = true}
      %dma_wait3A_398 = arith.constant 14 : i32
      %dma_wait3A_399 = arith.constant 0 : i32
      %dma_wait3A_400 = tpu.memref_slice %arg7[%dma_wait3A_398, %dma_wait3A_399] : memref<16x64xi32, #tpu.memory_space<vmem>> -> memref<1x64xi32, #tpu.memory_space<vmem>>
      %dma_wait3A_401 = tpu.memref_squeeze %dma_wait3A_400 : memref<1x64xi32, #tpu.memory_space<vmem>> -> memref<64xi32, #tpu.memory_space<vmem>>
      %dma_wait3A_402 = arith.constant 0 : i32
      %dma_wait3A_403 = arith.constant 0 : i32
      %dma_wait3A_404 = tpu.memref_slice %arg2[%dma_wait3A_402, %dma_wait3A_403] : memref<10000x128xf32, #tpu.memory_space<hbm>> -> memref<10000x128xf32, #tpu.memory_space<hbm>>
      tpu.wait_indirect_dma semaphore(%arg19 : memref<!tpu.dma_semaphore, #tpu.memory_space<semaphore_mem>>) src(%dma_wait3A_404 : memref<10000x128xf32, #tpu.memory_space<hbm>>) dst(%arg13 : memref<64x128xf32, #tpu.memory_space<vmem>>)
      %dma_start3A_405 = arith.constant 14 : i32
      %dma_start3A_406 = arith.constant 0 : i32
      %dma_start3A_407 = tpu.memref_slice %arg8[%dma_start3A_405, %dma_start3A_406] : memref<16x64xi32, #tpu.memory_space<vmem>> -> memref<1x64xi32, #tpu.memory_space<vmem>>
      %dma_start3A_408 = tpu.memref_squeeze %dma_start3A_407 : memref<1x64xi32, #tpu.memory_space<vmem>> -> memref<64xi32, #tpu.memory_space<vmem>>
      %dma_start3A_409 = arith.constant 0 : i32
      %dma_start3A_410 = arith.constant 0 : i32
      %dma_start3A_411 = tpu.memref_slice %arg14[%dma_start3A_409, %dma_start3A_410] : memref<10112x128xf32, #tpu.memory_space<vmem_shared>> -> memref<10112x128xf32, #tpu.memory_space<vmem_shared>>
      tpu.enqueue_indirect_dma source(%arg13 : memref<64x128xf32, #tpu.memory_space<vmem>>) target(%dma_start3A_411 : memref<10112x128xf32, #tpu.memory_space<vmem_shared>>) offsets(%dma_start3A_408 : memref<64xi32, #tpu.memory_space<vmem>>) semaphore(%arg24 : memref<!tpu.dma_semaphore, #tpu.memory_space<semaphore_mem>>) {add = true}
      %dma_wait3A_412 = arith.constant 15 : i32
      %dma_wait3A_413 = arith.constant 0 : i32
      %dma_wait3A_414 = tpu.memref_slice %arg7[%dma_wait3A_412, %dma_wait3A_413] : memref<16x64xi32, #tpu.memory_space<vmem>> -> memref<1x64xi32, #tpu.memory_space<vmem>>
      %dma_wait3A_415 = tpu.memref_squeeze %dma_wait3A_414 : memref<1x64xi32, #tpu.memory_space<vmem>> -> memref<64xi32, #tpu.memory_space<vmem>>
      %dma_wait3A_416 = arith.constant 0 : i32
      %dma_wait3A_417 = arith.constant 0 : i32
      %dma_wait3A_418 = tpu.memref_slice %arg2[%dma_wait3A_416, %dma_wait3A_417] : memref<10000x128xf32, #tpu.memory_space<hbm>> -> memref<10000x128xf32, #tpu.memory_space<hbm>>
      tpu.wait_indirect_dma semaphore(%arg15 : memref<!tpu.dma_semaphore, #tpu.memory_space<semaphore_mem>>) src(%dma_wait3A_418 : memref<10000x128xf32, #tpu.memory_space<hbm>>) dst(%arg9 : memref<64x128xf32, #tpu.memory_space<vmem>>)
      %dma_start3A_419 = arith.constant 15 : i32
      %dma_start3A_420 = arith.constant 0 : i32
      %dma_start3A_421 = tpu.memref_slice %arg8[%dma_start3A_419, %dma_start3A_420] : memref<16x64xi32, #tpu.memory_space<vmem>> -> memref<1x64xi32, #tpu.memory_space<vmem>>
      %dma_start3A_422 = tpu.memref_squeeze %dma_start3A_421 : memref<1x64xi32, #tpu.memory_space<vmem>> -> memref<64xi32, #tpu.memory_space<vmem>>
      %dma_start3A_423 = arith.constant 0 : i32
      %dma_start3A_424 = arith.constant 0 : i32
      %dma_start3A_425 = tpu.memref_slice %arg14[%dma_start3A_423, %dma_start3A_424] : memref<10112x128xf32, #tpu.memory_space<vmem_shared>> -> memref<10112x128xf32, #tpu.memory_space<vmem_shared>>
      tpu.enqueue_indirect_dma source(%arg9 : memref<64x128xf32, #tpu.memory_space<vmem>>) target(%dma_start3A_425 : memref<10112x128xf32, #tpu.memory_space<vmem_shared>>) offsets(%dma_start3A_422 : memref<64xi32, #tpu.memory_space<vmem>>) semaphore(%arg20 : memref<!tpu.dma_semaphore, #tpu.memory_space<semaphore_mem>>) {add = true}
      %dma_wait3A_426 = arith.constant 15 : i32
      %dma_wait3A_427 = arith.constant 0 : i32
      %dma_wait3A_428 = tpu.memref_slice %arg8[%dma_wait3A_426, %dma_wait3A_427] : memref<16x64xi32, #tpu.memory_space<vmem>> -> memref<1x64xi32, #tpu.memory_space<vmem>>
      %dma_wait3A_429 = tpu.memref_squeeze %dma_wait3A_428 : memref<1x64xi32, #tpu.memory_space<vmem>> -> memref<64xi32, #tpu.memory_space<vmem>>
      %dma_wait3A_430 = arith.constant 0 : i32
      %dma_wait3A_431 = arith.constant 0 : i32
      %dma_wait3A_432 = tpu.memref_slice %arg14[%dma_wait3A_430, %dma_wait3A_431] : memref<10112x128xf32, #tpu.memory_space<vmem_shared>> -> memref<10112x128xf32, #tpu.memory_space<vmem_shared>>
      tpu.wait_indirect_dma semaphore(%arg20 : memref<!tpu.dma_semaphore, #tpu.memory_space<semaphore_mem>>) src(%arg9 : memref<64x128xf32, #tpu.memory_space<vmem>>) dst(%dma_wait3A_432 : memref<10112x128xf32, #tpu.memory_space<vmem_shared>>)
      %dma_wait3A_433 = arith.constant 11 : i32
      %dma_wait3A_434 = arith.constant 0 : i32
      %dma_wait3A_435 = tpu.memref_slice %arg8[%dma_wait3A_433, %dma_wait3A_434] : memref<16x64xi32, #tpu.memory_space<vmem>> -> memref<1x64xi32, #tpu.memory_space<vmem>>
      %dma_wait3A_436 = tpu.memref_squeeze %dma_wait3A_435 : memref<1x64xi32, #tpu.memory_space<vmem>> -> memref<64xi32, #tpu.memory_space<vmem>>
      %dma_wait3A_437 = arith.constant 0 : i32
      %dma_wait3A_438 = arith.constant 0 : i32
      %dma_wait3A_439 = tpu.memref_slice %arg14[%dma_wait3A_437, %dma_wait3A_438] : memref<10112x128xf32, #tpu.memory_space<vmem_shared>> -> memref<10112x128xf32, #tpu.memory_space<vmem_shared>>
      tpu.wait_indirect_dma semaphore(%arg21 : memref<!tpu.dma_semaphore, #tpu.memory_space<semaphore_mem>>) src(%arg10 : memref<64x128xf32, #tpu.memory_space<vmem>>) dst(%dma_wait3A_439 : memref<10112x128xf32, #tpu.memory_space<vmem_shared>>)
      %dma_wait3A_440 = arith.constant 12 : i32
      %dma_wait3A_441 = arith.constant 0 : i32
      %dma_wait3A_442 = tpu.memref_slice %arg8[%dma_wait3A_440, %dma_wait3A_441] : memref<16x64xi32, #tpu.memory_space<vmem>> -> memref<1x64xi32, #tpu.memory_space<vmem>>
      %dma_wait3A_443 = tpu.memref_squeeze %dma_wait3A_442 : memref<1x64xi32, #tpu.memory_space<vmem>> -> memref<64xi32, #tpu.memory_space<vmem>>
      %dma_wait3A_444 = arith.constant 0 : i32
      %dma_wait3A_445 = arith.constant 0 : i32
      %dma_wait3A_446 = tpu.memref_slice %arg14[%dma_wait3A_444, %dma_wait3A_445] : memref<10112x128xf32, #tpu.memory_space<vmem_shared>> -> memref<10112x128xf32, #tpu.memory_space<vmem_shared>>
      tpu.wait_indirect_dma semaphore(%arg22 : memref<!tpu.dma_semaphore, #tpu.memory_space<semaphore_mem>>) src(%arg11 : memref<64x128xf32, #tpu.memory_space<vmem>>) dst(%dma_wait3A_446 : memref<10112x128xf32, #tpu.memory_space<vmem_shared>>)
      %dma_wait3A_447 = arith.constant 13 : i32
      %dma_wait3A_448 = arith.constant 0 : i32
      %dma_wait3A_449 = tpu.memref_slice %arg8[%dma_wait3A_447, %dma_wait3A_448] : memref<16x64xi32, #tpu.memory_space<vmem>> -> memref<1x64xi32, #tpu.memory_space<vmem>>
      %dma_wait3A_450 = tpu.memref_squeeze %dma_wait3A_449 : memref<1x64xi32, #tpu.memory_space<vmem>> -> memref<64xi32, #tpu.memory_space<vmem>>
      %dma_wait3A_451 = arith.constant 0 : i32
      %dma_wait3A_452 = arith.constant 0 : i32
      %dma_wait3A_453 = tpu.memref_slice %arg14[%dma_wait3A_451, %dma_wait3A_452] : memref<10112x128xf32, #tpu.memory_space<vmem_shared>> -> memref<10112x128xf32, #tpu.memory_space<vmem_shared>>
      tpu.wait_indirect_dma semaphore(%arg23 : memref<!tpu.dma_semaphore, #tpu.memory_space<semaphore_mem>>) src(%arg12 : memref<64x128xf32, #tpu.memory_space<vmem>>) dst(%dma_wait3A_453 : memref<10112x128xf32, #tpu.memory_space<vmem_shared>>)
      %dma_wait3A_454 = arith.constant 14 : i32
      %dma_wait3A_455 = arith.constant 0 : i32
      %dma_wait3A_456 = tpu.memref_slice %arg8[%dma_wait3A_454, %dma_wait3A_455] : memref<16x64xi32, #tpu.memory_space<vmem>> -> memref<1x64xi32, #tpu.memory_space<vmem>>
      %dma_wait3A_457 = tpu.memref_squeeze %dma_wait3A_456 : memref<1x64xi32, #tpu.memory_space<vmem>> -> memref<64xi32, #tpu.memory_space<vmem>>
      %dma_wait3A_458 = arith.constant 0 : i32
      %dma_wait3A_459 = arith.constant 0 : i32
      %dma_wait3A_460 = tpu.memref_slice %arg14[%dma_wait3A_458, %dma_wait3A_459] : memref<10112x128xf32, #tpu.memory_space<vmem_shared>> -> memref<10112x128xf32, #tpu.memory_space<vmem_shared>>
      tpu.wait_indirect_dma semaphore(%arg24 : memref<!tpu.dma_semaphore, #tpu.memory_space<semaphore_mem>>) src(%arg13 : memref<64x128xf32, #tpu.memory_space<vmem>>) dst(%dma_wait3A_460 : memref<10112x128xf32, #tpu.memory_space<vmem_shared>>)
    }
    %scan3A_8 = arith.constant 10 : i32
    %barrier3A_9 = arith.constant 0 : index
    tpu.barrier barrier_id(%barrier3A_9)
    "tpu.region"() ({
      %run_scoped3A = tpu.sem_alloc : memref<!tpu.dma_semaphore, #tpu.memory_space<semaphore_mem>>
      %dma_start3A = arith.constant 0 : i32
      %dma_start3A_10 = tpu.memref_slice %arg6[%arg0, %mul3A_2, %dma_start3A] : memref<2x10112x128xf32, #tpu.memory_space<hbm>> -> memref<1x632x128xf32, #tpu.memory_space<hbm>>
      %dma_start3A_11 = tpu.memref_squeeze %dma_start3A_10 : memref<1x632x128xf32, #tpu.memory_space<hbm>> -> memref<632x128xf32, #tpu.memory_space<hbm>>
      %dma_start3A_12 = arith.constant 0 : i32
      %dma_start3A_13 = tpu.memref_slice %arg14[%mul3A_2, %dma_start3A_12] : memref<10112x128xf32, #tpu.memory_space<vmem_shared>> -> memref<632x128xf32, #tpu.memory_space<vmem_shared>>
      tpu.enqueue_dma source(%dma_start3A_13 : memref<632x128xf32, #tpu.memory_space<vmem_shared>>) target(%dma_start3A_11 : memref<632x128xf32, #tpu.memory_space<hbm>>) target_semaphore(%run_scoped3A : memref<!tpu.dma_semaphore, #tpu.memory_space<semaphore_mem>>)
      %dma_wait3A = arith.constant 0 : i32
      %dma_wait3A_14 = tpu.memref_slice %arg6[%arg0, %mul3A_2, %dma_wait3A] : memref<2x10112x128xf32, #tpu.memory_space<hbm>> -> memref<1x632x128xf32, #tpu.memory_space<hbm>>
      %dma_wait3A_15 = tpu.memref_squeeze %dma_wait3A_14 : memref<1x632x128xf32, #tpu.memory_space<hbm>> -> memref<632x128xf32, #tpu.memory_space<hbm>>
      %dma_wait3A_16 = arith.constant 0 : i32
      %dma_wait3A_17 = tpu.memref_slice %arg14[%mul3A_2, %dma_wait3A_16] : memref<10112x128xf32, #tpu.memory_space<vmem_shared>> -> memref<632x128xf32, #tpu.memory_space<vmem_shared>>
      tpu.wait_dma2 semaphore(%run_scoped3A : memref<!tpu.dma_semaphore, #tpu.memory_space<semaphore_mem>>) src(%dma_wait3A_17 : memref<632x128xf32, #tpu.memory_space<vmem_shared>>) dst(%dma_wait3A_15 : memref<632x128xf32, #tpu.memory_space<hbm>>)
      tpu.yield
    }) : () -> ()
    return
  }
}

#map = affine_map<(d0, d1) -> (0, 0)>
#map1 = affine_map<(d0, d1) -> (0, 0, 0)>
module attributes {stable_mosaic.version = 14 : i64} {
  func.func @_agg_body(%arg0: i32, %arg1: i32, %arg2: memref<10000x128xf32, #tpu.memory_space<hbm>>, %arg3: memref<32x160x64xi32, #tpu.memory_space<hbm>>, %arg4: memref<32x160x64xi32, #tpu.memory_space<hbm>>, %arg5: memref<10112x128xf32, #tpu.memory_space<hbm>>, %arg6: memref<2x10112x128xf32, #tpu.memory_space<hbm>>, %arg7: memref<16x64xi32, #tpu.memory_space<vmem>>, %arg8: memref<16x64xi32, #tpu.memory_space<vmem>>, %arg9: memref<64x128xf32, #tpu.memory_space<vmem>>, %arg10: memref<64x128xf32, #tpu.memory_space<vmem>>, %arg11: memref<64x128xf32, #tpu.memory_space<vmem>>, %arg12: memref<64x128xf32, #tpu.memory_space<vmem>>, %arg13: memref<64x128xf32, #tpu.memory_space<vmem>>, %arg14: memref<10112x128xf32, #tpu.memory_space<vmem_shared>>, %arg15: memref<!tpu.dma_semaphore, #tpu.memory_space<semaphore_mem>>, %arg16: memref<!tpu.dma_semaphore, #tpu.memory_space<semaphore_mem>>, %arg17: memref<!tpu.dma_semaphore, #tpu.memory_space<semaphore_mem>>, %arg18: memref<!tpu.dma_semaphore, #tpu.memory_space<semaphore_mem>>, %arg19: memref<!tpu.dma_semaphore, #tpu.memory_space<semaphore_mem>>, %arg20: memref<!tpu.dma_semaphore, #tpu.memory_space<semaphore_mem>>, %arg21: memref<!tpu.dma_semaphore, #tpu.memory_space<semaphore_mem>>, %arg22: memref<!tpu.dma_semaphore, #tpu.memory_space<semaphore_mem>>, %arg23: memref<!tpu.dma_semaphore, #tpu.memory_space<semaphore_mem>>, %arg24: memref<!tpu.dma_semaphore, #tpu.memory_space<semaphore_mem>>) attributes {dimension_semantics = [#tpu.dimension_semantics<core_parallel>, #tpu.dimension_semantics<subcore_parallel>], iteration_bounds = array<i64: 2, 16>, scalar_prefetch = 0 : i64, scratch_operands = 18 : i64, tpu.core_type = #tpu.core_type<sc_vector_subcore>, window_params = [{transform_indices = #map}, {transform_indices = #map1}, {transform_indices = #map1}, {transform_indices = #map}, {transform_indices = #map1}]} {
    %mul3A = arith.constant 16 : i32
    %mul3A_0 = arith.muli %arg0, %mul3A : i32
    %add3A = arith.addi %mul3A_0, %arg1 : i32
    %mul3A_1 = arith.constant 632 : i32
    %mul3A_2 = arith.muli %arg1, %mul3A_1 : i32
    %eq3A = arith.constant 0 : i32
    %eq3A_3 = arith.cmpi eq, %arg1, %eq3A : i32
    %convert_element_type3A = arith.extui %eq3A_3 : i1 to i32
    %cond3A = arith.constant 0 : i32
    %cond3A_4 = arith.cmpi ne, %convert_element_type3A, %cond3A : i32
    scf.if %cond3A_4 {
      "tpu.region"() ({
        %run_scoped3A = tpu.sem_alloc : memref<!tpu.dma_semaphore, #tpu.memory_space<semaphore_mem>>
        tpu.enqueue_dma source(%arg5 : memref<10112x128xf32, #tpu.memory_space<hbm>>) target(%arg14 : memref<10112x128xf32, #tpu.memory_space<vmem_shared>>) target_semaphore(%run_scoped3A : memref<!tpu.dma_semaphore, #tpu.memory_space<semaphore_mem>>)
        tpu.wait_dma2 semaphore(%run_scoped3A : memref<!tpu.dma_semaphore, #tpu.memory_space<semaphore_mem>>) src(%arg5 : memref<10112x128xf32, #tpu.memory_space<hbm>>) dst(%arg14 : memref<10112x128xf32, #tpu.memory_space<vmem_shared>>)
        tpu.yield
      }) : () -> ()
    } else {
    }
    %barrier3A = arith.constant 0 : index
    tpu.barrier barrier_id(%barrier3A)
    %scan3A = arith.constant 0 : i32
    %scan3A_5 = arith.constant 10 : i32
    %scan3A_6 = arith.addi %scan3A, %scan3A_5 : i32
    %scan3A_7 = arith.constant 1 : i32
    scf.for %scan3A_10 = %scan3A to %scan3A_6 step %scan3A_7  : i32 {
      %mul3A_11 = arith.constant 16 : i32
      %mul3A_12 = arith.muli %scan3A_10, %mul3A_11 : i32
      %add3A_13 = arith.constant 0 : i32
      %add3A_14 = arith.addi %add3A_13, %mul3A_12 : i32
      "tpu.region"() ({
        %run_scoped3A = tpu.sem_alloc : memref<!tpu.dma_semaphore, #tpu.memory_space<semaphore_mem>>
        %dma_start3A_461 = arith.constant 0 : i32
        %dma_start3A_462 = tpu.memref_slice %arg3[%add3A, %add3A_14, %dma_start3A_461] : memref<32x160x64xi32, #tpu.memory_space<hbm>> -> memref<1x16x64xi32, #tpu.memory_space<hbm>>
        %dma_start3A_463 = tpu.memref_squeeze %dma_start3A_462 : memref<1x16x64xi32, #tpu.memory_space<hbm>> -> memref<16x64xi32, #tpu.memory_space<hbm>>
        %dma_start3A_464 = arith.constant 0 : i32
        %dma_start3A_465 = tpu.memref_slice %arg3[%add3A, %add3A_14, %dma_start3A_464] : memref<32x160x64xi32, #tpu.memory_space<hbm>> -> memref<1x16x64xi32, #tpu.memory_space<hbm>>
        %dma_start3A_466 = tpu.memref_squeeze %dma_start3A_465 : memref<1x16x64xi32, #tpu.memory_space<hbm>> -> memref<16x64xi32, #tpu.memory_space<hbm>>
        tpu.enqueue_dma source(%dma_start3A_466 : memref<16x64xi32, #tpu.memory_space<hbm>>) target(%arg7 : memref<16x64xi32, #tpu.memory_space<vmem>>) target_semaphore(%run_scoped3A : memref<!tpu.dma_semaphore, #tpu.memory_space<semaphore_mem>>)
        %dma_wait3A_467 = arith.constant 0 : i32
        %dma_wait3A_468 = tpu.memref_slice %arg3[%add3A, %add3A_14, %dma_wait3A_467] : memref<32x160x64xi32, #tpu.memory_space<hbm>> -> memref<1x16x64xi32, #tpu.memory_space<hbm>>
        %dma_wait3A_469 = tpu.memref_squeeze %dma_wait3A_468 : memref<1x16x64xi32, #tpu.memory_space<hbm>> -> memref<16x64xi32, #tpu.memory_space<hbm>>
        %dma_wait3A_470 = arith.constant 0 : i32
        %dma_wait3A_471 = tpu.memref_slice %arg3[%add3A, %add3A_14, %dma_wait3A_470] : memref<32x160x64xi32, #tpu.memory_space<hbm>> -> memref<1x16x64xi32, #tpu.memory_space<hbm>>
        %dma_wait3A_472 = tpu.memref_squeeze %dma_wait3A_471 : memref<1x16x64xi32, #tpu.memory_space<hbm>> -> memref<16x64xi32, #tpu.memory_space<hbm>>
        tpu.wait_dma2 semaphore(%run_scoped3A : memref<!tpu.dma_semaphore, #tpu.memory_space<semaphore_mem>>) src(%dma_wait3A_472 : memref<16x64xi32, #tpu.memory_space<hbm>>) dst(%arg7 : memref<16x64xi32, #tpu.memory_space<vmem>>)
        tpu.yield
      }) : () -> ()
      "tpu.region"() ({
        %run_scoped3A = tpu.sem_alloc : memref<!tpu.dma_semaphore, #tpu.memory_space<semaphore_mem>>
        %dma_start3A_461 = arith.constant 0 : i32
        %dma_start3A_462 = tpu.memref_slice %arg4[%add3A, %add3A_14, %dma_start3A_461] : memref<32x160x64xi32, #tpu.memory_space<hbm>> -> memref<1x16x64xi32, #tpu.memory_space<hbm>>
        %dma_start3A_463 = tpu.memref_squeeze %dma_start3A_462 : memref<1x16x64xi32, #tpu.memory_space<hbm>> -> memref<16x64xi32, #tpu.memory_space<hbm>>
        %dma_start3A_464 = arith.constant 0 : i32
        %dma_start3A_465 = tpu.memref_slice %arg4[%add3A, %add3A_14, %dma_start3A_464] : memref<32x160x64xi32, #tpu.memory_space<hbm>> -> memref<1x16x64xi32, #tpu.memory_space<hbm>>
        %dma_start3A_466 = tpu.memref_squeeze %dma_start3A_465 : memref<1x16x64xi32, #tpu.memory_space<hbm>> -> memref<16x64xi32, #tpu.memory_space<hbm>>
        tpu.enqueue_dma source(%dma_start3A_466 : memref<16x64xi32, #tpu.memory_space<hbm>>) target(%arg8 : memref<16x64xi32, #tpu.memory_space<vmem>>) target_semaphore(%run_scoped3A : memref<!tpu.dma_semaphore, #tpu.memory_space<semaphore_mem>>)
        %dma_wait3A_467 = arith.constant 0 : i32
        %dma_wait3A_468 = tpu.memref_slice %arg4[%add3A, %add3A_14, %dma_wait3A_467] : memref<32x160x64xi32, #tpu.memory_space<hbm>> -> memref<1x16x64xi32, #tpu.memory_space<hbm>>
        %dma_wait3A_469 = tpu.memref_squeeze %dma_wait3A_468 : memref<1x16x64xi32, #tpu.memory_space<hbm>> -> memref<16x64xi32, #tpu.memory_space<hbm>>
        %dma_wait3A_470 = arith.constant 0 : i32
        %dma_wait3A_471 = tpu.memref_slice %arg4[%add3A, %add3A_14, %dma_wait3A_470] : memref<32x160x64xi32, #tpu.memory_space<hbm>> -> memref<1x16x64xi32, #tpu.memory_space<hbm>>
        %dma_wait3A_472 = tpu.memref_squeeze %dma_wait3A_471 : memref<1x16x64xi32, #tpu.memory_space<hbm>> -> memref<16x64xi32, #tpu.memory_space<hbm>>
        tpu.wait_dma2 semaphore(%run_scoped3A : memref<!tpu.dma_semaphore, #tpu.memory_space<semaphore_mem>>) src(%dma_wait3A_472 : memref<16x64xi32, #tpu.memory_space<hbm>>) dst(%arg8 : memref<16x64xi32, #tpu.memory_space<vmem>>)
        tpu.yield
      }) : () -> ()
      %dma_start3A = arith.constant 0 : i32
      %dma_start3A_15 = arith.constant 0 : i32
      %dma_start3A_16 = tpu.memref_slice %arg7[%dma_start3A, %dma_start3A_15] : memref<16x64xi32, #tpu.memory_space<vmem>> -> memref<1x64xi32, #tpu.memory_space<vmem>>
      %dma_start3A_17 = tpu.memref_squeeze %dma_start3A_16 : memref<1x64xi32, #tpu.memory_space<vmem>> -> memref<64xi32, #tpu.memory_space<vmem>>
      %dma_start3A_18 = arith.constant 0 : i32
      %dma_start3A_19 = arith.constant 0 : i32
      %dma_start3A_20 = tpu.memref_slice %arg2[%dma_start3A_18, %dma_start3A_19] : memref<10000x128xf32, #tpu.memory_space<hbm>> -> memref<10000x128xf32, #tpu.memory_space<hbm>>
      tpu.enqueue_indirect_dma source(%dma_start3A_20 : memref<10000x128xf32, #tpu.memory_space<hbm>>) target(%arg9 : memref<64x128xf32, #tpu.memory_space<vmem>>) offsets(%dma_start3A_17 : memref<64xi32, #tpu.memory_space<vmem>>) semaphore(%arg15 : memref<!tpu.dma_semaphore, #tpu.memory_space<semaphore_mem>>)
      %dma_start3A_21 = arith.constant 1 : i32
      %dma_start3A_22 = arith.constant 0 : i32
      %dma_start3A_23 = tpu.memref_slice %arg7[%dma_start3A_21, %dma_start3A_22] : memref<16x64xi32, #tpu.memory_space<vmem>> -> memref<1x64xi32, #tpu.memory_space<vmem>>
      %dma_start3A_24 = tpu.memref_squeeze %dma_start3A_23 : memref<1x64xi32, #tpu.memory_space<vmem>> -> memref<64xi32, #tpu.memory_space<vmem>>
      %dma_start3A_25 = arith.constant 0 : i32
      %dma_start3A_26 = arith.constant 0 : i32
      %dma_start3A_27 = tpu.memref_slice %arg2[%dma_start3A_25, %dma_start3A_26] : memref<10000x128xf32, #tpu.memory_space<hbm>> -> memref<10000x128xf32, #tpu.memory_space<hbm>>
      tpu.enqueue_indirect_dma source(%dma_start3A_27 : memref<10000x128xf32, #tpu.memory_space<hbm>>) target(%arg10 : memref<64x128xf32, #tpu.memory_space<vmem>>) offsets(%dma_start3A_24 : memref<64xi32, #tpu.memory_space<vmem>>) semaphore(%arg16 : memref<!tpu.dma_semaphore, #tpu.memory_space<semaphore_mem>>)
      %dma_start3A_28 = arith.constant 2 : i32
      %dma_start3A_29 = arith.constant 0 : i32
      %dma_start3A_30 = tpu.memref_slice %arg7[%dma_start3A_28, %dma_start3A_29] : memref<16x64xi32, #tpu.memory_space<vmem>> -> memref<1x64xi32, #tpu.memory_space<vmem>>
      %dma_start3A_31 = tpu.memref_squeeze %dma_start3A_30 : memref<1x64xi32, #tpu.memory_space<vmem>> -> memref<64xi32, #tpu.memory_space<vmem>>
      %dma_start3A_32 = arith.constant 0 : i32
      %dma_start3A_33 = arith.constant 0 : i32
      %dma_start3A_34 = tpu.memref_slice %arg2[%dma_start3A_32, %dma_start3A_33] : memref<10000x128xf32, #tpu.memory_space<hbm>> -> memref<10000x128xf32, #tpu.memory_space<hbm>>
      tpu.enqueue_indirect_dma source(%dma_start3A_34 : memref<10000x128xf32, #tpu.memory_space<hbm>>) target(%arg11 : memref<64x128xf32, #tpu.memory_space<vmem>>) offsets(%dma_start3A_31 : memref<64xi32, #tpu.memory_space<vmem>>) semaphore(%arg17 : memref<!tpu.dma_semaphore, #tpu.memory_space<semaphore_mem>>)
      %dma_start3A_35 = arith.constant 3 : i32
      %dma_start3A_36 = arith.constant 0 : i32
      %dma_start3A_37 = tpu.memref_slice %arg7[%dma_start3A_35, %dma_start3A_36] : memref<16x64xi32, #tpu.memory_space<vmem>> -> memref<1x64xi32, #tpu.memory_space<vmem>>
      %dma_start3A_38 = tpu.memref_squeeze %dma_start3A_37 : memref<1x64xi32, #tpu.memory_space<vmem>> -> memref<64xi32, #tpu.memory_space<vmem>>
      %dma_start3A_39 = arith.constant 0 : i32
      %dma_start3A_40 = arith.constant 0 : i32
      %dma_start3A_41 = tpu.memref_slice %arg2[%dma_start3A_39, %dma_start3A_40] : memref<10000x128xf32, #tpu.memory_space<hbm>> -> memref<10000x128xf32, #tpu.memory_space<hbm>>
      tpu.enqueue_indirect_dma source(%dma_start3A_41 : memref<10000x128xf32, #tpu.memory_space<hbm>>) target(%arg12 : memref<64x128xf32, #tpu.memory_space<vmem>>) offsets(%dma_start3A_38 : memref<64xi32, #tpu.memory_space<vmem>>) semaphore(%arg18 : memref<!tpu.dma_semaphore, #tpu.memory_space<semaphore_mem>>)
      %dma_wait3A = arith.constant 0 : i32
      %dma_wait3A_42 = arith.constant 0 : i32
      %dma_wait3A_43 = tpu.memref_slice %arg7[%dma_wait3A, %dma_wait3A_42] : memref<16x64xi32, #tpu.memory_space<vmem>> -> memref<1x64xi32, #tpu.memory_space<vmem>>
      %dma_wait3A_44 = tpu.memref_squeeze %dma_wait3A_43 : memref<1x64xi32, #tpu.memory_space<vmem>> -> memref<64xi32, #tpu.memory_space<vmem>>
      %dma_wait3A_45 = arith.constant 0 : i32
      %dma_wait3A_46 = arith.constant 0 : i32
      %dma_wait3A_47 = tpu.memref_slice %arg2[%dma_wait3A_45, %dma_wait3A_46] : memref<10000x128xf32, #tpu.memory_space<hbm>> -> memref<10000x128xf32, #tpu.memory_space<hbm>>
      tpu.wait_indirect_dma semaphore(%arg15 : memref<!tpu.dma_semaphore, #tpu.memory_space<semaphore_mem>>) src(%dma_wait3A_47 : memref<10000x128xf32, #tpu.memory_space<hbm>>) dst(%arg9 : memref<64x128xf32, #tpu.memory_space<vmem>>)
      %dma_start3A_48 = arith.constant 4 : i32
      %dma_start3A_49 = arith.constant 0 : i32
      %dma_start3A_50 = tpu.memref_slice %arg7[%dma_start3A_48, %dma_start3A_49] : memref<16x64xi32, #tpu.memory_space<vmem>> -> memref<1x64xi32, #tpu.memory_space<vmem>>
      %dma_start3A_51 = tpu.memref_squeeze %dma_start3A_50 : memref<1x64xi32, #tpu.memory_space<vmem>> -> memref<64xi32, #tpu.memory_space<vmem>>
      %dma_start3A_52 = arith.constant 0 : i32
      %dma_start3A_53 = arith.constant 0 : i32
      %dma_start3A_54 = tpu.memref_slice %arg2[%dma_start3A_52, %dma_start3A_53] : memref<10000x128xf32, #tpu.memory_space<hbm>> -> memref<10000x128xf32, #tpu.memory_space<hbm>>
      tpu.enqueue_indirect_dma source(%dma_start3A_54 : memref<10000x128xf32, #tpu.memory_space<hbm>>) target(%arg13 : memref<64x128xf32, #tpu.memory_space<vmem>>) offsets(%dma_start3A_51 : memref<64xi32, #tpu.memory_space<vmem>>) semaphore(%arg19 : memref<!tpu.dma_semaphore, #tpu.memory_space<semaphore_mem>>)
      %dma_start3A_55 = arith.constant 0 : i32
      %dma_start3A_56 = arith.constant 0 : i32
      %dma_start3A_57 = tpu.memref_slice %arg8[%dma_start3A_55, %dma_start3A_56] : memref<16x64xi32, #tpu.memory_space<vmem>> -> memref<1x64xi32, #tpu.memory_space<vmem>>
      %dma_start3A_58 = tpu.memref_squeeze %dma_start3A_57 : memref<1x64xi32, #tpu.memory_space<vmem>> -> memref<64xi32, #tpu.memory_space<vmem>>
      %dma_start3A_59 = arith.constant 0 : i32
      %dma_start3A_60 = arith.constant 0 : i32
      %dma_start3A_61 = tpu.memref_slice %arg14[%dma_start3A_59, %dma_start3A_60] : memref<10112x128xf32, #tpu.memory_space<vmem_shared>> -> memref<10112x128xf32, #tpu.memory_space<vmem_shared>>
      tpu.enqueue_indirect_dma source(%arg9 : memref<64x128xf32, #tpu.memory_space<vmem>>) target(%dma_start3A_61 : memref<10112x128xf32, #tpu.memory_space<vmem_shared>>) offsets(%dma_start3A_58 : memref<64xi32, #tpu.memory_space<vmem>>) semaphore(%arg20 : memref<!tpu.dma_semaphore, #tpu.memory_space<semaphore_mem>>) {add = true}
      %dma_wait3A_62 = arith.constant 1 : i32
      %dma_wait3A_63 = arith.constant 0 : i32
      %dma_wait3A_64 = tpu.memref_slice %arg7[%dma_wait3A_62, %dma_wait3A_63] : memref<16x64xi32, #tpu.memory_space<vmem>> -> memref<1x64xi32, #tpu.memory_space<vmem>>
      %dma_wait3A_65 = tpu.memref_squeeze %dma_wait3A_64 : memref<1x64xi32, #tpu.memory_space<vmem>> -> memref<64xi32, #tpu.memory_space<vmem>>
      %dma_wait3A_66 = arith.constant 0 : i32
      %dma_wait3A_67 = arith.constant 0 : i32
      %dma_wait3A_68 = tpu.memref_slice %arg2[%dma_wait3A_66, %dma_wait3A_67] : memref<10000x128xf32, #tpu.memory_space<hbm>> -> memref<10000x128xf32, #tpu.memory_space<hbm>>
      tpu.wait_indirect_dma semaphore(%arg16 : memref<!tpu.dma_semaphore, #tpu.memory_space<semaphore_mem>>) src(%dma_wait3A_68 : memref<10000x128xf32, #tpu.memory_space<hbm>>) dst(%arg10 : memref<64x128xf32, #tpu.memory_space<vmem>>)
      %dma_wait3A_69 = arith.constant 0 : i32
      %dma_wait3A_70 = arith.constant 0 : i32
      %dma_wait3A_71 = tpu.memref_slice %arg8[%dma_wait3A_69, %dma_wait3A_70] : memref<16x64xi32, #tpu.memory_space<vmem>> -> memref<1x64xi32, #tpu.memory_space<vmem>>
      %dma_wait3A_72 = tpu.memref_squeeze %dma_wait3A_71 : memref<1x64xi32, #tpu.memory_space<vmem>> -> memref<64xi32, #tpu.memory_space<vmem>>
      %dma_wait3A_73 = arith.constant 0 : i32
      %dma_wait3A_74 = arith.constant 0 : i32
      %dma_wait3A_75 = tpu.memref_slice %arg14[%dma_wait3A_73, %dma_wait3A_74] : memref<10112x128xf32, #tpu.memory_space<vmem_shared>> -> memref<10112x128xf32, #tpu.memory_space<vmem_shared>>
      tpu.wait_indirect_dma semaphore(%arg20 : memref<!tpu.dma_semaphore, #tpu.memory_space<semaphore_mem>>) src(%arg9 : memref<64x128xf32, #tpu.memory_space<vmem>>) dst(%dma_wait3A_75 : memref<10112x128xf32, #tpu.memory_space<vmem_shared>>)
      %dma_start3A_76 = arith.constant 5 : i32
      %dma_start3A_77 = arith.constant 0 : i32
      %dma_start3A_78 = tpu.memref_slice %arg7[%dma_start3A_76, %dma_start3A_77] : memref<16x64xi32, #tpu.memory_space<vmem>> -> memref<1x64xi32, #tpu.memory_space<vmem>>
      %dma_start3A_79 = tpu.memref_squeeze %dma_start3A_78 : memref<1x64xi32, #tpu.memory_space<vmem>> -> memref<64xi32, #tpu.memory_space<vmem>>
      %dma_start3A_80 = arith.constant 0 : i32
      %dma_start3A_81 = arith.constant 0 : i32
      %dma_start3A_82 = tpu.memref_slice %arg2[%dma_start3A_80, %dma_start3A_81] : memref<10000x128xf32, #tpu.memory_space<hbm>> -> memref<10000x128xf32, #tpu.memory_space<hbm>>
      tpu.enqueue_indirect_dma source(%dma_start3A_82 : memref<10000x128xf32, #tpu.memory_space<hbm>>) target(%arg9 : memref<64x128xf32, #tpu.memory_space<vmem>>) offsets(%dma_start3A_79 : memref<64xi32, #tpu.memory_space<vmem>>) semaphore(%arg15 : memref<!tpu.dma_semaphore, #tpu.memory_space<semaphore_mem>>)
      %dma_start3A_83 = arith.constant 1 : i32
      %dma_start3A_84 = arith.constant 0 : i32
      %dma_start3A_85 = tpu.memref_slice %arg8[%dma_start3A_83, %dma_start3A_84] : memref<16x64xi32, #tpu.memory_space<vmem>> -> memref<1x64xi32, #tpu.memory_space<vmem>>
      %dma_start3A_86 = tpu.memref_squeeze %dma_start3A_85 : memref<1x64xi32, #tpu.memory_space<vmem>> -> memref<64xi32, #tpu.memory_space<vmem>>
      %dma_start3A_87 = arith.constant 0 : i32
      %dma_start3A_88 = arith.constant 0 : i32
      %dma_start3A_89 = tpu.memref_slice %arg14[%dma_start3A_87, %dma_start3A_88] : memref<10112x128xf32, #tpu.memory_space<vmem_shared>> -> memref<10112x128xf32, #tpu.memory_space<vmem_shared>>
      tpu.enqueue_indirect_dma source(%arg10 : memref<64x128xf32, #tpu.memory_space<vmem>>) target(%dma_start3A_89 : memref<10112x128xf32, #tpu.memory_space<vmem_shared>>) offsets(%dma_start3A_86 : memref<64xi32, #tpu.memory_space<vmem>>) semaphore(%arg21 : memref<!tpu.dma_semaphore, #tpu.memory_space<semaphore_mem>>) {add = true}
      %dma_wait3A_90 = arith.constant 2 : i32
      %dma_wait3A_91 = arith.constant 0 : i32
      %dma_wait3A_92 = tpu.memref_slice %arg7[%dma_wait3A_90, %dma_wait3A_91] : memref<16x64xi32, #tpu.memory_space<vmem>> -> memref<1x64xi32, #tpu.memory_space<vmem>>
      %dma_wait3A_93 = tpu.memref_squeeze %dma_wait3A_92 : memref<1x64xi32, #tpu.memory_space<vmem>> -> memref<64xi32, #tpu.memory_space<vmem>>
      %dma_wait3A_94 = arith.constant 0 : i32
      %dma_wait3A_95 = arith.constant 0 : i32
      %dma_wait3A_96 = tpu.memref_slice %arg2[%dma_wait3A_94, %dma_wait3A_95] : memref<10000x128xf32, #tpu.memory_space<hbm>> -> memref<10000x128xf32, #tpu.memory_space<hbm>>
      tpu.wait_indirect_dma semaphore(%arg17 : memref<!tpu.dma_semaphore, #tpu.memory_space<semaphore_mem>>) src(%dma_wait3A_96 : memref<10000x128xf32, #tpu.memory_space<hbm>>) dst(%arg11 : memref<64x128xf32, #tpu.memory_space<vmem>>)
      %dma_wait3A_97 = arith.constant 1 : i32
      %dma_wait3A_98 = arith.constant 0 : i32
      %dma_wait3A_99 = tpu.memref_slice %arg8[%dma_wait3A_97, %dma_wait3A_98] : memref<16x64xi32, #tpu.memory_space<vmem>> -> memref<1x64xi32, #tpu.memory_space<vmem>>
      %dma_wait3A_100 = tpu.memref_squeeze %dma_wait3A_99 : memref<1x64xi32, #tpu.memory_space<vmem>> -> memref<64xi32, #tpu.memory_space<vmem>>
      %dma_wait3A_101 = arith.constant 0 : i32
      %dma_wait3A_102 = arith.constant 0 : i32
      %dma_wait3A_103 = tpu.memref_slice %arg14[%dma_wait3A_101, %dma_wait3A_102] : memref<10112x128xf32, #tpu.memory_space<vmem_shared>> -> memref<10112x128xf32, #tpu.memory_space<vmem_shared>>
      tpu.wait_indirect_dma semaphore(%arg21 : memref<!tpu.dma_semaphore, #tpu.memory_space<semaphore_mem>>) src(%arg10 : memref<64x128xf32, #tpu.memory_space<vmem>>) dst(%dma_wait3A_103 : memref<10112x128xf32, #tpu.memory_space<vmem_shared>>)
      %dma_start3A_104 = arith.constant 6 : i32
      %dma_start3A_105 = arith.constant 0 : i32
      %dma_start3A_106 = tpu.memref_slice %arg7[%dma_start3A_104, %dma_start3A_105] : memref<16x64xi32, #tpu.memory_space<vmem>> -> memref<1x64xi32, #tpu.memory_space<vmem>>
      %dma_start3A_107 = tpu.memref_squeeze %dma_start3A_106 : memref<1x64xi32, #tpu.memory_space<vmem>> -> memref<64xi32, #tpu.memory_space<vmem>>
      %dma_start3A_108 = arith.constant 0 : i32
      %dma_start3A_109 = arith.constant 0 : i32
      %dma_start3A_110 = tpu.memref_slice %arg2[%dma_start3A_108, %dma_start3A_109] : memref<10000x128xf32, #tpu.memory_space<hbm>> -> memref<10000x128xf32, #tpu.memory_space<hbm>>
      tpu.enqueue_indirect_dma source(%dma_start3A_110 : memref<10000x128xf32, #tpu.memory_space<hbm>>) target(%arg10 : memref<64x128xf32, #tpu.memory_space<vmem>>) offsets(%dma_start3A_107 : memref<64xi32, #tpu.memory_space<vmem>>) semaphore(%arg16 : memref<!tpu.dma_semaphore, #tpu.memory_space<semaphore_mem>>)
      %dma_start3A_111 = arith.constant 2 : i32
      %dma_start3A_112 = arith.constant 0 : i32
      %dma_start3A_113 = tpu.memref_slice %arg8[%dma_start3A_111, %dma_start3A_112] : memref<16x64xi32, #tpu.memory_space<vmem>> -> memref<1x64xi32, #tpu.memory_space<vmem>>
      %dma_start3A_114 = tpu.memref_squeeze %dma_start3A_113 : memref<1x64xi32, #tpu.memory_space<vmem>> -> memref<64xi32, #tpu.memory_space<vmem>>
      %dma_start3A_115 = arith.constant 0 : i32
      %dma_start3A_116 = arith.constant 0 : i32
      %dma_start3A_117 = tpu.memref_slice %arg14[%dma_start3A_115, %dma_start3A_116] : memref<10112x128xf32, #tpu.memory_space<vmem_shared>> -> memref<10112x128xf32, #tpu.memory_space<vmem_shared>>
      tpu.enqueue_indirect_dma source(%arg11 : memref<64x128xf32, #tpu.memory_space<vmem>>) target(%dma_start3A_117 : memref<10112x128xf32, #tpu.memory_space<vmem_shared>>) offsets(%dma_start3A_114 : memref<64xi32, #tpu.memory_space<vmem>>) semaphore(%arg22 : memref<!tpu.dma_semaphore, #tpu.memory_space<semaphore_mem>>) {add = true}
      %dma_wait3A_118 = arith.constant 3 : i32
      %dma_wait3A_119 = arith.constant 0 : i32
      %dma_wait3A_120 = tpu.memref_slice %arg7[%dma_wait3A_118, %dma_wait3A_119] : memref<16x64xi32, #tpu.memory_space<vmem>> -> memref<1x64xi32, #tpu.memory_space<vmem>>
      %dma_wait3A_121 = tpu.memref_squeeze %dma_wait3A_120 : memref<1x64xi32, #tpu.memory_space<vmem>> -> memref<64xi32, #tpu.memory_space<vmem>>
      %dma_wait3A_122 = arith.constant 0 : i32
      %dma_wait3A_123 = arith.constant 0 : i32
      %dma_wait3A_124 = tpu.memref_slice %arg2[%dma_wait3A_122, %dma_wait3A_123] : memref<10000x128xf32, #tpu.memory_space<hbm>> -> memref<10000x128xf32, #tpu.memory_space<hbm>>
      tpu.wait_indirect_dma semaphore(%arg18 : memref<!tpu.dma_semaphore, #tpu.memory_space<semaphore_mem>>) src(%dma_wait3A_124 : memref<10000x128xf32, #tpu.memory_space<hbm>>) dst(%arg12 : memref<64x128xf32, #tpu.memory_space<vmem>>)
      %dma_wait3A_125 = arith.constant 2 : i32
      %dma_wait3A_126 = arith.constant 0 : i32
      %dma_wait3A_127 = tpu.memref_slice %arg8[%dma_wait3A_125, %dma_wait3A_126] : memref<16x64xi32, #tpu.memory_space<vmem>> -> memref<1x64xi32, #tpu.memory_space<vmem>>
      %dma_wait3A_128 = tpu.memref_squeeze %dma_wait3A_127 : memref<1x64xi32, #tpu.memory_space<vmem>> -> memref<64xi32, #tpu.memory_space<vmem>>
      %dma_wait3A_129 = arith.constant 0 : i32
      %dma_wait3A_130 = arith.constant 0 : i32
      %dma_wait3A_131 = tpu.memref_slice %arg14[%dma_wait3A_129, %dma_wait3A_130] : memref<10112x128xf32, #tpu.memory_space<vmem_shared>> -> memref<10112x128xf32, #tpu.memory_space<vmem_shared>>
      tpu.wait_indirect_dma semaphore(%arg22 : memref<!tpu.dma_semaphore, #tpu.memory_space<semaphore_mem>>) src(%arg11 : memref<64x128xf32, #tpu.memory_space<vmem>>) dst(%dma_wait3A_131 : memref<10112x128xf32, #tpu.memory_space<vmem_shared>>)
      %dma_start3A_132 = arith.constant 7 : i32
      %dma_start3A_133 = arith.constant 0 : i32
      %dma_start3A_134 = tpu.memref_slice %arg7[%dma_start3A_132, %dma_start3A_133] : memref<16x64xi32, #tpu.memory_space<vmem>> -> memref<1x64xi32, #tpu.memory_space<vmem>>
      %dma_start3A_135 = tpu.memref_squeeze %dma_start3A_134 : memref<1x64xi32, #tpu.memory_space<vmem>> -> memref<64xi32, #tpu.memory_space<vmem>>
      %dma_start3A_136 = arith.constant 0 : i32
      %dma_start3A_137 = arith.constant 0 : i32
      %dma_start3A_138 = tpu.memref_slice %arg2[%dma_start3A_136, %dma_start3A_137] : memref<10000x128xf32, #tpu.memory_space<hbm>> -> memref<10000x128xf32, #tpu.memory_space<hbm>>
      tpu.enqueue_indirect_dma source(%dma_start3A_138 : memref<10000x128xf32, #tpu.memory_space<hbm>>) target(%arg11 : memref<64x128xf32, #tpu.memory_space<vmem>>) offsets(%dma_start3A_135 : memref<64xi32, #tpu.memory_space<vmem>>) semaphore(%arg17 : memref<!tpu.dma_semaphore, #tpu.memory_space<semaphore_mem>>)
      %dma_start3A_139 = arith.constant 3 : i32
      %dma_start3A_140 = arith.constant 0 : i32
      %dma_start3A_141 = tpu.memref_slice %arg8[%dma_start3A_139, %dma_start3A_140] : memref<16x64xi32, #tpu.memory_space<vmem>> -> memref<1x64xi32, #tpu.memory_space<vmem>>
      %dma_start3A_142 = tpu.memref_squeeze %dma_start3A_141 : memref<1x64xi32, #tpu.memory_space<vmem>> -> memref<64xi32, #tpu.memory_space<vmem>>
      %dma_start3A_143 = arith.constant 0 : i32
      %dma_start3A_144 = arith.constant 0 : i32
      %dma_start3A_145 = tpu.memref_slice %arg14[%dma_start3A_143, %dma_start3A_144] : memref<10112x128xf32, #tpu.memory_space<vmem_shared>> -> memref<10112x128xf32, #tpu.memory_space<vmem_shared>>
      tpu.enqueue_indirect_dma source(%arg12 : memref<64x128xf32, #tpu.memory_space<vmem>>) target(%dma_start3A_145 : memref<10112x128xf32, #tpu.memory_space<vmem_shared>>) offsets(%dma_start3A_142 : memref<64xi32, #tpu.memory_space<vmem>>) semaphore(%arg23 : memref<!tpu.dma_semaphore, #tpu.memory_space<semaphore_mem>>) {add = true}
      %dma_wait3A_146 = arith.constant 4 : i32
      %dma_wait3A_147 = arith.constant 0 : i32
      %dma_wait3A_148 = tpu.memref_slice %arg7[%dma_wait3A_146, %dma_wait3A_147] : memref<16x64xi32, #tpu.memory_space<vmem>> -> memref<1x64xi32, #tpu.memory_space<vmem>>
      %dma_wait3A_149 = tpu.memref_squeeze %dma_wait3A_148 : memref<1x64xi32, #tpu.memory_space<vmem>> -> memref<64xi32, #tpu.memory_space<vmem>>
      %dma_wait3A_150 = arith.constant 0 : i32
      %dma_wait3A_151 = arith.constant 0 : i32
      %dma_wait3A_152 = tpu.memref_slice %arg2[%dma_wait3A_150, %dma_wait3A_151] : memref<10000x128xf32, #tpu.memory_space<hbm>> -> memref<10000x128xf32, #tpu.memory_space<hbm>>
      tpu.wait_indirect_dma semaphore(%arg19 : memref<!tpu.dma_semaphore, #tpu.memory_space<semaphore_mem>>) src(%dma_wait3A_152 : memref<10000x128xf32, #tpu.memory_space<hbm>>) dst(%arg13 : memref<64x128xf32, #tpu.memory_space<vmem>>)
      %dma_wait3A_153 = arith.constant 3 : i32
      %dma_wait3A_154 = arith.constant 0 : i32
      %dma_wait3A_155 = tpu.memref_slice %arg8[%dma_wait3A_153, %dma_wait3A_154] : memref<16x64xi32, #tpu.memory_space<vmem>> -> memref<1x64xi32, #tpu.memory_space<vmem>>
      %dma_wait3A_156 = tpu.memref_squeeze %dma_wait3A_155 : memref<1x64xi32, #tpu.memory_space<vmem>> -> memref<64xi32, #tpu.memory_space<vmem>>
      %dma_wait3A_157 = arith.constant 0 : i32
      %dma_wait3A_158 = arith.constant 0 : i32
      %dma_wait3A_159 = tpu.memref_slice %arg14[%dma_wait3A_157, %dma_wait3A_158] : memref<10112x128xf32, #tpu.memory_space<vmem_shared>> -> memref<10112x128xf32, #tpu.memory_space<vmem_shared>>
      tpu.wait_indirect_dma semaphore(%arg23 : memref<!tpu.dma_semaphore, #tpu.memory_space<semaphore_mem>>) src(%arg12 : memref<64x128xf32, #tpu.memory_space<vmem>>) dst(%dma_wait3A_159 : memref<10112x128xf32, #tpu.memory_space<vmem_shared>>)
      %dma_start3A_160 = arith.constant 8 : i32
      %dma_start3A_161 = arith.constant 0 : i32
      %dma_start3A_162 = tpu.memref_slice %arg7[%dma_start3A_160, %dma_start3A_161] : memref<16x64xi32, #tpu.memory_space<vmem>> -> memref<1x64xi32, #tpu.memory_space<vmem>>
      %dma_start3A_163 = tpu.memref_squeeze %dma_start3A_162 : memref<1x64xi32, #tpu.memory_space<vmem>> -> memref<64xi32, #tpu.memory_space<vmem>>
      %dma_start3A_164 = arith.constant 0 : i32
      %dma_start3A_165 = arith.constant 0 : i32
      %dma_start3A_166 = tpu.memref_slice %arg2[%dma_start3A_164, %dma_start3A_165] : memref<10000x128xf32, #tpu.memory_space<hbm>> -> memref<10000x128xf32, #tpu.memory_space<hbm>>
      tpu.enqueue_indirect_dma source(%dma_start3A_166 : memref<10000x128xf32, #tpu.memory_space<hbm>>) target(%arg12 : memref<64x128xf32, #tpu.memory_space<vmem>>) offsets(%dma_start3A_163 : memref<64xi32, #tpu.memory_space<vmem>>) semaphore(%arg18 : memref<!tpu.dma_semaphore, #tpu.memory_space<semaphore_mem>>)
      %dma_start3A_167 = arith.constant 4 : i32
      %dma_start3A_168 = arith.constant 0 : i32
      %dma_start3A_169 = tpu.memref_slice %arg8[%dma_start3A_167, %dma_start3A_168] : memref<16x64xi32, #tpu.memory_space<vmem>> -> memref<1x64xi32, #tpu.memory_space<vmem>>
      %dma_start3A_170 = tpu.memref_squeeze %dma_start3A_169 : memref<1x64xi32, #tpu.memory_space<vmem>> -> memref<64xi32, #tpu.memory_space<vmem>>
      %dma_start3A_171 = arith.constant 0 : i32
      %dma_start3A_172 = arith.constant 0 : i32
      %dma_start3A_173 = tpu.memref_slice %arg14[%dma_start3A_171, %dma_start3A_172] : memref<10112x128xf32, #tpu.memory_space<vmem_shared>> -> memref<10112x128xf32, #tpu.memory_space<vmem_shared>>
      tpu.enqueue_indirect_dma source(%arg13 : memref<64x128xf32, #tpu.memory_space<vmem>>) target(%dma_start3A_173 : memref<10112x128xf32, #tpu.memory_space<vmem_shared>>) offsets(%dma_start3A_170 : memref<64xi32, #tpu.memory_space<vmem>>) semaphore(%arg24 : memref<!tpu.dma_semaphore, #tpu.memory_space<semaphore_mem>>) {add = true}
      %dma_wait3A_174 = arith.constant 5 : i32
      %dma_wait3A_175 = arith.constant 0 : i32
      %dma_wait3A_176 = tpu.memref_slice %arg7[%dma_wait3A_174, %dma_wait3A_175] : memref<16x64xi32, #tpu.memory_space<vmem>> -> memref<1x64xi32, #tpu.memory_space<vmem>>
      %dma_wait3A_177 = tpu.memref_squeeze %dma_wait3A_176 : memref<1x64xi32, #tpu.memory_space<vmem>> -> memref<64xi32, #tpu.memory_space<vmem>>
      %dma_wait3A_178 = arith.constant 0 : i32
      %dma_wait3A_179 = arith.constant 0 : i32
      %dma_wait3A_180 = tpu.memref_slice %arg2[%dma_wait3A_178, %dma_wait3A_179] : memref<10000x128xf32, #tpu.memory_space<hbm>> -> memref<10000x128xf32, #tpu.memory_space<hbm>>
      tpu.wait_indirect_dma semaphore(%arg15 : memref<!tpu.dma_semaphore, #tpu.memory_space<semaphore_mem>>) src(%dma_wait3A_180 : memref<10000x128xf32, #tpu.memory_space<hbm>>) dst(%arg9 : memref<64x128xf32, #tpu.memory_space<vmem>>)
      %dma_wait3A_181 = arith.constant 4 : i32
      %dma_wait3A_182 = arith.constant 0 : i32
      %dma_wait3A_183 = tpu.memref_slice %arg8[%dma_wait3A_181, %dma_wait3A_182] : memref<16x64xi32, #tpu.memory_space<vmem>> -> memref<1x64xi32, #tpu.memory_space<vmem>>
      %dma_wait3A_184 = tpu.memref_squeeze %dma_wait3A_183 : memref<1x64xi32, #tpu.memory_space<vmem>> -> memref<64xi32, #tpu.memory_space<vmem>>
      %dma_wait3A_185 = arith.constant 0 : i32
      %dma_wait3A_186 = arith.constant 0 : i32
      %dma_wait3A_187 = tpu.memref_slice %arg14[%dma_wait3A_185, %dma_wait3A_186] : memref<10112x128xf32, #tpu.memory_space<vmem_shared>> -> memref<10112x128xf32, #tpu.memory_space<vmem_shared>>
      tpu.wait_indirect_dma semaphore(%arg24 : memref<!tpu.dma_semaphore, #tpu.memory_space<semaphore_mem>>) src(%arg13 : memref<64x128xf32, #tpu.memory_space<vmem>>) dst(%dma_wait3A_187 : memref<10112x128xf32, #tpu.memory_space<vmem_shared>>)
      %dma_start3A_188 = arith.constant 9 : i32
      %dma_start3A_189 = arith.constant 0 : i32
      %dma_start3A_190 = tpu.memref_slice %arg7[%dma_start3A_188, %dma_start3A_189] : memref<16x64xi32, #tpu.memory_space<vmem>> -> memref<1x64xi32, #tpu.memory_space<vmem>>
      %dma_start3A_191 = tpu.memref_squeeze %dma_start3A_190 : memref<1x64xi32, #tpu.memory_space<vmem>> -> memref<64xi32, #tpu.memory_space<vmem>>
      %dma_start3A_192 = arith.constant 0 : i32
      %dma_start3A_193 = arith.constant 0 : i32
      %dma_start3A_194 = tpu.memref_slice %arg2[%dma_start3A_192, %dma_start3A_193] : memref<10000x128xf32, #tpu.memory_space<hbm>> -> memref<10000x128xf32, #tpu.memory_space<hbm>>
      tpu.enqueue_indirect_dma source(%dma_start3A_194 : memref<10000x128xf32, #tpu.memory_space<hbm>>) target(%arg13 : memref<64x128xf32, #tpu.memory_space<vmem>>) offsets(%dma_start3A_191 : memref<64xi32, #tpu.memory_space<vmem>>) semaphore(%arg19 : memref<!tpu.dma_semaphore, #tpu.memory_space<semaphore_mem>>)
      %dma_start3A_195 = arith.constant 5 : i32
      %dma_start3A_196 = arith.constant 0 : i32
      %dma_start3A_197 = tpu.memref_slice %arg8[%dma_start3A_195, %dma_start3A_196] : memref<16x64xi32, #tpu.memory_space<vmem>> -> memref<1x64xi32, #tpu.memory_space<vmem>>
      %dma_start3A_198 = tpu.memref_squeeze %dma_start3A_197 : memref<1x64xi32, #tpu.memory_space<vmem>> -> memref<64xi32, #tpu.memory_space<vmem>>
      %dma_start3A_199 = arith.constant 0 : i32
      %dma_start3A_200 = arith.constant 0 : i32
      %dma_start3A_201 = tpu.memref_slice %arg14[%dma_start3A_199, %dma_start3A_200] : memref<10112x128xf32, #tpu.memory_space<vmem_shared>> -> memref<10112x128xf32, #tpu.memory_space<vmem_shared>>
      tpu.enqueue_indirect_dma source(%arg9 : memref<64x128xf32, #tpu.memory_space<vmem>>) target(%dma_start3A_201 : memref<10112x128xf32, #tpu.memory_space<vmem_shared>>) offsets(%dma_start3A_198 : memref<64xi32, #tpu.memory_space<vmem>>) semaphore(%arg20 : memref<!tpu.dma_semaphore, #tpu.memory_space<semaphore_mem>>) {add = true}
      %dma_wait3A_202 = arith.constant 6 : i32
      %dma_wait3A_203 = arith.constant 0 : i32
      %dma_wait3A_204 = tpu.memref_slice %arg7[%dma_wait3A_202, %dma_wait3A_203] : memref<16x64xi32, #tpu.memory_space<vmem>> -> memref<1x64xi32, #tpu.memory_space<vmem>>
      %dma_wait3A_205 = tpu.memref_squeeze %dma_wait3A_204 : memref<1x64xi32, #tpu.memory_space<vmem>> -> memref<64xi32, #tpu.memory_space<vmem>>
      %dma_wait3A_206 = arith.constant 0 : i32
      %dma_wait3A_207 = arith.constant 0 : i32
      %dma_wait3A_208 = tpu.memref_slice %arg2[%dma_wait3A_206, %dma_wait3A_207] : memref<10000x128xf32, #tpu.memory_space<hbm>> -> memref<10000x128xf32, #tpu.memory_space<hbm>>
      tpu.wait_indirect_dma semaphore(%arg16 : memref<!tpu.dma_semaphore, #tpu.memory_space<semaphore_mem>>) src(%dma_wait3A_208 : memref<10000x128xf32, #tpu.memory_space<hbm>>) dst(%arg10 : memref<64x128xf32, #tpu.memory_space<vmem>>)
      %dma_wait3A_209 = arith.constant 5 : i32
      %dma_wait3A_210 = arith.constant 0 : i32
      %dma_wait3A_211 = tpu.memref_slice %arg8[%dma_wait3A_209, %dma_wait3A_210] : memref<16x64xi32, #tpu.memory_space<vmem>> -> memref<1x64xi32, #tpu.memory_space<vmem>>
      %dma_wait3A_212 = tpu.memref_squeeze %dma_wait3A_211 : memref<1x64xi32, #tpu.memory_space<vmem>> -> memref<64xi32, #tpu.memory_space<vmem>>
      %dma_wait3A_213 = arith.constant 0 : i32
      %dma_wait3A_214 = arith.constant 0 : i32
      %dma_wait3A_215 = tpu.memref_slice %arg14[%dma_wait3A_213, %dma_wait3A_214] : memref<10112x128xf32, #tpu.memory_space<vmem_shared>> -> memref<10112x128xf32, #tpu.memory_space<vmem_shared>>
      tpu.wait_indirect_dma semaphore(%arg20 : memref<!tpu.dma_semaphore, #tpu.memory_space<semaphore_mem>>) src(%arg9 : memref<64x128xf32, #tpu.memory_space<vmem>>) dst(%dma_wait3A_215 : memref<10112x128xf32, #tpu.memory_space<vmem_shared>>)
      %dma_start3A_216 = arith.constant 10 : i32
      %dma_start3A_217 = arith.constant 0 : i32
      %dma_start3A_218 = tpu.memref_slice %arg7[%dma_start3A_216, %dma_start3A_217] : memref<16x64xi32, #tpu.memory_space<vmem>> -> memref<1x64xi32, #tpu.memory_space<vmem>>
      %dma_start3A_219 = tpu.memref_squeeze %dma_start3A_218 : memref<1x64xi32, #tpu.memory_space<vmem>> -> memref<64xi32, #tpu.memory_space<vmem>>
      %dma_start3A_220 = arith.constant 0 : i32
      %dma_start3A_221 = arith.constant 0 : i32
      %dma_start3A_222 = tpu.memref_slice %arg2[%dma_start3A_220, %dma_start3A_221] : memref<10000x128xf32, #tpu.memory_space<hbm>> -> memref<10000x128xf32, #tpu.memory_space<hbm>>
      tpu.enqueue_indirect_dma source(%dma_start3A_222 : memref<10000x128xf32, #tpu.memory_space<hbm>>) target(%arg9 : memref<64x128xf32, #tpu.memory_space<vmem>>) offsets(%dma_start3A_219 : memref<64xi32, #tpu.memory_space<vmem>>) semaphore(%arg15 : memref<!tpu.dma_semaphore, #tpu.memory_space<semaphore_mem>>)
      %dma_start3A_223 = arith.constant 6 : i32
      %dma_start3A_224 = arith.constant 0 : i32
      %dma_start3A_225 = tpu.memref_slice %arg8[%dma_start3A_223, %dma_start3A_224] : memref<16x64xi32, #tpu.memory_space<vmem>> -> memref<1x64xi32, #tpu.memory_space<vmem>>
      %dma_start3A_226 = tpu.memref_squeeze %dma_start3A_225 : memref<1x64xi32, #tpu.memory_space<vmem>> -> memref<64xi32, #tpu.memory_space<vmem>>
      %dma_start3A_227 = arith.constant 0 : i32
      %dma_start3A_228 = arith.constant 0 : i32
      %dma_start3A_229 = tpu.memref_slice %arg14[%dma_start3A_227, %dma_start3A_228] : memref<10112x128xf32, #tpu.memory_space<vmem_shared>> -> memref<10112x128xf32, #tpu.memory_space<vmem_shared>>
      tpu.enqueue_indirect_dma source(%arg10 : memref<64x128xf32, #tpu.memory_space<vmem>>) target(%dma_start3A_229 : memref<10112x128xf32, #tpu.memory_space<vmem_shared>>) offsets(%dma_start3A_226 : memref<64xi32, #tpu.memory_space<vmem>>) semaphore(%arg21 : memref<!tpu.dma_semaphore, #tpu.memory_space<semaphore_mem>>) {add = true}
      %dma_wait3A_230 = arith.constant 7 : i32
      %dma_wait3A_231 = arith.constant 0 : i32
      %dma_wait3A_232 = tpu.memref_slice %arg7[%dma_wait3A_230, %dma_wait3A_231] : memref<16x64xi32, #tpu.memory_space<vmem>> -> memref<1x64xi32, #tpu.memory_space<vmem>>
      %dma_wait3A_233 = tpu.memref_squeeze %dma_wait3A_232 : memref<1x64xi32, #tpu.memory_space<vmem>> -> memref<64xi32, #tpu.memory_space<vmem>>
      %dma_wait3A_234 = arith.constant 0 : i32
      %dma_wait3A_235 = arith.constant 0 : i32
      %dma_wait3A_236 = tpu.memref_slice %arg2[%dma_wait3A_234, %dma_wait3A_235] : memref<10000x128xf32, #tpu.memory_space<hbm>> -> memref<10000x128xf32, #tpu.memory_space<hbm>>
      tpu.wait_indirect_dma semaphore(%arg17 : memref<!tpu.dma_semaphore, #tpu.memory_space<semaphore_mem>>) src(%dma_wait3A_236 : memref<10000x128xf32, #tpu.memory_space<hbm>>) dst(%arg11 : memref<64x128xf32, #tpu.memory_space<vmem>>)
      %dma_wait3A_237 = arith.constant 6 : i32
      %dma_wait3A_238 = arith.constant 0 : i32
      %dma_wait3A_239 = tpu.memref_slice %arg8[%dma_wait3A_237, %dma_wait3A_238] : memref<16x64xi32, #tpu.memory_space<vmem>> -> memref<1x64xi32, #tpu.memory_space<vmem>>
      %dma_wait3A_240 = tpu.memref_squeeze %dma_wait3A_239 : memref<1x64xi32, #tpu.memory_space<vmem>> -> memref<64xi32, #tpu.memory_space<vmem>>
      %dma_wait3A_241 = arith.constant 0 : i32
      %dma_wait3A_242 = arith.constant 0 : i32
      %dma_wait3A_243 = tpu.memref_slice %arg14[%dma_wait3A_241, %dma_wait3A_242] : memref<10112x128xf32, #tpu.memory_space<vmem_shared>> -> memref<10112x128xf32, #tpu.memory_space<vmem_shared>>
      tpu.wait_indirect_dma semaphore(%arg21 : memref<!tpu.dma_semaphore, #tpu.memory_space<semaphore_mem>>) src(%arg10 : memref<64x128xf32, #tpu.memory_space<vmem>>) dst(%dma_wait3A_243 : memref<10112x128xf32, #tpu.memory_space<vmem_shared>>)
      %dma_start3A_244 = arith.constant 11 : i32
      %dma_start3A_245 = arith.constant 0 : i32
      %dma_start3A_246 = tpu.memref_slice %arg7[%dma_start3A_244, %dma_start3A_245] : memref<16x64xi32, #tpu.memory_space<vmem>> -> memref<1x64xi32, #tpu.memory_space<vmem>>
      %dma_start3A_247 = tpu.memref_squeeze %dma_start3A_246 : memref<1x64xi32, #tpu.memory_space<vmem>> -> memref<64xi32, #tpu.memory_space<vmem>>
      %dma_start3A_248 = arith.constant 0 : i32
      %dma_start3A_249 = arith.constant 0 : i32
      %dma_start3A_250 = tpu.memref_slice %arg2[%dma_start3A_248, %dma_start3A_249] : memref<10000x128xf32, #tpu.memory_space<hbm>> -> memref<10000x128xf32, #tpu.memory_space<hbm>>
      tpu.enqueue_indirect_dma source(%dma_start3A_250 : memref<10000x128xf32, #tpu.memory_space<hbm>>) target(%arg10 : memref<64x128xf32, #tpu.memory_space<vmem>>) offsets(%dma_start3A_247 : memref<64xi32, #tpu.memory_space<vmem>>) semaphore(%arg16 : memref<!tpu.dma_semaphore, #tpu.memory_space<semaphore_mem>>)
      %dma_start3A_251 = arith.constant 7 : i32
      %dma_start3A_252 = arith.constant 0 : i32
      %dma_start3A_253 = tpu.memref_slice %arg8[%dma_start3A_251, %dma_start3A_252] : memref<16x64xi32, #tpu.memory_space<vmem>> -> memref<1x64xi32, #tpu.memory_space<vmem>>
      %dma_start3A_254 = tpu.memref_squeeze %dma_start3A_253 : memref<1x64xi32, #tpu.memory_space<vmem>> -> memref<64xi32, #tpu.memory_space<vmem>>
      %dma_start3A_255 = arith.constant 0 : i32
      %dma_start3A_256 = arith.constant 0 : i32
      %dma_start3A_257 = tpu.memref_slice %arg14[%dma_start3A_255, %dma_start3A_256] : memref<10112x128xf32, #tpu.memory_space<vmem_shared>> -> memref<10112x128xf32, #tpu.memory_space<vmem_shared>>
      tpu.enqueue_indirect_dma source(%arg11 : memref<64x128xf32, #tpu.memory_space<vmem>>) target(%dma_start3A_257 : memref<10112x128xf32, #tpu.memory_space<vmem_shared>>) offsets(%dma_start3A_254 : memref<64xi32, #tpu.memory_space<vmem>>) semaphore(%arg22 : memref<!tpu.dma_semaphore, #tpu.memory_space<semaphore_mem>>) {add = true}
      %dma_wait3A_258 = arith.constant 8 : i32
      %dma_wait3A_259 = arith.constant 0 : i32
      %dma_wait3A_260 = tpu.memref_slice %arg7[%dma_wait3A_258, %dma_wait3A_259] : memref<16x64xi32, #tpu.memory_space<vmem>> -> memref<1x64xi32, #tpu.memory_space<vmem>>
      %dma_wait3A_261 = tpu.memref_squeeze %dma_wait3A_260 : memref<1x64xi32, #tpu.memory_space<vmem>> -> memref<64xi32, #tpu.memory_space<vmem>>
      %dma_wait3A_262 = arith.constant 0 : i32
      %dma_wait3A_263 = arith.constant 0 : i32
      %dma_wait3A_264 = tpu.memref_slice %arg2[%dma_wait3A_262, %dma_wait3A_263] : memref<10000x128xf32, #tpu.memory_space<hbm>> -> memref<10000x128xf32, #tpu.memory_space<hbm>>
      tpu.wait_indirect_dma semaphore(%arg18 : memref<!tpu.dma_semaphore, #tpu.memory_space<semaphore_mem>>) src(%dma_wait3A_264 : memref<10000x128xf32, #tpu.memory_space<hbm>>) dst(%arg12 : memref<64x128xf32, #tpu.memory_space<vmem>>)
      %dma_wait3A_265 = arith.constant 7 : i32
      %dma_wait3A_266 = arith.constant 0 : i32
      %dma_wait3A_267 = tpu.memref_slice %arg8[%dma_wait3A_265, %dma_wait3A_266] : memref<16x64xi32, #tpu.memory_space<vmem>> -> memref<1x64xi32, #tpu.memory_space<vmem>>
      %dma_wait3A_268 = tpu.memref_squeeze %dma_wait3A_267 : memref<1x64xi32, #tpu.memory_space<vmem>> -> memref<64xi32, #tpu.memory_space<vmem>>
      %dma_wait3A_269 = arith.constant 0 : i32
      %dma_wait3A_270 = arith.constant 0 : i32
      %dma_wait3A_271 = tpu.memref_slice %arg14[%dma_wait3A_269, %dma_wait3A_270] : memref<10112x128xf32, #tpu.memory_space<vmem_shared>> -> memref<10112x128xf32, #tpu.memory_space<vmem_shared>>
      tpu.wait_indirect_dma semaphore(%arg22 : memref<!tpu.dma_semaphore, #tpu.memory_space<semaphore_mem>>) src(%arg11 : memref<64x128xf32, #tpu.memory_space<vmem>>) dst(%dma_wait3A_271 : memref<10112x128xf32, #tpu.memory_space<vmem_shared>>)
      %dma_start3A_272 = arith.constant 12 : i32
      %dma_start3A_273 = arith.constant 0 : i32
      %dma_start3A_274 = tpu.memref_slice %arg7[%dma_start3A_272, %dma_start3A_273] : memref<16x64xi32, #tpu.memory_space<vmem>> -> memref<1x64xi32, #tpu.memory_space<vmem>>
      %dma_start3A_275 = tpu.memref_squeeze %dma_start3A_274 : memref<1x64xi32, #tpu.memory_space<vmem>> -> memref<64xi32, #tpu.memory_space<vmem>>
      %dma_start3A_276 = arith.constant 0 : i32
      %dma_start3A_277 = arith.constant 0 : i32
      %dma_start3A_278 = tpu.memref_slice %arg2[%dma_start3A_276, %dma_start3A_277] : memref<10000x128xf32, #tpu.memory_space<hbm>> -> memref<10000x128xf32, #tpu.memory_space<hbm>>
      tpu.enqueue_indirect_dma source(%dma_start3A_278 : memref<10000x128xf32, #tpu.memory_space<hbm>>) target(%arg11 : memref<64x128xf32, #tpu.memory_space<vmem>>) offsets(%dma_start3A_275 : memref<64xi32, #tpu.memory_space<vmem>>) semaphore(%arg17 : memref<!tpu.dma_semaphore, #tpu.memory_space<semaphore_mem>>)
      %dma_start3A_279 = arith.constant 8 : i32
      %dma_start3A_280 = arith.constant 0 : i32
      %dma_start3A_281 = tpu.memref_slice %arg8[%dma_start3A_279, %dma_start3A_280] : memref<16x64xi32, #tpu.memory_space<vmem>> -> memref<1x64xi32, #tpu.memory_space<vmem>>
      %dma_start3A_282 = tpu.memref_squeeze %dma_start3A_281 : memref<1x64xi32, #tpu.memory_space<vmem>> -> memref<64xi32, #tpu.memory_space<vmem>>
      %dma_start3A_283 = arith.constant 0 : i32
      %dma_start3A_284 = arith.constant 0 : i32
      %dma_start3A_285 = tpu.memref_slice %arg14[%dma_start3A_283, %dma_start3A_284] : memref<10112x128xf32, #tpu.memory_space<vmem_shared>> -> memref<10112x128xf32, #tpu.memory_space<vmem_shared>>
      tpu.enqueue_indirect_dma source(%arg12 : memref<64x128xf32, #tpu.memory_space<vmem>>) target(%dma_start3A_285 : memref<10112x128xf32, #tpu.memory_space<vmem_shared>>) offsets(%dma_start3A_282 : memref<64xi32, #tpu.memory_space<vmem>>) semaphore(%arg23 : memref<!tpu.dma_semaphore, #tpu.memory_space<semaphore_mem>>) {add = true}
      %dma_wait3A_286 = arith.constant 9 : i32
      %dma_wait3A_287 = arith.constant 0 : i32
      %dma_wait3A_288 = tpu.memref_slice %arg7[%dma_wait3A_286, %dma_wait3A_287] : memref<16x64xi32, #tpu.memory_space<vmem>> -> memref<1x64xi32, #tpu.memory_space<vmem>>
      %dma_wait3A_289 = tpu.memref_squeeze %dma_wait3A_288 : memref<1x64xi32, #tpu.memory_space<vmem>> -> memref<64xi32, #tpu.memory_space<vmem>>
      %dma_wait3A_290 = arith.constant 0 : i32
      %dma_wait3A_291 = arith.constant 0 : i32
      %dma_wait3A_292 = tpu.memref_slice %arg2[%dma_wait3A_290, %dma_wait3A_291] : memref<10000x128xf32, #tpu.memory_space<hbm>> -> memref<10000x128xf32, #tpu.memory_space<hbm>>
      tpu.wait_indirect_dma semaphore(%arg19 : memref<!tpu.dma_semaphore, #tpu.memory_space<semaphore_mem>>) src(%dma_wait3A_292 : memref<10000x128xf32, #tpu.memory_space<hbm>>) dst(%arg13 : memref<64x128xf32, #tpu.memory_space<vmem>>)
      %dma_wait3A_293 = arith.constant 8 : i32
      %dma_wait3A_294 = arith.constant 0 : i32
      %dma_wait3A_295 = tpu.memref_slice %arg8[%dma_wait3A_293, %dma_wait3A_294] : memref<16x64xi32, #tpu.memory_space<vmem>> -> memref<1x64xi32, #tpu.memory_space<vmem>>
      %dma_wait3A_296 = tpu.memref_squeeze %dma_wait3A_295 : memref<1x64xi32, #tpu.memory_space<vmem>> -> memref<64xi32, #tpu.memory_space<vmem>>
      %dma_wait3A_297 = arith.constant 0 : i32
      %dma_wait3A_298 = arith.constant 0 : i32
      %dma_wait3A_299 = tpu.memref_slice %arg14[%dma_wait3A_297, %dma_wait3A_298] : memref<10112x128xf32, #tpu.memory_space<vmem_shared>> -> memref<10112x128xf32, #tpu.memory_space<vmem_shared>>
      tpu.wait_indirect_dma semaphore(%arg23 : memref<!tpu.dma_semaphore, #tpu.memory_space<semaphore_mem>>) src(%arg12 : memref<64x128xf32, #tpu.memory_space<vmem>>) dst(%dma_wait3A_299 : memref<10112x128xf32, #tpu.memory_space<vmem_shared>>)
      %dma_start3A_300 = arith.constant 13 : i32
      %dma_start3A_301 = arith.constant 0 : i32
      %dma_start3A_302 = tpu.memref_slice %arg7[%dma_start3A_300, %dma_start3A_301] : memref<16x64xi32, #tpu.memory_space<vmem>> -> memref<1x64xi32, #tpu.memory_space<vmem>>
      %dma_start3A_303 = tpu.memref_squeeze %dma_start3A_302 : memref<1x64xi32, #tpu.memory_space<vmem>> -> memref<64xi32, #tpu.memory_space<vmem>>
      %dma_start3A_304 = arith.constant 0 : i32
      %dma_start3A_305 = arith.constant 0 : i32
      %dma_start3A_306 = tpu.memref_slice %arg2[%dma_start3A_304, %dma_start3A_305] : memref<10000x128xf32, #tpu.memory_space<hbm>> -> memref<10000x128xf32, #tpu.memory_space<hbm>>
      tpu.enqueue_indirect_dma source(%dma_start3A_306 : memref<10000x128xf32, #tpu.memory_space<hbm>>) target(%arg12 : memref<64x128xf32, #tpu.memory_space<vmem>>) offsets(%dma_start3A_303 : memref<64xi32, #tpu.memory_space<vmem>>) semaphore(%arg18 : memref<!tpu.dma_semaphore, #tpu.memory_space<semaphore_mem>>)
      %dma_start3A_307 = arith.constant 9 : i32
      %dma_start3A_308 = arith.constant 0 : i32
      %dma_start3A_309 = tpu.memref_slice %arg8[%dma_start3A_307, %dma_start3A_308] : memref<16x64xi32, #tpu.memory_space<vmem>> -> memref<1x64xi32, #tpu.memory_space<vmem>>
      %dma_start3A_310 = tpu.memref_squeeze %dma_start3A_309 : memref<1x64xi32, #tpu.memory_space<vmem>> -> memref<64xi32, #tpu.memory_space<vmem>>
      %dma_start3A_311 = arith.constant 0 : i32
      %dma_start3A_312 = arith.constant 0 : i32
      %dma_start3A_313 = tpu.memref_slice %arg14[%dma_start3A_311, %dma_start3A_312] : memref<10112x128xf32, #tpu.memory_space<vmem_shared>> -> memref<10112x128xf32, #tpu.memory_space<vmem_shared>>
      tpu.enqueue_indirect_dma source(%arg13 : memref<64x128xf32, #tpu.memory_space<vmem>>) target(%dma_start3A_313 : memref<10112x128xf32, #tpu.memory_space<vmem_shared>>) offsets(%dma_start3A_310 : memref<64xi32, #tpu.memory_space<vmem>>) semaphore(%arg24 : memref<!tpu.dma_semaphore, #tpu.memory_space<semaphore_mem>>) {add = true}
      %dma_wait3A_314 = arith.constant 10 : i32
      %dma_wait3A_315 = arith.constant 0 : i32
      %dma_wait3A_316 = tpu.memref_slice %arg7[%dma_wait3A_314, %dma_wait3A_315] : memref<16x64xi32, #tpu.memory_space<vmem>> -> memref<1x64xi32, #tpu.memory_space<vmem>>
      %dma_wait3A_317 = tpu.memref_squeeze %dma_wait3A_316 : memref<1x64xi32, #tpu.memory_space<vmem>> -> memref<64xi32, #tpu.memory_space<vmem>>
      %dma_wait3A_318 = arith.constant 0 : i32
      %dma_wait3A_319 = arith.constant 0 : i32
      %dma_wait3A_320 = tpu.memref_slice %arg2[%dma_wait3A_318, %dma_wait3A_319] : memref<10000x128xf32, #tpu.memory_space<hbm>> -> memref<10000x128xf32, #tpu.memory_space<hbm>>
      tpu.wait_indirect_dma semaphore(%arg15 : memref<!tpu.dma_semaphore, #tpu.memory_space<semaphore_mem>>) src(%dma_wait3A_320 : memref<10000x128xf32, #tpu.memory_space<hbm>>) dst(%arg9 : memref<64x128xf32, #tpu.memory_space<vmem>>)
      %dma_wait3A_321 = arith.constant 9 : i32
      %dma_wait3A_322 = arith.constant 0 : i32
      %dma_wait3A_323 = tpu.memref_slice %arg8[%dma_wait3A_321, %dma_wait3A_322] : memref<16x64xi32, #tpu.memory_space<vmem>> -> memref<1x64xi32, #tpu.memory_space<vmem>>
      %dma_wait3A_324 = tpu.memref_squeeze %dma_wait3A_323 : memref<1x64xi32, #tpu.memory_space<vmem>> -> memref<64xi32, #tpu.memory_space<vmem>>
      %dma_wait3A_325 = arith.constant 0 : i32
      %dma_wait3A_326 = arith.constant 0 : i32
      %dma_wait3A_327 = tpu.memref_slice %arg14[%dma_wait3A_325, %dma_wait3A_326] : memref<10112x128xf32, #tpu.memory_space<vmem_shared>> -> memref<10112x128xf32, #tpu.memory_space<vmem_shared>>
      tpu.wait_indirect_dma semaphore(%arg24 : memref<!tpu.dma_semaphore, #tpu.memory_space<semaphore_mem>>) src(%arg13 : memref<64x128xf32, #tpu.memory_space<vmem>>) dst(%dma_wait3A_327 : memref<10112x128xf32, #tpu.memory_space<vmem_shared>>)
      %dma_start3A_328 = arith.constant 14 : i32
      %dma_start3A_329 = arith.constant 0 : i32
      %dma_start3A_330 = tpu.memref_slice %arg7[%dma_start3A_328, %dma_start3A_329] : memref<16x64xi32, #tpu.memory_space<vmem>> -> memref<1x64xi32, #tpu.memory_space<vmem>>
      %dma_start3A_331 = tpu.memref_squeeze %dma_start3A_330 : memref<1x64xi32, #tpu.memory_space<vmem>> -> memref<64xi32, #tpu.memory_space<vmem>>
      %dma_start3A_332 = arith.constant 0 : i32
      %dma_start3A_333 = arith.constant 0 : i32
      %dma_start3A_334 = tpu.memref_slice %arg2[%dma_start3A_332, %dma_start3A_333] : memref<10000x128xf32, #tpu.memory_space<hbm>> -> memref<10000x128xf32, #tpu.memory_space<hbm>>
      tpu.enqueue_indirect_dma source(%dma_start3A_334 : memref<10000x128xf32, #tpu.memory_space<hbm>>) target(%arg13 : memref<64x128xf32, #tpu.memory_space<vmem>>) offsets(%dma_start3A_331 : memref<64xi32, #tpu.memory_space<vmem>>) semaphore(%arg19 : memref<!tpu.dma_semaphore, #tpu.memory_space<semaphore_mem>>)
      %dma_start3A_335 = arith.constant 10 : i32
      %dma_start3A_336 = arith.constant 0 : i32
      %dma_start3A_337 = tpu.memref_slice %arg8[%dma_start3A_335, %dma_start3A_336] : memref<16x64xi32, #tpu.memory_space<vmem>> -> memref<1x64xi32, #tpu.memory_space<vmem>>
      %dma_start3A_338 = tpu.memref_squeeze %dma_start3A_337 : memref<1x64xi32, #tpu.memory_space<vmem>> -> memref<64xi32, #tpu.memory_space<vmem>>
      %dma_start3A_339 = arith.constant 0 : i32
      %dma_start3A_340 = arith.constant 0 : i32
      %dma_start3A_341 = tpu.memref_slice %arg14[%dma_start3A_339, %dma_start3A_340] : memref<10112x128xf32, #tpu.memory_space<vmem_shared>> -> memref<10112x128xf32, #tpu.memory_space<vmem_shared>>
      tpu.enqueue_indirect_dma source(%arg9 : memref<64x128xf32, #tpu.memory_space<vmem>>) target(%dma_start3A_341 : memref<10112x128xf32, #tpu.memory_space<vmem_shared>>) offsets(%dma_start3A_338 : memref<64xi32, #tpu.memory_space<vmem>>) semaphore(%arg20 : memref<!tpu.dma_semaphore, #tpu.memory_space<semaphore_mem>>) {add = true}
      %dma_wait3A_342 = arith.constant 11 : i32
      %dma_wait3A_343 = arith.constant 0 : i32
      %dma_wait3A_344 = tpu.memref_slice %arg7[%dma_wait3A_342, %dma_wait3A_343] : memref<16x64xi32, #tpu.memory_space<vmem>> -> memref<1x64xi32, #tpu.memory_space<vmem>>
      %dma_wait3A_345 = tpu.memref_squeeze %dma_wait3A_344 : memref<1x64xi32, #tpu.memory_space<vmem>> -> memref<64xi32, #tpu.memory_space<vmem>>
      %dma_wait3A_346 = arith.constant 0 : i32
      %dma_wait3A_347 = arith.constant 0 : i32
      %dma_wait3A_348 = tpu.memref_slice %arg2[%dma_wait3A_346, %dma_wait3A_347] : memref<10000x128xf32, #tpu.memory_space<hbm>> -> memref<10000x128xf32, #tpu.memory_space<hbm>>
      tpu.wait_indirect_dma semaphore(%arg16 : memref<!tpu.dma_semaphore, #tpu.memory_space<semaphore_mem>>) src(%dma_wait3A_348 : memref<10000x128xf32, #tpu.memory_space<hbm>>) dst(%arg10 : memref<64x128xf32, #tpu.memory_space<vmem>>)
      %dma_wait3A_349 = arith.constant 10 : i32
      %dma_wait3A_350 = arith.constant 0 : i32
      %dma_wait3A_351 = tpu.memref_slice %arg8[%dma_wait3A_349, %dma_wait3A_350] : memref<16x64xi32, #tpu.memory_space<vmem>> -> memref<1x64xi32, #tpu.memory_space<vmem>>
      %dma_wait3A_352 = tpu.memref_squeeze %dma_wait3A_351 : memref<1x64xi32, #tpu.memory_space<vmem>> -> memref<64xi32, #tpu.memory_space<vmem>>
      %dma_wait3A_353 = arith.constant 0 : i32
      %dma_wait3A_354 = arith.constant 0 : i32
      %dma_wait3A_355 = tpu.memref_slice %arg14[%dma_wait3A_353, %dma_wait3A_354] : memref<10112x128xf32, #tpu.memory_space<vmem_shared>> -> memref<10112x128xf32, #tpu.memory_space<vmem_shared>>
      tpu.wait_indirect_dma semaphore(%arg20 : memref<!tpu.dma_semaphore, #tpu.memory_space<semaphore_mem>>) src(%arg9 : memref<64x128xf32, #tpu.memory_space<vmem>>) dst(%dma_wait3A_355 : memref<10112x128xf32, #tpu.memory_space<vmem_shared>>)
      %dma_start3A_356 = arith.constant 15 : i32
      %dma_start3A_357 = arith.constant 0 : i32
      %dma_start3A_358 = tpu.memref_slice %arg7[%dma_start3A_356, %dma_start3A_357] : memref<16x64xi32, #tpu.memory_space<vmem>> -> memref<1x64xi32, #tpu.memory_space<vmem>>
      %dma_start3A_359 = tpu.memref_squeeze %dma_start3A_358 : memref<1x64xi32, #tpu.memory_space<vmem>> -> memref<64xi32, #tpu.memory_space<vmem>>
      %dma_start3A_360 = arith.constant 0 : i32
      %dma_start3A_361 = arith.constant 0 : i32
      %dma_start3A_362 = tpu.memref_slice %arg2[%dma_start3A_360, %dma_start3A_361] : memref<10000x128xf32, #tpu.memory_space<hbm>> -> memref<10000x128xf32, #tpu.memory_space<hbm>>
      tpu.enqueue_indirect_dma source(%dma_start3A_362 : memref<10000x128xf32, #tpu.memory_space<hbm>>) target(%arg9 : memref<64x128xf32, #tpu.memory_space<vmem>>) offsets(%dma_start3A_359 : memref<64xi32, #tpu.memory_space<vmem>>) semaphore(%arg15 : memref<!tpu.dma_semaphore, #tpu.memory_space<semaphore_mem>>)
      %dma_start3A_363 = arith.constant 11 : i32
      %dma_start3A_364 = arith.constant 0 : i32
      %dma_start3A_365 = tpu.memref_slice %arg8[%dma_start3A_363, %dma_start3A_364] : memref<16x64xi32, #tpu.memory_space<vmem>> -> memref<1x64xi32, #tpu.memory_space<vmem>>
      %dma_start3A_366 = tpu.memref_squeeze %dma_start3A_365 : memref<1x64xi32, #tpu.memory_space<vmem>> -> memref<64xi32, #tpu.memory_space<vmem>>
      %dma_start3A_367 = arith.constant 0 : i32
      %dma_start3A_368 = arith.constant 0 : i32
      %dma_start3A_369 = tpu.memref_slice %arg14[%dma_start3A_367, %dma_start3A_368] : memref<10112x128xf32, #tpu.memory_space<vmem_shared>> -> memref<10112x128xf32, #tpu.memory_space<vmem_shared>>
      tpu.enqueue_indirect_dma source(%arg10 : memref<64x128xf32, #tpu.memory_space<vmem>>) target(%dma_start3A_369 : memref<10112x128xf32, #tpu.memory_space<vmem_shared>>) offsets(%dma_start3A_366 : memref<64xi32, #tpu.memory_space<vmem>>) semaphore(%arg21 : memref<!tpu.dma_semaphore, #tpu.memory_space<semaphore_mem>>) {add = true}
      %dma_wait3A_370 = arith.constant 12 : i32
      %dma_wait3A_371 = arith.constant 0 : i32
      %dma_wait3A_372 = tpu.memref_slice %arg7[%dma_wait3A_370, %dma_wait3A_371] : memref<16x64xi32, #tpu.memory_space<vmem>> -> memref<1x64xi32, #tpu.memory_space<vmem>>
      %dma_wait3A_373 = tpu.memref_squeeze %dma_wait3A_372 : memref<1x64xi32, #tpu.memory_space<vmem>> -> memref<64xi32, #tpu.memory_space<vmem>>
      %dma_wait3A_374 = arith.constant 0 : i32
      %dma_wait3A_375 = arith.constant 0 : i32
      %dma_wait3A_376 = tpu.memref_slice %arg2[%dma_wait3A_374, %dma_wait3A_375] : memref<10000x128xf32, #tpu.memory_space<hbm>> -> memref<10000x128xf32, #tpu.memory_space<hbm>>
      tpu.wait_indirect_dma semaphore(%arg17 : memref<!tpu.dma_semaphore, #tpu.memory_space<semaphore_mem>>) src(%dma_wait3A_376 : memref<10000x128xf32, #tpu.memory_space<hbm>>) dst(%arg11 : memref<64x128xf32, #tpu.memory_space<vmem>>)
      %dma_start3A_377 = arith.constant 12 : i32
      %dma_start3A_378 = arith.constant 0 : i32
      %dma_start3A_379 = tpu.memref_slice %arg8[%dma_start3A_377, %dma_start3A_378] : memref<16x64xi32, #tpu.memory_space<vmem>> -> memref<1x64xi32, #tpu.memory_space<vmem>>
      %dma_start3A_380 = tpu.memref_squeeze %dma_start3A_379 : memref<1x64xi32, #tpu.memory_space<vmem>> -> memref<64xi32, #tpu.memory_space<vmem>>
      %dma_start3A_381 = arith.constant 0 : i32
      %dma_start3A_382 = arith.constant 0 : i32
      %dma_start3A_383 = tpu.memref_slice %arg14[%dma_start3A_381, %dma_start3A_382] : memref<10112x128xf32, #tpu.memory_space<vmem_shared>> -> memref<10112x128xf32, #tpu.memory_space<vmem_shared>>
      tpu.enqueue_indirect_dma source(%arg11 : memref<64x128xf32, #tpu.memory_space<vmem>>) target(%dma_start3A_383 : memref<10112x128xf32, #tpu.memory_space<vmem_shared>>) offsets(%dma_start3A_380 : memref<64xi32, #tpu.memory_space<vmem>>) semaphore(%arg22 : memref<!tpu.dma_semaphore, #tpu.memory_space<semaphore_mem>>) {add = true}
      %dma_wait3A_384 = arith.constant 13 : i32
      %dma_wait3A_385 = arith.constant 0 : i32
      %dma_wait3A_386 = tpu.memref_slice %arg7[%dma_wait3A_384, %dma_wait3A_385] : memref<16x64xi32, #tpu.memory_space<vmem>> -> memref<1x64xi32, #tpu.memory_space<vmem>>
      %dma_wait3A_387 = tpu.memref_squeeze %dma_wait3A_386 : memref<1x64xi32, #tpu.memory_space<vmem>> -> memref<64xi32, #tpu.memory_space<vmem>>
      %dma_wait3A_388 = arith.constant 0 : i32
      %dma_wait3A_389 = arith.constant 0 : i32
      %dma_wait3A_390 = tpu.memref_slice %arg2[%dma_wait3A_388, %dma_wait3A_389] : memref<10000x128xf32, #tpu.memory_space<hbm>> -> memref<10000x128xf32, #tpu.memory_space<hbm>>
      tpu.wait_indirect_dma semaphore(%arg18 : memref<!tpu.dma_semaphore, #tpu.memory_space<semaphore_mem>>) src(%dma_wait3A_390 : memref<10000x128xf32, #tpu.memory_space<hbm>>) dst(%arg12 : memref<64x128xf32, #tpu.memory_space<vmem>>)
      %dma_start3A_391 = arith.constant 13 : i32
      %dma_start3A_392 = arith.constant 0 : i32
      %dma_start3A_393 = tpu.memref_slice %arg8[%dma_start3A_391, %dma_start3A_392] : memref<16x64xi32, #tpu.memory_space<vmem>> -> memref<1x64xi32, #tpu.memory_space<vmem>>
      %dma_start3A_394 = tpu.memref_squeeze %dma_start3A_393 : memref<1x64xi32, #tpu.memory_space<vmem>> -> memref<64xi32, #tpu.memory_space<vmem>>
      %dma_start3A_395 = arith.constant 0 : i32
      %dma_start3A_396 = arith.constant 0 : i32
      %dma_start3A_397 = tpu.memref_slice %arg14[%dma_start3A_395, %dma_start3A_396] : memref<10112x128xf32, #tpu.memory_space<vmem_shared>> -> memref<10112x128xf32, #tpu.memory_space<vmem_shared>>
      tpu.enqueue_indirect_dma source(%arg12 : memref<64x128xf32, #tpu.memory_space<vmem>>) target(%dma_start3A_397 : memref<10112x128xf32, #tpu.memory_space<vmem_shared>>) offsets(%dma_start3A_394 : memref<64xi32, #tpu.memory_space<vmem>>) semaphore(%arg23 : memref<!tpu.dma_semaphore, #tpu.memory_space<semaphore_mem>>) {add = true}
      %dma_wait3A_398 = arith.constant 14 : i32
      %dma_wait3A_399 = arith.constant 0 : i32
      %dma_wait3A_400 = tpu.memref_slice %arg7[%dma_wait3A_398, %dma_wait3A_399] : memref<16x64xi32, #tpu.memory_space<vmem>> -> memref<1x64xi32, #tpu.memory_space<vmem>>
      %dma_wait3A_401 = tpu.memref_squeeze %dma_wait3A_400 : memref<1x64xi32, #tpu.memory_space<vmem>> -> memref<64xi32, #tpu.memory_space<vmem>>
      %dma_wait3A_402 = arith.constant 0 : i32
      %dma_wait3A_403 = arith.constant 0 : i32
      %dma_wait3A_404 = tpu.memref_slice %arg2[%dma_wait3A_402, %dma_wait3A_403] : memref<10000x128xf32, #tpu.memory_space<hbm>> -> memref<10000x128xf32, #tpu.memory_space<hbm>>
      tpu.wait_indirect_dma semaphore(%arg19 : memref<!tpu.dma_semaphore, #tpu.memory_space<semaphore_mem>>) src(%dma_wait3A_404 : memref<10000x128xf32, #tpu.memory_space<hbm>>) dst(%arg13 : memref<64x128xf32, #tpu.memory_space<vmem>>)
      %dma_start3A_405 = arith.constant 14 : i32
      %dma_start3A_406 = arith.constant 0 : i32
      %dma_start3A_407 = tpu.memref_slice %arg8[%dma_start3A_405, %dma_start3A_406] : memref<16x64xi32, #tpu.memory_space<vmem>> -> memref<1x64xi32, #tpu.memory_space<vmem>>
      %dma_start3A_408 = tpu.memref_squeeze %dma_start3A_407 : memref<1x64xi32, #tpu.memory_space<vmem>> -> memref<64xi32, #tpu.memory_space<vmem>>
      %dma_start3A_409 = arith.constant 0 : i32
      %dma_start3A_410 = arith.constant 0 : i32
      %dma_start3A_411 = tpu.memref_slice %arg14[%dma_start3A_409, %dma_start3A_410] : memref<10112x128xf32, #tpu.memory_space<vmem_shared>> -> memref<10112x128xf32, #tpu.memory_space<vmem_shared>>
      tpu.enqueue_indirect_dma source(%arg13 : memref<64x128xf32, #tpu.memory_space<vmem>>) target(%dma_start3A_411 : memref<10112x128xf32, #tpu.memory_space<vmem_shared>>) offsets(%dma_start3A_408 : memref<64xi32, #tpu.memory_space<vmem>>) semaphore(%arg24 : memref<!tpu.dma_semaphore, #tpu.memory_space<semaphore_mem>>) {add = true}
      %dma_wait3A_412 = arith.constant 15 : i32
      %dma_wait3A_413 = arith.constant 0 : i32
      %dma_wait3A_414 = tpu.memref_slice %arg7[%dma_wait3A_412, %dma_wait3A_413] : memref<16x64xi32, #tpu.memory_space<vmem>> -> memref<1x64xi32, #tpu.memory_space<vmem>>
      %dma_wait3A_415 = tpu.memref_squeeze %dma_wait3A_414 : memref<1x64xi32, #tpu.memory_space<vmem>> -> memref<64xi32, #tpu.memory_space<vmem>>
      %dma_wait3A_416 = arith.constant 0 : i32
      %dma_wait3A_417 = arith.constant 0 : i32
      %dma_wait3A_418 = tpu.memref_slice %arg2[%dma_wait3A_416, %dma_wait3A_417] : memref<10000x128xf32, #tpu.memory_space<hbm>> -> memref<10000x128xf32, #tpu.memory_space<hbm>>
      tpu.wait_indirect_dma semaphore(%arg15 : memref<!tpu.dma_semaphore, #tpu.memory_space<semaphore_mem>>) src(%dma_wait3A_418 : memref<10000x128xf32, #tpu.memory_space<hbm>>) dst(%arg9 : memref<64x128xf32, #tpu.memory_space<vmem>>)
      %dma_start3A_419 = arith.constant 15 : i32
      %dma_start3A_420 = arith.constant 0 : i32
      %dma_start3A_421 = tpu.memref_slice %arg8[%dma_start3A_419, %dma_start3A_420] : memref<16x64xi32, #tpu.memory_space<vmem>> -> memref<1x64xi32, #tpu.memory_space<vmem>>
      %dma_start3A_422 = tpu.memref_squeeze %dma_start3A_421 : memref<1x64xi32, #tpu.memory_space<vmem>> -> memref<64xi32, #tpu.memory_space<vmem>>
      %dma_start3A_423 = arith.constant 0 : i32
      %dma_start3A_424 = arith.constant 0 : i32
      %dma_start3A_425 = tpu.memref_slice %arg14[%dma_start3A_423, %dma_start3A_424] : memref<10112x128xf32, #tpu.memory_space<vmem_shared>> -> memref<10112x128xf32, #tpu.memory_space<vmem_shared>>
      tpu.enqueue_indirect_dma source(%arg9 : memref<64x128xf32, #tpu.memory_space<vmem>>) target(%dma_start3A_425 : memref<10112x128xf32, #tpu.memory_space<vmem_shared>>) offsets(%dma_start3A_422 : memref<64xi32, #tpu.memory_space<vmem>>) semaphore(%arg20 : memref<!tpu.dma_semaphore, #tpu.memory_space<semaphore_mem>>) {add = true}
      %dma_wait3A_426 = arith.constant 15 : i32
      %dma_wait3A_427 = arith.constant 0 : i32
      %dma_wait3A_428 = tpu.memref_slice %arg8[%dma_wait3A_426, %dma_wait3A_427] : memref<16x64xi32, #tpu.memory_space<vmem>> -> memref<1x64xi32, #tpu.memory_space<vmem>>
      %dma_wait3A_429 = tpu.memref_squeeze %dma_wait3A_428 : memref<1x64xi32, #tpu.memory_space<vmem>> -> memref<64xi32, #tpu.memory_space<vmem>>
      %dma_wait3A_430 = arith.constant 0 : i32
      %dma_wait3A_431 = arith.constant 0 : i32
      %dma_wait3A_432 = tpu.memref_slice %arg14[%dma_wait3A_430, %dma_wait3A_431] : memref<10112x128xf32, #tpu.memory_space<vmem_shared>> -> memref<10112x128xf32, #tpu.memory_space<vmem_shared>>
      tpu.wait_indirect_dma semaphore(%arg20 : memref<!tpu.dma_semaphore, #tpu.memory_space<semaphore_mem>>) src(%arg9 : memref<64x128xf32, #tpu.memory_space<vmem>>) dst(%dma_wait3A_432 : memref<10112x128xf32, #tpu.memory_space<vmem_shared>>)
      %dma_wait3A_433 = arith.constant 11 : i32
      %dma_wait3A_434 = arith.constant 0 : i32
      %dma_wait3A_435 = tpu.memref_slice %arg8[%dma_wait3A_433, %dma_wait3A_434] : memref<16x64xi32, #tpu.memory_space<vmem>> -> memref<1x64xi32, #tpu.memory_space<vmem>>
      %dma_wait3A_436 = tpu.memref_squeeze %dma_wait3A_435 : memref<1x64xi32, #tpu.memory_space<vmem>> -> memref<64xi32, #tpu.memory_space<vmem>>
      %dma_wait3A_437 = arith.constant 0 : i32
      %dma_wait3A_438 = arith.constant 0 : i32
      %dma_wait3A_439 = tpu.memref_slice %arg14[%dma_wait3A_437, %dma_wait3A_438] : memref<10112x128xf32, #tpu.memory_space<vmem_shared>> -> memref<10112x128xf32, #tpu.memory_space<vmem_shared>>
      tpu.wait_indirect_dma semaphore(%arg21 : memref<!tpu.dma_semaphore, #tpu.memory_space<semaphore_mem>>) src(%arg10 : memref<64x128xf32, #tpu.memory_space<vmem>>) dst(%dma_wait3A_439 : memref<10112x128xf32, #tpu.memory_space<vmem_shared>>)
      %dma_wait3A_440 = arith.constant 12 : i32
      %dma_wait3A_441 = arith.constant 0 : i32
      %dma_wait3A_442 = tpu.memref_slice %arg8[%dma_wait3A_440, %dma_wait3A_441] : memref<16x64xi32, #tpu.memory_space<vmem>> -> memref<1x64xi32, #tpu.memory_space<vmem>>
      %dma_wait3A_443 = tpu.memref_squeeze %dma_wait3A_442 : memref<1x64xi32, #tpu.memory_space<vmem>> -> memref<64xi32, #tpu.memory_space<vmem>>
      %dma_wait3A_444 = arith.constant 0 : i32
      %dma_wait3A_445 = arith.constant 0 : i32
      %dma_wait3A_446 = tpu.memref_slice %arg14[%dma_wait3A_444, %dma_wait3A_445] : memref<10112x128xf32, #tpu.memory_space<vmem_shared>> -> memref<10112x128xf32, #tpu.memory_space<vmem_shared>>
      tpu.wait_indirect_dma semaphore(%arg22 : memref<!tpu.dma_semaphore, #tpu.memory_space<semaphore_mem>>) src(%arg11 : memref<64x128xf32, #tpu.memory_space<vmem>>) dst(%dma_wait3A_446 : memref<10112x128xf32, #tpu.memory_space<vmem_shared>>)
      %dma_wait3A_447 = arith.constant 13 : i32
      %dma_wait3A_448 = arith.constant 0 : i32
      %dma_wait3A_449 = tpu.memref_slice %arg8[%dma_wait3A_447, %dma_wait3A_448] : memref<16x64xi32, #tpu.memory_space<vmem>> -> memref<1x64xi32, #tpu.memory_space<vmem>>
      %dma_wait3A_450 = tpu.memref_squeeze %dma_wait3A_449 : memref<1x64xi32, #tpu.memory_space<vmem>> -> memref<64xi32, #tpu.memory_space<vmem>>
      %dma_wait3A_451 = arith.constant 0 : i32
      %dma_wait3A_452 = arith.constant 0 : i32
      %dma_wait3A_453 = tpu.memref_slice %arg14[%dma_wait3A_451, %dma_wait3A_452] : memref<10112x128xf32, #tpu.memory_space<vmem_shared>> -> memref<10112x128xf32, #tpu.memory_space<vmem_shared>>
      tpu.wait_indirect_dma semaphore(%arg23 : memref<!tpu.dma_semaphore, #tpu.memory_space<semaphore_mem>>) src(%arg12 : memref<64x128xf32, #tpu.memory_space<vmem>>) dst(%dma_wait3A_453 : memref<10112x128xf32, #tpu.memory_space<vmem_shared>>)
      %dma_wait3A_454 = arith.constant 14 : i32
      %dma_wait3A_455 = arith.constant 0 : i32
      %dma_wait3A_456 = tpu.memref_slice %arg8[%dma_wait3A_454, %dma_wait3A_455] : memref<16x64xi32, #tpu.memory_space<vmem>> -> memref<1x64xi32, #tpu.memory_space<vmem>>
      %dma_wait3A_457 = tpu.memref_squeeze %dma_wait3A_456 : memref<1x64xi32, #tpu.memory_space<vmem>> -> memref<64xi32, #tpu.memory_space<vmem>>
      %dma_wait3A_458 = arith.constant 0 : i32
      %dma_wait3A_459 = arith.constant 0 : i32
      %dma_wait3A_460 = tpu.memref_slice %arg14[%dma_wait3A_458, %dma_wait3A_459] : memref<10112x128xf32, #tpu.memory_space<vmem_shared>> -> memref<10112x128xf32, #tpu.memory_space<vmem_shared>>
      tpu.wait_indirect_dma semaphore(%arg24 : memref<!tpu.dma_semaphore, #tpu.memory_space<semaphore_mem>>) src(%arg13 : memref<64x128xf32, #tpu.memory_space<vmem>>) dst(%dma_wait3A_460 : memref<10112x128xf32, #tpu.memory_space<vmem_shared>>)
    }
    %scan3A_8 = arith.constant 10 : i32
    %barrier3A_9 = arith.constant 0 : index
    tpu.barrier barrier_id(%barrier3A_9)
    "tpu.region"() ({
      %run_scoped3A = tpu.sem_alloc : memref<!tpu.dma_semaphore, #tpu.memory_space<semaphore_mem>>
      %dma_start3A = arith.constant 0 : i32
      %dma_start3A_10 = tpu.memref_slice %arg6[%arg0, %mul3A_2, %dma_start3A] : memref<2x10112x128xf32, #tpu.memory_space<hbm>> -> memref<1x632x128xf32, #tpu.memory_space<hbm>>
      %dma_start3A_11 = tpu.memref_squeeze %dma_start3A_10 : memref<1x632x128xf32, #tpu.memory_space<hbm>> -> memref<632x128xf32, #tpu.memory_space<hbm>>
      %dma_start3A_12 = arith.constant 0 : i32
      %dma_start3A_13 = tpu.memref_slice %arg14[%mul3A_2, %dma_start3A_12] : memref<10112x128xf32, #tpu.memory_space<vmem_shared>> -> memref<632x128xf32, #tpu.memory_space<vmem_shared>>
      tpu.enqueue_dma source(%dma_start3A_13 : memref<632x128xf32, #tpu.memory_space<vmem_shared>>) target(%dma_start3A_11 : memref<632x128xf32, #tpu.memory_space<hbm>>) target_semaphore(%run_scoped3A : memref<!tpu.dma_semaphore, #tpu.memory_space<semaphore_mem>>)
      %dma_wait3A = arith.constant 0 : i32
      %dma_wait3A_14 = tpu.memref_slice %arg6[%arg0, %mul3A_2, %dma_wait3A] : memref<2x10112x128xf32, #tpu.memory_space<hbm>> -> memref<1x632x128xf32, #tpu.memory_space<hbm>>
      %dma_wait3A_15 = tpu.memref_squeeze %dma_wait3A_14 : memref<1x632x128xf32, #tpu.memory_space<hbm>> -> memref<632x128xf32, #tpu.memory_space<hbm>>
      %dma_wait3A_16 = arith.constant 0 : i32
      %dma_wait3A_17 = tpu.memref_slice %arg14[%mul3A_2, %dma_wait3A_16] : memref<10112x128xf32, #tpu.memory_space<vmem_shared>> -> memref<632x128xf32, #tpu.memory_space<vmem_shared>>
      tpu.wait_dma2 semaphore(%run_scoped3A : memref<!tpu.dma_semaphore, #tpu.memory_space<semaphore_mem>>) src(%dma_wait3A_17 : memref<632x128xf32, #tpu.memory_space<vmem_shared>>) dst(%dma_wait3A_15 : memref<632x128xf32, #tpu.memory_space<hbm>>)
      tpu.yield
    }) : () -> ()
    return
  }
}

module attributes {stable_mosaic.version = 14 : i64} {
  func.func @_tc_block(%arg0: i32, %arg1: memref<1x1000x128xf32, #tpu.memory_space<vmem>>, %arg2: memref<1x1000x128xf32, #tpu.memory_space<vmem>>, %arg3: memref<1x1000x128xf32, #tpu.memory_space<vmem>>, %arg4: memref<1x1000x128xf32, #tpu.memory_space<vmem>>, %arg5: memref<1000x128xf32, #tpu.memory_space<vmem>>, %arg6: memref<128x128xf32, #tpu.memory_space<vmem>>, %arg7: memref<128x128xf32, #tpu.memory_space<vmem>>, %arg8: memref<1x128xf32, #tpu.memory_space<vmem>>, %arg9: memref<1000x128xf32, #tpu.memory_space<vmem>>) attributes {dimension_semantics = [#tpu.dimension_semantics<arbitrary>], iteration_bounds = array<i64: 10>, scalar_prefetch = 0 : i64, scratch_operands = 0 : i64, tpu.core_type = #tpu.core_type<tc>, window_params = [{transform_indices = @transform_0, window_bounds = array<i64: 1, 1000, 128>}, {transform_indices = @transform_1, window_bounds = array<i64: 1, 1000, 128>}, {transform_indices = @transform_2, window_bounds = array<i64: 1, 1000, 128>}, {transform_indices = @transform_3, window_bounds = array<i64: 1, 1000, 128>}, {transform_indices = @transform_4, window_bounds = array<i64: 1000, 128>}, {pipeline_mode = #tpu.pipeline_mode<synchronous>, transform_indices = @transform_5, window_bounds = array<i64: 128, 128>}, {pipeline_mode = #tpu.pipeline_mode<synchronous>, transform_indices = @transform_6, window_bounds = array<i64: 128, 128>}, {pipeline_mode = #tpu.pipeline_mode<synchronous>, transform_indices = @transform_7, window_bounds = array<i64: 1, 128>}, {transform_indices = @transform_8, window_bounds = array<i64: 1000, 128>}]} {
    %get3A = arith.constant 0 : index
    %get3A_0 = arith.constant 0 : index
    %get3A_1 = arith.constant 0 : index
    %get3A_2 = vector.load %arg3[%get3A, %get3A_0, %get3A_1] : memref<1x1000x128xf32, #tpu.memory_space<vmem>>, vector<1x1000x1xf32>
    %get3A_3 = vector.shape_cast %get3A_2 : vector<1x1000x1xf32> to vector<1000x1xf32>
    %get3A_4 = arith.constant 0 : index
    %get3A_5 = arith.constant 0 : index
    %get3A_6 = arith.constant 0 : index
    %get3A_7 = vector.load %arg4[%get3A_4, %get3A_5, %get3A_6] : memref<1x1000x128xf32, #tpu.memory_space<vmem>>, vector<1x1000x1xf32>
    %get3A_8 = vector.shape_cast %get3A_7 : vector<1x1000x1xf32> to vector<1000x1xf32>
    %add3A = arith.addf %get3A_3, %get3A_8 : vector<1000x1xf32>
    %get3A_9 = arith.constant 0 : index
    %get3A_10 = arith.constant 0 : index
    %get3A_11 = arith.constant 0 : index
    %get3A_12 = vector.load %arg1[%get3A_9, %get3A_10, %get3A_11] : memref<1x1000x128xf32, #tpu.memory_space<vmem>>, vector<1x1000x128xf32>
    %get3A_13 = vector.shape_cast %get3A_12 : vector<1x1000x128xf32> to vector<1000x128xf32>
    %get3A_14 = arith.constant 0 : index
    %get3A_15 = arith.constant 0 : index
    %get3A_16 = arith.constant 0 : index
    %get3A_17 = vector.load %arg2[%get3A_14, %get3A_15, %get3A_16] : memref<1x1000x128xf32, #tpu.memory_space<vmem>>, vector<1x1000x128xf32>
    %get3A_18 = vector.shape_cast %get3A_17 : vector<1x1000x128xf32> to vector<1000x128xf32>
    %add3A_19 = arith.addf %get3A_13, %get3A_18 : vector<1000x128xf32>
    %max3A = arith.constant 1.000000e+00 : f32
    %max3A_20 = vector.broadcast %max3A : f32 to vector<1000x1xf32>
    %max3A_21 = arith.maximumf %add3A, %max3A_20 : vector<1000x1xf32>
    %div3A = vector.broadcast %max3A_21 : vector<1000x1xf32> to vector<1000x128xf32>
    %div3A_22 = arith.divf %add3A_19, %div3A : vector<1000x128xf32>
    %get3A_23 = arith.constant 0 : index
    %get3A_24 = arith.constant 0 : index
    %get3A_25 = vector.load %arg6[%get3A_23, %get3A_24] : memref<128x128xf32, #tpu.memory_space<vmem>>, vector<128x128xf32>
    %dot_general3A = arith.constant dense<0.000000e+00> : vector<1000x128xf32>
    %dot_general3A_26 = tpu.matmul %div3A_22, %get3A_25, %dot_general3A {dimension_numbers = #tpu.dot_dimension_numbers<[1], [0], [0], [1], [0, 0, 1, 1], [], []>, precision = #tpu.contract_precision<fp32>, transpose_lhs_hint = false} : vector<1000x128xf32>, vector<128x128xf32>, vector<1000x128xf32> -> vector<1000x128xf32>
    %get3A_27 = arith.constant 0 : index
    %get3A_28 = arith.constant 0 : index
    %get3A_29 = vector.load %arg5[%get3A_27, %get3A_28] : memref<1000x128xf32, #tpu.memory_space<vmem>>, vector<1000x128xf32>
    %get3A_30 = arith.constant 0 : index
    %get3A_31 = arith.constant 0 : index
    %get3A_32 = vector.load %arg7[%get3A_30, %get3A_31] : memref<128x128xf32, #tpu.memory_space<vmem>>, vector<128x128xf32>
    %dot_general3A_33 = arith.constant dense<0.000000e+00> : vector<1000x128xf32>
    %dot_general3A_34 = tpu.matmul %get3A_29, %get3A_32, %dot_general3A_33 {dimension_numbers = #tpu.dot_dimension_numbers<[1], [0], [0], [1], [0, 0, 1, 1], [], []>, precision = #tpu.contract_precision<fp32>, transpose_lhs_hint = false} : vector<1000x128xf32>, vector<128x128xf32>, vector<1000x128xf32> -> vector<1000x128xf32>
    %add3A_35 = arith.addf %dot_general3A_26, %dot_general3A_34 : vector<1000x128xf32>
    %get3A_36 = arith.constant 0 : index
    %get3A_37 = arith.constant 0 : index
    %get3A_38 = vector.load %arg8[%get3A_36, %get3A_37] : memref<1x128xf32, #tpu.memory_space<vmem>>, vector<1x128xf32>
    %add3A_39 = vector.broadcast %get3A_38 : vector<1x128xf32> to vector<1000x128xf32>
    %add3A_40 = arith.addf %add3A_35, %add3A_39 : vector<1000x128xf32>
    %max3A_41 = arith.constant 0.000000e+00 : f32
    %max3A_42 = vector.broadcast %max3A_41 : f32 to vector<1000x128xf32>
    %max3A_43 = arith.maximumf %add3A_40, %max3A_42 : vector<1000x128xf32>
    %swap3A = arith.constant 0 : index
    %swap3A_44 = arith.constant 0 : index
    %swap3A_45 = vector.load %arg9[%swap3A, %swap3A_44] : memref<1000x128xf32, #tpu.memory_space<vmem>>, vector<1000x128xf32>
    tpu.vector_store %arg9[%swap3A, %swap3A_44], %max3A_43 {strides = array<i32>} : memref<1000x128xf32, #tpu.memory_space<vmem>>, vector<1000x128xf32>,
    return
  }
  func.func @transform_0(%arg0: i32) -> (i32, i32, i32) {
    %c0_i32 = arith.constant 0 : i32
    %c0_i32_0 = arith.constant 0 : i32
    %c0_i32_1 = arith.constant 0 : i32
    return %c0_i32, %arg0, %c0_i32_0 : i32, i32, i32
  }
  func.func @transform_1(%arg0: i32) -> (i32, i32, i32) {
    %c1_i32 = arith.constant 1 : i32
    %c0_i32 = arith.constant 0 : i32
    %c0_i32_0 = arith.constant 0 : i32
    return %c1_i32, %arg0, %c0_i32 : i32, i32, i32
  }
  func.func @transform_2(%arg0: i32) -> (i32, i32, i32) {
    %c0_i32 = arith.constant 0 : i32
    %c0_i32_0 = arith.constant 0 : i32
    %c0_i32_1 = arith.constant 0 : i32
    return %c0_i32, %arg0, %c0_i32_0 : i32, i32, i32
  }
  func.func @transform_3(%arg0: i32) -> (i32, i32, i32) {
    %c1_i32 = arith.constant 1 : i32
    %c0_i32 = arith.constant 0 : i32
    %c0_i32_0 = arith.constant 0 : i32
    return %c1_i32, %arg0, %c0_i32 : i32, i32, i32
  }
  func.func @transform_4(%arg0: i32) -> (i32, i32) {
    %c0_i32 = arith.constant 0 : i32
    %c0_i32_0 = arith.constant 0 : i32
    return %arg0, %c0_i32 : i32, i32
  }
  func.func @transform_5(%arg0: i32) -> (i32, i32) {
    %c0_i32 = arith.constant 0 : i32
    %c0_i32_0 = arith.constant 0 : i32
    %c0_i32_1 = arith.constant 0 : i32
    return %c0_i32, %c0_i32_0 : i32, i32
  }
  func.func @transform_6(%arg0: i32) -> (i32, i32) {
    %c0_i32 = arith.constant 0 : i32
    %c0_i32_0 = arith.constant 0 : i32
    %c0_i32_1 = arith.constant 0 : i32
    return %c0_i32, %c0_i32_0 : i32, i32
  }
  func.func @transform_7(%arg0: i32) -> (i32, i32) {
    %c0_i32 = arith.constant 0 : i32
    %c0_i32_0 = arith.constant 0 : i32
    %c0_i32_1 = arith.constant 0 : i32
    return %c0_i32, %c0_i32_0 : i32, i32
  }
  func.func @transform_8(%arg0: i32) -> (i32, i32) {
    %c0_i32 = arith.constant 0 : i32
    %c0_i32_0 = arith.constant 0 : i32
    return %arg0, %c0_i32 : i32, i32
  }
}

module attributes {stable_mosaic.version = 14 : i64} {
  func.func @_tc_block(%arg0: i32, %arg1: memref<1x1000x128xf32, #tpu.memory_space<vmem>>, %arg2: memref<1x1000x128xf32, #tpu.memory_space<vmem>>, %arg3: memref<1x1000x128xf32, #tpu.memory_space<vmem>>, %arg4: memref<1x1000x128xf32, #tpu.memory_space<vmem>>, %arg5: memref<1000x128xf32, #tpu.memory_space<vmem>>, %arg6: memref<128x128xf32, #tpu.memory_space<vmem>>, %arg7: memref<128x128xf32, #tpu.memory_space<vmem>>, %arg8: memref<1x128xf32, #tpu.memory_space<vmem>>, %arg9: memref<1000x128xf32, #tpu.memory_space<vmem>>) attributes {dimension_semantics = [#tpu.dimension_semantics<arbitrary>], iteration_bounds = array<i64: 10>, scalar_prefetch = 0 : i64, scratch_operands = 0 : i64, tpu.core_type = #tpu.core_type<tc>, window_params = [{transform_indices = @transform_0, window_bounds = array<i64: 1, 1000, 128>}, {transform_indices = @transform_1, window_bounds = array<i64: 1, 1000, 128>}, {transform_indices = @transform_2, window_bounds = array<i64: 1, 1000, 128>}, {transform_indices = @transform_3, window_bounds = array<i64: 1, 1000, 128>}, {transform_indices = @transform_4, window_bounds = array<i64: 1000, 128>}, {pipeline_mode = #tpu.pipeline_mode<synchronous>, transform_indices = @transform_5, window_bounds = array<i64: 128, 128>}, {pipeline_mode = #tpu.pipeline_mode<synchronous>, transform_indices = @transform_6, window_bounds = array<i64: 128, 128>}, {pipeline_mode = #tpu.pipeline_mode<synchronous>, transform_indices = @transform_7, window_bounds = array<i64: 1, 128>}, {transform_indices = @transform_8, window_bounds = array<i64: 1000, 128>}]} {
    %get3A = arith.constant 0 : index
    %get3A_0 = arith.constant 0 : index
    %get3A_1 = arith.constant 0 : index
    %get3A_2 = vector.load %arg3[%get3A, %get3A_0, %get3A_1] : memref<1x1000x128xf32, #tpu.memory_space<vmem>>, vector<1x1000x1xf32>
    %get3A_3 = vector.shape_cast %get3A_2 : vector<1x1000x1xf32> to vector<1000x1xf32>
    %get3A_4 = arith.constant 0 : index
    %get3A_5 = arith.constant 0 : index
    %get3A_6 = arith.constant 0 : index
    %get3A_7 = vector.load %arg4[%get3A_4, %get3A_5, %get3A_6] : memref<1x1000x128xf32, #tpu.memory_space<vmem>>, vector<1x1000x1xf32>
    %get3A_8 = vector.shape_cast %get3A_7 : vector<1x1000x1xf32> to vector<1000x1xf32>
    %add3A = arith.addf %get3A_3, %get3A_8 : vector<1000x1xf32>
    %get3A_9 = arith.constant 0 : index
    %get3A_10 = arith.constant 0 : index
    %get3A_11 = arith.constant 0 : index
    %get3A_12 = vector.load %arg1[%get3A_9, %get3A_10, %get3A_11] : memref<1x1000x128xf32, #tpu.memory_space<vmem>>, vector<1x1000x128xf32>
    %get3A_13 = vector.shape_cast %get3A_12 : vector<1x1000x128xf32> to vector<1000x128xf32>
    %get3A_14 = arith.constant 0 : index
    %get3A_15 = arith.constant 0 : index
    %get3A_16 = arith.constant 0 : index
    %get3A_17 = vector.load %arg2[%get3A_14, %get3A_15, %get3A_16] : memref<1x1000x128xf32, #tpu.memory_space<vmem>>, vector<1x1000x128xf32>
    %get3A_18 = vector.shape_cast %get3A_17 : vector<1x1000x128xf32> to vector<1000x128xf32>
    %add3A_19 = arith.addf %get3A_13, %get3A_18 : vector<1000x128xf32>
    %max3A = arith.constant 1.000000e+00 : f32
    %max3A_20 = vector.broadcast %max3A : f32 to vector<1000x1xf32>
    %max3A_21 = arith.maximumf %add3A, %max3A_20 : vector<1000x1xf32>
    %div3A = vector.broadcast %max3A_21 : vector<1000x1xf32> to vector<1000x128xf32>
    %div3A_22 = arith.divf %add3A_19, %div3A : vector<1000x128xf32>
    %get3A_23 = arith.constant 0 : index
    %get3A_24 = arith.constant 0 : index
    %get3A_25 = vector.load %arg6[%get3A_23, %get3A_24] : memref<128x128xf32, #tpu.memory_space<vmem>>, vector<128x128xf32>
    %dot_general3A = arith.constant dense<0.000000e+00> : vector<1000x128xf32>
    %dot_general3A_26 = tpu.matmul %div3A_22, %get3A_25, %dot_general3A {dimension_numbers = #tpu.dot_dimension_numbers<[1], [0], [0], [1], [0, 0, 1, 1], [], []>, precision = #tpu.contract_precision<fp32>, transpose_lhs_hint = false} : vector<1000x128xf32>, vector<128x128xf32>, vector<1000x128xf32> -> vector<1000x128xf32>
    %get3A_27 = arith.constant 0 : index
    %get3A_28 = arith.constant 0 : index
    %get3A_29 = vector.load %arg5[%get3A_27, %get3A_28] : memref<1000x128xf32, #tpu.memory_space<vmem>>, vector<1000x128xf32>
    %get3A_30 = arith.constant 0 : index
    %get3A_31 = arith.constant 0 : index
    %get3A_32 = vector.load %arg7[%get3A_30, %get3A_31] : memref<128x128xf32, #tpu.memory_space<vmem>>, vector<128x128xf32>
    %dot_general3A_33 = arith.constant dense<0.000000e+00> : vector<1000x128xf32>
    %dot_general3A_34 = tpu.matmul %get3A_29, %get3A_32, %dot_general3A_33 {dimension_numbers = #tpu.dot_dimension_numbers<[1], [0], [0], [1], [0, 0, 1, 1], [], []>, precision = #tpu.contract_precision<fp32>, transpose_lhs_hint = false} : vector<1000x128xf32>, vector<128x128xf32>, vector<1000x128xf32> -> vector<1000x128xf32>
    %add3A_35 = arith.addf %dot_general3A_26, %dot_general3A_34 : vector<1000x128xf32>
    %get3A_36 = arith.constant 0 : index
    %get3A_37 = arith.constant 0 : index
    %get3A_38 = vector.load %arg8[%get3A_36, %get3A_37] : memref<1x128xf32, #tpu.memory_space<vmem>>, vector<1x128xf32>
    %add3A_39 = vector.broadcast %get3A_38 : vector<1x128xf32> to vector<1000x128xf32>
    %add3A_40 = arith.addf %add3A_35, %add3A_39 : vector<1000x128xf32>
    %swap3A = arith.constant 0 : index
    %swap3A_41 = arith.constant 0 : index
    %swap3A_42 = vector.load %arg9[%swap3A, %swap3A_41] : memref<1000x128xf32, #tpu.memory_space<vmem>>, vector<1000x128xf32>
    tpu.vector_store %arg9[%swap3A, %swap3A_41], %add3A_40 {strides = array<i32>} : memref<1000x128xf32, #tpu.memory_space<vmem>>, vector<1000x128xf32>,
    return
  }
  func.func @transform_0(%arg0: i32) -> (i32, i32, i32) {
    %c0_i32 = arith.constant 0 : i32
    %c0_i32_0 = arith.constant 0 : i32
    %c0_i32_1 = arith.constant 0 : i32
    return %c0_i32, %arg0, %c0_i32_0 : i32, i32, i32
  }
  func.func @transform_1(%arg0: i32) -> (i32, i32, i32) {
    %c1_i32 = arith.constant 1 : i32
    %c0_i32 = arith.constant 0 : i32
    %c0_i32_0 = arith.constant 0 : i32
    return %c1_i32, %arg0, %c0_i32 : i32, i32, i32
  }
  func.func @transform_2(%arg0: i32) -> (i32, i32, i32) {
    %c0_i32 = arith.constant 0 : i32
    %c0_i32_0 = arith.constant 0 : i32
    %c0_i32_1 = arith.constant 0 : i32
    return %c0_i32, %arg0, %c0_i32_0 : i32, i32, i32
  }
  func.func @transform_3(%arg0: i32) -> (i32, i32, i32) {
    %c1_i32 = arith.constant 1 : i32
    %c0_i32 = arith.constant 0 : i32
    %c0_i32_0 = arith.constant 0 : i32
    return %c1_i32, %arg0, %c0_i32 : i32, i32, i32
  }
  func.func @transform_4(%arg0: i32) -> (i32, i32) {
    %c0_i32 = arith.constant 0 : i32
    %c0_i32_0 = arith.constant 0 : i32
    return %arg0, %c0_i32 : i32, i32
  }
  func.func @transform_5(%arg0: i32) -> (i32, i32) {
    %c0_i32 = arith.constant 0 : i32
    %c0_i32_0 = arith.constant 0 : i32
    %c0_i32_1 = arith.constant 0 : i32
    return %c0_i32, %c0_i32_0 : i32, i32
  }
  func.func @transform_6(%arg0: i32) -> (i32, i32) {
    %c0_i32 = arith.constant 0 : i32
    %c0_i32_0 = arith.constant 0 : i32
    %c0_i32_1 = arith.constant 0 : i32
    return %c0_i32, %c0_i32_0 : i32, i32
  }
  func.func @transform_7(%arg0: i32) -> (i32, i32) {
    %c0_i32 = arith.constant 0 : i32
    %c0_i32_0 = arith.constant 0 : i32
    %c0_i32_1 = arith.constant 0 : i32
    return %c0_i32, %c0_i32_0 : i32, i32
  }
  func.func @transform_8(%arg0: i32) -> (i32, i32) {
    %c0_i32 = arith.constant 0 : i32
    %c0_i32_0 = arith.constant 0 : i32
    return %arg0, %c0_i32 : i32, i32
  }
}

</mosaic_0001>

<sc_bundles>
// kernel: kernel.10.cloned.1.call-start
scs
__scs_entry_jumppad:
0x0: {  	(pc) =	sbr.rel $0x88, $3  }
0x1: {  	(tag) =	ssettag $0x0;
	lr =	simm.s32 $0x1  }
0x2: {  	[smem:$0x3F99] =	sst lr;
	_ =	strace $0xD0000000  }
0x3: {  	_ = 	snop  }
0x4: {  	_ = 	snop  }
0x5: {  	_ = 	snop  }
0x6: {  	_ = 	snop  }
0x7: {  	_ = 	snop  }
__scs_overlays_trampoline_lowered:
0x8: {  	[smem:$0x3FA8] =	sst s0  }
0x9: {  	[smem:$0x3FA9] =	sst s1  }
0xa: {  	[smem:$0x3FAA] =	sst s2  }
0xb: {  	[smem:$0x3FAB] =	sst s3  }
0xc: {  	[smem:$0x3FAC] =	sst s4  }
0xd: {  	[smem:$0x3FAD] =	sst s5  }
0xe: {  	[smem:$0x3FAE] =	sst s6  }
0xf: {  	[smem:$0x3FAF] =	sst s7  }
0x10: {  	[smem:$0x3FB0] =	sst s8  }
0x11: {  	[smem:$0x3FB1] =	sst s9;
	s0 =	simm.s32 @!p0 $0x0  }
0x12: {  	s1 =	sld [smem:$0x3F97];
	s0 =	simm.s32 @p0 $0x1  }
0x13: {  	[smem:$0x3FB2] =	sst s0;
	s0 =	simm.s32 @!p1 $0x0  }
0x14: {  	s2 =	sld [smem:$0x3F96];
	s0 =	simm.s32 @p1 $0x1  }
0x15: {  	[smem:$0x3FB3] =	sst s0;
	s0 =	simm.s32 @!p2 $0x0  }
0x16: {  	s3 =	sld [smem:$0x3FDB];
	s0 =	simm.s32 @p2 $0x1  }
0x17: {  	s4 =	simm.s32 $0x1BF5;
	[smem:$0x3FB5] =	sst s0  }
0x18: {  	s0 =	sld [smem:$0x3F98];
	_ =	swait.ge [sflag:s4], $0x0  }
0x19: {  	s7 =	sld [smem:$0x3F99]  }
0x1a: {  	s8 =	sadd.s32 $0xFFFFE003, lr  }
0x1b: {  	s9 =	sadd.s32 $0xFFFFFEF7, lr;
	s5 =	simm.s32 $0xFFFFFFFF;
	p2 =	slt.u32 s8, $0xFFFFF086  }
0x1c: {  	p1 =	slt.u32 s9, $0xF7A;
	s5 =	simm.s32 @!p2 $0x0  }
0x1d: {  	s5 =	simm.s32 @p1 $0x1;
	p0 =	seq.s32 s7, s2  }
0x1e: {  	s7 =	smul.u32 @!p0 $0xF7A, s2;
	p2 =	seq.s32 @!p0 s5, $0x0  }
0x1f: {  	s9 =	smul.u32 $0xF7A, s1;
	s8 =	simm.s32 @!p0 $0x1BF5;
	p2 =	por !p2, p0  }
0x20: {  	[sflag:s8] =	ssyncset.s32 @!p0 $0xFFFFF086;
	s6 =	sadd.s32 @!p0 s3, s7;
	s7 =	simm.s32 @!p0 $0x108  }
0x21: {  	s3 =	sadd.s32 s3, s9;
	s6 =	sadd.s32 @!p0 $0x88, s6;
	s7 =	simm.s32 @p2 $0x1082  }
0x22: {  	[simem:s7], [sflag:s8] =	dma.local @!p0 [hbm:s6], $0xF7A  }
0x23: {  	s9 =	sor.u32 $0xD0000000, s2;
	s6 =	simm.s32 $0x108;
	_ =	swait.ge @!p0 [sflag:s8], $0x0  }
0x24: {  	s3 =	sadd.s32 $0x88, s3;
	s6 =	simm.s32 @!p1 $0x1082;
	[sflag:s4] =	ssyncset.s32 $0xFFFFF086  }
0x25: {  	[simem:s6], [sflag:s4] =	dma.local [hbm:s3], $0xF7A  }
0x26: {  	[smem:$0x3F99] =	sst s1;
	(tag) =	ssettag s2;
	_ =	strace s9  }
0x27: {  	s1 =	sld [smem:$0x3FA9]  }
0x28: {  	s2 =	sld [smem:$0x3FAA]  }
0x29: {  	s4 =	sld [smem:$0x3FAC]  }
0x2a: {  	p0 =	seq.s32 s5, $0x0;
	s5 =	sld [smem:$0x3FAD]  }
0x2b: {  	s6 =	sld [smem:$0x3FAE]  }
0x2c: {  	s7 =	sld [smem:$0x3FAF]  }
0x2d: {  	s3 =	simm.s32 $0x108;
	s8 =	sld [smem:$0x3FB0]  }
0x2e: {  	s3 =	simm.s32 @!p0 $0x1082;
	s9 =	sld [smem:$0x3FB1]  }
0x2f: {  	lr =	sadd.s32 s0, s3;
	s0 =	sld [smem:$0x3FA8]  }
0x30: {  	s3 =	sld [smem:$0x3FAB]  }
0x31: {  	[smem:$0x3FB4] =	sst s10  }
0x32: {  	s10 =	sld [smem:$0x3FB2];
	_ =	sdelay $0x3  }
0x33: {  	p0 =	seq.s32 s10, $0x1;
	s10 =	sld [smem:$0x3FB4];
	_ =	sdelay $0x3  }
0x34: {  	[smem:$0x3FB4] =	sst s10  }
0x35: {  	s10 =	sld [smem:$0x3FB3];
	_ =	sdelay $0x3  }
0x36: {  	p1 =	seq.s32 s10, $0x1;
	s10 =	sld [smem:$0x3FB4];
	_ =	sdelay $0x3  }
0x37: {  	[smem:$0x3FB4] =	sst s10  }
0x38: {  	s10 =	sld [smem:$0x3FB5]  }
0x39: {  	_ = 	snop;
	(pc) =	sbr.ind lr, $3  }
0x3a: {  	_ = 	snop  }
0x3b: {  	_ = 	snop  }
0x3c: {  	p2 =	seq.s32 s10, $0x1;
	s10 =	sld [smem:$0x3FB4]  }
0x3d: {  	_ =	shalt  }
0x3e: {  	_ =	shalt  }
0x3f: {  	_ =	shalt  }
0x40: {  	_ =	shalt  }
0x41: {  	_ =	shalt  }
0x42: {  	_ =	shalt  }
0x43: {  	_ =	shalt  }
0x44: {  	_ =	shalt  }
0x45: {  	_ =	shalt  }
0x46: {  	_ =	shalt  }
0x47: {  	_ =	shalt  }
0x48: {  	_ =	shalt  }
0x49: {  	_ =	shalt  }
0x4a: {  	_ =	shalt  }
0x4b: {  	_ =	shalt  }
0x4c: {  	_ =	shalt  }
0x4d: {  	_ =	shalt  }
0x4e: {  	_ =	shalt  }
0x4f: {  	_ =	shalt  }
0x50: {  	_ =	shalt  }
0x51: {  	_ =	shalt  }
0x52: {  	_ =	shalt  }
0x53: {  	_ =	shalt  }
0x54: {  	_ =	shalt  }
0x55: {  	_ =	shalt  }
0x56: {  	_ =	shalt  }
0x57: {  	_ =	shalt  }
0x58: {  	_ =	shalt  }
0x59: {  	_ =	shalt  }
0x5a: {  	_ =	shalt  }
0x5b: {  	_ =	shalt  }
0x5c: {  	_ =	shalt  }
0x5d: {  	_ =	shalt  }
0x5e: {  	_ =	shalt  }
0x5f: {  	_ =	shalt  }
0x60: {  	_ =	shalt  }
0x61: {  	_ =	shalt  }
0x62: {  	_ =	shalt  }
0x63: {  	_ =	shalt  }
0x64: {  	_ =	shalt  }
0x65: {  	_ =	shalt  }
0x66: {  	_ =	shalt  }
0x67: {  	_ =	shalt  }
0x68: {  	_ =	shalt  }
0x69: {  	_ =	shalt  }
0x6a: {  	_ =	shalt  }
0x6b: {  	_ =	shalt  }
0x6c: {  	_ =	shalt  }
0x6d: {  	_ =	shalt  }
0x6e: {  	_ =	shalt  }
0x6f: {  	_ =	shalt  }
0x70: {  	_ =	shalt  }
0x71: {  	_ =	shalt  }
0x72: {  	_ =	shalt  }
0x73: {  	_ =	shalt  }
0x74: {  	_ =	shalt  }
0x75: {  	_ =	shalt  }
0x76: {  	_ =	shalt  }
0x77: {  	_ =	shalt  }
0x78: {  	_ =	shalt  }
0x79: {  	_ =	shalt  }
0x7a: {  	_ =	shalt  }
0x7b: {  	_ =	shalt  }
0x7c: {  	_ =	shalt  }
0x7d: {  	_ =	shalt  }
0x7e: {  	_ =	shalt  }
0x7f: {  	_ =	shalt  }
0x80: {  	_ =	shalt  }
0x81: {  	_ =	shalt  }
0x82: {  	_ =	shalt  }
0x83: {  	_ =	shalt  }
0x84: {  	_ =	shalt  }
0x85: {  	_ =	shalt  }
0x86: {  	_ =	shalt  }
0x87: {  	_ =	shalt  }
.Lfunc_end0:
.L_simem_size_0:
called_computation.1_lowered:
.L_overlay_start_0:
0x88: {  	s2 =	sld [smem:$0x3FD9]  }
0x89: {  	s3 =	sld [smem:$0x3FFE];
	_ =	sdelay $0x1  }
0x8a: {  	s1 =	srdreg.scid  }
0x8b: {  	s0 =	sand.u32 $0x1, s1  }
0x8c: {  	s17 =	sshll.u32 s0, $0xA;
	s2 =	sadd.s32 s3, s2  }
0x8d: {  	s2 =	sadd.s32 s2, s17  }
0x8e: {  	[smem:$0x3FC0] =	sst s2  }
0x8f: {  	_ = 	snop  }
0x90: {  	s2 =	sld [smem:$0x3FC9];
	(tm) =	ssettm $0x1  }
0x91: {  	s18 =	sld [smem:$0x3FFB];
	_ =	sdelay $0x3  }
0x92: {  	_ =	strace s18  }
0x93: {  	s3 =	sld [smem:$0x3FFC];
	_ =	sdelay $0x3  }
0x94: {  	_ =	strace s3  }
0x95: {  	s3 =	sld [smem:$0x3FFD];
	_ =	sdelay $0x3  }
0x96: {  	_ =	strace s3  }
0x97: {  	_ =	strace $0x8FFFFFFF  }
0x98: {  	s19 =	sld [smem:$0x3FDB];
	_ =	sdelay $0x1  }
0x99: {  	s4 =	simm.s32 $_scs_section_size  }
0x9a: {  	s5 =	simm.s32 $_size__tile_overlayer_lowered;
	s6 =	simm.s32 $_tile_overlayer_lowered  }
0x9b: {  	s22 =	simm.s32 $0x1BFF;
	s21 =	sshll.u32 s6, $0x1;
	s3 =	sadd.s32 s4, s19  }
0x9c: {  	s7 =	simm.s32 $0x0;
	s20 =	sshll.u32 s5, $0x1;
	s5 =	sadd.s32 s21, s3  }
0x9d: {  	[timem:s7], [sflag:s22] =	dma.local [hbm:s5], s20  }
0x9e: {  	_ =	swait.ge [sflag:s22], s20  }
0x9f: {  	s4 =	ssub.s32 $0x0, s20;
	[sflag:s22] =	ssyncset.done $0x0  }
0xa0: {  	[sflag:s22] =	ssyncadd.s32 s4;
	_ =	sdelay $0x1  }
0xa1: {  	s23 =	simm.s32 $0x1B8B  }
0xa2: {  	_ =	swait.ge [sflag:s23], $0x1  }
0xa3: {  	[sflag:s23] =	ssyncset.done $0x0  }
0xa4: {  	s25 =	simm.s32 $0x1B8E;
	s24 =	sld [smem:$0x3FFE];
	[sflag:s23] =	ssyncadd.s32 $0xFFFFFFFF  }
0xa5: {  	s26 =	simm.s32 $execute0_lowered;
	[smem:$0x3FD2] =	sst s25  }
0xa6: {  	s5 =	sshll.u32 s26, $0x1;
	_ =	strace $0x80000046;
	[dreg:$0x1] =	wrdreg $0xFFFFFFFF  }
0xa7: {  	s28 =	simm.s32 $_size_execute0_lowered;
	s3 =	sadd.s32 s3, s5;
	[dreg:$0x0] =	wrdreg $0x0  }
0xa8: {  	s5 =	sshll.u32 s28, $0x1;
	[dreg:$0x2] =	wrdreg s3  }
0xa9: {  	[dreg:$0x3] =	wrdreg s5  }
0xaa: {  	[dreg:$0x4] =	wrdreg $0xC0  }
0xab: {  	_ =	task [dreg:s7], $0x5FFFF  }
0xac: {  	[dreg:$0x1] =	wrdreg $0xFFFFFFFF  }
0xad: {  	[dreg:$0x0] =	wrdreg $0x60  }
0xae: {  	[dreg:$0x2] =	wrdreg s2  }
0xaf: {  	[dreg:$0x3] =	wrdreg s24  }
0xb0: {  	[dreg:$0x4] =	wrdreg $0xB0000  }
0xb1: {  	[dreg:$0x5] =	wrdreg $0xA  }
0xb2: {  	_ =	task.clear_ibuf [dreg:s7], $0x6FFFF;
	_ =	strace $0x90000046  }
0xb3: {  	s29 =	simm.s32 $0xA;
	_ =	strace $0x80000048  }
0xb4: {  	_ =	swait.ge [sflag:s29], $0x1  }
0xb5: {  	[sflag:s29] =	ssyncadd.s32 $0xFFFFFFFF  }
0xb6: {  	_ =	strace $0x90000048  }
0xb7: {  	_ =	sfence  }
0xb8: {  	s30 =	sld [smem:$0x0];
	_ =	sdelay $0x2  }
0xb9: {  	s31 =	sshll.u32 s1, $0xD;
	s1 =	sshrl.u32 s1, $0x2  }
0xba: {  	s3 =	sand.u32 $0x4000, s31;
	s1 =	sadd.s32 s1, s30  }
0xbb: {  	s0 =	sor.u32 s3, s0;
	s1 =	sshll.u32 s1, $0x11  }
0xbc: {  	s0 =	sor.u32 s1, s0  }
0xbd: {  	s0 =	sadd.s32 $0x8F2B, s0  }
0xbe: {  	[sflag:s0] =	ssyncadd.remote.s32 $0x1  }
0xbf: {  	_ =	sfence.sel $0xFFFF  }
0xc0: {  	[dreg:$0x0] =	wrdreg $0xFFFFFFFF;
	(pc) =	sbr.abs _section_cstart, $3  }
0xc1: {  	[dreg:$0x1] =	wrdreg $0xFFFFFFFF  }
0xc2: {  	_ =	task.clear_ibuf [dreg:s7], $0x2FFFF;
	_ =	strace $0x9FFFFFFF  }
0xc3: {  	(tm) =	ssettm $0x7FFFFFFF  }
tec
execute0_lowered:
.L_overlay_start_1:
0x0: {  	(tag) =	ssettag $0x1  }
0x1: {  	s1 =	rddreg [dreg:$0x0]  }
0x2: {  	s0 =	srdreg.scid;
	s6 =	rddreg [dreg:$0x1]  }
0x3: {  	s9 =	stileid.u32;
	s3 =	rddreg [dreg:$0x2]  }
0x4: {  	s4 =	simm.s32 $0x0;
	s21 =	simm.s32 $0x80;
	s22 =	simm.s32 $0x100  }
0x5: {  	s24 =	simm.s32 $0x180;
	s25 =	simm.s32 $0x200;
	s10 =	simm.s32 $0x380  }
0x6: {  	s11 =	simm.s32 $0x980;
	[smem:$0x7FF] =	sst s4;
	s18 =	sadd.s32 $0x2A200, s6  }
0x7: {  	s12 =	simm.s32 $0x400;
	_ =	strace $0x80000047;
	[dreg:$0x1e] =	wrdreg s18  }
0x8: {  	s13 =	simm.s32 $0xA00;
	s5 =	smul.u32 $0x5000, s9;
	[dreg:$0x6] =	wrdreg s21  }
0x9: {  	s14 =	simm.s32 $0x480;
	s8 =	smul.u32 $0x13C00, s9;
	[dreg:$0x7] =	wrdreg s22  }
0xa: {  	s15 =	simm.s32 $0xA80;
	s23 =	smul.u32 $0x4F000, s9;
	[dreg:$0x8] =	wrdreg s24  }
0xb: {  	p0 =	sne.s32 s9, $0x0;
	s9 =	simm.s32 $0x900;
	[dreg:$0x9] =	wrdreg s25  }
0xc: {  	s16 =	simm.s32 $0x500;
	s28 =	simm.s32 $0xA;
	[dreg:$0xd] =	wrdreg s9  }
0xd: {  	s29 =	simm.s32 $0x780;
	s0 =	sand.u32 $0x1, s0;
	[dreg:$0xe] =	wrdreg s10  }
0xe: {  	s30 =	simm.s32 $0xD80;
	s2 =	smul.u32 $0x50000, s0;
	[dreg:$0xf] =	wrdreg s11  }
0xf: {  	s31 =	simm.s32 $0xE00;
	s7 =	smul.u32 $0x13C000, s0;
	[dreg:$0x10] =	wrdreg s12  }
0x10: {  	s0 =	ssub.s32 $0x2, s0;
	s9 =	simm.s32 $0xB;
	[dreg:$0x11] =	wrdreg s13  }
0x11: {  	s10 =	simm.s32 $0x800;
	s11 =	simm.s32 $0x40;
	[dreg:$0x12] =	wrdreg s14  }
0x12: {  	s12 =	simm.s32 $0x1000;
	s13 =	simm.s32 $0x3000;
	[dreg:$0x13] =	wrdreg s15  }
0x13: {  	s14 =	simm.s32 $0x5000;
	s15 =	simm.s32 $0x7000;
	[dreg:$0x14] =	wrdreg s16  }
0x14: {  	s16 =	simm.s32 $0x1;
	s18 =	simm.s32 $0x580;
	s21 =	simm.s32 $0xC00  }
0x15: {  	s22 =	simm.s32 $0x680;
	s24 =	simm.s32 $0x700;
	[dreg:$0x16] =	wrdreg s18  }
0x16: {  	s25 =	simm.s32 $0xD00;
	s20 =	sshrl.u32 s0, $0x1;
	[dreg:$0x19] =	wrdreg s21  }
0x17: {  	s26 =	sshrl.u32 s23, $0x2;
	s18 =	simm.s32 $0x2;
	[dreg:$0x1a] =	wrdreg s22  }
0x18: {  	s21 =	simm.s32 $0x7;
	s23 =	simm.s32 $0xC80;
	[dreg:$0x1c] =	wrdreg s24  }
0x19: {  	s22 =	simm.s32 $0x4;
	[dreg:$0x1d] =	wrdreg s25;
	s2 =	sadd.s32 s5, s2  }
0x1a: {  	s17 =	sadd.s32 s8, s7;
	s7 =	simm.s32 $0x880;
	[dreg:$0x1b] =	wrdreg s23  }
0x1b: {  	s0 =	ssub.s32 s0, s20;
	s8 =	simm.s32 $0x300;
	[dreg:$0xb] =	wrdreg s7  }
0x1c: {  	s20 =	simm.s32 $0x600;
	s2 =	sshrl.u32 s2, $0x3;
	[dreg:$0xc] =	wrdreg s8  }
0x1d: {  	s5 =	sshrl.u32 s17, $0x3;
	s0 =	smax.u32 s0, $0x1;
	[dreg:$0x18] =	wrdreg s20  }
0x1e: {  	s17 =	simm.s32 $0xB00;
	s2 =	sadd.s32 s2, s6;
	[smem:$0x7FB] =	sst s0  }
0x1f: {  	s5 =	sadd.s32 s5, s6;
	s6 =	simm.s32 $0x280;
	[dreg:$0x15] =	wrdreg s17  }
0x20: {  	s24 =	simm.s32 $0x5;
	s19 =	sadd.s32 $0x2200, s2;
	[dreg:$0xa] =	wrdreg s6  }
0x21: {  	s23 =	simm.s32 $0x8;
	s2 =	sadd.s32 $0x16200, s2;
	[dreg:$0x4] =	wrdreg s19  }
0x22: {  	s20 =	simm.s32 $0x3;
	s5 =	sadd.s32 $0x51A00, s5;
	[dreg:$0x5] =	wrdreg s2  }
0x23: {  	s7 =	simm.s32 $0x0;
	[dreg:$0x1f] =	wrdreg s5;
	s2 =	sshrl.u32 @!p0 s3, $0x3  }
0x24: {  	s17 =	simm.s32 $0x9000;
	s19 =	simm.s32 $0xB80;
	[smem:$0x7FC] =	sst s2  }
0x25: {  	s0 =	simm.s32 $0xF00;
	s5 =	sadd.s32 s26, s3;
	[dreg:$0x17] =	wrdreg s19  }
0x26: {  	s19 =	simm.s32 $0x6;
	s26 =	sshrl.u32 s5, $0x3;
	s2 =	simm.s32 $0xE80  }
0x27: {  	s5 =	simm.s32 $0xF80;
	[smem:$0x7FD] =	sst s26;
	s26 =	simm.s32 $0x9  }
.LBB2_1:
0x28: {  	s8 =	sld [smem:$0x7FC]  }
0x29: {  	[smem:$0x7FA] =	sst s7  }
0x2a: {  	s7 =	simm.s32 @!p0 $0x1C0B;
	s6 =	rddreg [dreg:$0x1e]  }
0x2b: {  	[spmem:s8], [sflag:s7] =	dma.local @!p0 [hbm:s6], $0x27800  }
0x2c: {  	s7 =	simm.s32 @!p0 $0xB  }
0x2d: {  	_ =	swait.ge @!p0 [sflag:s7], $0x27800  }
0x2e: {  	[sflag:s7] =	ssyncset.done @!p0 $0x0  }
0x2f: {  	[sflag:s7] =	ssyncadd.s32 @!p0 $0xFFFD8800  }
0x30: {  	[bflag:$0x0] =	sbarrier.arrive $0xFFFF  }
0x31: {  	s25 =	rddreg [dreg:$0x5]  }
0x32: {  	s7 =	sadd.s32 $0x0, s25  }
0x33: {  	[tilespmem:s4], [sflag:$0xB] =	stream.linear.gather [hbm4b:s7+s4], $0x800, $0x38;
	[tilespmem:$0x1EC00] =	vst v63  }
0x34: {  	_ =	swait.ge [sflag:s9], $0x800  }
0x35: {  	s6 =	rddreg [dreg:$0x4];
	[sflag:s9] =	ssyncset.done $0x0  }
0x36: {  	[sflag:s9] =	ssyncadd.s32 $0xFFFFF800;
	s7 =	sadd.s32 $0x0, s6  }
0x37: {  	[tilespmem:s10], [sflag:$0xB] =	stream.linear.gather [hbm4b:s7+s4], $0x800, $0x38;
	[tilespmem:$0x1EC00] =	vst v63  }
0x38: {  	_ =	swait.ge [sflag:s9], $0x800  }
0x39: {  	[sflag:s9] =	ssyncset.done $0x0  }
0x3a: {  	[sflag:s9] =	ssyncadd.s32 $0xFFFFF800  }
0x3b: {  	[tilespmem:s12], [sflag:$0x1] =	stream.indirect.gather [hbm4b:s1+s11], $0x80, s4, s11, $0xb8;
	[tilespmem:$0x1EC00] =	vst v63  }
0x3c: {  	s8 =	rddreg [dreg:$0x6]  }
0x3d: {  	[tilespmem:s13], [sflag:$0x2] =	stream.indirect.gather [hbm4b:s1+s11], $0x80, s8, s11, $0xb8;
	[tilespmem:$0x1EC00] =	vst v63  }
0x3e: {  	s25 =	rddreg [dreg:$0x7]  }
0x3f: {  	[tilespmem:s14], [sflag:$0x3] =	stream.indirect.gather [hbm4b:s1+s11], $0x80, s25, s11, $0xb8;
	[tilespmem:$0x1EC00] =	vst v63  }
0x40: {  	s6 =	rddreg [dreg:$0x8]  }
0x41: {  	[tilespmem:s15], [sflag:$0x4] =	stream.indirect.gather [hbm4b:s1+s11], $0x80, s6, s11, $0xb8;
	[tilespmem:$0x1EC00] =	vst v63  }
0x42: {  	_ =	swait.ge [sflag:s16], $0x2000  }
0x43: {  	[sflag:s16] =	ssyncset.done $0x0  }
0x44: {  	s8 =	rddreg [dreg:$0x9];
	[sflag:s16] =	ssyncadd.s32 $0xFFFFE000  }
0x45: {  	[tilespmem:s17], [sflag:$0x5] =	stream.indirect.gather [hbm4b:s1+s11], $0x80, s8, s11, $0xb8;
	[tilespmem:$0x1EC00] =	vst v63  }
0x46: {  	_ = 	snop  }
0x47: {  	[spmem:s3] =	stream.indirect.scatter.add.f32 [tilespmem:s12], [sflag:$0x6], $0x80, s10, s11, $0xb8;
	[tilespmem:$0x1EC00] =	vst v63  }
0x48: {  	_ =	swait.ge [sflag:s18], $0x2000  }
0x49: {  	[sflag:s18] =	ssyncset.done $0x0  }
0x4a: {  	[sflag:s18] =	ssyncadd.s32 $0xFFFFE000  }
0x4b: {  	_ =	swait.ge [sflag:s19], $0x2000  }
0x4c: {  	[sflag:s19] =	ssyncset.done $0x0  }
0x4d: {  	s25 =	rddreg [dreg:$0xa];
	[sflag:s19] =	ssyncadd.s32 $0xFFFFE000  }
0x4e: {  	[tilespmem:s12], [sflag:$0x1] =	stream.indirect.gather [hbm4b:s1+s11], $0x80, s25, s11, $0xb8;
	[tilespmem:$0x1EC00] =	vst v63  }
0x4f: {  	s6 =	rddreg [dreg:$0xb]  }
0x50: {  	[spmem:s3] =	stream.indirect.scatter.add.f32 [tilespmem:s13], [sflag:$0x7], $0x80, s6, s11, $0xb8;
	[tilespmem:$0x1EC00] =	vst v63  }
0x51: {  	_ =	swait.ge [sflag:s20], $0x2000  }
0x52: {  	[sflag:s20] =	ssyncset.done $0x0  }
0x53: {  	[sflag:s20] =	ssyncadd.s32 $0xFFFFE000  }
0x54: {  	_ =	swait.ge [sflag:s21], $0x2000  }
0x55: {  	[sflag:s21] =	ssyncset.done $0x0  }
0x56: {  	s25 =	rddreg [dreg:$0xc];
	[sflag:s21] =	ssyncadd.s32 $0xFFFFE000  }
0x57: {  	[tilespmem:s13], [sflag:$0x2] =	stream.indirect.gather [hbm4b:s1+s11], $0x80, s25, s11, $0xb8;
	[tilespmem:$0x1EC00] =	vst v63  }
0x58: {  	s6 =	rddreg [dreg:$0xd]  }
0x59: {  	[spmem:s3] =	stream.indirect.scatter.add.f32 [tilespmem:s14], [sflag:$0x8], $0x80, s6, s11, $0xb8;
	[tilespmem:$0x1EC00] =	vst v63  }
0x5a: {  	_ =	swait.ge [sflag:s22], $0x2000  }
0x5b: {  	[sflag:s22] =	ssyncset.done $0x0  }
0x5c: {  	[sflag:s22] =	ssyncadd.s32 $0xFFFFE000  }
0x5d: {  	_ =	swait.ge [sflag:s23], $0x2000  }
0x5e: {  	[sflag:s23] =	ssyncset.done $0x0  }
0x5f: {  	s25 =	rddreg [dreg:$0xe];
	[sflag:s23] =	ssyncadd.s32 $0xFFFFE000  }
0x60: {  	[tilespmem:s14], [sflag:$0x3] =	stream.indirect.gather [hbm4b:s1+s11], $0x80, s25, s11, $0xb8;
	[tilespmem:$0x1EC00] =	vst v63  }
0x61: {  	s6 =	rddreg [dreg:$0xf]  }
0x62: {  	[spmem:s3] =	stream.indirect.scatter.add.f32 [tilespmem:s15], [sflag:$0x9], $0x80, s6, s11, $0xb8;
	[tilespmem:$0x1EC00] =	vst v63  }
0x63: {  	_ =	swait.ge [sflag:s24], $0x2000  }
0x64: {  	[sflag:s24] =	ssyncset.done $0x0  }
0x65: {  	[sflag:s24] =	ssyncadd.s32 $0xFFFFE000  }
0x66: {  	_ =	swait.ge [sflag:s26], $0x2000  }
0x67: {  	[sflag:s26] =	ssyncset.done $0x0  }
0x68: {  	s25 =	rddreg [dreg:$0x10];
	[sflag:s26] =	ssyncadd.s32 $0xFFFFE000  }
0x69: {  	[tilespmem:s15], [sflag:$0x4] =	stream.indirect.gather [hbm4b:s1+s11], $0x80, s25, s11, $0xb8;
	[tilespmem:$0x1EC00] =	vst v63  }
0x6a: {  	s6 =	rddreg [dreg:$0x11]  }
0x6b: {  	[spmem:s3] =	stream.indirect.scatter.add.f32 [tilespmem:s17], [sflag:$0xA], $0x80, s6, s11, $0xb8;
	[tilespmem:$0x1EC00] =	vst v63  }
0x6c: {  	_ =	swait.ge [sflag:s16], $0x2000  }
0x6d: {  	[sflag:s16] =	ssyncset.done $0x0  }
0x6e: {  	[sflag:s16] =	ssyncadd.s32 $0xFFFFE000  }
0x6f: {  	_ =	swait.ge [sflag:s28], $0x2000  }
0x70: {  	[sflag:s28] =	ssyncset.done $0x0  }
0x71: {  	s25 =	rddreg [dreg:$0x12];
	[sflag:s28] =	ssyncadd.s32 $0xFFFFE000  }
0x72: {  	[tilespmem:s17], [sflag:$0x5] =	stream.indirect.gather [hbm4b:s1+s11], $0x80, s25, s11, $0xb8;
	[tilespmem:$0x1EC00] =	vst v63  }
0x73: {  	s6 =	rddreg [dreg:$0x13]  }
0x74: {  	[spmem:s3] =	stream.indirect.scatter.add.f32 [tilespmem:s12], [sflag:$0x6], $0x80, s6, s11, $0xb8;
	[tilespmem:$0x1EC00] =	vst v63  }
0x75: {  	_ =	swait.ge [sflag:s18], $0x2000  }
0x76: {  	[sflag:s18] =	ssyncset.done $0x0  }
0x77: {  	[sflag:s18] =	ssyncadd.s32 $0xFFFFE000  }
0x78: {  	_ =	swait.ge [sflag:s19], $0x2000  }
0x79: {  	[sflag:s19] =	ssyncset.done $0x0  }
0x7a: {  	s25 =	rddreg [dreg:$0x14];
	[sflag:s19] =	ssyncadd.s32 $0xFFFFE000  }
0x7b: {  	[tilespmem:s12], [sflag:$0x1] =	stream.indirect.gather [hbm4b:s1+s11], $0x80, s25, s11, $0xb8;
	[tilespmem:$0x1EC00] =	vst v63  }
0x7c: {  	s6 =	rddreg [dreg:$0x15]  }
0x7d: {  	[spmem:s3] =	stream.indirect.scatter.add.f32 [tilespmem:s13], [sflag:$0x7], $0x80, s6, s11, $0xb8;
	[tilespmem:$0x1EC00] =	vst v63  }
0x7e: {  	_ =	swait.ge [sflag:s20], $0x2000  }
0x7f: {  	[sflag:s20] =	ssyncset.done $0x0  }
0x80: {  	[sflag:s20] =	ssyncadd.s32 $0xFFFFE000  }
0x81: {  	_ =	swait.ge [sflag:s21], $0x2000  }
0x82: {  	[sflag:s21] =	ssyncset.done $0x0  }
0x83: {  	s25 =	rddreg [dreg:$0x16];
	[sflag:s21] =	ssyncadd.s32 $0xFFFFE000  }
0x84: {  	[tilespmem:s13], [sflag:$0x2] =	stream.indirect.gather [hbm4b:s1+s11], $0x80, s25, s11, $0xb8;
	[tilespmem:$0x1EC00] =	vst v63  }
0x85: {  	s6 =	rddreg [dreg:$0x17]  }
0x86: {  	[spmem:s3] =	stream.indirect.scatter.add.f32 [tilespmem:s14], [sflag:$0x8], $0x80, s6, s11, $0xb8;
	[tilespmem:$0x1EC00] =	vst v63  }
0x87: {  	_ =	swait.ge [sflag:s22], $0x2000  }
0x88: {  	[sflag:s22] =	ssyncset.done $0x0  }
0x89: {  	[sflag:s22] =	ssyncadd.s32 $0xFFFFE000  }
0x8a: {  	_ =	swait.ge [sflag:s23], $0x2000  }
0x8b: {  	[sflag:s23] =	ssyncset.done $0x0  }
0x8c: {  	s25 =	rddreg [dreg:$0x18];
	[sflag:s23] =	ssyncadd.s32 $0xFFFFE000  }
0x8d: {  	[tilespmem:s14], [sflag:$0x3] =	stream.indirect.gather [hbm4b:s1+s11], $0x80, s25, s11, $0xb8;
	[tilespmem:$0x1EC00] =	vst v63  }
0x8e: {  	s6 =	rddreg [dreg:$0x19]  }
0x8f: {  	[spmem:s3] =	stream.indirect.scatter.add.f32 [tilespmem:s15], [sflag:$0x9], $0x80, s6, s11, $0xb8;
	[tilespmem:$0x1EC00] =	vst v63  }
0x90: {  	_ =	swait.ge [sflag:s24], $0x2000  }
0x91: {  	[sflag:s24] =	ssyncset.done $0x0  }
0x92: {  	[sflag:s24] =	ssyncadd.s32 $0xFFFFE000  }
0x93: {  	_ =	swait.ge [sflag:s26], $0x2000  }
0x94: {  	[sflag:s26] =	ssyncset.done $0x0  }
0x95: {  	s25 =	rddreg [dreg:$0x1a];
	[sflag:s26] =	ssyncadd.s32 $0xFFFFE000  }
0x96: {  	[tilespmem:s15], [sflag:$0x4] =	stream.indirect.gather [hbm4b:s1+s11], $0x80, s25, s11, $0xb8;
	[tilespmem:$0x1EC00] =	vst v63  }
0x97: {  	s6 =	rddreg [dreg:$0x1b]  }
0x98: {  	[spmem:s3] =	stream.indirect.scatter.add.f32 [tilespmem:s17], [sflag:$0xA], $0x80, s6, s11, $0xb8;
	[tilespmem:$0x1EC00] =	vst v63  }
0x99: {  	_ =	swait.ge [sflag:s16], $0x2000  }
0x9a: {  	[sflag:s16] =	ssyncset.done $0x0  }
0x9b: {  	[sflag:s16] =	ssyncadd.s32 $0xFFFFE000  }
0x9c: {  	_ =	swait.ge [sflag:s28], $0x2000  }
0x9d: {  	[sflag:s28] =	ssyncset.done $0x0  }
0x9e: {  	s8 =	rddreg [dreg:$0x1c];
	[sflag:s28] =	ssyncadd.s32 $0xFFFFE000  }
0x9f: {  	[tilespmem:s17], [sflag:$0x5] =	stream.indirect.gather [hbm4b:s1+s11], $0x80, s8, s11, $0xb8;
	[tilespmem:$0x1EC00] =	vst v63  }
0xa0: {  	s25 =	rddreg [dreg:$0x1d]  }
0xa1: {  	[spmem:s3] =	stream.indirect.scatter.add.f32 [tilespmem:s12], [sflag:$0x6], $0x80, s25, s11, $0xb8;
	[tilespmem:$0x1EC00] =	vst v63  }
0xa2: {  	_ =	swait.ge [sflag:s18], $0x2000  }
0xa3: {  	[sflag:s18] =	ssyncset.done $0x0  }
0xa4: {  	[sflag:s18] =	ssyncadd.s32 $0xFFFFE000  }
0xa5: {  	_ =	swait.ge [sflag:s19], $0x2000  }
0xa6: {  	[sflag:s19] =	ssyncset.done $0x0  }
0xa7: {  	[sflag:s19] =	ssyncadd.s32 $0xFFFFE000  }
0xa8: {  	[tilespmem:s12], [sflag:$0x1] =	stream.indirect.gather [hbm4b:s1+s11], $0x80, s29, s11, $0xb8;
	[tilespmem:$0x1EC00] =	vst v63  }
0xa9: {  	_ = 	snop  }
0xaa: {  	[spmem:s3] =	stream.indirect.scatter.add.f32 [tilespmem:s13], [sflag:$0x7], $0x80, s30, s11, $0xb8;
	[tilespmem:$0x1EC00] =	vst v63  }
0xab: {  	_ =	swait.ge [sflag:s20], $0x2000  }
0xac: {  	[sflag:s20] =	ssyncset.done $0x0  }
0xad: {  	[sflag:s20] =	ssyncadd.s32 $0xFFFFE000  }
0xae: {  	[spmem:s3] =	stream.indirect.scatter.add.f32 [tilespmem:s14], [sflag:$0x8], $0x80, s31, s11, $0xb8;
	[tilespmem:$0x1EC00] =	vst v63  }
0xaf: {  	_ =	swait.ge [sflag:s22], $0x2000  }
0xb0: {  	[sflag:s22] =	ssyncset.done $0x0  }
0xb1: {  	[sflag:s22] =	ssyncadd.s32 $0xFFFFE000  }
0xb2: {  	[spmem:s3] =	stream.indirect.scatter.add.f32 [tilespmem:s15], [sflag:$0x9], $0x80, s2, s11, $0xb8;
	[tilespmem:$0x1EC00] =	vst v63  }
0xb3: {  	_ =	swait.ge [sflag:s24], $0x2000  }
0xb4: {  	[sflag:s24] =	ssyncset.done $0x0  }
0xb5: {  	[sflag:s24] =	ssyncadd.s32 $0xFFFFE000  }
0xb6: {  	[spmem:s3] =	stream.indirect.scatter.add.f32 [tilespmem:s17], [sflag:$0xA], $0x80, s0, s11, $0xb8;
	[tilespmem:$0x1EC00] =	vst v63  }
0xb7: {  	_ =	swait.ge [sflag:s16], $0x2000  }
0xb8: {  	[sflag:s16] =	ssyncset.done $0x0  }
0xb9: {  	[sflag:s16] =	ssyncadd.s32 $0xFFFFE000  }
0xba: {  	[spmem:s3] =	stream.indirect.scatter.add.f32 [tilespmem:s12], [sflag:$0x6], $0x80, s5, s11, $0xb8;
	[tilespmem:$0x1EC00] =	vst v63  }
0xbb: {  	_ =	swait.ge [sflag:s19], $0x2000  }
0xbc: {  	[sflag:s19] =	ssyncset.done $0x0  }
0xbd: {  	[sflag:s19] =	ssyncadd.s32 $0xFFFFE000  }
0xbe: {  	_ =	swait.ge [sflag:s21], $0x2000  }
0xbf: {  	[sflag:s21] =	ssyncset.done $0x0  }
0xc0: {  	[sflag:s21] =	ssyncadd.s32 $0xFFFFE000  }
0xc1: {  	_ =	swait.ge [sflag:s23], $0x2000  }
0xc2: {  	[sflag:s23] =	ssyncset.done $0x0  }
0xc3: {  	[sflag:s23] =	ssyncadd.s32 $0xFFFFE000  }
0xc4: {  	_ =	swait.ge [sflag:s26], $0x2000  }
0xc5: {  	[sflag:s26] =	ssyncset.done $0x0  }
0xc6: {  	[sflag:s26] =	ssyncadd.s32 $0xFFFFE000  }
0xc7: {  	s7 =	simm.s32 $0x100;
	_ =	swait.ge [sflag:s28], $0x2000  }
0xc8: {  	s8 =	simm.s32 $0x200;
	s25 =	rddreg [dreg:$0x5];
	[sflag:s28] =	ssyncset.done $0x0  }
.LBB2_2:
0xc9: {  	[sflag:s28] =	ssyncadd.s32 $0xFFFFE000;
	s25 =	sadd.s32 s7, s25  }
0xca: {  	[tilespmem:s4], [sflag:$0xB] =	stream.linear.gather [hbm4b:s25+s4], $0x800, $0x38;
	[tilespmem:$0x1EC00] =	vst v63  }
0xcb: {  	_ =	swait.ge [sflag:s9], $0x800  }
0xcc: {  	s25 =	rddreg [dreg:$0x4];
	[sflag:s9] =	ssyncset.done $0x0  }
0xcd: {  	[sflag:s9] =	ssyncadd.s32 $0xFFFFF800;
	s25 =	sadd.s32 s7, s25  }
0xce: {  	[tilespmem:s10], [sflag:$0xB] =	stream.linear.gather [hbm4b:s25+s4], $0x800, $0x38;
	[tilespmem:$0x1EC00] =	vst v63  }
0xcf: {  	_ =	swait.ge [sflag:s9], $0x800  }
0xd0: {  	[sflag:s9] =	ssyncset.done $0x0  }
0xd1: {  	s6 =	smov.u32 s8;
	[sflag:s9] =	ssyncadd.s32 $0xFFFFF800  }
0xd2: {  	[tilespmem:s12], [sflag:$0x1] =	stream.indirect.gather [hbm4b:s1+s11], $0x80, s4, s11, $0xb8;
	[tilespmem:$0x1EC00] =	vst v63  }
0xd3: {  	s7 =	smov.u32 s6;
	s6 =	rddreg [dreg:$0x6]  }
0xd4: {  	[tilespmem:s13], [sflag:$0x2] =	stream.indirect.gather [hbm4b:s1+s11], $0x80, s6, s11, $0xb8;
	[tilespmem:$0x1EC00] =	vst v63  }
0xd5: {  	s25 =	rddreg [dreg:$0x7]  }
0xd6: {  	[tilespmem:s14], [sflag:$0x3] =	stream.indirect.gather [hbm4b:s1+s11], $0x80, s25, s11, $0xb8;
	[tilespmem:$0x1EC00] =	vst v63  }
0xd7: {  	s6 =	rddreg [dreg:$0x8]  }
0xd8: {  	[tilespmem:s15], [sflag:$0x4] =	stream.indirect.gather [hbm4b:s1+s11], $0x80, s6, s11, $0xb8;
	[tilespmem:$0x1EC00] =	vst v63  }
0xd9: {  	_ =	swait.ge [sflag:s16], $0x2000  }
0xda: {  	[sflag:s16] =	ssyncset.done $0x0  }
0xdb: {  	s25 =	rddreg [dreg:$0x9];
	[sflag:s16] =	ssyncadd.s32 $0xFFFFE000  }
0xdc: {  	[tilespmem:s17], [sflag:$0x5] =	stream.indirect.gather [hbm4b:s1+s11], $0x80, s25, s11, $0xb8;
	[tilespmem:$0x1EC00] =	vst v63  }
0xdd: {  	_ = 	snop  }
0xde: {  	[spmem:s3] =	stream.indirect.scatter.add.f32 [tilespmem:s12], [sflag:$0x6], $0x80, s10, s11, $0xb8;
	[tilespmem:$0x1EC00] =	vst v63  }
0xdf: {  	_ =	swait.ge [sflag:s18], $0x2000  }
0xe0: {  	[sflag:s18] =	ssyncset.done $0x0  }
0xe1: {  	[sflag:s18] =	ssyncadd.s32 $0xFFFFE000  }
0xe2: {  	_ =	swait.ge [sflag:s19], $0x2000  }
0xe3: {  	[sflag:s19] =	ssyncset.done $0x0  }
0xe4: {  	s6 =	rddreg [dreg:$0xa];
	[sflag:s19] =	ssyncadd.s32 $0xFFFFE000  }
0xe5: {  	[tilespmem:s12], [sflag:$0x1] =	stream.indirect.gather [hbm4b:s1+s11], $0x80, s6, s11, $0xb8;
	[tilespmem:$0x1EC00] =	vst v63  }
0xe6: {  	s25 =	rddreg [dreg:$0xb]  }
0xe7: {  	[spmem:s3] =	stream.indirect.scatter.add.f32 [tilespmem:s13], [sflag:$0x7], $0x80, s25, s11, $0xb8;
	[tilespmem:$0x1EC00] =	vst v63  }
0xe8: {  	_ =	swait.ge [sflag:s20], $0x2000  }
0xe9: {  	[sflag:s20] =	ssyncset.done $0x0  }
0xea: {  	[sflag:s20] =	ssyncadd.s32 $0xFFFFE000  }
0xeb: {  	_ =	swait.ge [sflag:s21], $0x2000  }
0xec: {  	[sflag:s21] =	ssyncset.done $0x0  }
0xed: {  	s6 =	rddreg [dreg:$0xc];
	[sflag:s21] =	ssyncadd.s32 $0xFFFFE000  }
0xee: {  	[tilespmem:s13], [sflag:$0x2] =	stream.indirect.gather [hbm4b:s1+s11], $0x80, s6, s11, $0xb8;
	[tilespmem:$0x1EC00] =	vst v63  }
0xef: {  	s25 =	rddreg [dreg:$0xd]  }
0xf0: {  	[spmem:s3] =	stream.indirect.scatter.add.f32 [tilespmem:s14], [sflag:$0x8], $0x80, s25, s11, $0xb8;
	[tilespmem:$0x1EC00] =	vst v63  }
0xf1: {  	_ =	swait.ge [sflag:s22], $0x2000  }
0xf2: {  	[sflag:s22] =	ssyncset.done $0x0  }
0xf3: {  	[sflag:s22] =	ssyncadd.s32 $0xFFFFE000  }
0xf4: {  	_ =	swait.ge [sflag:s23], $0x2000  }
0xf5: {  	[sflag:s23] =	ssyncset.done $0x0  }
0xf6: {  	s6 =	rddreg [dreg:$0xe];
	[sflag:s23] =	ssyncadd.s32 $0xFFFFE000  }
0xf7: {  	[tilespmem:s14], [sflag:$0x3] =	stream.indirect.gather [hbm4b:s1+s11], $0x80, s6, s11, $0xb8;
	[tilespmem:$0x1EC00] =	vst v63  }
0xf8: {  	s25 =	rddreg [dreg:$0xf]  }
0xf9: {  	[spmem:s3] =	stream.indirect.scatter.add.f32 [tilespmem:s15], [sflag:$0x9], $0x80, s25, s11, $0xb8;
	[tilespmem:$0x1EC00] =	vst v63  }
0xfa: {  	_ =	swait.ge [sflag:s24], $0x2000  }
0xfb: {  	[sflag:s24] =	ssyncset.done $0x0  }
0xfc: {  	[sflag:s24] =	ssyncadd.s32 $0xFFFFE000  }
0xfd: {  	_ =	swait.ge [sflag:s26], $0x2000  }
0xfe: {  	[sflag:s26] =	ssyncset.done $0x0  }
0xff: {  	s6 =	rddreg [dreg:$0x10];
	[sflag:s26] =	ssyncadd.s32 $0xFFFFE000  }
0x100: {  	[tilespmem:s15], [sflag:$0x4] =	stream.indirect.gather [hbm4b:s1+s11], $0x80, s6, s11, $0xb8;
	[tilespmem:$0x1EC00] =	vst v63  }
0x101: {  	s25 =	rddreg [dreg:$0x11]  }
0x102: {  	[spmem:s3] =	stream.indirect.scatter.add.f32 [tilespmem:s17], [sflag:$0xA], $0x80, s25, s11, $0xb8;
	[tilespmem:$0x1EC00] =	vst v63  }
0x103: {  	_ =	swait.ge [sflag:s16], $0x2000  }
0x104: {  	[sflag:s16] =	ssyncset.done $0x0  }
0x105: {  	[sflag:s16] =	ssyncadd.s32 $0xFFFFE000  }
0x106: {  	_ =	swait.ge [sflag:s28], $0x2000  }
0x107: {  	[sflag:s28] =	ssyncset.done $0x0  }
0x108: {  	s6 =	rddreg [dreg:$0x12];
	[sflag:s28] =	ssyncadd.s32 $0xFFFFE000  }
0x109: {  	[tilespmem:s17], [sflag:$0x5] =	stream.indirect.gather [hbm4b:s1+s11], $0x80, s6, s11, $0xb8;
	[tilespmem:$0x1EC00] =	vst v63  }
0x10a: {  	s25 =	rddreg [dreg:$0x13]  }
0x10b: {  	[spmem:s3] =	stream.indirect.scatter.add.f32 [tilespmem:s12], [sflag:$0x6], $0x80, s25, s11, $0xb8;
	[tilespmem:$0x1EC00] =	vst v63  }
0x10c: {  	_ =	swait.ge [sflag:s18], $0x2000  }
0x10d: {  	[sflag:s18] =	ssyncset.done $0x0  }
0x10e: {  	[sflag:s18] =	ssyncadd.s32 $0xFFFFE000  }
0x10f: {  	_ =	swait.ge [sflag:s19], $0x2000  }
0x110: {  	[sflag:s19] =	ssyncset.done $0x0  }
0x111: {  	s6 =	rddreg [dreg:$0x14];
	[sflag:s19] =	ssyncadd.s32 $0xFFFFE000  }
0x112: {  	[tilespmem:s12], [sflag:$0x1] =	stream.indirect.gather [hbm4b:s1+s11], $0x80, s6, s11, $0xb8;
	[tilespmem:$0x1EC00] =	vst v63  }
0x113: {  	s25 =	rddreg [dreg:$0x15]  }
0x114: {  	[spmem:s3] =	stream.indirect.scatter.add.f32 [tilespmem:s13], [sflag:$0x7], $0x80, s25, s11, $0xb8;
	[tilespmem:$0x1EC00] =	vst v63  }
0x115: {  	_ =	swait.ge [sflag:s20], $0x2000  }
0x116: {  	[sflag:s20] =	ssyncset.done $0x0  }
0x117: {  	[sflag:s20] =	ssyncadd.s32 $0xFFFFE000  }
0x118: {  	_ =	swait.ge [sflag:s21], $0x2000  }
0x119: {  	[sflag:s21] =	ssyncset.done $0x0  }
0x11a: {  	s6 =	rddreg [dreg:$0x16];
	[sflag:s21] =	ssyncadd.s32 $0xFFFFE000  }
0x11b: {  	[tilespmem:s13], [sflag:$0x2] =	stream.indirect.gather [hbm4b:s1+s11], $0x80, s6, s11, $0xb8;
	[tilespmem:$0x1EC00] =	vst v63  }
0x11c: {  	s25 =	rddreg [dreg:$0x17]  }
0x11d: {  	[spmem:s3] =	stream.indirect.scatter.add.f32 [tilespmem:s14], [sflag:$0x8], $0x80, s25, s11, $0xb8;
	[tilespmem:$0x1EC00] =	vst v63  }
0x11e: {  	_ =	swait.ge [sflag:s22], $0x2000  }
0x11f: {  	[sflag:s22] =	ssyncset.done $0x0  }
0x120: {  	[sflag:s22] =	ssyncadd.s32 $0xFFFFE000  }
0x121: {  	_ =	swait.ge [sflag:s23], $0x2000  }
0x122: {  	[sflag:s23] =	ssyncset.done $0x0  }
0x123: {  	s6 =	rddreg [dreg:$0x18];
	[sflag:s23] =	ssyncadd.s32 $0xFFFFE000  }
0x124: {  	[tilespmem:s14], [sflag:$0x3] =	stream.indirect.gather [hbm4b:s1+s11], $0x80, s6, s11, $0xb8;
	[tilespmem:$0x1EC00] =	vst v63  }
0x125: {  	s25 =	rddreg [dreg:$0x19]  }
0x126: {  	[spmem:s3] =	stream.indirect.scatter.add.f32 [tilespmem:s15], [sflag:$0x9], $0x80, s25, s11, $0xb8;
	[tilespmem:$0x1EC00] =	vst v63  }
0x127: {  	_ =	swait.ge [sflag:s24], $0x2000  }
0x128: {  	[sflag:s24] =	ssyncset.done $0x0  }
0x129: {  	[sflag:s24] =	ssyncadd.s32 $0xFFFFE000  }
0x12a: {  	_ =	swait.ge [sflag:s26], $0x2000  }
0x12b: {  	[sflag:s26] =	ssyncset.done $0x0  }
0x12c: {  	s6 =	rddreg [dreg:$0x1a];
	[sflag:s26] =	ssyncadd.s32 $0xFFFFE000  }
0x12d: {  	[tilespmem:s15], [sflag:$0x4] =	stream.indirect.gather [hbm4b:s1+s11], $0x80, s6, s11, $0xb8;
	[tilespmem:$0x1EC00] =	vst v63  }
0x12e: {  	s25 =	rddreg [dreg:$0x1b]  }
0x12f: {  	[spmem:s3] =	stream.indirect.scatter.add.f32 [tilespmem:s17], [sflag:$0xA], $0x80, s25, s11, $0xb8;
	[tilespmem:$0x1EC00] =	vst v63  }
0x130: {  	_ =	swait.ge [sflag:s16], $0x2000  }
0x131: {  	[sflag:s16] =	ssyncset.done $0x0  }
0x132: {  	[sflag:s16] =	ssyncadd.s32 $0xFFFFE000  }
0x133: {  	_ =	swait.ge [sflag:s28], $0x2000  }
0x134: {  	[sflag:s28] =	ssyncset.done $0x0  }
0x135: {  	s6 =	rddreg [dreg:$0x1c];
	[sflag:s28] =	ssyncadd.s32 $0xFFFFE000  }
0x136: {  	[tilespmem:s17], [sflag:$0x5] =	stream.indirect.gather [hbm4b:s1+s11], $0x80, s6, s11, $0xb8;
	[tilespmem:$0x1EC00] =	vst v63  }
0x137: {  	s25 =	rddreg [dreg:$0x1d]  }
0x138: {  	[spmem:s3] =	stream.indirect.scatter.add.f32 [tilespmem:s12], [sflag:$0x6], $0x80, s25, s11, $0xb8;
	[tilespmem:$0x1EC00] =	vst v63  }
0x139: {  	_ =	swait.ge [sflag:s18], $0x2000  }
0x13a: {  	[sflag:s18] =	ssyncset.done $0x0  }
0x13b: {  	[sflag:s18] =	ssyncadd.s32 $0xFFFFE000  }
0x13c: {  	_ =	swait.ge [sflag:s19], $0x2000  }
0x13d: {  	[sflag:s19] =	ssyncset.done $0x0  }
0x13e: {  	[sflag:s19] =	ssyncadd.s32 $0xFFFFE000  }
0x13f: {  	[tilespmem:s12], [sflag:$0x1] =	stream.indirect.gather [hbm4b:s1+s11], $0x80, s29, s11, $0xb8;
	[tilespmem:$0x1EC00] =	vst v63  }
0x140: {  	_ = 	snop  }
0x141: {  	[spmem:s3] =	stream.indirect.scatter.add.f32 [tilespmem:s13], [sflag:$0x7], $0x80, s30, s11, $0xb8;
	[tilespmem:$0x1EC00] =	vst v63  }
0x142: {  	_ =	swait.ge [sflag:s20], $0x2000  }
0x143: {  	[sflag:s20] =	ssyncset.done $0x0  }
0x144: {  	[sflag:s20] =	ssyncadd.s32 $0xFFFFE000  }
0x145: {  	[spmem:s3] =	stream.indirect.scatter.add.f32 [tilespmem:s14], [sflag:$0x8], $0x80, s31, s11, $0xb8;
	[tilespmem:$0x1EC00] =	vst v63  }
0x146: {  	_ =	swait.ge [sflag:s22], $0x2000  }
0x147: {  	[sflag:s22] =	ssyncset.done $0x0  }
0x148: {  	[sflag:s22] =	ssyncadd.s32 $0xFFFFE000  }
0x149: {  	[spmem:s3] =	stream.indirect.scatter.add.f32 [tilespmem:s15], [sflag:$0x9], $0x80, s2, s11, $0xb8;
	[tilespmem:$0x1EC00] =	vst v63  }
0x14a: {  	_ =	swait.ge [sflag:s24], $0x2000  }
0x14b: {  	[sflag:s24] =	ssyncset.done $0x0  }
0x14c: {  	[sflag:s24] =	ssyncadd.s32 $0xFFFFE000  }
0x14d: {  	[spmem:s3] =	stream.indirect.scatter.add.f32 [tilespmem:s17], [sflag:$0xA], $0x80, s0, s11, $0xb8;
	[tilespmem:$0x1EC00] =	vst v63  }
0x14e: {  	_ =	swait.ge [sflag:s16], $0x2000  }
0x14f: {  	[sflag:s16] =	ssyncset.done $0x0  }
0x150: {  	[sflag:s16] =	ssyncadd.s32 $0xFFFFE000  }
0x151: {  	[spmem:s3] =	stream.indirect.scatter.add.f32 [tilespmem:s12], [sflag:$0x6], $0x80, s5, s11, $0xb8;
	[tilespmem:$0x1EC00] =	vst v63  }
0x152: {  	_ =	swait.ge [sflag:s19], $0x2000  }
0x153: {  	[sflag:s19] =	ssyncset.done $0x0  }
0x154: {  	[sflag:s19] =	ssyncadd.s32 $0xFFFFE000  }
0x155: {  	_ =	swait.ge [sflag:s21], $0x2000  }
0x156: {  	[sflag:s21] =	ssyncset.done $0x0  }
0x157: {  	[sflag:s21] =	ssyncadd.s32 $0xFFFFE000  }
0x158: {  	_ =	swait.ge [sflag:s23], $0x2000  }
0x159: {  	[sflag:s23] =	ssyncset.done $0x0  }
0x15a: {  	p1 =	sne.s32 s8, $0x900;
	[sflag:s23] =	ssyncadd.s32 $0xFFFFE000  }
.Ltmp0:
0x15b: {  	_ =	swait.ge [sflag:s26], $0x2000;
	(pc) =	sbr.rel @p1 .LBB2_2-.Ltmp0, $4  }
0x15c: {  	[sflag:s26] =	ssyncset.done $0x0  }
0x15d: {  	[sflag:s26] =	ssyncadd.s32 $0xFFFFE000  }
0x15e: {  	_ =	swait.ge [sflag:s28], $0x2000  }
0x15f: {  	s8 =	sadd.s32 $0x100, s8;
	s25 =	rddreg [dreg:$0x5];
	[sflag:s28] =	ssyncset.done $0x0  }
0x160: {  	[sflag:s28] =	ssyncadd.s32 $0xFFFFE000;
	s6 =	sadd.s32 s7, s25  }
0x161: {  	[tilespmem:s4], [sflag:$0xB] =	stream.linear.gather [hbm4b:s6+s4], $0x800, $0x38;
	[tilespmem:$0x1EC00] =	vst v63  }
0x162: {  	_ =	swait.ge [sflag:s9], $0x800  }
0x163: {  	s25 =	rddreg [dreg:$0x4];
	[sflag:s9] =	ssyncset.done $0x0  }
0x164: {  	[sflag:s9] =	ssyncadd.s32 $0xFFFFF800;
	s6 =	sadd.s32 s7, s25  }
0x165: {  	[tilespmem:s10], [sflag:$0xB] =	stream.linear.gather [hbm4b:s6+s4], $0x800, $0x38;
	[tilespmem:$0x1EC00] =	vst v63  }
0x166: {  	_ =	swait.ge [sflag:s9], $0x800  }
0x167: {  	[sflag:s9] =	ssyncset.done $0x0  }
0x168: {  	[sflag:s9] =	ssyncadd.s32 $0xFFFFF800  }
0x169: {  	[tilespmem:s12], [sflag:$0x1] =	stream.indirect.gather [hbm4b:s1+s11], $0x80, s4, s11, $0xb8;
	[tilespmem:$0x1EC00] =	vst v63  }
0x16a: {  	s7 =	rddreg [dreg:$0x6]  }
0x16b: {  	[tilespmem:s13], [sflag:$0x2] =	stream.indirect.gather [hbm4b:s1+s11], $0x80, s7, s11, $0xb8;
	[tilespmem:$0x1EC00] =	vst v63  }
0x16c: {  	s8 =	rddreg [dreg:$0x7]  }
0x16d: {  	[tilespmem:s14], [sflag:$0x3] =	stream.indirect.gather [hbm4b:s1+s11], $0x80, s8, s11, $0xb8;
	[tilespmem:$0x1EC00] =	vst v63  }
0x16e: {  	s25 =	rddreg [dreg:$0x8]  }
0x16f: {  	[tilespmem:s15], [sflag:$0x4] =	stream.indirect.gather [hbm4b:s1+s11], $0x80, s25, s11, $0xb8;
	[tilespmem:$0x1EC00] =	vst v63  }
0x170: {  	_ =	swait.ge [sflag:s16], $0x2000  }
0x171: {  	[sflag:s16] =	ssyncset.done $0x0  }
0x172: {  	s7 =	rddreg [dreg:$0x9];
	[sflag:s16] =	ssyncadd.s32 $0xFFFFE000  }
0x173: {  	[tilespmem:s17], [sflag:$0x5] =	stream.indirect.gather [hbm4b:s1+s11], $0x80, s7, s11, $0xb8;
	[tilespmem:$0x1EC00] =	vst v63  }
0x174: {  	_ = 	snop  }
0x175: {  	[spmem:s3] =	stream.indirect.scatter.add.f32 [tilespmem:s12], [sflag:$0x6], $0x80, s10, s11, $0xb8;
	[tilespmem:$0x1EC00] =	vst v63  }
0x176: {  	_ =	swait.ge [sflag:s18], $0x2000  }
0x177: {  	[sflag:s18] =	ssyncset.done $0x0  }
0x178: {  	[sflag:s18] =	ssyncadd.s32 $0xFFFFE000  }
0x179: {  	_ =	swait.ge [sflag:s19], $0x2000  }
0x17a: {  	[sflag:s19] =	ssyncset.done $0x0  }
0x17b: {  	s8 =	rddreg [dreg:$0xa];
	[sflag:s19] =	ssyncadd.s32 $0xFFFFE000  }
0x17c: {  	[tilespmem:s12], [sflag:$0x1] =	stream.indirect.gather [hbm4b:s1+s11], $0x80, s8, s11, $0xb8;
	[tilespmem:$0x1EC00] =	vst v63  }
0x17d: {  	s25 =	rddreg [dreg:$0xb]  }
0x17e: {  	[spmem:s3] =	stream.indirect.scatter.add.f32 [tilespmem:s13], [sflag:$0x7], $0x80, s25, s11, $0xb8;
	[tilespmem:$0x1EC00] =	vst v63  }
0x17f: {  	_ =	swait.ge [sflag:s20], $0x2000  }
0x180: {  	[sflag:s20] =	ssyncset.done $0x0  }
0x181: {  	[sflag:s20] =	ssyncadd.s32 $0xFFFFE000  }
0x182: {  	_ =	swait.ge [sflag:s21], $0x2000  }
0x183: {  	[sflag:s21] =	ssyncset.done $0x0  }
0x184: {  	s8 =	rddreg [dreg:$0xc];
	[sflag:s21] =	ssyncadd.s32 $0xFFFFE000  }
0x185: {  	[tilespmem:s13], [sflag:$0x2] =	stream.indirect.gather [hbm4b:s1+s11], $0x80, s8, s11, $0xb8;
	[tilespmem:$0x1EC00] =	vst v63  }
0x186: {  	s25 =	rddreg [dreg:$0xd]  }
0x187: {  	[spmem:s3] =	stream.indirect.scatter.add.f32 [tilespmem:s14], [sflag:$0x8], $0x80, s25, s11, $0xb8;
	[tilespmem:$0x1EC00] =	vst v63  }
0x188: {  	_ =	swait.ge [sflag:s22], $0x2000  }
0x189: {  	[sflag:s22] =	ssyncset.done $0x0  }
0x18a: {  	[sflag:s22] =	ssyncadd.s32 $0xFFFFE000  }
0x18b: {  	_ =	swait.ge [sflag:s23], $0x2000  }
0x18c: {  	[sflag:s23] =	ssyncset.done $0x0  }
0x18d: {  	s8 =	rddreg [dreg:$0xe];
	[sflag:s23] =	ssyncadd.s32 $0xFFFFE000  }
0x18e: {  	[tilespmem:s14], [sflag:$0x3] =	stream.indirect.gather [hbm4b:s1+s11], $0x80, s8, s11, $0xb8;
	[tilespmem:$0x1EC00] =	vst v63  }
0x18f: {  	s25 =	rddreg [dreg:$0xf]  }
0x190: {  	[spmem:s3] =	stream.indirect.scatter.add.f32 [tilespmem:s15], [sflag:$0x9], $0x80, s25, s11, $0xb8;
	[tilespmem:$0x1EC00] =	vst v63  }
0x191: {  	_ =	swait.ge [sflag:s24], $0x2000  }
0x192: {  	[sflag:s24] =	ssyncset.done $0x0  }
0x193: {  	[sflag:s24] =	ssyncadd.s32 $0xFFFFE000  }
0x194: {  	_ =	swait.ge [sflag:s26], $0x2000  }
0x195: {  	[sflag:s26] =	ssyncset.done $0x0  }
0x196: {  	s8 =	rddreg [dreg:$0x10];
	[sflag:s26] =	ssyncadd.s32 $0xFFFFE000  }
0x197: {  	[tilespmem:s15], [sflag:$0x4] =	stream.indirect.gather [hbm4b:s1+s11], $0x80, s8, s11, $0xb8;
	[tilespmem:$0x1EC00] =	vst v63  }
0x198: {  	s25 =	rddreg [dreg:$0x11]  }
0x199: {  	[spmem:s3] =	stream.indirect.scatter.add.f32 [tilespmem:s17], [sflag:$0xA], $0x80, s25, s11, $0xb8;
	[tilespmem:$0x1EC00] =	vst v63  }
0x19a: {  	_ =	swait.ge [sflag:s16], $0x2000  }
0x19b: {  	[sflag:s16] =	ssyncset.done $0x0  }
0x19c: {  	[sflag:s16] =	ssyncadd.s32 $0xFFFFE000  }
0x19d: {  	_ =	swait.ge [sflag:s28], $0x2000  }
0x19e: {  	[sflag:s28] =	ssyncset.done $0x0  }
0x19f: {  	s8 =	rddreg [dreg:$0x12];
	[sflag:s28] =	ssyncadd.s32 $0xFFFFE000  }
0x1a0: {  	[tilespmem:s17], [sflag:$0x5] =	stream.indirect.gather [hbm4b:s1+s11], $0x80, s8, s11, $0xb8;
	[tilespmem:$0x1EC00] =	vst v63  }
0x1a1: {  	s25 =	rddreg [dreg:$0x13]  }
0x1a2: {  	[spmem:s3] =	stream.indirect.scatter.add.f32 [tilespmem:s12], [sflag:$0x6], $0x80, s25, s11, $0xb8;
	[tilespmem:$0x1EC00] =	vst v63  }
0x1a3: {  	_ =	swait.ge [sflag:s18], $0x2000  }
0x1a4: {  	[sflag:s18] =	ssyncset.done $0x0  }
0x1a5: {  	[sflag:s18] =	ssyncadd.s32 $0xFFFFE000  }
0x1a6: {  	_ =	swait.ge [sflag:s19], $0x2000  }
0x1a7: {  	[sflag:s19] =	ssyncset.done $0x0  }
0x1a8: {  	s8 =	rddreg [dreg:$0x14];
	[sflag:s19] =	ssyncadd.s32 $0xFFFFE000  }
0x1a9: {  	[tilespmem:s12], [sflag:$0x1] =	stream.indirect.gather [hbm4b:s1+s11], $0x80, s8, s11, $0xb8;
	[tilespmem:$0x1EC00] =	vst v63  }
0x1aa: {  	s25 =	rddreg [dreg:$0x15]  }
0x1ab: {  	[spmem:s3] =	stream.indirect.scatter.add.f32 [tilespmem:s13], [sflag:$0x7], $0x80, s25, s11, $0xb8;
	[tilespmem:$0x1EC00] =	vst v63  }
0x1ac: {  	_ =	swait.ge [sflag:s20], $0x2000  }
0x1ad: {  	[sflag:s20] =	ssyncset.done $0x0  }
0x1ae: {  	[sflag:s20] =	ssyncadd.s32 $0xFFFFE000  }
0x1af: {  	_ =	swait.ge [sflag:s21], $0x2000  }
0x1b0: {  	[sflag:s21] =	ssyncset.done $0x0  }
0x1b1: {  	s8 =	rddreg [dreg:$0x16];
	[sflag:s21] =	ssyncadd.s32 $0xFFFFE000  }
0x1b2: {  	[tilespmem:s13], [sflag:$0x2] =	stream.indirect.gather [hbm4b:s1+s11], $0x80, s8, s11, $0xb8;
	[tilespmem:$0x1EC00] =	vst v63  }
0x1b3: {  	s25 =	rddreg [dreg:$0x17]  }
0x1b4: {  	[spmem:s3] =	stream.indirect.scatter.add.f32 [tilespmem:s14], [sflag:$0x8], $0x80, s25, s11, $0xb8;
	[tilespmem:$0x1EC00] =	vst v63  }
0x1b5: {  	_ =	swait.ge [sflag:s22], $0x2000  }
0x1b6: {  	[sflag:s22] =	ssyncset.done $0x0  }
0x1b7: {  	[sflag:s22] =	ssyncadd.s32 $0xFFFFE000  }
0x1b8: {  	_ =	swait.ge [sflag:s23], $0x2000  }
0x1b9: {  	[sflag:s23] =	ssyncset.done $0x0  }
0x1ba: {  	s8 =	rddreg [dreg:$0x18];
	[sflag:s23] =	ssyncadd.s32 $0xFFFFE000  }
0x1bb: {  	[tilespmem:s14], [sflag:$0x3] =	stream.indirect.gather [hbm4b:s1+s11], $0x80, s8, s11, $0xb8;
	[tilespmem:$0x1EC00] =	vst v63  }
0x1bc: {  	s25 =	rddreg [dreg:$0x19]  }
0x1bd: {  	[spmem:s3] =	stream.indirect.scatter.add.f32 [tilespmem:s15], [sflag:$0x9], $0x80, s25, s11, $0xb8;
	[tilespmem:$0x1EC00] =	vst v63  }
0x1be: {  	_ =	swait.ge [sflag:s24], $0x2000  }
0x1bf: {  	[sflag:s24] =	ssyncset.done $0x0  }
0x1c0: {  	[sflag:s24] =	ssyncadd.s32 $0xFFFFE000  }
0x1c1: {  	_ =	swait.ge [sflag:s26], $0x2000  }
0x1c2: {  	[sflag:s26] =	ssyncset.done $0x0  }
0x1c3: {  	s8 =	rddreg [dreg:$0x1a];
	[sflag:s26] =	ssyncadd.s32 $0xFFFFE000  }
0x1c4: {  	[tilespmem:s15], [sflag:$0x4] =	stream.indirect.gather [hbm4b:s1+s11], $0x80, s8, s11, $0xb8;
	[tilespmem:$0x1EC00] =	vst v63  }
0x1c5: {  	s25 =	rddreg [dreg:$0x1b]  }
0x1c6: {  	[spmem:s3] =	stream.indirect.scatter.add.f32 [tilespmem:s17], [sflag:$0xA], $0x80, s25, s11, $0xb8;
	[tilespmem:$0x1EC00] =	vst v63  }
0x1c7: {  	_ =	swait.ge [sflag:s16], $0x2000  }
0x1c8: {  	[sflag:s16] =	ssyncset.done $0x0  }
0x1c9: {  	[sflag:s16] =	ssyncadd.s32 $0xFFFFE000  }
0x1ca: {  	_ =	swait.ge [sflag:s28], $0x2000  }
0x1cb: {  	[sflag:s28] =	ssyncset.done $0x0  }
0x1cc: {  	s8 =	rddreg [dreg:$0x1c];
	[sflag:s28] =	ssyncadd.s32 $0xFFFFE000  }
0x1cd: {  	[tilespmem:s17], [sflag:$0x5] =	stream.indirect.gather [hbm4b:s1+s11], $0x80, s8, s11, $0xb8;
	[tilespmem:$0x1EC00] =	vst v63  }
0x1ce: {  	s25 =	rddreg [dreg:$0x1d]  }
0x1cf: {  	[spmem:s3] =	stream.indirect.scatter.add.f32 [tilespmem:s12], [sflag:$0x6], $0x80, s25, s11, $0xb8;
	[tilespmem:$0x1EC00] =	vst v63  }
0x1d0: {  	_ =	swait.ge [sflag:s18], $0x2000  }
0x1d1: {  	[sflag:s18] =	ssyncset.done $0x0  }
0x1d2: {  	[sflag:s18] =	ssyncadd.s32 $0xFFFFE000  }
0x1d3: {  	_ =	swait.ge [sflag:s19], $0x2000  }
0x1d4: {  	[sflag:s19] =	ssyncset.done $0x0  }
0x1d5: {  	[sflag:s19] =	ssyncadd.s32 $0xFFFFE000  }
0x1d6: {  	[tilespmem:s12], [sflag:$0x1] =	stream.indirect.gather [hbm4b:s1+s11], $0x80, s29, s11, $0xb8;
	[tilespmem:$0x1EC00] =	vst v63  }
0x1d7: {  	_ = 	snop  }
0x1d8: {  	[spmem:s3] =	stream.indirect.scatter.add.f32 [tilespmem:s13], [sflag:$0x7], $0x80, s30, s11, $0xb8;
	[tilespmem:$0x1EC00] =	vst v63  }
0x1d9: {  	_ =	swait.ge [sflag:s20], $0x2000  }
0x1da: {  	[sflag:s20] =	ssyncset.done $0x0  }
0x1db: {  	[sflag:s20] =	ssyncadd.s32 $0xFFFFE000  }
0x1dc: {  	[spmem:s3] =	stream.indirect.scatter.add.f32 [tilespmem:s14], [sflag:$0x8], $0x80, s31, s11, $0xb8;
	[tilespmem:$0x1EC00] =	vst v63  }
0x1dd: {  	_ =	swait.ge [sflag:s22], $0x2000  }
0x1de: {  	[sflag:s22] =	ssyncset.done $0x0  }
0x1df: {  	[sflag:s22] =	ssyncadd.s32 $0xFFFFE000  }
0x1e0: {  	[spmem:s3] =	stream.indirect.scatter.add.f32 [tilespmem:s15], [sflag:$0x9], $0x80, s2, s11, $0xb8;
	[tilespmem:$0x1EC00] =	vst v63  }
0x1e1: {  	_ =	swait.ge [sflag:s24], $0x2000  }
0x1e2: {  	[sflag:s24] =	ssyncset.done $0x0  }
0x1e3: {  	[sflag:s24] =	ssyncadd.s32 $0xFFFFE000  }
0x1e4: {  	[spmem:s3] =	stream.indirect.scatter.add.f32 [tilespmem:s17], [sflag:$0xA], $0x80, s0, s11, $0xb8;
	[tilespmem:$0x1EC00] =	vst v63  }
0x1e5: {  	_ =	swait.ge [sflag:s16], $0x2000  }
0x1e6: {  	[sflag:s16] =	ssyncset.done $0x0  }
0x1e7: {  	[sflag:s16] =	ssyncadd.s32 $0xFFFFE000  }
0x1e8: {  	[spmem:s3] =	stream.indirect.scatter.add.f32 [tilespmem:s12], [sflag:$0x6], $0x80, s5, s11, $0xb8;
	[tilespmem:$0x1EC00] =	vst v63  }
0x1e9: {  	_ =	swait.ge [sflag:s19], $0x2000  }
0x1ea: {  	[sflag:s19] =	ssyncset.done $0x0  }
0x1eb: {  	[sflag:s19] =	ssyncadd.s32 $0xFFFFE000  }
0x1ec: {  	_ =	swait.ge [sflag:s21], $0x2000  }
0x1ed: {  	[sflag:s21] =	ssyncset.done $0x0  }
0x1ee: {  	[sflag:s21] =	ssyncadd.s32 $0xFFFFE000  }
0x1ef: {  	_ =	swait.ge [sflag:s23], $0x2000  }
0x1f0: {  	[sflag:s23] =	ssyncset.done $0x0  }
0x1f1: {  	[sflag:s23] =	ssyncadd.s32 $0xFFFFE000  }
0x1f2: {  	_ =	swait.ge [sflag:s26], $0x2000  }
0x1f3: {  	[sflag:s26] =	ssyncset.done $0x0  }
0x1f4: {  	[sflag:s26] =	ssyncadd.s32 $0xFFFFE000  }
0x1f5: {  	_ =	swait.ge [sflag:s28], $0x2000  }
0x1f6: {  	[sflag:s28] =	ssyncset.done $0x0  }
0x1f7: {  	[sflag:s28] =	ssyncadd.s32 $0xFFFFE000  }
0x1f8: {  	s8 =	stileid.u32;
	[bflag:$0x0] =	sbarrier.arrive $0xFFFF  }
0x1f9: {  	s6 =	sshll.u32 s8, $0x6;
	s8 =	sld [smem:$0x7FD];
	_ =	sdelay $0x1  }
0x1fa: {  	s6 =	sor.u32 $0x1C0B, s6;
	s25 =	rddreg [dreg:$0x1f]  }
0x1fb: {  	[hbm:s25], [sflag:s6] =	dma.local [spmem:s8], $0x2780  }
0x1fc: {  	_ =	swait.ge [sflag:s9], $0x2780  }
0x1fd: {  	s8 =	sld [smem:$0x7FA]  }
0x1fe: {  	s25 =	sld [smem:$0x7FB];
	_ =	sdelay $0x1  }
0x1ff: {  	s7 =	sadd.s32 $0x1, s8  }
0x200: {  	p1 =	sne.s32 s7, s25  }
.Ltmp1:
0x201: {  	_ = 	snop;
	(pc) =	sbr.rel @p1 .LBB2_1-.Ltmp1, $3  }
0x202: {  	_ =	sdelay $0x1  }
0x203: {  	[sflag:s9] =	ssyncset.done $0x0  }
0x204: {  	[sflag:s9] =	ssyncadd.s32 $0xFFFFD880  }
0x205: {  	_ =	sfence.sel $0x180000  }
0x206: {  	[bflag:$0x0] =	sbarrier.arrive $0xFFFF  }
0x207: {  	_ =	strace $0x90000047  }
0x208: {  	[bflag:$0x2] =	sbarrier.arrive $0xFFFF  }
0x209: {  	s0 =	rddreg [dreg:$0x3]  }
0x20a: {  	s0 =	sadd.s32 @!p0 $0x100000, s0  }
0x20b: {  	[sflag:s0] =	ssyncadd.tile.s32 @!p0 $0x1;
	_ =	shalt  }
.Lfunc_end2:
_tile_overlayer_lowered:
.L_overlay_start_2:
0x20c: {  	(tag) =	ssettag $0x2  }
0x20d: {  	s0 =	rddreg [dreg:$0x0];
	s2 =	stileid.u32  }
0x20e: {  	s1 =	rddreg [dreg:$0x1];
	p0 =	sne.s32 s2, $0x0  }
0x20f: {  	s3 =	rddreg [dreg:$0x2];
	[bflag:$0x3] =	sbarrier.arrive $0xFFFF;
	s2 =	simm.s32 @!p0 $0x1C0B  }
0x210: {  	[timem:s3], [sflag:s2] =	dma.local @!p0 [hbm:s0], s1  }
0x211: {  	s0 =	simm.s32 @!p0 $0xB  }
0x212: {  	_ =	swait.ge @!p0 [sflag:s0], s1  }
0x213: {  	s1 =	ssub.s32 @!p0 $0x0, s1;
	[sflag:s0] =	ssyncset.done @!p0 $0x0  }
0x214: {  	[sflag:s0] =	ssyncadd.s32 @!p0 s1  }
0x215: {  	[bflag:$0x3] =	sbarrier.arrive $0xFFFF  }
0x216: {  	_ =	shalt  }

// kernel: kernel.13.cloned.1.call-start
scs
__scs_entry_jumppad:
0x0: {  	(pc) =	sbr.rel $0x88, $3  }
0x1: {  	(tag) =	ssettag $0x0;
	lr =	simm.s32 $0x1  }
0x2: {  	[smem:$0x3F99] =	sst lr;
	_ =	strace $0xD0000000  }
0x3: {  	_ = 	snop  }
0x4: {  	_ = 	snop  }
0x5: {  	_ = 	snop  }
0x6: {  	_ = 	snop  }
0x7: {  	_ = 	snop  }
__scs_overlays_trampoline_lowered:
0x8: {  	[smem:$0x3FA8] =	sst s0  }
0x9: {  	[smem:$0x3FA9] =	sst s1  }
0xa: {  	[smem:$0x3FAA] =	sst s2  }
0xb: {  	[smem:$0x3FAB] =	sst s3  }
0xc: {  	[smem:$0x3FAC] =	sst s4  }
0xd: {  	[smem:$0x3FAD] =	sst s5  }
0xe: {  	[smem:$0x3FAE] =	sst s6  }
0xf: {  	[smem:$0x3FAF] =	sst s7  }
0x10: {  	[smem:$0x3FB0] =	sst s8  }
0x11: {  	[smem:$0x3FB1] =	sst s9;
	s0 =	simm.s32 @!p0 $0x0  }
0x12: {  	s1 =	sld [smem:$0x3F97];
	s0 =	simm.s32 @p0 $0x1  }
0x13: {  	[smem:$0x3FB2] =	sst s0;
	s0 =	simm.s32 @!p1 $0x0  }
0x14: {  	s2 =	sld [smem:$0x3F96];
	s0 =	simm.s32 @p1 $0x1  }
0x15: {  	[smem:$0x3FB3] =	sst s0;
	s0 =	simm.s32 @!p2 $0x0  }
0x16: {  	s3 =	sld [smem:$0x3FDB];
	s0 =	simm.s32 @p2 $0x1  }
0x17: {  	s4 =	simm.s32 $0x1BF5;
	[smem:$0x3FB5] =	sst s0  }
0x18: {  	s0 =	sld [smem:$0x3F98];
	_ =	swait.ge [sflag:s4], $0x0  }
0x19: {  	s7 =	sld [smem:$0x3F99]  }
0x1a: {  	s8 =	sadd.s32 $0xFFFFE003, lr  }
0x1b: {  	s9 =	sadd.s32 $0xFFFFFEF7, lr;
	s5 =	simm.s32 $0xFFFFFFFF;
	p2 =	slt.u32 s8, $0xFFFFF086  }
0x1c: {  	p1 =	slt.u32 s9, $0xF7A;
	s5 =	simm.s32 @!p2 $0x0  }
0x1d: {  	s5 =	simm.s32 @p1 $0x1;
	p0 =	seq.s32 s7, s2  }
0x1e: {  	s7 =	smul.u32 @!p0 $0xF7A, s2;
	p2 =	seq.s32 @!p0 s5, $0x0  }
0x1f: {  	s9 =	smul.u32 $0xF7A, s1;
	s8 =	simm.s32 @!p0 $0x1BF5;
	p2 =	por !p2, p0  }
0x20: {  	[sflag:s8] =	ssyncset.s32 @!p0 $0xFFFFF086;
	s6 =	sadd.s32 @!p0 s3, s7;
	s7 =	simm.s32 @!p0 $0x108  }
0x21: {  	s3 =	sadd.s32 s3, s9;
	s6 =	sadd.s32 @!p0 $0x88, s6;
	s7 =	simm.s32 @p2 $0x1082  }
0x22: {  	[simem:s7], [sflag:s8] =	dma.local @!p0 [hbm:s6], $0xF7A  }
0x23: {  	s9 =	sor.u32 $0xD0000000, s2;
	s6 =	simm.s32 $0x108;
	_ =	swait.ge @!p0 [sflag:s8], $0x0  }
0x24: {  	s3 =	sadd.s32 $0x88, s3;
	s6 =	simm.s32 @!p1 $0x1082;
	[sflag:s4] =	ssyncset.s32 $0xFFFFF086  }
0x25: {  	[simem:s6], [sflag:s4] =	dma.local [hbm:s3], $0xF7A  }
0x26: {  	[smem:$0x3F99] =	sst s1;
	(tag) =	ssettag s2;
	_ =	strace s9  }
0x27: {  	s1 =	sld [smem:$0x3FA9]  }
0x28: {  	s2 =	sld [smem:$0x3FAA]  }
0x29: {  	s4 =	sld [smem:$0x3FAC]  }
0x2a: {  	p0 =	seq.s32 s5, $0x0;
	s5 =	sld [smem:$0x3FAD]  }
0x2b: {  	s6 =	sld [smem:$0x3FAE]  }
0x2c: {  	s7 =	sld [smem:$0x3FAF]  }
0x2d: {  	s3 =	simm.s32 $0x108;
	s8 =	sld [smem:$0x3FB0]  }
0x2e: {  	s3 =	simm.s32 @!p0 $0x1082;
	s9 =	sld [smem:$0x3FB1]  }
0x2f: {  	lr =	sadd.s32 s0, s3;
	s0 =	sld [smem:$0x3FA8]  }
0x30: {  	s3 =	sld [smem:$0x3FAB]  }
0x31: {  	[smem:$0x3FB4] =	sst s10  }
0x32: {  	s10 =	sld [smem:$0x3FB2];
	_ =	sdelay $0x3  }
0x33: {  	p0 =	seq.s32 s10, $0x1;
	s10 =	sld [smem:$0x3FB4];
	_ =	sdelay $0x3  }
0x34: {  	[smem:$0x3FB4] =	sst s10  }
0x35: {  	s10 =	sld [smem:$0x3FB3];
	_ =	sdelay $0x3  }
0x36: {  	p1 =	seq.s32 s10, $0x1;
	s10 =	sld [smem:$0x3FB4];
	_ =	sdelay $0x3  }
0x37: {  	[smem:$0x3FB4] =	sst s10  }
0x38: {  	s10 =	sld [smem:$0x3FB5]  }
0x39: {  	_ = 	snop;
	(pc) =	sbr.ind lr, $3  }
0x3a: {  	_ = 	snop  }
0x3b: {  	_ = 	snop  }
0x3c: {  	p2 =	seq.s32 s10, $0x1;
	s10 =	sld [smem:$0x3FB4]  }
0x3d: {  	_ =	shalt  }
0x3e: {  	_ =	shalt  }
0x3f: {  	_ =	shalt  }
0x40: {  	_ =	shalt  }
0x41: {  	_ =	shalt  }
0x42: {  	_ =	shalt  }
0x43: {  	_ =	shalt  }
0x44: {  	_ =	shalt  }
0x45: {  	_ =	shalt  }
0x46: {  	_ =	shalt  }
0x47: {  	_ =	shalt  }
0x48: {  	_ =	shalt  }
0x49: {  	_ =	shalt  }
0x4a: {  	_ =	shalt  }
0x4b: {  	_ =	shalt  }
0x4c: {  	_ =	shalt  }
0x4d: {  	_ =	shalt  }
0x4e: {  	_ =	shalt  }
0x4f: {  	_ =	shalt  }
0x50: {  	_ =	shalt  }
0x51: {  	_ =	shalt  }
0x52: {  	_ =	shalt  }
0x53: {  	_ =	shalt  }
0x54: {  	_ =	shalt  }
0x55: {  	_ =	shalt  }
0x56: {  	_ =	shalt  }
0x57: {  	_ =	shalt  }
0x58: {  	_ =	shalt  }
0x59: {  	_ =	shalt  }
0x5a: {  	_ =	shalt  }
0x5b: {  	_ =	shalt  }
0x5c: {  	_ =	shalt  }
0x5d: {  	_ =	shalt  }
0x5e: {  	_ =	shalt  }
0x5f: {  	_ =	shalt  }
0x60: {  	_ =	shalt  }
0x61: {  	_ =	shalt  }
0x62: {  	_ =	shalt  }
0x63: {  	_ =	shalt  }
0x64: {  	_ =	shalt  }
0x65: {  	_ =	shalt  }
0x66: {  	_ =	shalt  }
0x67: {  	_ =	shalt  }
0x68: {  	_ =	shalt  }
0x69: {  	_ =	shalt  }
0x6a: {  	_ =	shalt  }
0x6b: {  	_ =	shalt  }
0x6c: {  	_ =	shalt  }
0x6d: {  	_ =	shalt  }
0x6e: {  	_ =	shalt  }
0x6f: {  	_ =	shalt  }
0x70: {  	_ =	shalt  }
0x71: {  	_ =	shalt  }
0x72: {  	_ =	shalt  }
0x73: {  	_ =	shalt  }
0x74: {  	_ =	shalt  }
0x75: {  	_ =	shalt  }
0x76: {  	_ =	shalt  }
0x77: {  	_ =	shalt  }
0x78: {  	_ =	shalt  }
0x79: {  	_ =	shalt  }
0x7a: {  	_ =	shalt  }
0x7b: {  	_ =	shalt  }
0x7c: {  	_ =	shalt  }
0x7d: {  	_ =	shalt  }
0x7e: {  	_ =	shalt  }
0x7f: {  	_ =	shalt  }
0x80: {  	_ =	shalt  }
0x81: {  	_ =	shalt  }
0x82: {  	_ =	shalt  }
0x83: {  	_ =	shalt  }
0x84: {  	_ =	shalt  }
0x85: {  	_ =	shalt  }
0x86: {  	_ =	shalt  }
0x87: {  	_ =	shalt  }
.Lfunc_end0:
.L_simem_size_0:
called_computation.2_lowered:
.L_overlay_start_0:
0x88: {  	s2 =	sld [smem:$0x3FD9]  }
0x89: {  	s3 =	sld [smem:$0x3FFE];
	_ =	sdelay $0x1  }
0x8a: {  	s1 =	srdreg.scid  }
0x8b: {  	s0 =	sand.u32 $0x1, s1  }
0x8c: {  	s17 =	sshll.u32 s0, $0xA;
	s2 =	sadd.s32 s3, s2  }
0x8d: {  	s2 =	sadd.s32 s2, s17  }
0x8e: {  	[smem:$0x3FC0] =	sst s2  }
0x8f: {  	_ = 	snop  }
0x90: {  	s2 =	sld [smem:$0x3FD0];
	(tm) =	ssettm $0x1  }
0x91: {  	s18 =	sld [smem:$0x3FFB];
	_ =	sdelay $0x3  }
0x92: {  	_ =	strace s18  }
0x93: {  	s3 =	sld [smem:$0x3FFC];
	_ =	sdelay $0x3  }
0x94: {  	_ =	strace s3  }
0x95: {  	s3 =	sld [smem:$0x3FFD];
	_ =	sdelay $0x3  }
0x96: {  	_ =	strace s3  }
0x97: {  	_ =	strace $0x8FFFFFFF  }
0x98: {  	s19 =	sld [smem:$0x3FDB];
	_ =	sdelay $0x1  }
0x99: {  	s4 =	simm.s32 $_scs_section_size  }
0x9a: {  	s5 =	simm.s32 $_size__tile_overlayer_lowered;
	s6 =	simm.s32 $_tile_overlayer_lowered  }
0x9b: {  	s22 =	simm.s32 $0x1BFF;
	s21 =	sshll.u32 s6, $0x1;
	s3 =	sadd.s32 s4, s19  }
0x9c: {  	s7 =	simm.s32 $0x0;
	s20 =	sshll.u32 s5, $0x1;
	s5 =	sadd.s32 s21, s3  }
0x9d: {  	[timem:s7], [sflag:s22] =	dma.local [hbm:s5], s20  }
0x9e: {  	_ =	swait.ge [sflag:s22], s20  }
0x9f: {  	s4 =	ssub.s32 $0x0, s20;
	[sflag:s22] =	ssyncset.done $0x0  }
0xa0: {  	[sflag:s22] =	ssyncadd.s32 s4;
	_ =	sdelay $0x1  }
0xa1: {  	s23 =	simm.s32 $0x1B8B  }
0xa2: {  	_ =	swait.ge [sflag:s23], $0x1  }
0xa3: {  	[sflag:s23] =	ssyncset.done $0x0  }
0xa4: {  	s25 =	simm.s32 $0x1B8E;
	s24 =	sld [smem:$0x3FFE];
	[sflag:s23] =	ssyncadd.s32 $0xFFFFFFFF  }
0xa5: {  	s26 =	simm.s32 $execute0_lowered;
	[smem:$0x3FD2] =	sst s25  }
0xa6: {  	s5 =	sshll.u32 s26, $0x1;
	_ =	strace $0x8000004C;
	[dreg:$0x1] =	wrdreg $0xFFFFFFFF  }
0xa7: {  	s28 =	simm.s32 $_size_execute0_lowered;
	s3 =	sadd.s32 s3, s5;
	[dreg:$0x0] =	wrdreg $0x0  }
0xa8: {  	s5 =	sshll.u32 s28, $0x1;
	[dreg:$0x2] =	wrdreg s3  }
0xa9: {  	[dreg:$0x3] =	wrdreg s5  }
0xaa: {  	[dreg:$0x4] =	wrdreg $0xC0  }
0xab: {  	_ =	task [dreg:s7], $0x5FFFF  }
0xac: {  	[dreg:$0x1] =	wrdreg $0xFFFFFFFF  }
0xad: {  	[dreg:$0x0] =	wrdreg $0x60  }
0xae: {  	[dreg:$0x2] =	wrdreg s2  }
0xaf: {  	[dreg:$0x3] =	wrdreg s24  }
0xb0: {  	[dreg:$0x4] =	wrdreg $0xB0000  }
0xb1: {  	[dreg:$0x5] =	wrdreg $0x9  }
0xb2: {  	_ =	task.clear_ibuf [dreg:s7], $0x6FFFF;
	_ =	strace $0x9000004C  }
0xb3: {  	s29 =	simm.s32 $0x9;
	_ =	strace $0x8000004E  }
0xb4: {  	_ =	swait.ge [sflag:s29], $0x1  }
0xb5: {  	[sflag:s29] =	ssyncadd.s32 $0xFFFFFFFF  }
0xb6: {  	_ =	strace $0x9000004E  }
0xb7: {  	_ =	sfence  }
0xb8: {  	s30 =	sld [smem:$0x0];
	_ =	sdelay $0x2  }
0xb9: {  	s31 =	sshll.u32 s1, $0xD;
	s1 =	sshrl.u32 s1, $0x2  }
0xba: {  	s3 =	sand.u32 $0x4000, s31;
	s1 =	sadd.s32 s1, s30  }
0xbb: {  	s0 =	sor.u32 s3, s0;
	s1 =	sshll.u32 s1, $0x11  }
0xbc: {  	s0 =	sor.u32 s1, s0  }
0xbd: {  	s0 =	sadd.s32 $0x8F2B, s0  }
0xbe: {  	[sflag:s0] =	ssyncadd.remote.s32 $0x1  }
0xbf: {  	_ =	sfence.sel $0xFFFF  }
0xc0: {  	[dreg:$0x0] =	wrdreg $0xFFFFFFFF;
	(pc) =	sbr.abs _section_cstart, $3  }
0xc1: {  	[dreg:$0x1] =	wrdreg $0xFFFFFFFF  }
0xc2: {  	_ =	task.clear_ibuf [dreg:s7], $0x2FFFF;
	_ =	strace $0x9FFFFFFF  }
0xc3: {  	(tm) =	ssettm $0x7FFFFFFF  }
tec
execute0_lowered:
.L_overlay_start_1:
0x0: {  	(tag) =	ssettag $0x1  }
0x1: {  	s1 =	rddreg [dreg:$0x0]  }
0x2: {  	s0 =	srdreg.scid;
	s6 =	rddreg [dreg:$0x1]  }
0x3: {  	s9 =	stileid.u32;
	s3 =	rddreg [dreg:$0x2]  }
0x4: {  	s4 =	simm.s32 $0x0;
	s21 =	simm.s32 $0x80;
	s22 =	simm.s32 $0x100  }
0x5: {  	s24 =	simm.s32 $0x180;
	s25 =	simm.s32 $0x200;
	s10 =	simm.s32 $0x380  }
0x6: {  	s11 =	simm.s32 $0x980;
	[smem:$0x7FF] =	sst s4;
	s18 =	sadd.s32 $0x2A200, s6  }
0x7: {  	s12 =	simm.s32 $0x400;
	_ =	strace $0x8000004D;
	[dreg:$0x1e] =	wrdreg s18  }
0x8: {  	s13 =	simm.s32 $0xA00;
	s5 =	smul.u32 $0x5000, s9;
	[dreg:$0x6] =	wrdreg s21  }
0x9: {  	s14 =	simm.s32 $0x480;
	s8 =	smul.u32 $0x13C00, s9;
	[dreg:$0x7] =	wrdreg s22  }
0xa: {  	s15 =	simm.s32 $0xA80;
	s23 =	smul.u32 $0x4F000, s9;
	[dreg:$0x8] =	wrdreg s24  }
0xb: {  	p0 =	sne.s32 s9, $0x0;
	s9 =	simm.s32 $0x900;
	[dreg:$0x9] =	wrdreg s25  }
0xc: {  	s16 =	simm.s32 $0x500;
	s28 =	simm.s32 $0xA;
	[dreg:$0xd] =	wrdreg s9  }
0xd: {  	s29 =	simm.s32 $0x780;
	s0 =	sand.u32 $0x1, s0;
	[dreg:$0xe] =	wrdreg s10  }
0xe: {  	s30 =	simm.s32 $0xD80;
	s2 =	smul.u32 $0x50000, s0;
	[dreg:$0xf] =	wrdreg s11  }
0xf: {  	s31 =	simm.s32 $0xE00;
	s7 =	smul.u32 $0x13C000, s0;
	[dreg:$0x10] =	wrdreg s12  }
0x10: {  	s0 =	ssub.s32 $0x2, s0;
	s9 =	simm.s32 $0xB;
	[dreg:$0x11] =	wrdreg s13  }
0x11: {  	s10 =	simm.s32 $0x800;
	s11 =	simm.s32 $0x40;
	[dreg:$0x12] =	wrdreg s14  }
0x12: {  	s12 =	simm.s32 $0x1000;
	s13 =	simm.s32 $0x3000;
	[dreg:$0x13] =	wrdreg s15  }
0x13: {  	s14 =	simm.s32 $0x5000;
	s15 =	simm.s32 $0x7000;
	[dreg:$0x14] =	wrdreg s16  }
0x14: {  	s16 =	simm.s32 $0x1;
	s18 =	simm.s32 $0x580;
	s21 =	simm.s32 $0xC00  }
0x15: {  	s22 =	simm.s32 $0x680;
	s24 =	simm.s32 $0x700;
	[dreg:$0x16] =	wrdreg s18  }
0x16: {  	s25 =	simm.s32 $0xD00;
	s20 =	sshrl.u32 s0, $0x1;
	[dreg:$0x19] =	wrdreg s21  }
0x17: {  	s26 =	sshrl.u32 s23, $0x2;
	s18 =	simm.s32 $0x2;
	[dreg:$0x1a] =	wrdreg s22  }
0x18: {  	s21 =	simm.s32 $0x7;
	s23 =	simm.s32 $0xC80;
	[dreg:$0x1c] =	wrdreg s24  }
0x19: {  	s22 =	simm.s32 $0x4;
	[dreg:$0x1d] =	wrdreg s25;
	s2 =	sadd.s32 s5, s2  }
0x1a: {  	s17 =	sadd.s32 s8, s7;
	s7 =	simm.s32 $0x880;
	[dreg:$0x1b] =	wrdreg s23  }
0x1b: {  	s0 =	ssub.s32 s0, s20;
	s8 =	simm.s32 $0x300;
	[dreg:$0xb] =	wrdreg s7  }
0x1c: {  	s20 =	simm.s32 $0x600;
	s2 =	sshrl.u32 s2, $0x3;
	[dreg:$0xc] =	wrdreg s8  }
0x1d: {  	s5 =	sshrl.u32 s17, $0x3;
	s0 =	smax.u32 s0, $0x1;
	[dreg:$0x18] =	wrdreg s20  }
0x1e: {  	s17 =	simm.s32 $0xB00;
	s2 =	sadd.s32 s2, s6;
	[smem:$0x7FB] =	sst s0  }
0x1f: {  	s5 =	sadd.s32 s5, s6;
	s6 =	simm.s32 $0x280;
	[dreg:$0x15] =	wrdreg s17  }
0x20: {  	s24 =	simm.s32 $0x5;
	s19 =	sadd.s32 $0x2200, s2;
	[dreg:$0xa] =	wrdreg s6  }
0x21: {  	s23 =	simm.s32 $0x8;
	s2 =	sadd.s32 $0x16200, s2;
	[dreg:$0x4] =	wrdreg s19  }
0x22: {  	s20 =	simm.s32 $0x3;
	s5 =	sadd.s32 $0x51A00, s5;
	[dreg:$0x5] =	wrdreg s2  }
0x23: {  	s7 =	simm.s32 $0x0;
	[dreg:$0x1f] =	wrdreg s5;
	s2 =	sshrl.u32 @!p0 s3, $0x3  }
0x24: {  	s17 =	simm.s32 $0x9000;
	s19 =	simm.s32 $0xB80;
	[smem:$0x7FC] =	sst s2  }
0x25: {  	s0 =	simm.s32 $0xF00;
	s5 =	sadd.s32 s26, s3;
	[dreg:$0x17] =	wrdreg s19  }
0x26: {  	s19 =	simm.s32 $0x6;
	s26 =	sshrl.u32 s5, $0x3;
	s2 =	simm.s32 $0xE80  }
0x27: {  	s5 =	simm.s32 $0xF80;
	[smem:$0x7FD] =	sst s26;
	s26 =	simm.s32 $0x9  }
.LBB2_1:
0x28: {  	s8 =	sld [smem:$0x7FC]  }
0x29: {  	[smem:$0x7FA] =	sst s7  }
0x2a: {  	s7 =	simm.s32 @!p0 $0x1C0B;
	s6 =	rddreg [dreg:$0x1e]  }
0x2b: {  	[spmem:s8], [sflag:s7] =	dma.local @!p0 [hbm:s6], $0x27800  }
0x2c: {  	s7 =	simm.s32 @!p0 $0xB  }
0x2d: {  	_ =	swait.ge @!p0 [sflag:s7], $0x27800  }
0x2e: {  	[sflag:s7] =	ssyncset.done @!p0 $0x0  }
0x2f: {  	[sflag:s7] =	ssyncadd.s32 @!p0 $0xFFFD8800  }
0x30: {  	[bflag:$0x0] =	sbarrier.arrive $0xFFFF  }
0x31: {  	s25 =	rddreg [dreg:$0x5]  }
0x32: {  	s7 =	sadd.s32 $0x0, s25  }
0x33: {  	[tilespmem:s4], [sflag:$0xB] =	stream.linear.gather [hbm4b:s7+s4], $0x800, $0x38;
	[tilespmem:$0x1EC00] =	vst v63  }
0x34: {  	_ =	swait.ge [sflag:s9], $0x800  }
0x35: {  	s6 =	rddreg [dreg:$0x4];
	[sflag:s9] =	ssyncset.done $0x0  }
0x36: {  	[sflag:s9] =	ssyncadd.s32 $0xFFFFF800;
	s7 =	sadd.s32 $0x0, s6  }
0x37: {  	[tilespmem:s10], [sflag:$0xB] =	stream.linear.gather [hbm4b:s7+s4], $0x800, $0x38;
	[tilespmem:$0x1EC00] =	vst v63  }
0x38: {  	_ =	swait.ge [sflag:s9], $0x800  }
0x39: {  	[sflag:s9] =	ssyncset.done $0x0  }
0x3a: {  	[sflag:s9] =	ssyncadd.s32 $0xFFFFF800  }
0x3b: {  	[tilespmem:s12], [sflag:$0x1] =	stream.indirect.gather [hbm4b:s1+s11], $0x80, s4, s11, $0xb8;
	[tilespmem:$0x1EC00] =	vst v63  }
0x3c: {  	s8 =	rddreg [dreg:$0x6]  }
0x3d: {  	[tilespmem:s13], [sflag:$0x2] =	stream.indirect.gather [hbm4b:s1+s11], $0x80, s8, s11, $0xb8;
	[tilespmem:$0x1EC00] =	vst v63  }
0x3e: {  	s25 =	rddreg [dreg:$0x7]  }
0x3f: {  	[tilespmem:s14], [sflag:$0x3] =	stream.indirect.gather [hbm4b:s1+s11], $0x80, s25, s11, $0xb8;
	[tilespmem:$0x1EC00] =	vst v63  }
0x40: {  	s6 =	rddreg [dreg:$0x8]  }
0x41: {  	[tilespmem:s15], [sflag:$0x4] =	stream.indirect.gather [hbm4b:s1+s11], $0x80, s6, s11, $0xb8;
	[tilespmem:$0x1EC00] =	vst v63  }
0x42: {  	_ =	swait.ge [sflag:s16], $0x2000  }
0x43: {  	[sflag:s16] =	ssyncset.done $0x0  }
0x44: {  	s8 =	rddreg [dreg:$0x9];
	[sflag:s16] =	ssyncadd.s32 $0xFFFFE000  }
0x45: {  	[tilespmem:s17], [sflag:$0x5] =	stream.indirect.gather [hbm4b:s1+s11], $0x80, s8, s11, $0xb8;
	[tilespmem:$0x1EC00] =	vst v63  }
0x46: {  	_ = 	snop  }
0x47: {  	[spmem:s3] =	stream.indirect.scatter.add.f32 [tilespmem:s12], [sflag:$0x6], $0x80, s10, s11, $0xb8;
	[tilespmem:$0x1EC00] =	vst v63  }
0x48: {  	_ =	swait.ge [sflag:s18], $0x2000  }
0x49: {  	[sflag:s18] =	ssyncset.done $0x0  }
0x4a: {  	[sflag:s18] =	ssyncadd.s32 $0xFFFFE000  }
0x4b: {  	_ =	swait.ge [sflag:s19], $0x2000  }
0x4c: {  	[sflag:s19] =	ssyncset.done $0x0  }
0x4d: {  	s25 =	rddreg [dreg:$0xa];
	[sflag:s19] =	ssyncadd.s32 $0xFFFFE000  }
0x4e: {  	[tilespmem:s12], [sflag:$0x1] =	stream.indirect.gather [hbm4b:s1+s11], $0x80, s25, s11, $0xb8;
	[tilespmem:$0x1EC00] =	vst v63  }
0x4f: {  	s6 =	rddreg [dreg:$0xb]  }
0x50: {  	[spmem:s3] =	stream.indirect.scatter.add.f32 [tilespmem:s13], [sflag:$0x7], $0x80, s6, s11, $0xb8;
	[tilespmem:$0x1EC00] =	vst v63  }
0x51: {  	_ =	swait.ge [sflag:s20], $0x2000  }
0x52: {  	[sflag:s20] =	ssyncset.done $0x0  }
0x53: {  	[sflag:s20] =	ssyncadd.s32 $0xFFFFE000  }
0x54: {  	_ =	swait.ge [sflag:s21], $0x2000  }
0x55: {  	[sflag:s21] =	ssyncset.done $0x0  }
0x56: {  	s25 =	rddreg [dreg:$0xc];
	[sflag:s21] =	ssyncadd.s32 $0xFFFFE000  }
0x57: {  	[tilespmem:s13], [sflag:$0x2] =	stream.indirect.gather [hbm4b:s1+s11], $0x80, s25, s11, $0xb8;
	[tilespmem:$0x1EC00] =	vst v63  }
0x58: {  	s6 =	rddreg [dreg:$0xd]  }
0x59: {  	[spmem:s3] =	stream.indirect.scatter.add.f32 [tilespmem:s14], [sflag:$0x8], $0x80, s6, s11, $0xb8;
	[tilespmem:$0x1EC00] =	vst v63  }
0x5a: {  	_ =	swait.ge [sflag:s22], $0x2000  }
0x5b: {  	[sflag:s22] =	ssyncset.done $0x0  }
0x5c: {  	[sflag:s22] =	ssyncadd.s32 $0xFFFFE000  }
0x5d: {  	_ =	swait.ge [sflag:s23], $0x2000  }
0x5e: {  	[sflag:s23] =	ssyncset.done $0x0  }
0x5f: {  	s25 =	rddreg [dreg:$0xe];
	[sflag:s23] =	ssyncadd.s32 $0xFFFFE000  }
0x60: {  	[tilespmem:s14], [sflag:$0x3] =	stream.indirect.gather [hbm4b:s1+s11], $0x80, s25, s11, $0xb8;
	[tilespmem:$0x1EC00] =	vst v63  }
0x61: {  	s6 =	rddreg [dreg:$0xf]  }
0x62: {  	[spmem:s3] =	stream.indirect.scatter.add.f32 [tilespmem:s15], [sflag:$0x9], $0x80, s6, s11, $0xb8;
	[tilespmem:$0x1EC00] =	vst v63  }
0x63: {  	_ =	swait.ge [sflag:s24], $0x2000  }
0x64: {  	[sflag:s24] =	ssyncset.done $0x0  }
0x65: {  	[sflag:s24] =	ssyncadd.s32 $0xFFFFE000  }
0x66: {  	_ =	swait.ge [sflag:s26], $0x2000  }
0x67: {  	[sflag:s26] =	ssyncset.done $0x0  }
0x68: {  	s25 =	rddreg [dreg:$0x10];
	[sflag:s26] =	ssyncadd.s32 $0xFFFFE000  }
0x69: {  	[tilespmem:s15], [sflag:$0x4] =	stream.indirect.gather [hbm4b:s1+s11], $0x80, s25, s11, $0xb8;
	[tilespmem:$0x1EC00] =	vst v63  }
0x6a: {  	s6 =	rddreg [dreg:$0x11]  }
0x6b: {  	[spmem:s3] =	stream.indirect.scatter.add.f32 [tilespmem:s17], [sflag:$0xA], $0x80, s6, s11, $0xb8;
	[tilespmem:$0x1EC00] =	vst v63  }
0x6c: {  	_ =	swait.ge [sflag:s16], $0x2000  }
0x6d: {  	[sflag:s16] =	ssyncset.done $0x0  }
0x6e: {  	[sflag:s16] =	ssyncadd.s32 $0xFFFFE000  }
0x6f: {  	_ =	swait.ge [sflag:s28], $0x2000  }
0x70: {  	[sflag:s28] =	ssyncset.done $0x0  }
0x71: {  	s25 =	rddreg [dreg:$0x12];
	[sflag:s28] =	ssyncadd.s32 $0xFFFFE000  }
0x72: {  	[tilespmem:s17], [sflag:$0x5] =	stream.indirect.gather [hbm4b:s1+s11], $0x80, s25, s11, $0xb8;
	[tilespmem:$0x1EC00] =	vst v63  }
0x73: {  	s6 =	rddreg [dreg:$0x13]  }
0x74: {  	[spmem:s3] =	stream.indirect.scatter.add.f32 [tilespmem:s12], [sflag:$0x6], $0x80, s6, s11, $0xb8;
	[tilespmem:$0x1EC00] =	vst v63  }
0x75: {  	_ =	swait.ge [sflag:s18], $0x2000  }
0x76: {  	[sflag:s18] =	ssyncset.done $0x0  }
0x77: {  	[sflag:s18] =	ssyncadd.s32 $0xFFFFE000  }
0x78: {  	_ =	swait.ge [sflag:s19], $0x2000  }
0x79: {  	[sflag:s19] =	ssyncset.done $0x0  }
0x7a: {  	s25 =	rddreg [dreg:$0x14];
	[sflag:s19] =	ssyncadd.s32 $0xFFFFE000  }
0x7b: {  	[tilespmem:s12], [sflag:$0x1] =	stream.indirect.gather [hbm4b:s1+s11], $0x80, s25, s11, $0xb8;
	[tilespmem:$0x1EC00] =	vst v63  }
0x7c: {  	s6 =	rddreg [dreg:$0x15]  }
0x7d: {  	[spmem:s3] =	stream.indirect.scatter.add.f32 [tilespmem:s13], [sflag:$0x7], $0x80, s6, s11, $0xb8;
	[tilespmem:$0x1EC00] =	vst v63  }
0x7e: {  	_ =	swait.ge [sflag:s20], $0x2000  }
0x7f: {  	[sflag:s20] =	ssyncset.done $0x0  }
0x80: {  	[sflag:s20] =	ssyncadd.s32 $0xFFFFE000  }
0x81: {  	_ =	swait.ge [sflag:s21], $0x2000  }
0x82: {  	[sflag:s21] =	ssyncset.done $0x0  }
0x83: {  	s25 =	rddreg [dreg:$0x16];
	[sflag:s21] =	ssyncadd.s32 $0xFFFFE000  }
0x84: {  	[tilespmem:s13], [sflag:$0x2] =	stream.indirect.gather [hbm4b:s1+s11], $0x80, s25, s11, $0xb8;
	[tilespmem:$0x1EC00] =	vst v63  }
0x85: {  	s6 =	rddreg [dreg:$0x17]  }
0x86: {  	[spmem:s3] =	stream.indirect.scatter.add.f32 [tilespmem:s14], [sflag:$0x8], $0x80, s6, s11, $0xb8;
	[tilespmem:$0x1EC00] =	vst v63  }
0x87: {  	_ =	swait.ge [sflag:s22], $0x2000  }
0x88: {  	[sflag:s22] =	ssyncset.done $0x0  }
0x89: {  	[sflag:s22] =	ssyncadd.s32 $0xFFFFE000  }
0x8a: {  	_ =	swait.ge [sflag:s23], $0x2000  }
0x8b: {  	[sflag:s23] =	ssyncset.done $0x0  }
0x8c: {  	s25 =	rddreg [dreg:$0x18];
	[sflag:s23] =	ssyncadd.s32 $0xFFFFE000  }
0x8d: {  	[tilespmem:s14], [sflag:$0x3] =	stream.indirect.gather [hbm4b:s1+s11], $0x80, s25, s11, $0xb8;
	[tilespmem:$0x1EC00] =	vst v63  }
0x8e: {  	s6 =	rddreg [dreg:$0x19]  }
0x8f: {  	[spmem:s3] =	stream.indirect.scatter.add.f32 [tilespmem:s15], [sflag:$0x9], $0x80, s6, s11, $0xb8;
	[tilespmem:$0x1EC00] =	vst v63  }
0x90: {  	_ =	swait.ge [sflag:s24], $0x2000  }
0x91: {  	[sflag:s24] =	ssyncset.done $0x0  }
0x92: {  	[sflag:s24] =	ssyncadd.s32 $0xFFFFE000  }
0x93: {  	_ =	swait.ge [sflag:s26], $0x2000  }
0x94: {  	[sflag:s26] =	ssyncset.done $0x0  }
0x95: {  	s25 =	rddreg [dreg:$0x1a];
	[sflag:s26] =	ssyncadd.s32 $0xFFFFE000  }
0x96: {  	[tilespmem:s15], [sflag:$0x4] =	stream.indirect.gather [hbm4b:s1+s11], $0x80, s25, s11, $0xb8;
	[tilespmem:$0x1EC00] =	vst v63  }
0x97: {  	s6 =	rddreg [dreg:$0x1b]  }
0x98: {  	[spmem:s3] =	stream.indirect.scatter.add.f32 [tilespmem:s17], [sflag:$0xA], $0x80, s6, s11, $0xb8;
	[tilespmem:$0x1EC00] =	vst v63  }
0x99: {  	_ =	swait.ge [sflag:s16], $0x2000  }
0x9a: {  	[sflag:s16] =	ssyncset.done $0x0  }
0x9b: {  	[sflag:s16] =	ssyncadd.s32 $0xFFFFE000  }
0x9c: {  	_ =	swait.ge [sflag:s28], $0x2000  }
0x9d: {  	[sflag:s28] =	ssyncset.done $0x0  }
0x9e: {  	s8 =	rddreg [dreg:$0x1c];
	[sflag:s28] =	ssyncadd.s32 $0xFFFFE000  }
0x9f: {  	[tilespmem:s17], [sflag:$0x5] =	stream.indirect.gather [hbm4b:s1+s11], $0x80, s8, s11, $0xb8;
	[tilespmem:$0x1EC00] =	vst v63  }
0xa0: {  	s25 =	rddreg [dreg:$0x1d]  }
0xa1: {  	[spmem:s3] =	stream.indirect.scatter.add.f32 [tilespmem:s12], [sflag:$0x6], $0x80, s25, s11, $0xb8;
	[tilespmem:$0x1EC00] =	vst v63  }
0xa2: {  	_ =	swait.ge [sflag:s18], $0x2000  }
0xa3: {  	[sflag:s18] =	ssyncset.done $0x0  }
0xa4: {  	[sflag:s18] =	ssyncadd.s32 $0xFFFFE000  }
0xa5: {  	_ =	swait.ge [sflag:s19], $0x2000  }
0xa6: {  	[sflag:s19] =	ssyncset.done $0x0  }
0xa7: {  	[sflag:s19] =	ssyncadd.s32 $0xFFFFE000  }
0xa8: {  	[tilespmem:s12], [sflag:$0x1] =	stream.indirect.gather [hbm4b:s1+s11], $0x80, s29, s11, $0xb8;
	[tilespmem:$0x1EC00] =	vst v63  }
0xa9: {  	_ = 	snop  }
0xaa: {  	[spmem:s3] =	stream.indirect.scatter.add.f32 [tilespmem:s13], [sflag:$0x7], $0x80, s30, s11, $0xb8;
	[tilespmem:$0x1EC00] =	vst v63  }
0xab: {  	_ =	swait.ge [sflag:s20], $0x2000  }
0xac: {  	[sflag:s20] =	ssyncset.done $0x0  }
0xad: {  	[sflag:s20] =	ssyncadd.s32 $0xFFFFE000  }
0xae: {  	[spmem:s3] =	stream.indirect.scatter.add.f32 [tilespmem:s14], [sflag:$0x8], $0x80, s31, s11, $0xb8;
	[tilespmem:$0x1EC00] =	vst v63  }
0xaf: {  	_ =	swait.ge [sflag:s22], $0x2000  }
0xb0: {  	[sflag:s22] =	ssyncset.done $0x0  }
0xb1: {  	[sflag:s22] =	ssyncadd.s32 $0xFFFFE000  }
0xb2: {  	[spmem:s3] =	stream.indirect.scatter.add.f32 [tilespmem:s15], [sflag:$0x9], $0x80, s2, s11, $0xb8;
	[tilespmem:$0x1EC00] =	vst v63  }
0xb3: {  	_ =	swait.ge [sflag:s24], $0x2000  }
0xb4: {  	[sflag:s24] =	ssyncset.done $0x0  }
0xb5: {  	[sflag:s24] =	ssyncadd.s32 $0xFFFFE000  }
0xb6: {  	[spmem:s3] =	stream.indirect.scatter.add.f32 [tilespmem:s17], [sflag:$0xA], $0x80, s0, s11, $0xb8;
	[tilespmem:$0x1EC00] =	vst v63  }
0xb7: {  	_ =	swait.ge [sflag:s16], $0x2000  }
0xb8: {  	[sflag:s16] =	ssyncset.done $0x0  }
0xb9: {  	[sflag:s16] =	ssyncadd.s32 $0xFFFFE000  }
0xba: {  	[spmem:s3] =	stream.indirect.scatter.add.f32 [tilespmem:s12], [sflag:$0x6], $0x80, s5, s11, $0xb8;
	[tilespmem:$0x1EC00] =	vst v63  }
0xbb: {  	_ =	swait.ge [sflag:s19], $0x2000  }
0xbc: {  	[sflag:s19] =	ssyncset.done $0x0  }
0xbd: {  	[sflag:s19] =	ssyncadd.s32 $0xFFFFE000  }
0xbe: {  	_ =	swait.ge [sflag:s21], $0x2000  }
0xbf: {  	[sflag:s21] =	ssyncset.done $0x0  }
0xc0: {  	[sflag:s21] =	ssyncadd.s32 $0xFFFFE000  }
0xc1: {  	_ =	swait.ge [sflag:s23], $0x2000  }
0xc2: {  	[sflag:s23] =	ssyncset.done $0x0  }
0xc3: {  	[sflag:s23] =	ssyncadd.s32 $0xFFFFE000  }
0xc4: {  	_ =	swait.ge [sflag:s26], $0x2000  }
0xc5: {  	[sflag:s26] =	ssyncset.done $0x0  }
0xc6: {  	[sflag:s26] =	ssyncadd.s32 $0xFFFFE000  }
0xc7: {  	s7 =	simm.s32 $0x100;
	_ =	swait.ge [sflag:s28], $0x2000  }
0xc8: {  	s8 =	simm.s32 $0x200;
	s25 =	rddreg [dreg:$0x5];
	[sflag:s28] =	ssyncset.done $0x0  }
.LBB2_2:
0xc9: {  	[sflag:s28] =	ssyncadd.s32 $0xFFFFE000;
	s25 =	sadd.s32 s7, s25  }
0xca: {  	[tilespmem:s4], [sflag:$0xB] =	stream.linear.gather [hbm4b:s25+s4], $0x800, $0x38;
	[tilespmem:$0x1EC00] =	vst v63  }
0xcb: {  	_ =	swait.ge [sflag:s9], $0x800  }
0xcc: {  	s25 =	rddreg [dreg:$0x4];
	[sflag:s9] =	ssyncset.done $0x0  }
0xcd: {  	[sflag:s9] =	ssyncadd.s32 $0xFFFFF800;
	s25 =	sadd.s32 s7, s25  }
0xce: {  	[tilespmem:s10], [sflag:$0xB] =	stream.linear.gather [hbm4b:s25+s4], $0x800, $0x38;
	[tilespmem:$0x1EC00] =	vst v63  }
0xcf: {  	_ =	swait.ge [sflag:s9], $0x800  }
0xd0: {  	[sflag:s9] =	ssyncset.done $0x0  }
0xd1: {  	s6 =	smov.u32 s8;
	[sflag:s9] =	ssyncadd.s32 $0xFFFFF800  }
0xd2: {  	[tilespmem:s12], [sflag:$0x1] =	stream.indirect.gather [hbm4b:s1+s11], $0x80, s4, s11, $0xb8;
	[tilespmem:$0x1EC00] =	vst v63  }
0xd3: {  	s7 =	smov.u32 s6;
	s6 =	rddreg [dreg:$0x6]  }
0xd4: {  	[tilespmem:s13], [sflag:$0x2] =	stream.indirect.gather [hbm4b:s1+s11], $0x80, s6, s11, $0xb8;
	[tilespmem:$0x1EC00] =	vst v63  }
0xd5: {  	s25 =	rddreg [dreg:$0x7]  }
0xd6: {  	[tilespmem:s14], [sflag:$0x3] =	stream.indirect.gather [hbm4b:s1+s11], $0x80, s25, s11, $0xb8;
	[tilespmem:$0x1EC00] =	vst v63  }
0xd7: {  	s6 =	rddreg [dreg:$0x8]  }
0xd8: {  	[tilespmem:s15], [sflag:$0x4] =	stream.indirect.gather [hbm4b:s1+s11], $0x80, s6, s11, $0xb8;
	[tilespmem:$0x1EC00] =	vst v63  }
0xd9: {  	_ =	swait.ge [sflag:s16], $0x2000  }
0xda: {  	[sflag:s16] =	ssyncset.done $0x0  }
0xdb: {  	s25 =	rddreg [dreg:$0x9];
	[sflag:s16] =	ssyncadd.s32 $0xFFFFE000  }
0xdc: {  	[tilespmem:s17], [sflag:$0x5] =	stream.indirect.gather [hbm4b:s1+s11], $0x80, s25, s11, $0xb8;
	[tilespmem:$0x1EC00] =	vst v63  }
0xdd: {  	_ = 	snop  }
0xde: {  	[spmem:s3] =	stream.indirect.scatter.add.f32 [tilespmem:s12], [sflag:$0x6], $0x80, s10, s11, $0xb8;
	[tilespmem:$0x1EC00] =	vst v63  }
0xdf: {  	_ =	swait.ge [sflag:s18], $0x2000  }
0xe0: {  	[sflag:s18] =	ssyncset.done $0x0  }
0xe1: {  	[sflag:s18] =	ssyncadd.s32 $0xFFFFE000  }
0xe2: {  	_ =	swait.ge [sflag:s19], $0x2000  }
0xe3: {  	[sflag:s19] =	ssyncset.done $0x0  }
0xe4: {  	s6 =	rddreg [dreg:$0xa];
	[sflag:s19] =	ssyncadd.s32 $0xFFFFE000  }
0xe5: {  	[tilespmem:s12], [sflag:$0x1] =	stream.indirect.gather [hbm4b:s1+s11], $0x80, s6, s11, $0xb8;
	[tilespmem:$0x1EC00] =	vst v63  }
0xe6: {  	s25 =	rddreg [dreg:$0xb]  }
0xe7: {  	[spmem:s3] =	stream.indirect.scatter.add.f32 [tilespmem:s13], [sflag:$0x7], $0x80, s25, s11, $0xb8;
	[tilespmem:$0x1EC00] =	vst v63  }
0xe8: {  	_ =	swait.ge [sflag:s20], $0x2000  }
0xe9: {  	[sflag:s20] =	ssyncset.done $0x0  }
0xea: {  	[sflag:s20] =	ssyncadd.s32 $0xFFFFE000  }
0xeb: {  	_ =	swait.ge [sflag:s21], $0x2000  }
0xec: {  	[sflag:s21] =	ssyncset.done $0x0  }
0xed: {  	s6 =	rddreg [dreg:$0xc];
	[sflag:s21] =	ssyncadd.s32 $0xFFFFE000  }
0xee: {  	[tilespmem:s13], [sflag:$0x2] =	stream.indirect.gather [hbm4b:s1+s11], $0x80, s6, s11, $0xb8;
	[tilespmem:$0x1EC00] =	vst v63  }
0xef: {  	s25 =	rddreg [dreg:$0xd]  }
0xf0: {  	[spmem:s3] =	stream.indirect.scatter.add.f32 [tilespmem:s14], [sflag:$0x8], $0x80, s25, s11, $0xb8;
	[tilespmem:$0x1EC00] =	vst v63  }
0xf1: {  	_ =	swait.ge [sflag:s22], $0x2000  }
0xf2: {  	[sflag:s22] =	ssyncset.done $0x0  }
0xf3: {  	[sflag:s22] =	ssyncadd.s32 $0xFFFFE000  }
0xf4: {  	_ =	swait.ge [sflag:s23], $0x2000  }
0xf5: {  	[sflag:s23] =	ssyncset.done $0x0  }
0xf6: {  	s6 =	rddreg [dreg:$0xe];
	[sflag:s23] =	ssyncadd.s32 $0xFFFFE000  }
0xf7: {  	[tilespmem:s14], [sflag:$0x3] =	stream.indirect.gather [hbm4b:s1+s11], $0x80, s6, s11, $0xb8;
	[tilespmem:$0x1EC00] =	vst v63  }
0xf8: {  	s25 =	rddreg [dreg:$0xf]  }
0xf9: {  	[spmem:s3] =	stream.indirect.scatter.add.f32 [tilespmem:s15], [sflag:$0x9], $0x80, s25, s11, $0xb8;
	[tilespmem:$0x1EC00] =	vst v63  }
0xfa: {  	_ =	swait.ge [sflag:s24], $0x2000  }
0xfb: {  	[sflag:s24] =	ssyncset.done $0x0  }
0xfc: {  	[sflag:s24] =	ssyncadd.s32 $0xFFFFE000  }
0xfd: {  	_ =	swait.ge [sflag:s26], $0x2000  }
0xfe: {  	[sflag:s26] =	ssyncset.done $0x0  }
0xff: {  	s6 =	rddreg [dreg:$0x10];
	[sflag:s26] =	ssyncadd.s32 $0xFFFFE000  }
0x100: {  	[tilespmem:s15], [sflag:$0x4] =	stream.indirect.gather [hbm4b:s1+s11], $0x80, s6, s11, $0xb8;
	[tilespmem:$0x1EC00] =	vst v63  }
0x101: {  	s25 =	rddreg [dreg:$0x11]  }
0x102: {  	[spmem:s3] =	stream.indirect.scatter.add.f32 [tilespmem:s17], [sflag:$0xA], $0x80, s25, s11, $0xb8;
	[tilespmem:$0x1EC00] =	vst v63  }
0x103: {  	_ =	swait.ge [sflag:s16], $0x2000  }
0x104: {  	[sflag:s16] =	ssyncset.done $0x0  }
0x105: {  	[sflag:s16] =	ssyncadd.s32 $0xFFFFE000  }
0x106: {  	_ =	swait.ge [sflag:s28], $0x2000  }
0x107: {  	[sflag:s28] =	ssyncset.done $0x0  }
0x108: {  	s6 =	rddreg [dreg:$0x12];
	[sflag:s28] =	ssyncadd.s32 $0xFFFFE000  }
0x109: {  	[tilespmem:s17], [sflag:$0x5] =	stream.indirect.gather [hbm4b:s1+s11], $0x80, s6, s11, $0xb8;
	[tilespmem:$0x1EC00] =	vst v63  }
0x10a: {  	s25 =	rddreg [dreg:$0x13]  }
0x10b: {  	[spmem:s3] =	stream.indirect.scatter.add.f32 [tilespmem:s12], [sflag:$0x6], $0x80, s25, s11, $0xb8;
	[tilespmem:$0x1EC00] =	vst v63  }
0x10c: {  	_ =	swait.ge [sflag:s18], $0x2000  }
0x10d: {  	[sflag:s18] =	ssyncset.done $0x0  }
0x10e: {  	[sflag:s18] =	ssyncadd.s32 $0xFFFFE000  }
0x10f: {  	_ =	swait.ge [sflag:s19], $0x2000  }
0x110: {  	[sflag:s19] =	ssyncset.done $0x0  }
0x111: {  	s6 =	rddreg [dreg:$0x14];
	[sflag:s19] =	ssyncadd.s32 $0xFFFFE000  }
0x112: {  	[tilespmem:s12], [sflag:$0x1] =	stream.indirect.gather [hbm4b:s1+s11], $0x80, s6, s11, $0xb8;
	[tilespmem:$0x1EC00] =	vst v63  }
0x113: {  	s25 =	rddreg [dreg:$0x15]  }
0x114: {  	[spmem:s3] =	stream.indirect.scatter.add.f32 [tilespmem:s13], [sflag:$0x7], $0x80, s25, s11, $0xb8;
	[tilespmem:$0x1EC00] =	vst v63  }
0x115: {  	_ =	swait.ge [sflag:s20], $0x2000  }
0x116: {  	[sflag:s20] =	ssyncset.done $0x0  }
0x117: {  	[sflag:s20] =	ssyncadd.s32 $0xFFFFE000  }
0x118: {  	_ =	swait.ge [sflag:s21], $0x2000  }
0x119: {  	[sflag:s21] =	ssyncset.done $0x0  }
0x11a: {  	s6 =	rddreg [dreg:$0x16];
	[sflag:s21] =	ssyncadd.s32 $0xFFFFE000  }
0x11b: {  	[tilespmem:s13], [sflag:$0x2] =	stream.indirect.gather [hbm4b:s1+s11], $0x80, s6, s11, $0xb8;
	[tilespmem:$0x1EC00] =	vst v63  }
0x11c: {  	s25 =	rddreg [dreg:$0x17]  }
0x11d: {  	[spmem:s3] =	stream.indirect.scatter.add.f32 [tilespmem:s14], [sflag:$0x8], $0x80, s25, s11, $0xb8;
	[tilespmem:$0x1EC00] =	vst v63  }
0x11e: {  	_ =	swait.ge [sflag:s22], $0x2000  }
0x11f: {  	[sflag:s22] =	ssyncset.done $0x0  }
0x120: {  	[sflag:s22] =	ssyncadd.s32 $0xFFFFE000  }
0x121: {  	_ =	swait.ge [sflag:s23], $0x2000  }
0x122: {  	[sflag:s23] =	ssyncset.done $0x0  }
0x123: {  	s6 =	rddreg [dreg:$0x18];
	[sflag:s23] =	ssyncadd.s32 $0xFFFFE000  }
0x124: {  	[tilespmem:s14], [sflag:$0x3] =	stream.indirect.gather [hbm4b:s1+s11], $0x80, s6, s11, $0xb8;
	[tilespmem:$0x1EC00] =	vst v63  }
0x125: {  	s25 =	rddreg [dreg:$0x19]  }
0x126: {  	[spmem:s3] =	stream.indirect.scatter.add.f32 [tilespmem:s15], [sflag:$0x9], $0x80, s25, s11, $0xb8;
	[tilespmem:$0x1EC00] =	vst v63  }
0x127: {  	_ =	swait.ge [sflag:s24], $0x2000  }
0x128: {  	[sflag:s24] =	ssyncset.done $0x0  }
0x129: {  	[sflag:s24] =	ssyncadd.s32 $0xFFFFE000  }
0x12a: {  	_ =	swait.ge [sflag:s26], $0x2000  }
0x12b: {  	[sflag:s26] =	ssyncset.done $0x0  }
0x12c: {  	s6 =	rddreg [dreg:$0x1a];
	[sflag:s26] =	ssyncadd.s32 $0xFFFFE000  }
0x12d: {  	[tilespmem:s15], [sflag:$0x4] =	stream.indirect.gather [hbm4b:s1+s11], $0x80, s6, s11, $0xb8;
	[tilespmem:$0x1EC00] =	vst v63  }
0x12e: {  	s25 =	rddreg [dreg:$0x1b]  }
0x12f: {  	[spmem:s3] =	stream.indirect.scatter.add.f32 [tilespmem:s17], [sflag:$0xA], $0x80, s25, s11, $0xb8;
	[tilespmem:$0x1EC00] =	vst v63  }
0x130: {  	_ =	swait.ge [sflag:s16], $0x2000  }
0x131: {  	[sflag:s16] =	ssyncset.done $0x0  }
0x132: {  	[sflag:s16] =	ssyncadd.s32 $0xFFFFE000  }
0x133: {  	_ =	swait.ge [sflag:s28], $0x2000  }
0x134: {  	[sflag:s28] =	ssyncset.done $0x0  }
0x135: {  	s6 =	rddreg [dreg:$0x1c];
	[sflag:s28] =	ssyncadd.s32 $0xFFFFE000  }
0x136: {  	[tilespmem:s17], [sflag:$0x5] =	stream.indirect.gather [hbm4b:s1+s11], $0x80, s6, s11, $0xb8;
	[tilespmem:$0x1EC00] =	vst v63  }
0x137: {  	s25 =	rddreg [dreg:$0x1d]  }
0x138: {  	[spmem:s3] =	stream.indirect.scatter.add.f32 [tilespmem:s12], [sflag:$0x6], $0x80, s25, s11, $0xb8;
	[tilespmem:$0x1EC00] =	vst v63  }
0x139: {  	_ =	swait.ge [sflag:s18], $0x2000  }
0x13a: {  	[sflag:s18] =	ssyncset.done $0x0  }
0x13b: {  	[sflag:s18] =	ssyncadd.s32 $0xFFFFE000  }
0x13c: {  	_ =	swait.ge [sflag:s19], $0x2000  }
0x13d: {  	[sflag:s19] =	ssyncset.done $0x0  }
0x13e: {  	[sflag:s19] =	ssyncadd.s32 $0xFFFFE000  }
0x13f: {  	[tilespmem:s12], [sflag:$0x1] =	stream.indirect.gather [hbm4b:s1+s11], $0x80, s29, s11, $0xb8;
	[tilespmem:$0x1EC00] =	vst v63  }
0x140: {  	_ = 	snop  }
0x141: {  	[spmem:s3] =	stream.indirect.scatter.add.f32 [tilespmem:s13], [sflag:$0x7], $0x80, s30, s11, $0xb8;
	[tilespmem:$0x1EC00] =	vst v63  }
0x142: {  	_ =	swait.ge [sflag:s20], $0x2000  }
0x143: {  	[sflag:s20] =	ssyncset.done $0x0  }
0x144: {  	[sflag:s20] =	ssyncadd.s32 $0xFFFFE000  }
0x145: {  	[spmem:s3] =	stream.indirect.scatter.add.f32 [tilespmem:s14], [sflag:$0x8], $0x80, s31, s11, $0xb8;
	[tilespmem:$0x1EC00] =	vst v63  }
0x146: {  	_ =	swait.ge [sflag:s22], $0x2000  }
0x147: {  	[sflag:s22] =	ssyncset.done $0x0  }
0x148: {  	[sflag:s22] =	ssyncadd.s32 $0xFFFFE000  }
0x149: {  	[spmem:s3] =	stream.indirect.scatter.add.f32 [tilespmem:s15], [sflag:$0x9], $0x80, s2, s11, $0xb8;
	[tilespmem:$0x1EC00] =	vst v63  }
0x14a: {  	_ =	swait.ge [sflag:s24], $0x2000  }
0x14b: {  	[sflag:s24] =	ssyncset.done $0x0  }
0x14c: {  	[sflag:s24] =	ssyncadd.s32 $0xFFFFE000  }
0x14d: {  	[spmem:s3] =	stream.indirect.scatter.add.f32 [tilespmem:s17], [sflag:$0xA], $0x80, s0, s11, $0xb8;
	[tilespmem:$0x1EC00] =	vst v63  }
0x14e: {  	_ =	swait.ge [sflag:s16], $0x2000  }
0x14f: {  	[sflag:s16] =	ssyncset.done $0x0  }
0x150: {  	[sflag:s16] =	ssyncadd.s32 $0xFFFFE000  }
0x151: {  	[spmem:s3] =	stream.indirect.scatter.add.f32 [tilespmem:s12], [sflag:$0x6], $0x80, s5, s11, $0xb8;
	[tilespmem:$0x1EC00] =	vst v63  }
0x152: {  	_ =	swait.ge [sflag:s19], $0x2000  }
0x153: {  	[sflag:s19] =	ssyncset.done $0x0  }
0x154: {  	[sflag:s19] =	ssyncadd.s32 $0xFFFFE000  }
0x155: {  	_ =	swait.ge [sflag:s21], $0x2000  }
0x156: {  	[sflag:s21] =	ssyncset.done $0x0  }
0x157: {  	[sflag:s21] =	ssyncadd.s32 $0xFFFFE000  }
0x158: {  	_ =	swait.ge [sflag:s23], $0x2000  }
0x159: {  	[sflag:s23] =	ssyncset.done $0x0  }
0x15a: {  	p1 =	sne.s32 s8, $0x900;
	[sflag:s23] =	ssyncadd.s32 $0xFFFFE000  }
.Ltmp0:
0x15b: {  	_ =	swait.ge [sflag:s26], $0x2000;
	(pc) =	sbr.rel @p1 .LBB2_2-.Ltmp0, $4  }
0x15c: {  	[sflag:s26] =	ssyncset.done $0x0  }
0x15d: {  	[sflag:s26] =	ssyncadd.s32 $0xFFFFE000  }
0x15e: {  	_ =	swait.ge [sflag:s28], $0x2000  }
0x15f: {  	s8 =	sadd.s32 $0x100, s8;
	s25 =	rddreg [dreg:$0x5];
	[sflag:s28] =	ssyncset.done $0x0  }
0x160: {  	[sflag:s28] =	ssyncadd.s32 $0xFFFFE000;
	s6 =	sadd.s32 s7, s25  }
0x161: {  	[tilespmem:s4], [sflag:$0xB] =	stream.linear.gather [hbm4b:s6+s4], $0x800, $0x38;
	[tilespmem:$0x1EC00] =	vst v63  }
0x162: {  	_ =	swait.ge [sflag:s9], $0x800  }
0x163: {  	s25 =	rddreg [dreg:$0x4];
	[sflag:s9] =	ssyncset.done $0x0  }
0x164: {  	[sflag:s9] =	ssyncadd.s32 $0xFFFFF800;
	s6 =	sadd.s32 s7, s25  }
0x165: {  	[tilespmem:s10], [sflag:$0xB] =	stream.linear.gather [hbm4b:s6+s4], $0x800, $0x38;
	[tilespmem:$0x1EC00] =	vst v63  }
0x166: {  	_ =	swait.ge [sflag:s9], $0x800  }
0x167: {  	[sflag:s9] =	ssyncset.done $0x0  }
0x168: {  	[sflag:s9] =	ssyncadd.s32 $0xFFFFF800  }
0x169: {  	[tilespmem:s12], [sflag:$0x1] =	stream.indirect.gather [hbm4b:s1+s11], $0x80, s4, s11, $0xb8;
	[tilespmem:$0x1EC00] =	vst v63  }
0x16a: {  	s7 =	rddreg [dreg:$0x6]  }
0x16b: {  	[tilespmem:s13], [sflag:$0x2] =	stream.indirect.gather [hbm4b:s1+s11], $0x80, s7, s11, $0xb8;
	[tilespmem:$0x1EC00] =	vst v63  }
0x16c: {  	s8 =	rddreg [dreg:$0x7]  }
0x16d: {  	[tilespmem:s14], [sflag:$0x3] =	stream.indirect.gather [hbm4b:s1+s11], $0x80, s8, s11, $0xb8;
	[tilespmem:$0x1EC00] =	vst v63  }
0x16e: {  	s25 =	rddreg [dreg:$0x8]  }
0x16f: {  	[tilespmem:s15], [sflag:$0x4] =	stream.indirect.gather [hbm4b:s1+s11], $0x80, s25, s11, $0xb8;
	[tilespmem:$0x1EC00] =	vst v63  }
0x170: {  	_ =	swait.ge [sflag:s16], $0x2000  }
0x171: {  	[sflag:s16] =	ssyncset.done $0x0  }
0x172: {  	s7 =	rddreg [dreg:$0x9];
	[sflag:s16] =	ssyncadd.s32 $0xFFFFE000  }
0x173: {  	[tilespmem:s17], [sflag:$0x5] =	stream.indirect.gather [hbm4b:s1+s11], $0x80, s7, s11, $0xb8;
	[tilespmem:$0x1EC00] =	vst v63  }
0x174: {  	_ = 	snop  }
0x175: {  	[spmem:s3] =	stream.indirect.scatter.add.f32 [tilespmem:s12], [sflag:$0x6], $0x80, s10, s11, $0xb8;
	[tilespmem:$0x1EC00] =	vst v63  }
0x176: {  	_ =	swait.ge [sflag:s18], $0x2000  }
0x177: {  	[sflag:s18] =	ssyncset.done $0x0  }
0x178: {  	[sflag:s18] =	ssyncadd.s32 $0xFFFFE000  }
0x179: {  	_ =	swait.ge [sflag:s19], $0x2000  }
0x17a: {  	[sflag:s19] =	ssyncset.done $0x0  }
0x17b: {  	s8 =	rddreg [dreg:$0xa];
	[sflag:s19] =	ssyncadd.s32 $0xFFFFE000  }
0x17c: {  	[tilespmem:s12], [sflag:$0x1] =	stream.indirect.gather [hbm4b:s1+s11], $0x80, s8, s11, $0xb8;
	[tilespmem:$0x1EC00] =	vst v63  }
0x17d: {  	s25 =	rddreg [dreg:$0xb]  }
0x17e: {  	[spmem:s3] =	stream.indirect.scatter.add.f32 [tilespmem:s13], [sflag:$0x7], $0x80, s25, s11, $0xb8;
	[tilespmem:$0x1EC00] =	vst v63  }
0x17f: {  	_ =	swait.ge [sflag:s20], $0x2000  }
0x180: {  	[sflag:s20] =	ssyncset.done $0x0  }
0x181: {  	[sflag:s20] =	ssyncadd.s32 $0xFFFFE000  }
0x182: {  	_ =	swait.ge [sflag:s21], $0x2000  }
0x183: {  	[sflag:s21] =	ssyncset.done $0x0  }
0x184: {  	s8 =	rddreg [dreg:$0xc];
	[sflag:s21] =	ssyncadd.s32 $0xFFFFE000  }
0x185: {  	[tilespmem:s13], [sflag:$0x2] =	stream.indirect.gather [hbm4b:s1+s11], $0x80, s8, s11, $0xb8;
	[tilespmem:$0x1EC00] =	vst v63  }
0x186: {  	s25 =	rddreg [dreg:$0xd]  }
0x187: {  	[spmem:s3] =	stream.indirect.scatter.add.f32 [tilespmem:s14], [sflag:$0x8], $0x80, s25, s11, $0xb8;
	[tilespmem:$0x1EC00] =	vst v63  }
0x188: {  	_ =	swait.ge [sflag:s22], $0x2000  }
0x189: {  	[sflag:s22] =	ssyncset.done $0x0  }
0x18a: {  	[sflag:s22] =	ssyncadd.s32 $0xFFFFE000  }
0x18b: {  	_ =	swait.ge [sflag:s23], $0x2000  }
0x18c: {  	[sflag:s23] =	ssyncset.done $0x0  }
0x18d: {  	s8 =	rddreg [dreg:$0xe];
	[sflag:s23] =	ssyncadd.s32 $0xFFFFE000  }
0x18e: {  	[tilespmem:s14], [sflag:$0x3] =	stream.indirect.gather [hbm4b:s1+s11], $0x80, s8, s11, $0xb8;
	[tilespmem:$0x1EC00] =	vst v63  }
0x18f: {  	s25 =	rddreg [dreg:$0xf]  }
0x190: {  	[spmem:s3] =	stream.indirect.scatter.add.f32 [tilespmem:s15], [sflag:$0x9], $0x80, s25, s11, $0xb8;
	[tilespmem:$0x1EC00] =	vst v63  }
0x191: {  	_ =	swait.ge [sflag:s24], $0x2000  }
0x192: {  	[sflag:s24] =	ssyncset.done $0x0  }
0x193: {  	[sflag:s24] =	ssyncadd.s32 $0xFFFFE000  }
0x194: {  	_ =	swait.ge [sflag:s26], $0x2000  }
0x195: {  	[sflag:s26] =	ssyncset.done $0x0  }
0x196: {  	s8 =	rddreg [dreg:$0x10];
	[sflag:s26] =	ssyncadd.s32 $0xFFFFE000  }
0x197: {  	[tilespmem:s15], [sflag:$0x4] =	stream.indirect.gather [hbm4b:s1+s11], $0x80, s8, s11, $0xb8;
	[tilespmem:$0x1EC00] =	vst v63  }
0x198: {  	s25 =	rddreg [dreg:$0x11]  }
0x199: {  	[spmem:s3] =	stream.indirect.scatter.add.f32 [tilespmem:s17], [sflag:$0xA], $0x80, s25, s11, $0xb8;
	[tilespmem:$0x1EC00] =	vst v63  }
0x19a: {  	_ =	swait.ge [sflag:s16], $0x2000  }
0x19b: {  	[sflag:s16] =	ssyncset.done $0x0  }
0x19c: {  	[sflag:s16] =	ssyncadd.s32 $0xFFFFE000  }
0x19d: {  	_ =	swait.ge [sflag:s28], $0x2000  }
0x19e: {  	[sflag:s28] =	ssyncset.done $0x0  }
0x19f: {  	s8 =	rddreg [dreg:$0x12];
	[sflag:s28] =	ssyncadd.s32 $0xFFFFE000  }
0x1a0: {  	[tilespmem:s17], [sflag:$0x5] =	stream.indirect.gather [hbm4b:s1+s11], $0x80, s8, s11, $0xb8;
	[tilespmem:$0x1EC00] =	vst v63  }
0x1a1: {  	s25 =	rddreg [dreg:$0x13]  }
0x1a2: {  	[spmem:s3] =	stream.indirect.scatter.add.f32 [tilespmem:s12], [sflag:$0x6], $0x80, s25, s11, $0xb8;
	[tilespmem:$0x1EC00] =	vst v63  }
0x1a3: {  	_ =	swait.ge [sflag:s18], $0x2000  }
0x1a4: {  	[sflag:s18] =	ssyncset.done $0x0  }
0x1a5: {  	[sflag:s18] =	ssyncadd.s32 $0xFFFFE000  }
0x1a6: {  	_ =	swait.ge [sflag:s19], $0x2000  }
0x1a7: {  	[sflag:s19] =	ssyncset.done $0x0  }
0x1a8: {  	s8 =	rddreg [dreg:$0x14];
	[sflag:s19] =	ssyncadd.s32 $0xFFFFE000  }
0x1a9: {  	[tilespmem:s12], [sflag:$0x1] =	stream.indirect.gather [hbm4b:s1+s11], $0x80, s8, s11, $0xb8;
	[tilespmem:$0x1EC00] =	vst v63  }
0x1aa: {  	s25 =	rddreg [dreg:$0x15]  }
0x1ab: {  	[spmem:s3] =	stream.indirect.scatter.add.f32 [tilespmem:s13], [sflag:$0x7], $0x80, s25, s11, $0xb8;
	[tilespmem:$0x1EC00] =	vst v63  }
0x1ac: {  	_ =	swait.ge [sflag:s20], $0x2000  }
0x1ad: {  	[sflag:s20] =	ssyncset.done $0x0  }
0x1ae: {  	[sflag:s20] =	ssyncadd.s32 $0xFFFFE000  }
0x1af: {  	_ =	swait.ge [sflag:s21], $0x2000  }
0x1b0: {  	[sflag:s21] =	ssyncset.done $0x0  }
0x1b1: {  	s8 =	rddreg [dreg:$0x16];
	[sflag:s21] =	ssyncadd.s32 $0xFFFFE000  }
0x1b2: {  	[tilespmem:s13], [sflag:$0x2] =	stream.indirect.gather [hbm4b:s1+s11], $0x80, s8, s11, $0xb8;
	[tilespmem:$0x1EC00] =	vst v63  }
0x1b3: {  	s25 =	rddreg [dreg:$0x17]  }
0x1b4: {  	[spmem:s3] =	stream.indirect.scatter.add.f32 [tilespmem:s14], [sflag:$0x8], $0x80, s25, s11, $0xb8;
	[tilespmem:$0x1EC00] =	vst v63  }
0x1b5: {  	_ =	swait.ge [sflag:s22], $0x2000  }
0x1b6: {  	[sflag:s22] =	ssyncset.done $0x0  }
0x1b7: {  	[sflag:s22] =	ssyncadd.s32 $0xFFFFE000  }
0x1b8: {  	_ =	swait.ge [sflag:s23], $0x2000  }
0x1b9: {  	[sflag:s23] =	ssyncset.done $0x0  }
0x1ba: {  	s8 =	rddreg [dreg:$0x18];
	[sflag:s23] =	ssyncadd.s32 $0xFFFFE000  }
0x1bb: {  	[tilespmem:s14], [sflag:$0x3] =	stream.indirect.gather [hbm4b:s1+s11], $0x80, s8, s11, $0xb8;
	[tilespmem:$0x1EC00] =	vst v63  }
0x1bc: {  	s25 =	rddreg [dreg:$0x19]  }
0x1bd: {  	[spmem:s3] =	stream.indirect.scatter.add.f32 [tilespmem:s15], [sflag:$0x9], $0x80, s25, s11, $0xb8;
	[tilespmem:$0x1EC00] =	vst v63  }
0x1be: {  	_ =	swait.ge [sflag:s24], $0x2000  }
0x1bf: {  	[sflag:s24] =	ssyncset.done $0x0  }
0x1c0: {  	[sflag:s24] =	ssyncadd.s32 $0xFFFFE000  }
0x1c1: {  	_ =	swait.ge [sflag:s26], $0x2000  }
0x1c2: {  	[sflag:s26] =	ssyncset.done $0x0  }
0x1c3: {  	s8 =	rddreg [dreg:$0x1a];
	[sflag:s26] =	ssyncadd.s32 $0xFFFFE000  }
0x1c4: {  	[tilespmem:s15], [sflag:$0x4] =	stream.indirect.gather [hbm4b:s1+s11], $0x80, s8, s11, $0xb8;
	[tilespmem:$0x1EC00] =	vst v63  }
0x1c5: {  	s25 =	rddreg [dreg:$0x1b]  }
0x1c6: {  	[spmem:s3] =	stream.indirect.scatter.add.f32 [tilespmem:s17], [sflag:$0xA], $0x80, s25, s11, $0xb8;
	[tilespmem:$0x1EC00] =	vst v63  }
0x1c7: {  	_ =	swait.ge [sflag:s16], $0x2000  }
0x1c8: {  	[sflag:s16] =	ssyncset.done $0x0  }
0x1c9: {  	[sflag:s16] =	ssyncadd.s32 $0xFFFFE000  }
0x1ca: {  	_ =	swait.ge [sflag:s28], $0x2000  }
0x1cb: {  	[sflag:s28] =	ssyncset.done $0x0  }
0x1cc: {  	s8 =	rddreg [dreg:$0x1c];
	[sflag:s28] =	ssyncadd.s32 $0xFFFFE000  }
0x1cd: {  	[tilespmem:s17], [sflag:$0x5] =	stream.indirect.gather [hbm4b:s1+s11], $0x80, s8, s11, $0xb8;
	[tilespmem:$0x1EC00] =	vst v63  }
0x1ce: {  	s25 =	rddreg [dreg:$0x1d]  }
0x1cf: {  	[spmem:s3] =	stream.indirect.scatter.add.f32 [tilespmem:s12], [sflag:$0x6], $0x80, s25, s11, $0xb8;
	[tilespmem:$0x1EC00] =	vst v63  }
0x1d0: {  	_ =	swait.ge [sflag:s18], $0x2000  }
0x1d1: {  	[sflag:s18] =	ssyncset.done $0x0  }
0x1d2: {  	[sflag:s18] =	ssyncadd.s32 $0xFFFFE000  }
0x1d3: {  	_ =	swait.ge [sflag:s19], $0x2000  }
0x1d4: {  	[sflag:s19] =	ssyncset.done $0x0  }
0x1d5: {  	[sflag:s19] =	ssyncadd.s32 $0xFFFFE000  }
0x1d6: {  	[tilespmem:s12], [sflag:$0x1] =	stream.indirect.gather [hbm4b:s1+s11], $0x80, s29, s11, $0xb8;
	[tilespmem:$0x1EC00] =	vst v63  }
0x1d7: {  	_ = 	snop  }
0x1d8: {  	[spmem:s3] =	stream.indirect.scatter.add.f32 [tilespmem:s13], [sflag:$0x7], $0x80, s30, s11, $0xb8;
	[tilespmem:$0x1EC00] =	vst v63  }
0x1d9: {  	_ =	swait.ge [sflag:s20], $0x2000  }
0x1da: {  	[sflag:s20] =	ssyncset.done $0x0  }
0x1db: {  	[sflag:s20] =	ssyncadd.s32 $0xFFFFE000  }
0x1dc: {  	[spmem:s3] =	stream.indirect.scatter.add.f32 [tilespmem:s14], [sflag:$0x8], $0x80, s31, s11, $0xb8;
	[tilespmem:$0x1EC00] =	vst v63  }
0x1dd: {  	_ =	swait.ge [sflag:s22], $0x2000  }
0x1de: {  	[sflag:s22] =	ssyncset.done $0x0  }
0x1df: {  	[sflag:s22] =	ssyncadd.s32 $0xFFFFE000  }
0x1e0: {  	[spmem:s3] =	stream.indirect.scatter.add.f32 [tilespmem:s15], [sflag:$0x9], $0x80, s2, s11, $0xb8;
	[tilespmem:$0x1EC00] =	vst v63  }
0x1e1: {  	_ =	swait.ge [sflag:s24], $0x2000  }
0x1e2: {  	[sflag:s24] =	ssyncset.done $0x0  }
0x1e3: {  	[sflag:s24] =	ssyncadd.s32 $0xFFFFE000  }
0x1e4: {  	[spmem:s3] =	stream.indirect.scatter.add.f32 [tilespmem:s17], [sflag:$0xA], $0x80, s0, s11, $0xb8;
	[tilespmem:$0x1EC00] =	vst v63  }
0x1e5: {  	_ =	swait.ge [sflag:s16], $0x2000  }
0x1e6: {  	[sflag:s16] =	ssyncset.done $0x0  }
0x1e7: {  	[sflag:s16] =	ssyncadd.s32 $0xFFFFE000  }
0x1e8: {  	[spmem:s3] =	stream.indirect.scatter.add.f32 [tilespmem:s12], [sflag:$0x6], $0x80, s5, s11, $0xb8;
	[tilespmem:$0x1EC00] =	vst v63  }
0x1e9: {  	_ =	swait.ge [sflag:s19], $0x2000  }
0x1ea: {  	[sflag:s19] =	ssyncset.done $0x0  }
0x1eb: {  	[sflag:s19] =	ssyncadd.s32 $0xFFFFE000  }
0x1ec: {  	_ =	swait.ge [sflag:s21], $0x2000  }
0x1ed: {  	[sflag:s21] =	ssyncset.done $0x0  }
0x1ee: {  	[sflag:s21] =	ssyncadd.s32 $0xFFFFE000  }
0x1ef: {  	_ =	swait.ge [sflag:s23], $0x2000  }
0x1f0: {  	[sflag:s23] =	ssyncset.done $0x0  }
0x1f1: {  	[sflag:s23] =	ssyncadd.s32 $0xFFFFE000  }
0x1f2: {  	_ =	swait.ge [sflag:s26], $0x2000  }
0x1f3: {  	[sflag:s26] =	ssyncset.done $0x0  }
0x1f4: {  	[sflag:s26] =	ssyncadd.s32 $0xFFFFE000  }
0x1f5: {  	_ =	swait.ge [sflag:s28], $0x2000  }
0x1f6: {  	[sflag:s28] =	ssyncset.done $0x0  }
0x1f7: {  	[sflag:s28] =	ssyncadd.s32 $0xFFFFE000  }
0x1f8: {  	s8 =	stileid.u32;
	[bflag:$0x0] =	sbarrier.arrive $0xFFFF  }
0x1f9: {  	s6 =	sshll.u32 s8, $0x6;
	s8 =	sld [smem:$0x7FD];
	_ =	sdelay $0x1  }
0x1fa: {  	s6 =	sor.u32 $0x1C0B, s6;
	s25 =	rddreg [dreg:$0x1f]  }
0x1fb: {  	[hbm:s25], [sflag:s6] =	dma.local [spmem:s8], $0x2780  }
0x1fc: {  	_ =	swait.ge [sflag:s9], $0x2780  }
0x1fd: {  	s8 =	sld [smem:$0x7FA]  }
0x1fe: {  	s25 =	sld [smem:$0x7FB];
	_ =	sdelay $0x1  }
0x1ff: {  	s7 =	sadd.s32 $0x1, s8  }
0x200: {  	p1 =	sne.s32 s7, s25  }
.Ltmp1:
0x201: {  	_ = 	snop;
	(pc) =	sbr.rel @p1 .LBB2_1-.Ltmp1, $3  }
0x202: {  	_ =	sdelay $0x1  }
0x203: {  	[sflag:s9] =	ssyncset.done $0x0  }
0x204: {  	[sflag:s9] =	ssyncadd.s32 $0xFFFFD880  }
0x205: {  	_ =	sfence.sel $0x180000  }
0x206: {  	[bflag:$0x0] =	sbarrier.arrive $0xFFFF  }
0x207: {  	_ =	strace $0x9000004D  }
0x208: {  	[bflag:$0x2] =	sbarrier.arrive $0xFFFF  }
0x209: {  	s0 =	rddreg [dreg:$0x3]  }
0x20a: {  	s0 =	sadd.s32 @!p0 $0x100000, s0  }
0x20b: {  	[sflag:s0] =	ssyncadd.tile.s32 @!p0 $0x1;
	_ =	shalt  }
.Lfunc_end2:
_tile_overlayer_lowered:
.L_overlay_start_2:
0x20c: {  	(tag) =	ssettag $0x2  }
0x20d: {  	s0 =	rddreg [dreg:$0x0];
	s2 =	stileid.u32  }
0x20e: {  	s1 =	rddreg [dreg:$0x1];
	p0 =	sne.s32 s2, $0x0  }
0x20f: {  	s3 =	rddreg [dreg:$0x2];
	[bflag:$0x3] =	sbarrier.arrive $0xFFFF;
	s2 =	simm.s32 @!p0 $0x1C0B  }
0x210: {  	[timem:s3], [sflag:s2] =	dma.local @!p0 [hbm:s0], s1  }
0x211: {  	s0 =	simm.s32 @!p0 $0xB  }
0x212: {  	_ =	swait.ge @!p0 [sflag:s0], s1  }
0x213: {  	s1 =	ssub.s32 @!p0 $0x0, s1;
	[sflag:s0] =	ssyncset.done @!p0 $0x0  }
0x214: {  	[sflag:s0] =	ssyncadd.s32 @!p0 s1  }
0x215: {  	[bflag:$0x3] =	sbarrier.arrive $0xFFFF  }
0x216: {  	_ =	shalt  }

// kernel: kernel.7.cloned.1.call-start
scs
__scs_entry_jumppad:
0x0: {  	(pc) =	sbr.rel $0x88, $3  }
0x1: {  	(tag) =	ssettag $0x0;
	lr =	simm.s32 $0x1  }
0x2: {  	[smem:$0x3F99] =	sst lr;
	_ =	strace $0xD0000000  }
0x3: {  	_ = 	snop  }
0x4: {  	_ = 	snop  }
0x5: {  	_ = 	snop  }
0x6: {  	_ = 	snop  }
0x7: {  	_ = 	snop  }
__scs_overlays_trampoline_lowered:
0x8: {  	[smem:$0x3FA8] =	sst s0  }
0x9: {  	[smem:$0x3FA9] =	sst s1  }
0xa: {  	[smem:$0x3FAA] =	sst s2  }
0xb: {  	[smem:$0x3FAB] =	sst s3  }
0xc: {  	[smem:$0x3FAC] =	sst s4  }
0xd: {  	[smem:$0x3FAD] =	sst s5  }
0xe: {  	[smem:$0x3FAE] =	sst s6  }
0xf: {  	[smem:$0x3FAF] =	sst s7  }
0x10: {  	[smem:$0x3FB0] =	sst s8  }
0x11: {  	[smem:$0x3FB1] =	sst s9;
	s0 =	simm.s32 @!p0 $0x0  }
0x12: {  	s1 =	sld [smem:$0x3F97];
	s0 =	simm.s32 @p0 $0x1  }
0x13: {  	[smem:$0x3FB2] =	sst s0;
	s0 =	simm.s32 @!p1 $0x0  }
0x14: {  	s2 =	sld [smem:$0x3F96];
	s0 =	simm.s32 @p1 $0x1  }
0x15: {  	[smem:$0x3FB3] =	sst s0;
	s0 =	simm.s32 @!p2 $0x0  }
0x16: {  	s3 =	sld [smem:$0x3FDB];
	s0 =	simm.s32 @p2 $0x1  }
0x17: {  	s4 =	simm.s32 $0x1BF5;
	[smem:$0x3FB5] =	sst s0  }
0x18: {  	s0 =	sld [smem:$0x3F98];
	_ =	swait.ge [sflag:s4], $0x0  }
0x19: {  	s7 =	sld [smem:$0x3F99]  }
0x1a: {  	s8 =	sadd.s32 $0xFFFFE003, lr  }
0x1b: {  	s9 =	sadd.s32 $0xFFFFFEF7, lr;
	s5 =	simm.s32 $0xFFFFFFFF;
	p2 =	slt.u32 s8, $0xFFFFF086  }
0x1c: {  	p1 =	slt.u32 s9, $0xF7A;
	s5 =	simm.s32 @!p2 $0x0  }
0x1d: {  	s5 =	simm.s32 @p1 $0x1;
	p0 =	seq.s32 s7, s2  }
0x1e: {  	s7 =	smul.u32 @!p0 $0xF7A, s2;
	p2 =	seq.s32 @!p0 s5, $0x0  }
0x1f: {  	s9 =	smul.u32 $0xF7A, s1;
	s8 =	simm.s32 @!p0 $0x1BF5;
	p2 =	por !p2, p0  }
0x20: {  	[sflag:s8] =	ssyncset.s32 @!p0 $0xFFFFF086;
	s6 =	sadd.s32 @!p0 s3, s7;
	s7 =	simm.s32 @!p0 $0x108  }
0x21: {  	s3 =	sadd.s32 s3, s9;
	s6 =	sadd.s32 @!p0 $0x88, s6;
	s7 =	simm.s32 @p2 $0x1082  }
0x22: {  	[simem:s7], [sflag:s8] =	dma.local @!p0 [hbm:s6], $0xF7A  }
0x23: {  	s9 =	sor.u32 $0xD0000000, s2;
	s6 =	simm.s32 $0x108;
	_ =	swait.ge @!p0 [sflag:s8], $0x0  }
0x24: {  	s3 =	sadd.s32 $0x88, s3;
	s6 =	simm.s32 @!p1 $0x1082;
	[sflag:s4] =	ssyncset.s32 $0xFFFFF086  }
0x25: {  	[simem:s6], [sflag:s4] =	dma.local [hbm:s3], $0xF7A  }
0x26: {  	[smem:$0x3F99] =	sst s1;
	(tag) =	ssettag s2;
	_ =	strace s9  }
0x27: {  	s1 =	sld [smem:$0x3FA9]  }
0x28: {  	s2 =	sld [smem:$0x3FAA]  }
0x29: {  	s4 =	sld [smem:$0x3FAC]  }
0x2a: {  	p0 =	seq.s32 s5, $0x0;
	s5 =	sld [smem:$0x3FAD]  }
0x2b: {  	s6 =	sld [smem:$0x3FAE]  }
0x2c: {  	s7 =	sld [smem:$0x3FAF]  }
0x2d: {  	s3 =	simm.s32 $0x108;
	s8 =	sld [smem:$0x3FB0]  }
0x2e: {  	s3 =	simm.s32 @!p0 $0x1082;
	s9 =	sld [smem:$0x3FB1]  }
0x2f: {  	lr =	sadd.s32 s0, s3;
	s0 =	sld [smem:$0x3FA8]  }
0x30: {  	s3 =	sld [smem:$0x3FAB]  }
0x31: {  	[smem:$0x3FB4] =	sst s10  }
0x32: {  	s10 =	sld [smem:$0x3FB2];
	_ =	sdelay $0x3  }
0x33: {  	p0 =	seq.s32 s10, $0x1;
	s10 =	sld [smem:$0x3FB4];
	_ =	sdelay $0x3  }
0x34: {  	[smem:$0x3FB4] =	sst s10  }
0x35: {  	s10 =	sld [smem:$0x3FB3];
	_ =	sdelay $0x3  }
0x36: {  	p1 =	seq.s32 s10, $0x1;
	s10 =	sld [smem:$0x3FB4];
	_ =	sdelay $0x3  }
0x37: {  	[smem:$0x3FB4] =	sst s10  }
0x38: {  	s10 =	sld [smem:$0x3FB5]  }
0x39: {  	_ = 	snop;
	(pc) =	sbr.ind lr, $3  }
0x3a: {  	_ = 	snop  }
0x3b: {  	_ = 	snop  }
0x3c: {  	p2 =	seq.s32 s10, $0x1;
	s10 =	sld [smem:$0x3FB4]  }
0x3d: {  	_ =	shalt  }
0x3e: {  	_ =	shalt  }
0x3f: {  	_ =	shalt  }
0x40: {  	_ =	shalt  }
0x41: {  	_ =	shalt  }
0x42: {  	_ =	shalt  }
0x43: {  	_ =	shalt  }
0x44: {  	_ =	shalt  }
0x45: {  	_ =	shalt  }
0x46: {  	_ =	shalt  }
0x47: {  	_ =	shalt  }
0x48: {  	_ =	shalt  }
0x49: {  	_ =	shalt  }
0x4a: {  	_ =	shalt  }
0x4b: {  	_ =	shalt  }
0x4c: {  	_ =	shalt  }
0x4d: {  	_ =	shalt  }
0x4e: {  	_ =	shalt  }
0x4f: {  	_ =	shalt  }
0x50: {  	_ =	shalt  }
0x51: {  	_ =	shalt  }
0x52: {  	_ =	shalt  }
0x53: {  	_ =	shalt  }
0x54: {  	_ =	shalt  }
0x55: {  	_ =	shalt  }
0x56: {  	_ =	shalt  }
0x57: {  	_ =	shalt  }
0x58: {  	_ =	shalt  }
0x59: {  	_ =	shalt  }
0x5a: {  	_ =	shalt  }
0x5b: {  	_ =	shalt  }
0x5c: {  	_ =	shalt  }
0x5d: {  	_ =	shalt  }
0x5e: {  	_ =	shalt  }
0x5f: {  	_ =	shalt  }
0x60: {  	_ =	shalt  }
0x61: {  	_ =	shalt  }
0x62: {  	_ =	shalt  }
0x63: {  	_ =	shalt  }
0x64: {  	_ =	shalt  }
0x65: {  	_ =	shalt  }
0x66: {  	_ =	shalt  }
0x67: {  	_ =	shalt  }
0x68: {  	_ =	shalt  }
0x69: {  	_ =	shalt  }
0x6a: {  	_ =	shalt  }
0x6b: {  	_ =	shalt  }
0x6c: {  	_ =	shalt  }
0x6d: {  	_ =	shalt  }
0x6e: {  	_ =	shalt  }
0x6f: {  	_ =	shalt  }
0x70: {  	_ =	shalt  }
0x71: {  	_ =	shalt  }
0x72: {  	_ =	shalt  }
0x73: {  	_ =	shalt  }
0x74: {  	_ =	shalt  }
0x75: {  	_ =	shalt  }
0x76: {  	_ =	shalt  }
0x77: {  	_ =	shalt  }
0x78: {  	_ =	shalt  }
0x79: {  	_ =	shalt  }
0x7a: {  	_ =	shalt  }
0x7b: {  	_ =	shalt  }
0x7c: {  	_ =	shalt  }
0x7d: {  	_ =	shalt  }
0x7e: {  	_ =	shalt  }
0x7f: {  	_ =	shalt  }
0x80: {  	_ =	shalt  }
0x81: {  	_ =	shalt  }
0x82: {  	_ =	shalt  }
0x83: {  	_ =	shalt  }
0x84: {  	_ =	shalt  }
0x85: {  	_ =	shalt  }
0x86: {  	_ =	shalt  }
0x87: {  	_ =	shalt  }
.Lfunc_end0:
.L_simem_size_0:
called_computation_lowered:
.L_overlay_start_0:
0x88: {  	s2 =	sld [smem:$0x3FD9]  }
0x89: {  	s3 =	sld [smem:$0x3FFE];
	_ =	sdelay $0x1  }
0x8a: {  	s1 =	srdreg.scid  }
0x8b: {  	s0 =	sand.u32 $0x1, s1  }
0x8c: {  	s17 =	sshll.u32 s0, $0xA;
	s2 =	sadd.s32 s3, s2  }
0x8d: {  	s2 =	sadd.s32 s2, s17  }
0x8e: {  	[smem:$0x3FC0] =	sst s2  }
0x8f: {  	_ = 	snop  }
0x90: {  	s18 =	sld [smem:$0x3FD0];
	(tm) =	ssettm $0x1  }
0x91: {  	s19 =	sld [smem:$0x3FFB];
	_ =	sdelay $0x3  }
0x92: {  	_ =	strace s19  }
0x93: {  	s2 =	sld [smem:$0x3FFC];
	_ =	sdelay $0x3  }
0x94: {  	_ =	strace s2  }
0x95: {  	s2 =	sld [smem:$0x3FFD];
	_ =	sdelay $0x3  }
0x96: {  	_ =	strace s2  }
0x97: {  	_ =	strace $0x8FFFFFFF  }
0x98: {  	s20 =	sld [smem:$0x3FDB];
	_ =	sdelay $0x1  }
0x99: {  	s4 =	simm.s32 $_scs_section_size  }
0x9a: {  	s5 =	simm.s32 $_size__tile_overlayer_lowered;
	s6 =	simm.s32 $_tile_overlayer_lowered  }
0x9b: {  	s7 =	simm.s32 $0x1BFF;
	s21 =	sshll.u32 s6, $0x1;
	s4 =	sadd.s32 s4, s20  }
0x9c: {  	s22 =	simm.s32 $0x0;
	s5 =	sshll.u32 s5, $0x1;
	s6 =	sadd.s32 s21, s4  }
0x9d: {  	[timem:s22], [sflag:s7] =	dma.local [hbm:s6], s5  }
0x9e: {  	_ =	swait.ge [sflag:s7], s5  }
0x9f: {  	s5 =	ssub.s32 $0x0, s5;
	[sflag:s7] =	ssyncset.done $0x0  }
0xa0: {  	[sflag:s7] =	ssyncadd.s32 s5;
	_ =	sdelay $0x1  }
0xa1: {  	s23 =	simm.s32 $0x1B8B  }
0xa2: {  	_ =	swait.ge [sflag:s23], $0x1  }
0xa3: {  	[sflag:s23] =	ssyncset.done $0x0  }
0xa4: {  	[sflag:s23] =	ssyncadd.s32 $0xFFFFFFFF  }
0xa5: {  	s5 =	sld [smem:$0x0]  }
0xa6: {  	s6 =	sand.u32 $0xFFFFFFFE, s1  }
0xa7: {  	p0 =	sne.s32 s1, s6  }
0xa8: {  	s6 =	sshll.u32 @p0 s6, $0xE  }
0xa9: {  	s6 =	sadd.s32 @p0 $0x11B8D, s6;
	s7 =	sshll.u32 @p0 s5, $0x11  }
0xaa: {  	s6 =	sor.u32 @p0 s7, s6  }
0xab: {  	[sflag:s6] =	ssyncadd.remote.s32 @p0 $0x1;
	_ =	sdelay $0x1  }
0xac: {  	s6 =	simm.s32 @p0 $0x1B8D  }
0xad: {  	_ =	swait.eq @p0 [sflag:s6], $0x1  }
0xae: {  	[sflag:s6] =	ssyncadd.s32 @p0 $0xFFFFFFFF  }
0xaf: {  	s7 =	sshll.u32 @!p0 s1, $0xE  }
0xb0: {  	s7 =	sor.u32 @!p0 $0x4000, s7;
	s6 =	simm.s32 @!p0 $0x1B8D  }
0xb1: {  	s5 =	sshll.u32 @!p0 s5, $0x11;
	s7 =	sadd.s32 @!p0 $0x11B8D, s7;
	_ =	swait.eq @!p0 [sflag:s6], $0x1  }
0xb2: {  	s5 =	sor.u32 @!p0 s5, s7;
	[sflag:s6] =	ssyncadd.s32 @!p0 $0xFFFFFFFF  }
0xb3: {  	s25 =	simm.s32 $0x1B8E;
	s24 =	sld [smem:$0x3FFE];
	[sflag:s5] =	ssyncadd.remote.s32 @!p0 $0x1  }
0xb4: {  	s26 =	simm.s32 $execute0_lowered;
	[smem:$0x3FD2] =	sst s25  }
0xb5: {  	s6 =	sshll.u32 s26, $0x1;
	_ =	strace $0x80000049;
	[dreg:$0x1] =	wrdreg $0xFFFFFFFF  }
0xb6: {  	s28 =	simm.s32 $_size_execute0_lowered;
	s4 =	sadd.s32 s4, s6;
	[dreg:$0x0] =	wrdreg $0x0  }
0xb7: {  	s6 =	sshll.u32 s28, $0x1;
	[dreg:$0x2] =	wrdreg s4  }
0xb8: {  	[dreg:$0x3] =	wrdreg s6  }
0xb9: {  	[dreg:$0x4] =	wrdreg $0xC0  }
0xba: {  	_ =	task [dreg:s22], $0x5FFFF  }
0xbb: {  	[dreg:$0x1] =	wrdreg $0xFFFFFFFF  }
0xbc: {  	[dreg:$0x0] =	wrdreg $0x60  }
0xbd: {  	[dreg:$0x2] =	wrdreg s24  }
0xbe: {  	[dreg:$0x3] =	wrdreg s18  }
0xbf: {  	[dreg:$0x4] =	wrdreg $0x28000  }
0xc0: {  	[dreg:$0x5] =	wrdreg $0x9  }
0xc1: {  	_ =	task.clear_ibuf [dreg:s22], $0x6FFFF;
	_ =	strace $0x90000049  }
0xc2: {  	s29 =	simm.s32 $0x9;
	_ =	strace $0x8000004B  }
0xc3: {  	_ =	swait.ge [sflag:s29], $0x1  }
0xc4: {  	[sflag:s29] =	ssyncadd.s32 $0xFFFFFFFF  }
0xc5: {  	_ =	strace $0x9000004B  }
0xc6: {  	_ =	sfence  }
0xc7: {  	s30 =	sld [smem:$0x0];
	_ =	sdelay $0x2  }
0xc8: {  	s31 =	sshll.u32 s1, $0xD;
	s1 =	sshrl.u32 s1, $0x2  }
0xc9: {  	s4 =	sand.u32 $0x4000, s31;
	s1 =	sadd.s32 s1, s30  }
0xca: {  	s0 =	sor.u32 s4, s0;
	s1 =	sshll.u32 s1, $0x11  }
0xcb: {  	s0 =	sor.u32 s1, s0  }
0xcc: {  	s0 =	sadd.s32 $0x8F2B, s0  }
0xcd: {  	[sflag:s0] =	ssyncadd.remote.s32 $0x1  }
0xce: {  	_ =	sfence.sel $0xFFFF  }
0xcf: {  	[dreg:$0x0] =	wrdreg $0xFFFFFFFF;
	(pc) =	sbr.abs _section_cstart, $3  }
0xd0: {  	[dreg:$0x1] =	wrdreg $0xFFFFFFFF  }
0xd1: {  	_ =	task.clear_ibuf [dreg:s22], $0x2FFFF;
	_ =	strace $0x9FFFFFFF  }
0xd2: {  	(tm) =	ssettm $0x7FFFFFFF  }
0xd3: {  	_ =	shalt  }
tec
execute0_lowered:
.L_overlay_start_1:
0x0: {  	(tag) =	ssettag $0x1  }
0x1: {  	s0 =	rddreg [dreg:$0x0];
	s1 =	srdreg.scid  }
0x2: {  	s9 =	stileid.u32;
	s3 =	rddreg [dreg:$0x2]  }
0x3: {  	s4 =	simm.s32 $0x0;
	s10 =	simm.s32 $0x800;
	s11 =	simm.s32 $0x2  }
0x4: {  	s12 =	simm.s32 $0x40;
	s13 =	simm.s32 $0x80;
	s14 =	simm.s32 $0x100  }
0x5: {  	s15 =	simm.s32 $0x180;
	s16 =	simm.s32 $0x200;
	s17 =	simm.s32 $0x280  }
0x6: {  	s18 =	simm.s32 $0x300;
	s19 =	simm.s32 $0x380;
	s20 =	simm.s32 $0x400  }
0x7: {  	s21 =	simm.s32 $0x480;
	s22 =	simm.s32 $0x500;
	s23 =	simm.s32 $0x580  }
0x8: {  	s28 =	simm.s32 $0x700;
	s29 =	simm.s32 $0x780;
	s5 =	smul.u32 $0x5000, s9  }
0x9: {  	s30 =	simm.s32 $0x1;
	s31 =	simm.s32 $0x0;
	s6 =	smul.u32 $0x13C00, s9  }
0xa: {  	s1 =	sand.u32 $0x1, s1;
	[smem:$0x7FF] =	sst s4;
	s7 =	smul.u32 $0x4F000, s9  }
0xb: {  	s25 =	sadd.s32 $0x2A200, s0;
	p0 =	sne.s32 s9, $0x0;
	s2 =	smul.u32 $0x50000, s1  }
0xc: {  	s24 =	smul.u32 $0x13C000, s1;
	_ =	strace $0x8000004A;
	s1 =	ssub.s32 $0x2, s1  }
0xd: {  	[dreg:$0x4] =	wrdreg s25;
	s9 =	sshrl.u32 @!p0 s3, $0x3;
	s8 =	sshrl.u32 s1, $0x1  }
0xe: {  	s7 =	sshrl.u32 s7, $0x2;
	s2 =	sadd.s32 s5, s2;
	s6 =	sadd.s32 s6, s24  }
0xf: {  	s1 =	ssub.s32 s1, s8;
	s26 =	sadd.s32 s7, s3;
	s24 =	simm.s32 $0x600  }
0x10: {  	s2 =	sshrl.u32 s2, $0x3;
	s6 =	sshrl.u32 s6, $0x3;
	s7 =	smax.u32 s1, $0x1  }
0x11: {  	s25 =	sshrl.u32 s26, $0x3;
	s2 =	sadd.s32 s2, s0;
	s0 =	sadd.s32 s6, s0  }
0x12: {  	s26 =	simm.s32 $0x680;
	s6 =	sadd.s32 $0xA0A00, s0;
	s8 =	sadd.s32 $0x2200, s2  }
.LBB2_1:
0x13: {  	s0 =	simm.s32 @!p0 $0x1C02;
	s1 =	rddreg [dreg:$0x4]  }
0x14: {  	[spmem:s9], [sflag:s0] =	dma.local @!p0 [hbm:s1], $0x27800  }
0x15: {  	s0 =	simm.s32 @!p0 $0x2  }
0x16: {  	_ =	swait.ge @!p0 [sflag:s0], $0x27800  }
0x17: {  	[sflag:s0] =	ssyncset.done @!p0 $0x0  }
0x18: {  	[sflag:s0] =	ssyncadd.s32 @!p0 $0xFFFD8800  }
0x19: {  	s0 =	rddreg [dreg:$0x1]  }
0x1a: {  	[tilespmem:s10], [sflag:$0x2] =	stream.linear.gather [hbm4b:s0+s4], $0x2000, $0x38;
	[tilespmem:$0x16400] =	vst v63  }
0x1b: {  	_ =	swait.ge [sflag:s11], $0x2000  }
0x1c: {  	[sflag:s11] =	ssyncset.done $0x0  }
0x1d: {  	[sflag:s11] =	ssyncadd.s32 $0xFFFFE000  }
0x1e: {  	s5 =	sadd.s32 $0x0, s8;
	[bflag:$0x0] =	sbarrier.arrive $0xFFFF  }
0x1f: {  	[tilespmem:s4], [sflag:$0x2] =	stream.linear.gather [hbm4b:s5+s4], $0x800, $0x38;
	[tilespmem:$0x16400] =	vst v63  }
0x20: {  	_ =	swait.ge [sflag:s11], $0x800  }
0x21: {  	[sflag:s11] =	ssyncset.done $0x0  }
0x22: {  	[sflag:s11] =	ssyncadd.s32 $0xFFFFF800  }
0x23: {  	[spmem:s3] =	stream.indirect.scatter.add.f32 [tilespmem:s10], [sflag:$0x1], $0x80, s4, s12, $0xb8;
	[tilespmem:$0x16400] =	vst v63  }
0x24: {  	_ = 	snop  }
0x25: {  	[spmem:s3] =	stream.indirect.scatter.add.f32 [tilespmem:s10], [sflag:$0x1], $0x80, s13, s12, $0xb8;
	[tilespmem:$0x16400] =	vst v63  }
0x26: {  	_ = 	snop  }
0x27: {  	[spmem:s3] =	stream.indirect.scatter.add.f32 [tilespmem:s10], [sflag:$0x1], $0x80, s14, s12, $0xb8;
	[tilespmem:$0x16400] =	vst v63  }
0x28: {  	_ = 	snop  }
0x29: {  	[spmem:s3] =	stream.indirect.scatter.add.f32 [tilespmem:s10], [sflag:$0x1], $0x80, s15, s12, $0xb8;
	[tilespmem:$0x16400] =	vst v63  }
0x2a: {  	_ = 	snop  }
0x2b: {  	[spmem:s3] =	stream.indirect.scatter.add.f32 [tilespmem:s10], [sflag:$0x1], $0x80, s16, s12, $0xb8;
	[tilespmem:$0x16400] =	vst v63  }
0x2c: {  	_ = 	snop  }
0x2d: {  	[spmem:s3] =	stream.indirect.scatter.add.f32 [tilespmem:s10], [sflag:$0x1], $0x80, s17, s12, $0xb8;
	[tilespmem:$0x16400] =	vst v63  }
0x2e: {  	_ = 	snop  }
0x2f: {  	[spmem:s3] =	stream.indirect.scatter.add.f32 [tilespmem:s10], [sflag:$0x1], $0x80, s18, s12, $0xb8;
	[tilespmem:$0x16400] =	vst v63  }
0x30: {  	_ = 	snop  }
0x31: {  	[spmem:s3] =	stream.indirect.scatter.add.f32 [tilespmem:s10], [sflag:$0x1], $0x80, s19, s12, $0xb8;
	[tilespmem:$0x16400] =	vst v63  }
0x32: {  	_ = 	snop  }
0x33: {  	[spmem:s3] =	stream.indirect.scatter.add.f32 [tilespmem:s10], [sflag:$0x1], $0x80, s20, s12, $0xb8;
	[tilespmem:$0x16400] =	vst v63  }
0x34: {  	_ = 	snop  }
0x35: {  	[spmem:s3] =	stream.indirect.scatter.add.f32 [tilespmem:s10], [sflag:$0x1], $0x80, s21, s12, $0xb8;
	[tilespmem:$0x16400] =	vst v63  }
0x36: {  	_ = 	snop  }
0x37: {  	[spmem:s3] =	stream.indirect.scatter.add.f32 [tilespmem:s10], [sflag:$0x1], $0x80, s22, s12, $0xb8;
	[tilespmem:$0x16400] =	vst v63  }
0x38: {  	_ = 	snop  }
0x39: {  	[spmem:s3] =	stream.indirect.scatter.add.f32 [tilespmem:s10], [sflag:$0x1], $0x80, s23, s12, $0xb8;
	[tilespmem:$0x16400] =	vst v63  }
0x3a: {  	_ = 	snop  }
0x3b: {  	[spmem:s3] =	stream.indirect.scatter.add.f32 [tilespmem:s10], [sflag:$0x1], $0x80, s24, s12, $0xb8;
	[tilespmem:$0x16400] =	vst v63  }
0x3c: {  	_ = 	snop  }
0x3d: {  	[spmem:s3] =	stream.indirect.scatter.add.f32 [tilespmem:s10], [sflag:$0x1], $0x80, s26, s12, $0xb8;
	[tilespmem:$0x16400] =	vst v63  }
0x3e: {  	_ = 	snop  }
0x3f: {  	[spmem:s3] =	stream.indirect.scatter.add.f32 [tilespmem:s10], [sflag:$0x1], $0x80, s28, s12, $0xb8;
	[tilespmem:$0x16400] =	vst v63  }
0x40: {  	_ = 	snop  }
0x41: {  	[spmem:s3] =	stream.indirect.scatter.add.f32 [tilespmem:s10], [sflag:$0x1], $0x80, s29, s12, $0xb8;
	[tilespmem:$0x16400] =	vst v63  }
0x42: {  	_ =	swait.ge [sflag:s30], $0x2000  }
0x43: {  	[sflag:s30] =	ssyncset.done $0x0  }
0x44: {  	[sflag:s30] =	ssyncadd.s32 $0xFFFFE000  }
0x45: {  	_ =	swait.ge [sflag:s30], $0x2000  }
0x46: {  	[sflag:s30] =	ssyncset.done $0x0  }
0x47: {  	[sflag:s30] =	ssyncadd.s32 $0xFFFFE000  }
0x48: {  	_ =	swait.ge [sflag:s30], $0x2000  }
0x49: {  	[sflag:s30] =	ssyncset.done $0x0  }
0x4a: {  	[sflag:s30] =	ssyncadd.s32 $0xFFFFE000  }
0x4b: {  	_ =	swait.ge [sflag:s30], $0x2000  }
0x4c: {  	[sflag:s30] =	ssyncset.done $0x0  }
0x4d: {  	[sflag:s30] =	ssyncadd.s32 $0xFFFFE000  }
0x4e: {  	_ =	swait.ge [sflag:s30], $0x2000  }
0x4f: {  	[sflag:s30] =	ssyncset.done $0x0  }
0x50: {  	[sflag:s30] =	ssyncadd.s32 $0xFFFFE000  }
0x51: {  	_ =	swait.ge [sflag:s30], $0x2000  }
0x52: {  	[sflag:s30] =	ssyncset.done $0x0  }
0x53: {  	[sflag:s30] =	ssyncadd.s32 $0xFFFFE000  }
0x54: {  	_ =	swait.ge [sflag:s30], $0x2000  }
0x55: {  	[sflag:s30] =	ssyncset.done $0x0  }
0x56: {  	[sflag:s30] =	ssyncadd.s32 $0xFFFFE000  }
0x57: {  	_ =	swait.ge [sflag:s30], $0x2000  }
0x58: {  	[sflag:s30] =	ssyncset.done $0x0  }
0x59: {  	[sflag:s30] =	ssyncadd.s32 $0xFFFFE000  }
0x5a: {  	_ =	swait.ge [sflag:s30], $0x2000  }
0x5b: {  	[sflag:s30] =	ssyncset.done $0x0  }
0x5c: {  	[sflag:s30] =	ssyncadd.s32 $0xFFFFE000  }
0x5d: {  	_ =	swait.ge [sflag:s30], $0x2000  }
0x5e: {  	[sflag:s30] =	ssyncset.done $0x0  }
0x5f: {  	[sflag:s30] =	ssyncadd.s32 $0xFFFFE000  }
0x60: {  	_ =	swait.ge [sflag:s30], $0x2000  }
0x61: {  	[sflag:s30] =	ssyncset.done $0x0  }
0x62: {  	[sflag:s30] =	ssyncadd.s32 $0xFFFFE000  }
0x63: {  	_ =	swait.ge [sflag:s30], $0x2000  }
0x64: {  	[sflag:s30] =	ssyncset.done $0x0  }
0x65: {  	[sflag:s30] =	ssyncadd.s32 $0xFFFFE000  }
0x66: {  	_ =	swait.ge [sflag:s30], $0x2000  }
0x67: {  	[sflag:s30] =	ssyncset.done $0x0  }
0x68: {  	[sflag:s30] =	ssyncadd.s32 $0xFFFFE000  }
0x69: {  	_ =	swait.ge [sflag:s30], $0x2000  }
0x6a: {  	[sflag:s30] =	ssyncset.done $0x0  }
0x6b: {  	[sflag:s30] =	ssyncadd.s32 $0xFFFFE000  }
0x6c: {  	_ =	swait.ge [sflag:s30], $0x2000  }
0x6d: {  	[sflag:s30] =	ssyncset.done $0x0  }
0x6e: {  	[sflag:s30] =	ssyncadd.s32 $0xFFFFE000  }
0x6f: {  	_ =	swait.ge [sflag:s30], $0x2000  }
0x70: {  	s1 =	simm.s32 $0x100;
	s0 =	simm.s32 $0x200;
	[sflag:s30] =	ssyncset.done $0x0  }
.LBB2_2:
0x71: {  	s5 =	sadd.s32 s1, s8  }
0x72: {  	[sflag:s30] =	ssyncadd.s32 $0xFFFFE000;
	s1 =	smov.u32 s0;
	s2 =	sadd.s32 $0x100, s0  }
0x73: {  	[tilespmem:s4], [sflag:$0x2] =	stream.linear.gather [hbm4b:s5+s4], $0x800, $0x38;
	[tilespmem:$0x16400] =	vst v63  }
0x74: {  	p1 =	sne.s32 s0, $0x900;
	_ =	swait.ge [sflag:s11], $0x800  }
0x75: {  	[sflag:s11] =	ssyncset.done $0x0  }
0x76: {  	[sflag:s11] =	ssyncadd.s32 $0xFFFFF800  }
0x77: {  	[spmem:s3] =	stream.indirect.scatter.add.f32 [tilespmem:s10], [sflag:$0x1], $0x80, s4, s12, $0xb8;
	[tilespmem:$0x16400] =	vst v63  }
0x78: {  	_ = 	snop  }
0x79: {  	[spmem:s3] =	stream.indirect.scatter.add.f32 [tilespmem:s10], [sflag:$0x1], $0x80, s13, s12, $0xb8;
	[tilespmem:$0x16400] =	vst v63  }
0x7a: {  	_ = 	snop  }
0x7b: {  	[spmem:s3] =	stream.indirect.scatter.add.f32 [tilespmem:s10], [sflag:$0x1], $0x80, s14, s12, $0xb8;
	[tilespmem:$0x16400] =	vst v63  }
0x7c: {  	_ = 	snop  }
0x7d: {  	[spmem:s3] =	stream.indirect.scatter.add.f32 [tilespmem:s10], [sflag:$0x1], $0x80, s15, s12, $0xb8;
	[tilespmem:$0x16400] =	vst v63  }
0x7e: {  	_ = 	snop  }
0x7f: {  	[spmem:s3] =	stream.indirect.scatter.add.f32 [tilespmem:s10], [sflag:$0x1], $0x80, s16, s12, $0xb8;
	[tilespmem:$0x16400] =	vst v63  }
0x80: {  	_ = 	snop  }
0x81: {  	[spmem:s3] =	stream.indirect.scatter.add.f32 [tilespmem:s10], [sflag:$0x1], $0x80, s17, s12, $0xb8;
	[tilespmem:$0x16400] =	vst v63  }
0x82: {  	_ = 	snop  }
0x83: {  	[spmem:s3] =	stream.indirect.scatter.add.f32 [tilespmem:s10], [sflag:$0x1], $0x80, s18, s12, $0xb8;
	[tilespmem:$0x16400] =	vst v63  }
0x84: {  	_ = 	snop  }
0x85: {  	[spmem:s3] =	stream.indirect.scatter.add.f32 [tilespmem:s10], [sflag:$0x1], $0x80, s19, s12, $0xb8;
	[tilespmem:$0x16400] =	vst v63  }
0x86: {  	_ = 	snop  }
0x87: {  	[spmem:s3] =	stream.indirect.scatter.add.f32 [tilespmem:s10], [sflag:$0x1], $0x80, s20, s12, $0xb8;
	[tilespmem:$0x16400] =	vst v63  }
0x88: {  	_ = 	snop  }
0x89: {  	[spmem:s3] =	stream.indirect.scatter.add.f32 [tilespmem:s10], [sflag:$0x1], $0x80, s21, s12, $0xb8;
	[tilespmem:$0x16400] =	vst v63  }
0x8a: {  	_ = 	snop  }
0x8b: {  	[spmem:s3] =	stream.indirect.scatter.add.f32 [tilespmem:s10], [sflag:$0x1], $0x80, s22, s12, $0xb8;
	[tilespmem:$0x16400] =	vst v63  }
0x8c: {  	_ = 	snop  }
0x8d: {  	[spmem:s3] =	stream.indirect.scatter.add.f32 [tilespmem:s10], [sflag:$0x1], $0x80, s23, s12, $0xb8;
	[tilespmem:$0x16400] =	vst v63  }
0x8e: {  	_ = 	snop  }
0x8f: {  	[spmem:s3] =	stream.indirect.scatter.add.f32 [tilespmem:s10], [sflag:$0x1], $0x80, s24, s12, $0xb8;
	[tilespmem:$0x16400] =	vst v63  }
0x90: {  	_ = 	snop  }
0x91: {  	[spmem:s3] =	stream.indirect.scatter.add.f32 [tilespmem:s10], [sflag:$0x1], $0x80, s26, s12, $0xb8;
	[tilespmem:$0x16400] =	vst v63  }
0x92: {  	_ = 	snop  }
0x93: {  	[spmem:s3] =	stream.indirect.scatter.add.f32 [tilespmem:s10], [sflag:$0x1], $0x80, s28, s12, $0xb8;
	[tilespmem:$0x16400] =	vst v63  }
0x94: {  	_ = 	snop  }
0x95: {  	[spmem:s3] =	stream.indirect.scatter.add.f32 [tilespmem:s10], [sflag:$0x1], $0x80, s29, s12, $0xb8;
	[tilespmem:$0x16400] =	vst v63  }
0x96: {  	_ =	swait.ge [sflag:s30], $0x2000  }
0x97: {  	[sflag:s30] =	ssyncset.done $0x0  }
0x98: {  	[sflag:s30] =	ssyncadd.s32 $0xFFFFE000  }
0x99: {  	_ =	swait.ge [sflag:s30], $0x2000  }
0x9a: {  	[sflag:s30] =	ssyncset.done $0x0  }
0x9b: {  	[sflag:s30] =	ssyncadd.s32 $0xFFFFE000  }
0x9c: {  	_ =	swait.ge [sflag:s30], $0x2000  }
0x9d: {  	[sflag:s30] =	ssyncset.done $0x0  }
0x9e: {  	[sflag:s30] =	ssyncadd.s32 $0xFFFFE000  }
0x9f: {  	_ =	swait.ge [sflag:s30], $0x2000  }
0xa0: {  	[sflag:s30] =	ssyncset.done $0x0  }
0xa1: {  	[sflag:s30] =	ssyncadd.s32 $0xFFFFE000  }
0xa2: {  	_ =	swait.ge [sflag:s30], $0x2000  }
0xa3: {  	[sflag:s30] =	ssyncset.done $0x0  }
0xa4: {  	[sflag:s30] =	ssyncadd.s32 $0xFFFFE000  }
0xa5: {  	_ =	swait.ge [sflag:s30], $0x2000  }
0xa6: {  	[sflag:s30] =	ssyncset.done $0x0  }
0xa7: {  	[sflag:s30] =	ssyncadd.s32 $0xFFFFE000  }
0xa8: {  	_ =	swait.ge [sflag:s30], $0x2000  }
0xa9: {  	[sflag:s30] =	ssyncset.done $0x0  }
0xaa: {  	[sflag:s30] =	ssyncadd.s32 $0xFFFFE000  }
0xab: {  	_ =	swait.ge [sflag:s30], $0x2000  }
0xac: {  	[sflag:s30] =	ssyncset.done $0x0  }
0xad: {  	[sflag:s30] =	ssyncadd.s32 $0xFFFFE000  }
0xae: {  	_ =	swait.ge [sflag:s30], $0x2000  }
0xaf: {  	[sflag:s30] =	ssyncset.done $0x0  }
0xb0: {  	[sflag:s30] =	ssyncadd.s32 $0xFFFFE000  }
0xb1: {  	_ =	swait.ge [sflag:s30], $0x2000  }
0xb2: {  	[sflag:s30] =	ssyncset.done $0x0  }
0xb3: {  	[sflag:s30] =	ssyncadd.s32 $0xFFFFE000  }
0xb4: {  	_ =	swait.ge [sflag:s30], $0x2000  }
0xb5: {  	[sflag:s30] =	ssyncset.done $0x0  }
0xb6: {  	[sflag:s30] =	ssyncadd.s32 $0xFFFFE000  }
0xb7: {  	_ =	swait.ge [sflag:s30], $0x2000  }
0xb8: {  	[sflag:s30] =	ssyncset.done $0x0  }
0xb9: {  	[sflag:s30] =	ssyncadd.s32 $0xFFFFE000  }
0xba: {  	_ =	swait.ge [sflag:s30], $0x2000  }
0xbb: {  	[sflag:s30] =	ssyncset.done $0x0  }
0xbc: {  	[sflag:s30] =	ssyncadd.s32 $0xFFFFE000  }
0xbd: {  	_ =	swait.ge [sflag:s30], $0x2000  }
0xbe: {  	[sflag:s30] =	ssyncset.done $0x0  }
0xbf: {  	[sflag:s30] =	ssyncadd.s32 $0xFFFFE000  }
.Ltmp0:
0xc0: {  	_ =	swait.ge [sflag:s30], $0x2000;
	(pc) =	sbr.rel @p1 .LBB2_2-.Ltmp0, $4  }
0xc1: {  	[sflag:s30] =	ssyncset.done $0x0  }
0xc2: {  	[sflag:s30] =	ssyncadd.s32 $0xFFFFE000  }
0xc3: {  	_ =	swait.ge [sflag:s30], $0x2000  }
0xc4: {  	s0 =	smov.u32 s2;
	[sflag:s30] =	ssyncset.done $0x0  }
0xc5: {  	s0 =	sadd.s32 s1, s8;
	[sflag:s30] =	ssyncadd.s32 $0xFFFFE000  }
0xc6: {  	[tilespmem:s4], [sflag:$0x2] =	stream.linear.gather [hbm4b:s0+s4], $0x800, $0x38;
	[tilespmem:$0x16400] =	vst v63  }
0xc7: {  	_ =	swait.ge [sflag:s11], $0x800  }
0xc8: {  	[sflag:s11] =	ssyncset.done $0x0  }
0xc9: {  	[sflag:s11] =	ssyncadd.s32 $0xFFFFF800  }
0xca: {  	[spmem:s3] =	stream.indirect.scatter.add.f32 [tilespmem:s10], [sflag:$0x1], $0x80, s4, s12, $0xb8;
	[tilespmem:$0x16400] =	vst v63  }
0xcb: {  	_ = 	snop  }
0xcc: {  	[spmem:s3] =	stream.indirect.scatter.add.f32 [tilespmem:s10], [sflag:$0x1], $0x80, s13, s12, $0xb8;
	[tilespmem:$0x16400] =	vst v63  }
0xcd: {  	_ = 	snop  }
0xce: {  	[spmem:s3] =	stream.indirect.scatter.add.f32 [tilespmem:s10], [sflag:$0x1], $0x80, s14, s12, $0xb8;
	[tilespmem:$0x16400] =	vst v63  }
0xcf: {  	_ = 	snop  }
0xd0: {  	[spmem:s3] =	stream.indirect.scatter.add.f32 [tilespmem:s10], [sflag:$0x1], $0x80, s15, s12, $0xb8;
	[tilespmem:$0x16400] =	vst v63  }
0xd1: {  	_ = 	snop  }
0xd2: {  	[spmem:s3] =	stream.indirect.scatter.add.f32 [tilespmem:s10], [sflag:$0x1], $0x80, s16, s12, $0xb8;
	[tilespmem:$0x16400] =	vst v63  }
0xd3: {  	_ = 	snop  }
0xd4: {  	[spmem:s3] =	stream.indirect.scatter.add.f32 [tilespmem:s10], [sflag:$0x1], $0x80, s17, s12, $0xb8;
	[tilespmem:$0x16400] =	vst v63  }
0xd5: {  	_ = 	snop  }
0xd6: {  	[spmem:s3] =	stream.indirect.scatter.add.f32 [tilespmem:s10], [sflag:$0x1], $0x80, s18, s12, $0xb8;
	[tilespmem:$0x16400] =	vst v63  }
0xd7: {  	_ = 	snop  }
0xd8: {  	[spmem:s3] =	stream.indirect.scatter.add.f32 [tilespmem:s10], [sflag:$0x1], $0x80, s19, s12, $0xb8;
	[tilespmem:$0x16400] =	vst v63  }
0xd9: {  	_ = 	snop  }
0xda: {  	[spmem:s3] =	stream.indirect.scatter.add.f32 [tilespmem:s10], [sflag:$0x1], $0x80, s20, s12, $0xb8;
	[tilespmem:$0x16400] =	vst v63  }
0xdb: {  	_ = 	snop  }
0xdc: {  	[spmem:s3] =	stream.indirect.scatter.add.f32 [tilespmem:s10], [sflag:$0x1], $0x80, s21, s12, $0xb8;
	[tilespmem:$0x16400] =	vst v63  }
0xdd: {  	_ = 	snop  }
0xde: {  	[spmem:s3] =	stream.indirect.scatter.add.f32 [tilespmem:s10], [sflag:$0x1], $0x80, s22, s12, $0xb8;
	[tilespmem:$0x16400] =	vst v63  }
0xdf: {  	_ = 	snop  }
0xe0: {  	[spmem:s3] =	stream.indirect.scatter.add.f32 [tilespmem:s10], [sflag:$0x1], $0x80, s23, s12, $0xb8;
	[tilespmem:$0x16400] =	vst v63  }
0xe1: {  	_ = 	snop  }
0xe2: {  	[spmem:s3] =	stream.indirect.scatter.add.f32 [tilespmem:s10], [sflag:$0x1], $0x80, s24, s12, $0xb8;
	[tilespmem:$0x16400] =	vst v63  }
0xe3: {  	_ = 	snop  }
0xe4: {  	[spmem:s3] =	stream.indirect.scatter.add.f32 [tilespmem:s10], [sflag:$0x1], $0x80, s26, s12, $0xb8;
	[tilespmem:$0x16400] =	vst v63  }
0xe5: {  	_ = 	snop  }
0xe6: {  	[spmem:s3] =	stream.indirect.scatter.add.f32 [tilespmem:s10], [sflag:$0x1], $0x80, s28, s12, $0xb8;
	[tilespmem:$0x16400] =	vst v63  }
0xe7: {  	_ = 	snop  }
0xe8: {  	[spmem:s3] =	stream.indirect.scatter.add.f32 [tilespmem:s10], [sflag:$0x1], $0x80, s29, s12, $0xb8;
	[tilespmem:$0x16400] =	vst v63  }
0xe9: {  	_ =	swait.ge [sflag:s30], $0x2000  }
0xea: {  	[sflag:s30] =	ssyncset.done $0x0  }
0xeb: {  	[sflag:s30] =	ssyncadd.s32 $0xFFFFE000  }
0xec: {  	_ =	swait.ge [sflag:s30], $0x2000  }
0xed: {  	[sflag:s30] =	ssyncset.done $0x0  }
0xee: {  	[sflag:s30] =	ssyncadd.s32 $0xFFFFE000  }
0xef: {  	_ =	swait.ge [sflag:s30], $0x2000  }
0xf0: {  	[sflag:s30] =	ssyncset.done $0x0  }
0xf1: {  	[sflag:s30] =	ssyncadd.s32 $0xFFFFE000  }
0xf2: {  	_ =	swait.ge [sflag:s30], $0x2000  }
0xf3: {  	[sflag:s30] =	ssyncset.done $0x0  }
0xf4: {  	[sflag:s30] =	ssyncadd.s32 $0xFFFFE000  }
0xf5: {  	_ =	swait.ge [sflag:s30], $0x2000  }
0xf6: {  	[sflag:s30] =	ssyncset.done $0x0  }
0xf7: {  	[sflag:s30] =	ssyncadd.s32 $0xFFFFE000  }
0xf8: {  	_ =	swait.ge [sflag:s30], $0x2000  }
0xf9: {  	[sflag:s30] =	ssyncset.done $0x0  }
0xfa: {  	[sflag:s30] =	ssyncadd.s32 $0xFFFFE000  }
0xfb: {  	_ =	swait.ge [sflag:s30], $0x2000  }
0xfc: {  	[sflag:s30] =	ssyncset.done $0x0  }
0xfd: {  	[sflag:s30] =	ssyncadd.s32 $0xFFFFE000  }
0xfe: {  	_ =	swait.ge [sflag:s30], $0x2000  }
0xff: {  	[sflag:s30] =	ssyncset.done $0x0  }
0x100: {  	[sflag:s30] =	ssyncadd.s32 $0xFFFFE000  }
0x101: {  	_ =	swait.ge [sflag:s30], $0x2000  }
0x102: {  	[sflag:s30] =	ssyncset.done $0x0  }
0x103: {  	[sflag:s30] =	ssyncadd.s32 $0xFFFFE000  }
0x104: {  	_ =	swait.ge [sflag:s30], $0x2000  }
0x105: {  	[sflag:s30] =	ssyncset.done $0x0  }
0x106: {  	[sflag:s30] =	ssyncadd.s32 $0xFFFFE000  }
0x107: {  	_ =	swait.ge [sflag:s30], $0x2000  }
0x108: {  	[sflag:s30] =	ssyncset.done $0x0  }
0x109: {  	[sflag:s30] =	ssyncadd.s32 $0xFFFFE000  }
0x10a: {  	_ =	swait.ge [sflag:s30], $0x2000  }
0x10b: {  	[sflag:s30] =	ssyncset.done $0x0  }
0x10c: {  	[sflag:s30] =	ssyncadd.s32 $0xFFFFE000  }
0x10d: {  	_ =	swait.ge [sflag:s30], $0x2000  }
0x10e: {  	[sflag:s30] =	ssyncset.done $0x0  }
0x10f: {  	[sflag:s30] =	ssyncadd.s32 $0xFFFFE000  }
0x110: {  	_ =	swait.ge [sflag:s30], $0x2000  }
0x111: {  	[sflag:s30] =	ssyncset.done $0x0  }
0x112: {  	[sflag:s30] =	ssyncadd.s32 $0xFFFFE000  }
0x113: {  	_ =	swait.ge [sflag:s30], $0x2000  }
0x114: {  	[sflag:s30] =	ssyncset.done $0x0  }
0x115: {  	[sflag:s30] =	ssyncadd.s32 $0xFFFFE000  }
0x116: {  	_ =	swait.ge [sflag:s30], $0x2000  }
0x117: {  	s5 =	stileid.u32;
	s31 =	sadd.s32 $0x1, s31;
	[sflag:s30] =	ssyncset.done $0x0  }
0x118: {  	s0 =	sshll.u32 s5, $0x6;
	p1 =	sne.s32 s31, s7;
	[sflag:s30] =	ssyncadd.s32 $0xFFFFE000  }
.Ltmp1:
0x119: {  	s0 =	sor.u32 $0x1C02, s0;
	[bflag:$0x0] =	sbarrier.arrive $0xFFFF;
	(pc) =	sbr.rel @p1 .LBB2_1-.Ltmp1, $4  }
0x11a: {  	[hbm:s6], [sflag:s0] =	dma.local [spmem:s25], $0x2780  }
0x11b: {  	_ =	swait.ge [sflag:s11], $0x2780  }
0x11c: {  	[sflag:s11] =	ssyncset.done $0x0  }
0x11d: {  	[sflag:s11] =	ssyncadd.s32 $0xFFFFD880  }
0x11e: {  	_ =	sfence.sel $0x180000  }
0x11f: {  	[bflag:$0x0] =	sbarrier.arrive $0xFFFF  }
0x120: {  	_ =	strace $0x9000004A  }
0x121: {  	[bflag:$0x2] =	sbarrier.arrive $0xFFFF  }
0x122: {  	s0 =	rddreg [dreg:$0x3]  }
0x123: {  	s0 =	sadd.s32 @!p0 $0x100000, s0  }
0x124: {  	[sflag:s0] =	ssyncadd.tile.s32 @!p0 $0x1;
	_ =	shalt  }
.Lfunc_end2:
_tile_overlayer_lowered:
.L_overlay_start_2:
0x125: {  	(tag) =	ssettag $0x2  }
0x126: {  	s0 =	rddreg [dreg:$0x0];
	s2 =	stileid.u32  }
0x127: {  	s1 =	rddreg [dreg:$0x1];
	p0 =	sne.s32 s2, $0x0  }
0x128: {  	s3 =	rddreg [dreg:$0x2];
	[bflag:$0x3] =	sbarrier.arrive $0xFFFF;
	s2 =	simm.s32 @!p0 $0x1C02  }
0x129: {  	[timem:s3], [sflag:s2] =	dma.local @!p0 [hbm:s0], s1  }
0x12a: {  	s0 =	simm.s32 @!p0 $0x2  }
0x12b: {  	_ =	swait.ge @!p0 [sflag:s0], s1  }
0x12c: {  	s1 =	ssub.s32 @!p0 $0x0, s1;
	[sflag:s0] =	ssyncset.done @!p0 $0x0  }
0x12d: {  	[sflag:s0] =	ssyncadd.s32 @!p0 s1  }
0x12e: {  	[bflag:$0x3] =	sbarrier.arrive $0xFFFF  }
0x12f: {  	_ =	shalt  }

</sc_bundles>
